<compile_context>
chip_gen: v7x
topology: tpu7x:2x2x1
jax: 0.10.2.dev20260603
libtpu: 0.0.44.dev20260713+nightly
codegen_flags: <defaults>
</compile_context>

<pallas_src>
import functools

import jax
import jax.numpy as jnp
from jax import lax
from jax.experimental import pallas as pl
from jax.experimental.pallas import tpu as pltpu
from jax.experimental.pallas import tpu_sc as plsc

N = 10000
E = 320000
D = 128
DOUT = 64
NG = 64
DEPTH = 3
EPS = 1e-5

NC, NS = 2, 16
NW = NC * NS
EPW = E // NW
CK = 125
NCH = EPW // CK
WB = 120
NP = 10112
RPT = NP // NS

RB = 1000
NRB = N // RB


@functools.cache
def _mesh():
    return plsc.VectorSubcoreMesh(
        core_axis_name="c", subcore_axis_name="s",
        num_cores=NC, num_subcores=NS)


def _edge_body(g_hbm, src_hbm, dst_hbm, accp_hbm, srcv, dstv, rows, acc,
               gsem):
    c = lax.axis_index("c")
    s = lax.axis_index("s")
    w = c * NS + s

    @pl.loop(0, CK)
    def _z(i):
        for j in range(D // 16):
            rows[i, pl.ds(j * 16, 16)] = jnp.zeros((16,), jnp.float32)

    for t in range(RPT // CK):
        pltpu.sync_copy(rows, acc.at[pl.ds(s * RPT + t * CK, CK)])
    pltpu.sync_copy(rows.at[pl.ds(0, RPT % CK)],
                    acc.at[pl.ds(s * RPT + RPT - RPT % CK, RPT % CK)])
    plsc.subcore_barrier()
    pltpu.sync_copy(src_hbm.at[w], srcv)
    pltpu.sync_copy(dst_hbm.at[w], dstv)

    @pl.loop(0, NCH)
    def _go(j):
        pltpu.async_copy(g_hbm.at[srcv.at[j]], rows, gsem).wait()
        pltpu.sync_copy(rows, acc.at[dstv.at[j]], add=True)

    plsc.subcore_barrier()
    for t in range(RPT // WB):
        pltpu.sync_copy(acc.at[pl.ds(s * RPT + t * WB, WB)],
                        rows.at[pl.ds(0, WB)])
        pltpu.sync_copy(rows.at[pl.ds(0, WB)],
                        accp_hbm.at[c, pl.ds(s * RPT + t * WB, WB)])
    pltpu.sync_copy(acc.at[pl.ds(s * RPT + RPT - RPT % WB, RPT % WB)],
                    rows.at[pl.ds(0, RPT % WB)])
    pltpu.sync_copy(rows.at[pl.ds(0, RPT % WB)],
                    accp_hbm.at[c, pl.ds(s * RPT + RPT - RPT % WB, RPT % WB)])


@functools.cache
def _edge_call():
    return pl.kernel(
        _edge_body,
        out_type=jax.ShapeDtypeStruct((NC, NP, D), jnp.float32),
        mesh=_mesh(),
        scratch_types=[
            pltpu.VMEM((NCH, CK), jnp.int32),
            pltpu.VMEM((NCH, CK), jnp.int32),
            pltpu.VMEM((CK, D), jnp.float32),
            pltpu.VMEM_SHARED((NP, D), jnp.float32),
            pltpu.SemaphoreType.DMA,
        ],
    )


def _k1_body(x_ref, degp_ref, w1, b1, w2, b2, wc, g_ref, dinv_ref):
    h = jnp.maximum(
        jnp.dot(x_ref[...], w1[...], preferred_element_type=jnp.float32)
        + b1[...], 0.0)
    h = jnp.dot(h, w2[...], preferred_element_type=jnp.float32) + b2[...]
    deg = degp_ref[0, :, 0:1] + degp_ref[1, :, 0:1] + 1.0
    dinv = lax.rsqrt(deg)
    dinv_ref[...] = dinv
    g_ref[...] = jnp.dot(h, wc[...], preferred_element_type=jnp.float32) * dinv


def _full(shape):
    return pl.BlockSpec(shape, lambda *_: tuple(0 for _ in shape))


_k1_call = pl.pallas_call(
    _k1_body,
    grid=(NRB,),
    in_specs=[
        pl.BlockSpec((RB, D), lambda i: (i, 0)),
        pl.BlockSpec((NC, RB, D), lambda i: (0, i, 0)),
        _full((D, D)),
        _full((1, D)),
        _full((D, D)),
        _full((1, D)),
        _full((D, D)),
    ],
    out_specs=[
        pl.BlockSpec((RB, D), lambda i: (i, 0)),
        pl.BlockSpec((RB, 1), lambda i: (i, 0)),
    ],
    out_shape=[
        jax.ShapeDtypeStruct((N, D), jnp.float32),
        jax.ShapeDtypeStruct((N, 1), jnp.float32),
    ],
)


def _k2_body(accp_ref, g_ref, dinv_ref, bc, gamma, beta, wn, out_ref, zs,
             stats):
    p = pl.program_id(0)
    i = pl.program_id(1)
    dinv = dinv_ref[...]

    @pl.when(p == 0)
    def _pass0():
        z = dinv * (accp_ref[0] + accp_ref[1] + g_ref[...]) + bc[...]
        zs[pl.ds(i * RB, RB)] = z

        @pl.when(i == 0)
        def _init():
            stats[...] = jnp.zeros_like(stats)

        stats[0:1] = stats[0:1] + jnp.sum(z, axis=0, keepdims=True)
        stats[1:2] = stats[1:2] + jnp.sum(z * z, axis=0, keepdims=True)

    @pl.when(p == 1)
    def _pass1():
        z = zs[pl.ds(i * RB, RB)]
        mean = stats[0:1] / N
        var = stats[1:2] / N - mean * mean
        hn = jnp.maximum(
            (z - mean) * lax.rsqrt(var + EPS) * gamma[...] + beta[...], 0.0)
        out_ref[...] = jnp.dot(
            hn, wn[...], preferred_element_type=jnp.float32) * dinv


_k2_call = pl.pallas_call(
    _k2_body,
    grid=(2, NRB),
    in_specs=[
        pl.BlockSpec((NC, RB, D), lambda p, i: (0, i, 0)),
        pl.BlockSpec((RB, D), lambda p, i: (i, 0)),
        pl.BlockSpec((RB, 1), lambda p, i: (i, 0)),
        _full((1, D)),
        _full((1, D)),
        _full((1, D)),
        _full((D, D)),
    ],
    out_specs=pl.BlockSpec((RB, D), lambda p, i: (i, 0)),
    out_shape=jax.ShapeDtypeStruct((N, D), jnp.float32),
    scratch_shapes=[
        pltpu.VMEM((N, D), jnp.float32),
        pltpu.VMEM((2, D), jnp.float32),
    ],
)


def _k3_body(accp_ref, g_ref, dinv_ref, batch_ref, bc, gamma, beta, p1, pb1,
             p2, pb2, y_ref, zs, stats):
    p = pl.program_id(0)
    i = pl.program_id(1)
    dinv = dinv_ref[...]

    @pl.when(p == 0)
    def _pass0():
        z = dinv * (accp_ref[0] + accp_ref[1] + g_ref[...]) + bc[...]
        zs[pl.ds(i * RB, RB)] = z

        @pl.when(i == 0)
        def _init():
            stats[...] = jnp.zeros_like(stats)
            y_ref[...] = jnp.zeros_like(y_ref)

        stats[0:1] = stats[0:1] + jnp.sum(z, axis=0, keepdims=True)
        stats[1:2] = stats[1:2] + jnp.sum(z * z, axis=0, keepdims=True)

    @pl.when(p == 1)
    def _pass1():
        z = zs[pl.ds(i * RB, RB)]
        mean = stats[0:1] / N
        var = stats[1:2] / N - mean * mean
        hn = jnp.maximum(
            (z - mean) * lax.rsqrt(var + EPS) * gamma[...] + beta[...], 0.0)
        t = jnp.maximum(
            jnp.dot(hn, p1[...], preferred_element_type=jnp.float32)
            + pb1[...], 0.0)
        o = jnp.dot(t, p2[...], preferred_element_type=jnp.float32) + pb2[...]
        gids = lax.broadcasted_iota(jnp.int32, (1, NG), 1)
        mask = (batch_ref[...] == gids).astype(jnp.float32)
        y_ref[...] += lax.dot_general(
            mask, o, (((0,), (0,)), ((), ())),
            preferred_element_type=jnp.float32)


_k3_call = pl.pallas_call(
    _k3_body,
    grid=(2, NRB),
    in_specs=[
        pl.BlockSpec((NC, RB, D), lambda p, i: (0, i, 0)),
        pl.BlockSpec((RB, D), lambda p, i: (i, 0)),
        pl.BlockSpec((RB, 1), lambda p, i: (i, 0)),
        pl.BlockSpec((RB, 1), lambda p, i: (i, 0)),
        _full((1, D)),
        _full((1, D)),
        _full((1, D)),
        _full((D, DOUT)),
        _full((1, DOUT)),
        _full((DOUT, DOUT)),
        _full((1, DOUT)),
    ],
    out_specs=_full((NG, DOUT)),
    out_shape=jax.ShapeDtypeStruct((NG, DOUT), jnp.float32),
    scratch_shapes=[
        pltpu.VMEM((N, D), jnp.float32),
        pltpu.VMEM((2, D), jnp.float32),
    ],
)


def kernel(x, edge_index, batch, weights):
    w = weights
    W1, b1, W2, b2 = w[0], w[1], w[2], w[3]
    convs = [(w[4 + 4 * l], w[5 + 4 * l], w[6 + 4 * l], w[7 + 4 * l])
             for l in range(DEPTH)]
    P1, pb1, P2, pb2 = w[16], w[17], w[18], w[19]

    src = edge_index[0].reshape(NW, NCH, CK)
    dst = edge_index[1].reshape(NW, NCH, CK)
    ones = jnp.ones((N, D), jnp.float32)

    r = lambda v: v.reshape(1, -1)

    degp = _edge_call()(ones, src, dst)
    g, dinv = _k1_call(x, degp, W1, r(b1), W2, r(b2), convs[0][0])
    for l in range(DEPTH):
        Wc, bc, gamma, beta = convs[l]
        accp = _edge_call()(g, src, dst)
        if l < DEPTH - 1:
            g = _k2_call(accp, g, dinv, r(bc), r(gamma), r(beta),
                         convs[l + 1][0])
        else:
            y = _k3_call(accp, g, dinv, batch.reshape(N, 1), r(bc), r(gamma),
                         r(beta), P1, r(pb1), P2, r(pb2))
    return y

# --- scband reference (transcript-rebuilt; emitter-appended) ---
"""Pipeline reference for scband-marco-architecture-with-depth-model-16784732192993 (READ-ONLY COPY).

The authoritative reference and input builder live on the scoring server;
editing this copy changes nothing except your own understanding.
"""

import jax, jax.numpy as jnp
import numpy as np

N = 10000
E = 320000
D_IN = 128
D_H = 128
D_OUT = 64
DEPTH = 3
NUM_GRAPHS = 64
EPS = 1e-5


def _mlp_params(key, d_in, d_out):
    k1, k2 = jax.random.split(key)
    W1 = jax.random.normal(k1, (d_in, d_out), jnp.float32) * (1.0 / np.sqrt(d_in))
    b1 = jnp.zeros((d_out,), jnp.float32)
    W2 = jax.random.normal(k2, (d_out, d_out), jnp.float32) * (1.0 / np.sqrt(d_out))
    b2 = jnp.zeros((d_out,), jnp.float32)
    return [W1, b1, W2, b2]


def setup_inputs(seed: int = 0) -> dict:
    key = jax.random.key(seed)
    ks = jax.random.split(key, 8 + DEPTH)
    x = jax.random.normal(ks[0], (N, D_IN), jnp.float32)
    edge_index = jax.random.randint(ks[1], (2, E), 0, N).astype(jnp.int32)
    batch = jnp.sort(jax.random.randint(ks[2], (N,), 0, NUM_GRAPHS).astype(jnp.int32))
    weights = []
    weights += _mlp_params(ks[3], D_IN, D_H)  # pre_mlp
    for l in range(DEPTH):
        kc = jax.random.fold_in(ks[4], l)
        Wc = jax.random.normal(kc, (D_H, D_H), jnp.float32) * (1.0 / np.sqrt(D_H))
        bc = jnp.zeros((D_H,), jnp.float32)
        gamma = jnp.ones((D_H,), jnp.float32)
        beta = jnp.zeros((D_H,), jnp.float32)
        weights += [Wc, bc, gamma, beta]
    weights += _mlp_params(ks[5], D_H, D_OUT)  # post_mlp
    return {"x": x, "edge_index": edge_index, "batch": batch, "weights": tuple(weights)}


def _mlp(h, W1, b1, W2, b2):
    return jax.nn.relu(h @ W1 + b1) @ W2 + b2


def _gcn_conv(h, W, b, src, dst):
    # GCN with added self loops and symmetric normalization
    loops = jnp.arange(N, dtype=src.dtype)
    src2 = jnp.concatenate([src, loops])
    dst2 = jnp.concatenate([dst, loops])
    deg = jax.ops.segment_sum(jnp.ones_like(dst2, dtype=h.dtype), dst2, num_segments=N)
    dinv = jnp.where(deg > 0, jax.lax.rsqrt(deg), 0.0)
    hw = h @ W
    norm = dinv[src2] * dinv[dst2]
    msg = hw[src2] * norm[:, None]
    out = jax.ops.segment_sum(msg, dst2, num_segments=N) + b
    return out


def _batchnorm(h, gamma, beta):
    mean = jnp.mean(h, axis=0, keepdims=True)
    var = jnp.var(h, axis=0, keepdims=True)
    return (h - mean) * jax.lax.rsqrt(var + EPS) * gamma + beta


def reference(x, edge_index, batch, weights):
    src, dst = edge_index[0], edge_index[1]
    i = 0
    h = _mlp(x, *weights[i:i + 4]); i += 4
    for l in range(DEPTH):
        Wc, bc, gamma, beta = weights[i:i + 4]; i += 4
        h = _gcn_conv(h, Wc, bc, src, dst)
        h = _batchnorm(h, gamma, beta)
        h = jax.nn.relu(h)
    h = _mlp(h, *weights[i:i + 4]); i += 4
    y = jax.ops.segment_sum(h, batch, num_segments=NUM_GRAPHS)
    return y

if __name__ == "__main__":
    import jax
    _d = setup_inputs()
    print(jax.jit(kernel)(*tuple(_d.values())))

</pallas_src>

<mosaic_0001>
#map = affine_map<(d0, d1) -> (0, 0)>
#map1 = affine_map<(d0, d1) -> (0, 0, 0)>
module attributes {stable_mosaic.version = 14 : i64} {
  func.func @_edge_body(%arg0: i32, %arg1: i32, %arg2: memref<10000x128xf32, #tpu.memory_space<hbm>>, %arg3: memref<32x80x125xi32, #tpu.memory_space<hbm>>, %arg4: memref<32x80x125xi32, #tpu.memory_space<hbm>>, %arg5: memref<2x10112x128xf32, #tpu.memory_space<hbm>>, %arg6: memref<80x125xi32, #tpu.memory_space<vmem>>, %arg7: memref<80x125xi32, #tpu.memory_space<vmem>>, %arg8: memref<125x128xf32, #tpu.memory_space<vmem>>, %arg9: memref<10112x128xf32, #tpu.memory_space<vmem_shared>>, %arg10: memref<!tpu.dma_semaphore, #tpu.memory_space<semaphore_mem>>) attributes {dimension_semantics = [#tpu.dimension_semantics<core_parallel>, #tpu.dimension_semantics<subcore_parallel>], iteration_bounds = array<i64: 2, 16>, scalar_prefetch = 0 : i64, scratch_operands = 5 : i64, tpu.core_type = #tpu.core_type<sc_vector_subcore>, window_params = [{transform_indices = #map}, {transform_indices = #map1}, {transform_indices = #map1}, {transform_indices = #map1}]} {
    %mul3A = arith.constant 16 : i32
    %mul3A_0 = arith.muli %arg0, %mul3A : i32
    %add3A = arith.addi %mul3A_0, %arg1 : i32
    %scan3A = arith.constant 0 : i32
    %scan3A_1 = arith.constant 125 : i32
    %scan3A_2 = arith.addi %scan3A, %scan3A_1 : i32
    %scan3A_3 = arith.constant 1 : i32
    scf.for %scan3A_88 = %scan3A to %scan3A_2 step %scan3A_3  : i32 {
      %mul3A_89 = arith.constant 1 : i32
      %mul3A_90 = arith.muli %scan3A_88, %mul3A_89 : i32
      %add3A_91 = arith.constant 0 : i32
      %add3A_92 = arith.addi %add3A_91, %mul3A_90 : i32
      %broadcast_in_dim3A = arith.constant 0.000000e+00 : f32
      %broadcast_in_dim3A_93 = vector.broadcast %broadcast_in_dim3A : f32 to vector<16xf32>
      %swap3A = arith.index_cast %add3A_92 : i32 to index
      %swap3A_94 = arith.constant 0 : index
      %swap3A_95 = tpu.vector_load %arg8[%swap3A, %swap3A_94] {strides = array<i32>} : memref<125x128xf32, #tpu.memory_space<vmem>>, vector<1x16xf32>,
      %swap3A_96 = vector.shape_cast %swap3A_95 : vector<1x16xf32> to vector<16xf32>
      %swap3A_97 = vector.shape_cast %broadcast_in_dim3A_93 : vector<16xf32> to vector<1x16xf32>
      tpu.vector_store %arg8[%swap3A, %swap3A_94], %swap3A_97 {strides = array<i32>} : memref<125x128xf32, #tpu.memory_space<vmem>>, vector<1x16xf32>,
      %broadcast_in_dim3A_98 = arith.constant 0.000000e+00 : f32
      %broadcast_in_dim3A_99 = vector.broadcast %broadcast_in_dim3A_98 : f32 to vector<16xf32>
      %swap3A_100 = arith.index_cast %add3A_92 : i32 to index
      %swap3A_101 = arith.constant 16 : index
      %swap3A_102 = tpu.vector_load %arg8[%swap3A_100, %swap3A_101] {strides = array<i32>} : memref<125x128xf32, #tpu.memory_space<vmem>>, vector<1x16xf32>,
      %swap3A_103 = vector.shape_cast %swap3A_102 : vector<1x16xf32> to vector<16xf32>
      %swap3A_104 = vector.shape_cast %broadcast_in_dim3A_99 : vector<16xf32> to vector<1x16xf32>
      tpu.vector_store %arg8[%swap3A_100, %swap3A_101], %swap3A_104 {strides = array<i32>} : memref<125x128xf32, #tpu.memory_space<vmem>>, vector<1x16xf32>,
      %broadcast_in_dim3A_105 = arith.constant 0.000000e+00 : f32
      %broadcast_in_dim3A_106 = vector.broadcast %broadcast_in_dim3A_105 : f32 to vector<16xf32>
      %swap3A_107 = arith.index_cast %add3A_92 : i32 to index
      %swap3A_108 = arith.constant 32 : index
      %swap3A_109 = tpu.vector_load %arg8[%swap3A_107, %swap3A_108] {strides = array<i32>} : memref<125x128xf32, #tpu.memory_space<vmem>>, vector<1x16xf32>,
      %swap3A_110 = vector.shape_cast %swap3A_109 : vector<1x16xf32> to vector<16xf32>
      %swap3A_111 = vector.shape_cast %broadcast_in_dim3A_106 : vector<16xf32> to vector<1x16xf32>
      tpu.vector_store %arg8[%swap3A_107, %swap3A_108], %swap3A_111 {strides = array<i32>} : memref<125x128xf32, #tpu.memory_space<vmem>>, vector<1x16xf32>,
      %broadcast_in_dim3A_112 = arith.constant 0.000000e+00 : f32
      %broadcast_in_dim3A_113 = vector.broadcast %broadcast_in_dim3A_112 : f32 to vector<16xf32>
      %swap3A_114 = arith.index_cast %add3A_92 : i32 to index
      %swap3A_115 = arith.constant 48 : index
      %swap3A_116 = tpu.vector_load %arg8[%swap3A_114, %swap3A_115] {strides = array<i32>} : memref<125x128xf32, #tpu.memory_space<vmem>>, vector<1x16xf32>,
      %swap3A_117 = vector.shape_cast %swap3A_116 : vector<1x16xf32> to vector<16xf32>
      %swap3A_118 = vector.shape_cast %broadcast_in_dim3A_113 : vector<16xf32> to vector<1x16xf32>
      tpu.vector_store %arg8[%swap3A_114, %swap3A_115], %swap3A_118 {strides = array<i32>} : memref<125x128xf32, #tpu.memory_space<vmem>>, vector<1x16xf32>,
      %broadcast_in_dim3A_119 = arith.constant 0.000000e+00 : f32
      %broadcast_in_dim3A_120 = vector.broadcast %broadcast_in_dim3A_119 : f32 to vector<16xf32>
      %swap3A_121 = arith.index_cast %add3A_92 : i32 to index
      %swap3A_122 = arith.constant 64 : index
      %swap3A_123 = tpu.vector_load %arg8[%swap3A_121, %swap3A_122] {strides = array<i32>} : memref<125x128xf32, #tpu.memory_space<vmem>>, vector<1x16xf32>,
      %swap3A_124 = vector.shape_cast %swap3A_123 : vector<1x16xf32> to vector<16xf32>
      %swap3A_125 = vector.shape_cast %broadcast_in_dim3A_120 : vector<16xf32> to vector<1x16xf32>
      tpu.vector_store %arg8[%swap3A_121, %swap3A_122], %swap3A_125 {strides = array<i32>} : memref<125x128xf32, #tpu.memory_space<vmem>>, vector<1x16xf32>,
      %broadcast_in_dim3A_126 = arith.constant 0.000000e+00 : f32
      %broadcast_in_dim3A_127 = vector.broadcast %broadcast_in_dim3A_126 : f32 to vector<16xf32>
      %swap3A_128 = arith.index_cast %add3A_92 : i32 to index
      %swap3A_129 = arith.constant 80 : index
      %swap3A_130 = tpu.vector_load %arg8[%swap3A_128, %swap3A_129] {strides = array<i32>} : memref<125x128xf32, #tpu.memory_space<vmem>>, vector<1x16xf32>,
      %swap3A_131 = vector.shape_cast %swap3A_130 : vector<1x16xf32> to vector<16xf32>
      %swap3A_132 = vector.shape_cast %broadcast_in_dim3A_127 : vector<16xf32> to vector<1x16xf32>
      tpu.vector_store %arg8[%swap3A_128, %swap3A_129], %swap3A_132 {strides = array<i32>} : memref<125x128xf32, #tpu.memory_space<vmem>>, vector<1x16xf32>,
      %broadcast_in_dim3A_133 = arith.constant 0.000000e+00 : f32
      %broadcast_in_dim3A_134 = vector.broadcast %broadcast_in_dim3A_133 : f32 to vector<16xf32>
      %swap3A_135 = arith.index_cast %add3A_92 : i32 to index
      %swap3A_136 = arith.constant 96 : index
      %swap3A_137 = tpu.vector_load %arg8[%swap3A_135, %swap3A_136] {strides = array<i32>} : memref<125x128xf32, #tpu.memory_space<vmem>>, vector<1x16xf32>,
      %swap3A_138 = vector.shape_cast %swap3A_137 : vector<1x16xf32> to vector<16xf32>
      %swap3A_139 = vector.shape_cast %broadcast_in_dim3A_134 : vector<16xf32> to vector<1x16xf32>
      tpu.vector_store %arg8[%swap3A_135, %swap3A_136], %swap3A_139 {strides = array<i32>} : memref<125x128xf32, #tpu.memory_space<vmem>>, vector<1x16xf32>,
      %broadcast_in_dim3A_140 = arith.constant 0.000000e+00 : f32
      %broadcast_in_dim3A_141 = vector.broadcast %broadcast_in_dim3A_140 : f32 to vector<16xf32>
      %swap3A_142 = arith.index_cast %add3A_92 : i32 to index
      %swap3A_143 = arith.constant 112 : index
      %swap3A_144 = tpu.vector_load %arg8[%swap3A_142, %swap3A_143] {strides = array<i32>} : memref<125x128xf32, #tpu.memory_space<vmem>>, vector<1x16xf32>,
      %swap3A_145 = vector.shape_cast %swap3A_144 : vector<1x16xf32> to vector<16xf32>
      %swap3A_146 = vector.shape_cast %broadcast_in_dim3A_141 : vector<16xf32> to vector<1x16xf32>
      tpu.vector_store %arg8[%swap3A_142, %swap3A_143], %swap3A_146 {strides = array<i32>} : memref<125x128xf32, #tpu.memory_space<vmem>>, vector<1x16xf32>,
    }
    %scan3A_4 = arith.constant 125 : i32
    %mul3A_5 = arith.constant 632 : i32
    %mul3A_6 = arith.muli %arg1, %mul3A_5 : i32
    %add3A_7 = arith.constant 0 : i32
    %add3A_8 = arith.addi %mul3A_6, %add3A_7 : i32
    "tpu.region"() ({
      %run_scoped3A = tpu.sem_alloc : memref<!tpu.dma_semaphore, #tpu.memory_space<semaphore_mem>>
      %dma_start3A = arith.constant 0 : i32
      %dma_start3A_88 = tpu.memref_slice %arg9[%add3A_8, %dma_start3A] : memref<10112x128xf32, #tpu.memory_space<vmem_shared>> -> memref<125x128xf32, #tpu.memory_space<vmem_shared>>
      %dma_start3A_89 = arith.constant 0 : i32
      %dma_start3A_90 = tpu.memref_slice %arg9[%add3A_8, %dma_start3A_89] : memref<10112x128xf32, #tpu.memory_space<vmem_shared>> -> memref<125x128xf32, #tpu.memory_space<vmem_shared>>
      tpu.enqueue_dma source(%arg8 : memref<125x128xf32, #tpu.memory_space<vmem>>) target(%dma_start3A_90 : memref<125x128xf32, #tpu.memory_space<vmem_shared>>) target_semaphore(%run_scoped3A : memref<!tpu.dma_semaphore, #tpu.memory_space<semaphore_mem>>)
      %dma_wait3A = arith.constant 0 : i32
      %dma_wait3A_91 = tpu.memref_slice %arg9[%add3A_8, %dma_wait3A] : memref<10112x128xf32, #tpu.memory_space<vmem_shared>> -> memref<125x128xf32, #tpu.memory_space<vmem_shared>>
      %dma_wait3A_92 = arith.constant 0 : i32
      %dma_wait3A_93 = tpu.memref_slice %arg9[%add3A_8, %dma_wait3A_92] : memref<10112x128xf32, #tpu.memory_space<vmem_shared>> -> memref<125x128xf32, #tpu.memory_space<vmem_shared>>
      tpu.wait_dma2 semaphore(%run_scoped3A : memref<!tpu.dma_semaphore, #tpu.memory_space<semaphore_mem>>) src(%arg8 : memref<125x128xf32, #tpu.memory_space<vmem>>) dst(%dma_wait3A_93 : memref<125x128xf32, #tpu.memory_space<vmem_shared>>)
      tpu.yield
    }) : () -> ()
    %mul3A_9 = arith.constant 632 : i32
    %mul3A_10 = arith.muli %arg1, %mul3A_9 : i32
    %add3A_11 = arith.constant 125 : i32
    %add3A_12 = arith.addi %mul3A_10, %add3A_11 : i32
    "tpu.region"() ({
      %run_scoped3A = tpu.sem_alloc : memref<!tpu.dma_semaphore, #tpu.memory_space<semaphore_mem>>
      %dma_start3A = arith.constant 0 : i32
      %dma_start3A_88 = tpu.memref_slice %arg9[%add3A_12, %dma_start3A] : memref<10112x128xf32, #tpu.memory_space<vmem_shared>> -> memref<125x128xf32, #tpu.memory_space<vmem_shared>>
      %dma_start3A_89 = arith.constant 0 : i32
      %dma_start3A_90 = tpu.memref_slice %arg9[%add3A_12, %dma_start3A_89] : memref<10112x128xf32, #tpu.memory_space<vmem_shared>> -> memref<125x128xf32, #tpu.memory_space<vmem_shared>>
      tpu.enqueue_dma source(%arg8 : memref<125x128xf32, #tpu.memory_space<vmem>>) target(%dma_start3A_90 : memref<125x128xf32, #tpu.memory_space<vmem_shared>>) target_semaphore(%run_scoped3A : memref<!tpu.dma_semaphore, #tpu.memory_space<semaphore_mem>>)
      %dma_wait3A = arith.constant 0 : i32
      %dma_wait3A_91 = tpu.memref_slice %arg9[%add3A_12, %dma_wait3A] : memref<10112x128xf32, #tpu.memory_space<vmem_shared>> -> memref<125x128xf32, #tpu.memory_space<vmem_shared>>
      %dma_wait3A_92 = arith.constant 0 : i32
      %dma_wait3A_93 = tpu.memref_slice %arg9[%add3A_12, %dma_wait3A_92] : memref<10112x128xf32, #tpu.memory_space<vmem_shared>> -> memref<125x128xf32, #tpu.memory_space<vmem_shared>>
      tpu.wait_dma2 semaphore(%run_scoped3A : memref<!tpu.dma_semaphore, #tpu.memory_space<semaphore_mem>>) src(%arg8 : memref<125x128xf32, #tpu.memory_space<vmem>>) dst(%dma_wait3A_93 : memref<125x128xf32, #tpu.memory_space<vmem_shared>>)
      tpu.yield
    }) : () -> ()
    %mul3A_13 = arith.constant 632 : i32
    %mul3A_14 = arith.muli %arg1, %mul3A_13 : i32
    %add3A_15 = arith.constant 250 : i32
    %add3A_16 = arith.addi %mul3A_14, %add3A_15 : i32
    "tpu.region"() ({
      %run_scoped3A = tpu.sem_alloc : memref<!tpu.dma_semaphore, #tpu.memory_space<semaphore_mem>>
      %dma_start3A = arith.constant 0 : i32
      %dma_start3A_88 = tpu.memref_slice %arg9[%add3A_16, %dma_start3A] : memref<10112x128xf32, #tpu.memory_space<vmem_shared>> -> memref<125x128xf32, #tpu.memory_space<vmem_shared>>
      %dma_start3A_89 = arith.constant 0 : i32
      %dma_start3A_90 = tpu.memref_slice %arg9[%add3A_16, %dma_start3A_89] : memref<10112x128xf32, #tpu.memory_space<vmem_shared>> -> memref<125x128xf32, #tpu.memory_space<vmem_shared>>
      tpu.enqueue_dma source(%arg8 : memref<125x128xf32, #tpu.memory_space<vmem>>) target(%dma_start3A_90 : memref<125x128xf32, #tpu.memory_space<vmem_shared>>) target_semaphore(%run_scoped3A : memref<!tpu.dma_semaphore, #tpu.memory_space<semaphore_mem>>)
      %dma_wait3A = arith.constant 0 : i32
      %dma_wait3A_91 = tpu.memref_slice %arg9[%add3A_16, %dma_wait3A] : memref<10112x128xf32, #tpu.memory_space<vmem_shared>> -> memref<125x128xf32, #tpu.memory_space<vmem_shared>>
      %dma_wait3A_92 = arith.constant 0 : i32
      %dma_wait3A_93 = tpu.memref_slice %arg9[%add3A_16, %dma_wait3A_92] : memref<10112x128xf32, #tpu.memory_space<vmem_shared>> -> memref<125x128xf32, #tpu.memory_space<vmem_shared>>
      tpu.wait_dma2 semaphore(%run_scoped3A : memref<!tpu.dma_semaphore, #tpu.memory_space<semaphore_mem>>) src(%arg8 : memref<125x128xf32, #tpu.memory_space<vmem>>) dst(%dma_wait3A_93 : memref<125x128xf32, #tpu.memory_space<vmem_shared>>)
      tpu.yield
    }) : () -> ()
    %mul3A_17 = arith.constant 632 : i32
    %mul3A_18 = arith.muli %arg1, %mul3A_17 : i32
    %add3A_19 = arith.constant 375 : i32
    %add3A_20 = arith.addi %mul3A_18, %add3A_19 : i32
    "tpu.region"() ({
      %run_scoped3A = tpu.sem_alloc : memref<!tpu.dma_semaphore, #tpu.memory_space<semaphore_mem>>
      %dma_start3A = arith.constant 0 : i32
      %dma_start3A_88 = tpu.memref_slice %arg9[%add3A_20, %dma_start3A] : memref<10112x128xf32, #tpu.memory_space<vmem_shared>> -> memref<125x128xf32, #tpu.memory_space<vmem_shared>>
      %dma_start3A_89 = arith.constant 0 : i32
      %dma_start3A_90 = tpu.memref_slice %arg9[%add3A_20, %dma_start3A_89] : memref<10112x128xf32, #tpu.memory_space<vmem_shared>> -> memref<125x128xf32, #tpu.memory_space<vmem_shared>>
      tpu.enqueue_dma source(%arg8 : memref<125x128xf32, #tpu.memory_space<vmem>>) target(%dma_start3A_90 : memref<125x128xf32, #tpu.memory_space<vmem_shared>>) target_semaphore(%run_scoped3A : memref<!tpu.dma_semaphore, #tpu.memory_space<semaphore_mem>>)
      %dma_wait3A = arith.constant 0 : i32
      %dma_wait3A_91 = tpu.memref_slice %arg9[%add3A_20, %dma_wait3A] : memref<10112x128xf32, #tpu.memory_space<vmem_shared>> -> memref<125x128xf32, #tpu.memory_space<vmem_shared>>
      %dma_wait3A_92 = arith.constant 0 : i32
      %dma_wait3A_93 = tpu.memref_slice %arg9[%add3A_20, %dma_wait3A_92] : memref<10112x128xf32, #tpu.memory_space<vmem_shared>> -> memref<125x128xf32, #tpu.memory_space<vmem_shared>>
      tpu.wait_dma2 semaphore(%run_scoped3A : memref<!tpu.dma_semaphore, #tpu.memory_space<semaphore_mem>>) src(%arg8 : memref<125x128xf32, #tpu.memory_space<vmem>>) dst(%dma_wait3A_93 : memref<125x128xf32, #tpu.memory_space<vmem_shared>>)
      tpu.yield
    }) : () -> ()
    %mul3A_21 = arith.constant 632 : i32
    %mul3A_22 = arith.muli %arg1, %mul3A_21 : i32
    %add3A_23 = arith.constant 500 : i32
    %add3A_24 = arith.addi %mul3A_22, %add3A_23 : i32
    "tpu.region"() ({
      %run_scoped3A = tpu.sem_alloc : memref<!tpu.dma_semaphore, #tpu.memory_space<semaphore_mem>>
      %dma_start3A = arith.constant 0 : i32
      %dma_start3A_88 = tpu.memref_slice %arg9[%add3A_24, %dma_start3A] : memref<10112x128xf32, #tpu.memory_space<vmem_shared>> -> memref<125x128xf32, #tpu.memory_space<vmem_shared>>
      %dma_start3A_89 = arith.constant 0 : i32
      %dma_start3A_90 = tpu.memref_slice %arg9[%add3A_24, %dma_start3A_89] : memref<10112x128xf32, #tpu.memory_space<vmem_shared>> -> memref<125x128xf32, #tpu.memory_space<vmem_shared>>
      tpu.enqueue_dma source(%arg8 : memref<125x128xf32, #tpu.memory_space<vmem>>) target(%dma_start3A_90 : memref<125x128xf32, #tpu.memory_space<vmem_shared>>) target_semaphore(%run_scoped3A : memref<!tpu.dma_semaphore, #tpu.memory_space<semaphore_mem>>)
      %dma_wait3A = arith.constant 0 : i32
      %dma_wait3A_91 = tpu.memref_slice %arg9[%add3A_24, %dma_wait3A] : memref<10112x128xf32, #tpu.memory_space<vmem_shared>> -> memref<125x128xf32, #tpu.memory_space<vmem_shared>>
      %dma_wait3A_92 = arith.constant 0 : i32
      %dma_wait3A_93 = tpu.memref_slice %arg9[%add3A_24, %dma_wait3A_92] : memref<10112x128xf32, #tpu.memory_space<vmem_shared>> -> memref<125x128xf32, #tpu.memory_space<vmem_shared>>
      tpu.wait_dma2 semaphore(%run_scoped3A : memref<!tpu.dma_semaphore, #tpu.memory_space<semaphore_mem>>) src(%arg8 : memref<125x128xf32, #tpu.memory_space<vmem>>) dst(%dma_wait3A_93 : memref<125x128xf32, #tpu.memory_space<vmem_shared>>)
      tpu.yield
    }) : () -> ()
    %mul3A_25 = arith.constant 632 : i32
    %mul3A_26 = arith.muli %arg1, %mul3A_25 : i32
    %add3A_27 = arith.constant 632 : i32
    %add3A_28 = arith.addi %mul3A_26, %add3A_27 : i32
    %sub3A = arith.constant 7 : i32
    %sub3A_29 = arith.subi %add3A_28, %sub3A : i32
    "tpu.region"() ({
      %run_scoped3A = tpu.sem_alloc : memref<!tpu.dma_semaphore, #tpu.memory_space<semaphore_mem>>
      %dma_start3A = arith.constant 0 : i32
      %dma_start3A_88 = arith.constant 0 : i32
      %dma_start3A_89 = tpu.memref_slice %arg8[%dma_start3A, %dma_start3A_88] : memref<125x128xf32, #tpu.memory_space<vmem>> -> memref<7x128xf32, #tpu.memory_space<vmem>>
      %dma_start3A_90 = arith.constant 0 : i32
      %dma_start3A_91 = tpu.memref_slice %arg9[%sub3A_29, %dma_start3A_90] : memref<10112x128xf32, #tpu.memory_space<vmem_shared>> -> memref<7x128xf32, #tpu.memory_space<vmem_shared>>
      %dma_start3A_92 = arith.constant 0 : i32
      %dma_start3A_93 = tpu.memref_slice %arg9[%sub3A_29, %dma_start3A_92] : memref<10112x128xf32, #tpu.memory_space<vmem_shared>> -> memref<7x128xf32, #tpu.memory_space<vmem_shared>>
      %dma_start3A_94 = arith.constant 0 : i32
      %dma_start3A_95 = arith.constant 0 : i32
      %dma_start3A_96 = tpu.memref_slice %arg8[%dma_start3A_94, %dma_start3A_95] : memref<125x128xf32, #tpu.memory_space<vmem>> -> memref<7x128xf32, #tpu.memory_space<vmem>>
      tpu.enqueue_dma source(%dma_start3A_96 : memref<7x128xf32, #tpu.memory_space<vmem>>) target(%dma_start3A_93 : memref<7x128xf32, #tpu.memory_space<vmem_shared>>) target_semaphore(%run_scoped3A : memref<!tpu.dma_semaphore, #tpu.memory_space<semaphore_mem>>)
      %dma_wait3A = arith.constant 0 : i32
      %dma_wait3A_97 = arith.constant 0 : i32
      %dma_wait3A_98 = tpu.memref_slice %arg8[%dma_wait3A, %dma_wait3A_97] : memref<125x128xf32, #tpu.memory_space<vmem>> -> memref<7x128xf32, #tpu.memory_space<vmem>>
      %dma_wait3A_99 = arith.constant 0 : i32
      %dma_wait3A_100 = tpu.memref_slice %arg9[%sub3A_29, %dma_wait3A_99] : memref<10112x128xf32, #tpu.memory_space<vmem_shared>> -> memref<7x128xf32, #tpu.memory_space<vmem_shared>>
      %dma_wait3A_101 = arith.constant 0 : i32
      %dma_wait3A_102 = tpu.memref_slice %arg9[%sub3A_29, %dma_wait3A_101] : memref<10112x128xf32, #tpu.memory_space<vmem_shared>> -> memref<7x128xf32, #tpu.memory_space<vmem_shared>>
      %dma_wait3A_103 = arith.constant 0 : i32
      %dma_wait3A_104 = arith.constant 0 : i32
      %dma_wait3A_105 = tpu.memref_slice %arg8[%dma_wait3A_103, %dma_wait3A_104] : memref<125x128xf32, #tpu.memory_space<vmem>> -> memref<7x128xf32, #tpu.memory_space<vmem>>
      tpu.wait_dma2 semaphore(%run_scoped3A : memref<!tpu.dma_semaphore, #tpu.memory_space<semaphore_mem>>) src(%dma_wait3A_105 : memref<7x128xf32, #tpu.memory_space<vmem>>) dst(%dma_wait3A_102 : memref<7x128xf32, #tpu.memory_space<vmem_shared>>)
      tpu.yield
    }) : () -> ()
    %barrier3A = arith.constant 0 : index
    tpu.barrier barrier_id(%barrier3A)
    "tpu.region"() ({
      %run_scoped3A = tpu.sem_alloc : memref<!tpu.dma_semaphore, #tpu.memory_space<semaphore_mem>>
      %dma_start3A = arith.constant 0 : i32
      %dma_start3A_88 = arith.constant 0 : i32
      %dma_start3A_89 = tpu.memref_slice %arg3[%add3A, %dma_start3A, %dma_start3A_88] : memref<32x80x125xi32, #tpu.memory_space<hbm>> -> memref<1x80x125xi32, #tpu.memory_space<hbm>>
      %dma_start3A_90 = tpu.memref_squeeze %dma_start3A_89 : memref<1x80x125xi32, #tpu.memory_space<hbm>> -> memref<80x125xi32, #tpu.memory_space<hbm>>
      %dma_start3A_91 = arith.constant 0 : i32
      %dma_start3A_92 = arith.constant 0 : i32
      %dma_start3A_93 = tpu.memref_slice %arg3[%add3A, %dma_start3A_91, %dma_start3A_92] : memref<32x80x125xi32, #tpu.memory_space<hbm>> -> memref<1x80x125xi32, #tpu.memory_space<hbm>>
      %dma_start3A_94 = tpu.memref_squeeze %dma_start3A_93 : memref<1x80x125xi32, #tpu.memory_space<hbm>> -> memref<80x125xi32, #tpu.memory_space<hbm>>
      tpu.enqueue_dma source(%dma_start3A_94 : memref<80x125xi32, #tpu.memory_space<hbm>>) target(%arg6 : memref<80x125xi32, #tpu.memory_space<vmem>>) target_semaphore(%run_scoped3A : memref<!tpu.dma_semaphore, #tpu.memory_space<semaphore_mem>>)
      %dma_wait3A = arith.constant 0 : i32
      %dma_wait3A_95 = arith.constant 0 : i32
      %dma_wait3A_96 = tpu.memref_slice %arg3[%add3A, %dma_wait3A, %dma_wait3A_95] : memref<32x80x125xi32, #tpu.memory_space<hbm>> -> memref<1x80x125xi32, #tpu.memory_space<hbm>>
      %dma_wait3A_97 = tpu.memref_squeeze %dma_wait3A_96 : memref<1x80x125xi32, #tpu.memory_space<hbm>> -> memref<80x125xi32, #tpu.memory_space<hbm>>
      %dma_wait3A_98 = arith.constant 0 : i32
      %dma_wait3A_99 = arith.constant 0 : i32
      %dma_wait3A_100 = tpu.memref_slice %arg3[%add3A, %dma_wait3A_98, %dma_wait3A_99] : memref<32x80x125xi32, #tpu.memory_space<hbm>> -> memref<1x80x125xi32, #tpu.memory_space<hbm>>
      %dma_wait3A_101 = tpu.memref_squeeze %dma_wait3A_100 : memref<1x80x125xi32, #tpu.memory_space<hbm>> -> memref<80x125xi32, #tpu.memory_space<hbm>>
      tpu.wait_dma2 semaphore(%run_scoped3A : memref<!tpu.dma_semaphore, #tpu.memory_space<semaphore_mem>>) src(%dma_wait3A_101 : memref<80x125xi32, #tpu.memory_space<hbm>>) dst(%arg6 : memref<80x125xi32, #tpu.memory_space<vmem>>)
      tpu.yield
    }) : () -> ()
    "tpu.region"() ({
      %run_scoped3A = tpu.sem_alloc : memref<!tpu.dma_semaphore, #tpu.memory_space<semaphore_mem>>
      %dma_start3A = arith.constant 0 : i32
      %dma_start3A_88 = arith.constant 0 : i32
      %dma_start3A_89 = tpu.memref_slice %arg4[%add3A, %dma_start3A, %dma_start3A_88] : memref<32x80x125xi32, #tpu.memory_space<hbm>> -> memref<1x80x125xi32, #tpu.memory_space<hbm>>
      %dma_start3A_90 = tpu.memref_squeeze %dma_start3A_89 : memref<1x80x125xi32, #tpu.memory_space<hbm>> -> memref<80x125xi32, #tpu.memory_space<hbm>>
      %dma_start3A_91 = arith.constant 0 : i32
      %dma_start3A_92 = arith.constant 0 : i32
      %dma_start3A_93 = tpu.memref_slice %arg4[%add3A, %dma_start3A_91, %dma_start3A_92] : memref<32x80x125xi32, #tpu.memory_space<hbm>> -> memref<1x80x125xi32, #tpu.memory_space<hbm>>
      %dma_start3A_94 = tpu.memref_squeeze %dma_start3A_93 : memref<1x80x125xi32, #tpu.memory_space<hbm>> -> memref<80x125xi32, #tpu.memory_space<hbm>>
      tpu.enqueue_dma source(%dma_start3A_94 : memref<80x125xi32, #tpu.memory_space<hbm>>) target(%arg7 : memref<80x125xi32, #tpu.memory_space<vmem>>) target_semaphore(%run_scoped3A : memref<!tpu.dma_semaphore, #tpu.memory_space<semaphore_mem>>)
      %dma_wait3A = arith.constant 0 : i32
      %dma_wait3A_95 = arith.constant 0 : i32
      %dma_wait3A_96 = tpu.memref_slice %arg4[%add3A, %dma_wait3A, %dma_wait3A_95] : memref<32x80x125xi32, #tpu.memory_space<hbm>> -> memref<1x80x125xi32, #tpu.memory_space<hbm>>
      %dma_wait3A_97 = tpu.memref_squeeze %dma_wait3A_96 : memref<1x80x125xi32, #tpu.memory_space<hbm>> -> memref<80x125xi32, #tpu.memory_space<hbm>>
      %dma_wait3A_98 = arith.constant 0 : i32
      %dma_wait3A_99 = arith.constant 0 : i32
      %dma_wait3A_100 = tpu.memref_slice %arg4[%add3A, %dma_wait3A_98, %dma_wait3A_99] : memref<32x80x125xi32, #tpu.memory_space<hbm>> -> memref<1x80x125xi32, #tpu.memory_space<hbm>>
      %dma_wait3A_101 = tpu.memref_squeeze %dma_wait3A_100 : memref<1x80x125xi32, #tpu.memory_space<hbm>> -> memref<80x125xi32, #tpu.memory_space<hbm>>
      tpu.wait_dma2 semaphore(%run_scoped3A : memref<!tpu.dma_semaphore, #tpu.memory_space<semaphore_mem>>) src(%dma_wait3A_101 : memref<80x125xi32, #tpu.memory_space<hbm>>) dst(%arg7 : memref<80x125xi32, #tpu.memory_space<vmem>>)
      tpu.yield
    }) : () -> ()
    %scan3A_30 = arith.constant 0 : i32
    %scan3A_31 = arith.constant 80 : i32
    %scan3A_32 = arith.addi %scan3A_30, %scan3A_31 : i32
    %scan3A_33 = arith.constant 1 : i32
    scf.for %scan3A_88 = %scan3A_30 to %scan3A_32 step %scan3A_33  : i32 {
      %mul3A_89 = arith.constant 1 : i32
      %mul3A_90 = arith.muli %scan3A_88, %mul3A_89 : i32
      %add3A_91 = arith.constant 0 : i32
      %add3A_92 = arith.addi %add3A_91, %mul3A_90 : i32
      %dma_start3A = arith.constant 0 : i32
      %dma_start3A_93 = tpu.memref_slice %arg6[%add3A_92, %dma_start3A] : memref<80x125xi32, #tpu.memory_space<vmem>> -> memref<1x125xi32, #tpu.memory_space<vmem>>
      %dma_start3A_94 = tpu.memref_squeeze %dma_start3A_93 : memref<1x125xi32, #tpu.memory_space<vmem>> -> memref<125xi32, #tpu.memory_space<vmem>>
      %dma_start3A_95 = arith.constant 0 : i32
      %dma_start3A_96 = arith.constant 0 : i32
      %dma_start3A_97 = tpu.memref_slice %arg2[%dma_start3A_95, %dma_start3A_96] : memref<10000x128xf32, #tpu.memory_space<hbm>> -> memref<10000x128xf32, #tpu.memory_space<hbm>>
      tpu.enqueue_indirect_dma source(%dma_start3A_97 : memref<10000x128xf32, #tpu.memory_space<hbm>>) target(%arg8 : memref<125x128xf32, #tpu.memory_space<vmem>>) offsets(%dma_start3A_94 : memref<125xi32, #tpu.memory_space<vmem>>) semaphore(%arg10 : memref<!tpu.dma_semaphore, #tpu.memory_space<semaphore_mem>>)
      %dma_wait3A = arith.constant 0 : i32
      %dma_wait3A_98 = tpu.memref_slice %arg6[%add3A_92, %dma_wait3A] : memref<80x125xi32, #tpu.memory_space<vmem>> -> memref<1x125xi32, #tpu.memory_space<vmem>>
      %dma_wait3A_99 = tpu.memref_squeeze %dma_wait3A_98 : memref<1x125xi32, #tpu.memory_space<vmem>> -> memref<125xi32, #tpu.memory_space<vmem>>
      %dma_wait3A_100 = arith.constant 0 : i32
      %dma_wait3A_101 = arith.constant 0 : i32
      %dma_wait3A_102 = tpu.memref_slice %arg2[%dma_wait3A_100, %dma_wait3A_101] : memref<10000x128xf32, #tpu.memory_space<hbm>> -> memref<10000x128xf32, #tpu.memory_space<hbm>>
      tpu.wait_indirect_dma semaphore(%arg10 : memref<!tpu.dma_semaphore, #tpu.memory_space<semaphore_mem>>) src(%dma_wait3A_102 : memref<10000x128xf32, #tpu.memory_space<hbm>>) dst(%arg8 : memref<125x128xf32, #tpu.memory_space<vmem>>)
      "tpu.region"() ({
        %run_scoped3A = tpu.sem_alloc : memref<!tpu.dma_semaphore, #tpu.memory_space<semaphore_mem>>
        %dma_start3A_103 = arith.constant 0 : i32
        %dma_start3A_104 = tpu.memref_slice %arg7[%add3A_92, %dma_start3A_103] : memref<80x125xi32, #tpu.memory_space<vmem>> -> memref<1x125xi32, #tpu.memory_space<vmem>>
        %dma_start3A_105 = tpu.memref_squeeze %dma_start3A_104 : memref<1x125xi32, #tpu.memory_space<vmem>> -> memref<125xi32, #tpu.memory_space<vmem>>
        %dma_start3A_106 = arith.constant 0 : i32
        %dma_start3A_107 = arith.constant 0 : i32
        %dma_start3A_108 = tpu.memref_slice %arg9[%dma_start3A_106, %dma_start3A_107] : memref<10112x128xf32, #tpu.memory_space<vmem_shared>> -> memref<10112x128xf32, #tpu.memory_space<vmem_shared>>
        tpu.enqueue_indirect_dma source(%arg8 : memref<125x128xf32, #tpu.memory_space<vmem>>) target(%dma_start3A_108 : memref<10112x128xf32, #tpu.memory_space<vmem_shared>>) offsets(%dma_start3A_105 : memref<125xi32, #tpu.memory_space<vmem>>) semaphore(%run_scoped3A : memref<!tpu.dma_semaphore, #tpu.memory_space<semaphore_mem>>) {add = true}
        %dma_wait3A_109 = arith.constant 0 : i32
        %dma_wait3A_110 = tpu.memref_slice %arg7[%add3A_92, %dma_wait3A_109] : memref<80x125xi32, #tpu.memory_space<vmem>> -> memref<1x125xi32, #tpu.memory_space<vmem>>
        %dma_wait3A_111 = tpu.memref_squeeze %dma_wait3A_110 : memref<1x125xi32, #tpu.memory_space<vmem>> -> memref<125xi32, #tpu.memory_space<vmem>>
        %dma_wait3A_112 = arith.constant 0 : i32
        %dma_wait3A_113 = arith.constant 0 : i32
        %dma_wait3A_114 = tpu.memref_slice %arg9[%dma_wait3A_112, %dma_wait3A_113] : memref<10112x128xf32, #tpu.memory_space<vmem_shared>> -> memref<10112x128xf32, #tpu.memory_space<vmem_shared>>
        tpu.wait_indirect_dma semaphore(%run_scoped3A : memref<!tpu.dma_semaphore, #tpu.memory_space<semaphore_mem>>) src(%arg8 : memref<125x128xf32, #tpu.memory_space<vmem>>) dst(%dma_wait3A_114 : memref<10112x128xf32, #tpu.memory_space<vmem_shared>>)
        tpu.yield
      }) : () -> ()
    }
    %scan3A_34 = arith.constant 80 : i32
    %barrier3A_35 = arith.constant 0 : index
    tpu.barrier barrier_id(%barrier3A_35)
    %mul3A_36 = arith.constant 632 : i32
    %mul3A_37 = arith.muli %arg1, %mul3A_36 : i32
    %add3A_38 = arith.constant 0 : i32
    %add3A_39 = arith.addi %mul3A_37, %add3A_38 : i32
    "tpu.region"() ({
      %run_scoped3A = tpu.sem_alloc : memref<!tpu.dma_semaphore, #tpu.memory_space<semaphore_mem>>
      %dma_start3A = arith.constant 0 : i32
      %dma_start3A_88 = arith.constant 0 : i32
      %dma_start3A_89 = tpu.memref_slice %arg8[%dma_start3A, %dma_start3A_88] : memref<125x128xf32, #tpu.memory_space<vmem>> -> memref<120x128xf32, #tpu.memory_space<vmem>>
      %dma_start3A_90 = arith.constant 0 : i32
      %dma_start3A_91 = tpu.memref_slice %arg9[%add3A_39, %dma_start3A_90] : memref<10112x128xf32, #tpu.memory_space<vmem_shared>> -> memref<120x128xf32, #tpu.memory_space<vmem_shared>>
      %dma_start3A_92 = arith.constant 0 : i32
      %dma_start3A_93 = arith.constant 0 : i32
      %dma_start3A_94 = tpu.memref_slice %arg8[%dma_start3A_92, %dma_start3A_93] : memref<125x128xf32, #tpu.memory_space<vmem>> -> memref<120x128xf32, #tpu.memory_space<vmem>>
      %dma_start3A_95 = arith.constant 0 : i32
      %dma_start3A_96 = tpu.memref_slice %arg9[%add3A_39, %dma_start3A_95] : memref<10112x128xf32, #tpu.memory_space<vmem_shared>> -> memref<120x128xf32, #tpu.memory_space<vmem_shared>>
      tpu.enqueue_dma source(%dma_start3A_96 : memref<120x128xf32, #tpu.memory_space<vmem_shared>>) target(%dma_start3A_94 : memref<120x128xf32, #tpu.memory_space<vmem>>) target_semaphore(%run_scoped3A : memref<!tpu.dma_semaphore, #tpu.memory_space<semaphore_mem>>)
      %dma_wait3A = arith.constant 0 : i32
      %dma_wait3A_97 = arith.constant 0 : i32
      %dma_wait3A_98 = tpu.memref_slice %arg8[%dma_wait3A, %dma_wait3A_97] : memref<125x128xf32, #tpu.memory_space<vmem>> -> memref<120x128xf32, #tpu.memory_space<vmem>>
      %dma_wait3A_99 = arith.constant 0 : i32
      %dma_wait3A_100 = tpu.memref_slice %arg9[%add3A_39, %dma_wait3A_99] : memref<10112x128xf32, #tpu.memory_space<vmem_shared>> -> memref<120x128xf32, #tpu.memory_space<vmem_shared>>
      %dma_wait3A_101 = arith.constant 0 : i32
      %dma_wait3A_102 = arith.constant 0 : i32
      %dma_wait3A_103 = tpu.memref_slice %arg8[%dma_wait3A_101, %dma_wait3A_102] : memref<125x128xf32, #tpu.memory_space<vmem>> -> memref<120x128xf32, #tpu.memory_space<vmem>>
      %dma_wait3A_104 = arith.constant 0 : i32
      %dma_wait3A_105 = tpu.memref_slice %arg9[%add3A_39, %dma_wait3A_104] : memref<10112x128xf32, #tpu.memory_space<vmem_shared>> -> memref<120x128xf32, #tpu.memory_space<vmem_shared>>
      tpu.wait_dma2 semaphore(%run_scoped3A : memref<!tpu.dma_semaphore, #tpu.memory_space<semaphore_mem>>) src(%dma_wait3A_105 : memref<120x128xf32, #tpu.memory_space<vmem_shared>>) dst(%dma_wait3A_103 : memref<120x128xf32, #tpu.memory_space<vmem>>)
      tpu.yield
    }) : () -> ()
    %mul3A_40 = arith.constant 632 : i32
    %mul3A_41 = arith.muli %arg1, %mul3A_40 : i32
    %add3A_42 = arith.constant 0 : i32
    %add3A_43 = arith.addi %mul3A_41, %add3A_42 : i32
    "tpu.region"() ({
      %run_scoped3A = tpu.sem_alloc : memref<!tpu.dma_semaphore, #tpu.memory_space<semaphore_mem>>
      %dma_start3A = arith.constant 0 : i32
      %dma_start3A_88 = arith.constant 0 : i32
      %dma_start3A_89 = tpu.memref_slice %arg8[%dma_start3A, %dma_start3A_88] : memref<125x128xf32, #tpu.memory_space<vmem>> -> memref<120x128xf32, #tpu.memory_space<vmem>>
      %dma_start3A_90 = arith.constant 0 : i32
      %dma_start3A_91 = tpu.memref_slice %arg5[%arg0, %add3A_43, %dma_start3A_90] : memref<2x10112x128xf32, #tpu.memory_space<hbm>> -> memref<1x120x128xf32, #tpu.memory_space<hbm>>
      %dma_start3A_92 = tpu.memref_squeeze %dma_start3A_91 : memref<1x120x128xf32, #tpu.memory_space<hbm>> -> memref<120x128xf32, #tpu.memory_space<hbm>>
      %dma_start3A_93 = arith.constant 0 : i32
      %dma_start3A_94 = tpu.memref_slice %arg5[%arg0, %add3A_43, %dma_start3A_93] : memref<2x10112x128xf32, #tpu.memory_space<hbm>> -> memref<1x120x128xf32, #tpu.memory_space<hbm>>
      %dma_start3A_95 = tpu.memref_squeeze %dma_start3A_94 : memref<1x120x128xf32, #tpu.memory_space<hbm>> -> memref<120x128xf32, #tpu.memory_space<hbm>>
      %dma_start3A_96 = arith.constant 0 : i32
      %dma_start3A_97 = arith.constant 0 : i32
      %dma_start3A_98 = tpu.memref_slice %arg8[%dma_start3A_96, %dma_start3A_97] : memref<125x128xf32, #tpu.memory_space<vmem>> -> memref<120x128xf32, #tpu.memory_space<vmem>>
      tpu.enqueue_dma source(%dma_start3A_98 : memref<120x128xf32, #tpu.memory_space<vmem>>) target(%dma_start3A_95 : memref<120x128xf32, #tpu.memory_space<hbm>>) target_semaphore(%run_scoped3A : memref<!tpu.dma_semaphore, #tpu.memory_space<semaphore_mem>>)
      %dma_wait3A = arith.constant 0 : i32
      %dma_wait3A_99 = arith.constant 0 : i32
      %dma_wait3A_100 = tpu.memref_slice %arg8[%dma_wait3A, %dma_wait3A_99] : memref<125x128xf32, #tpu.memory_space<vmem>> -> memref<120x128xf32, #tpu.memory_space<vmem>>
      %dma_wait3A_101 = arith.constant 0 : i32
      %dma_wait3A_102 = tpu.memref_slice %arg5[%arg0, %add3A_43, %dma_wait3A_101] : memref<2x10112x128xf32, #tpu.memory_space<hbm>> -> memref<1x120x128xf32, #tpu.memory_space<hbm>>
      %dma_wait3A_103 = tpu.memref_squeeze %dma_wait3A_102 : memref<1x120x128xf32, #tpu.memory_space<hbm>> -> memref<120x128xf32, #tpu.memory_space<hbm>>
      %dma_wait3A_104 = arith.constant 0 : i32
      %dma_wait3A_105 = tpu.memref_slice %arg5[%arg0, %add3A_43, %dma_wait3A_104] : memref<2x10112x128xf32, #tpu.memory_space<hbm>> -> memref<1x120x128xf32, #tpu.memory_space<hbm>>
      %dma_wait3A_106 = tpu.memref_squeeze %dma_wait3A_105 : memref<1x120x128xf32, #tpu.memory_space<hbm>> -> memref<120x128xf32, #tpu.memory_space<hbm>>
      %dma_wait3A_107 = arith.constant 0 : i32
      %dma_wait3A_108 = arith.constant 0 : i32
      %dma_wait3A_109 = tpu.memref_slice %arg8[%dma_wait3A_107, %dma_wait3A_108] : memref<125x128xf32, #tpu.memory_space<vmem>> -> memref<120x128xf32, #tpu.memory_space<vmem>>
      tpu.wait_dma2 semaphore(%run_scoped3A : memref<!tpu.dma_semaphore, #tpu.memory_space<semaphore_mem>>) src(%dma_wait3A_109 : memref<120x128xf32, #tpu.memory_space<vmem>>) dst(%dma_wait3A_106 : memref<120x128xf32, #tpu.memory_space<hbm>>)
      tpu.yield
    }) : () -> ()
    %mul3A_44 = arith.constant 632 : i32
    %mul3A_45 = arith.muli %arg1, %mul3A_44 : i32
    %add3A_46 = arith.constant 120 : i32
    %add3A_47 = arith.addi %mul3A_45, %add3A_46 : i32
    "tpu.region"() ({
      %run_scoped3A = tpu.sem_alloc : memref<!tpu.dma_semaphore, #tpu.memory_space<semaphore_mem>>
      %dma_start3A = arith.constant 0 : i32
      %dma_start3A_88 = arith.constant 0 : i32
      %dma_start3A_89 = tpu.memref_slice %arg8[%dma_start3A, %dma_start3A_88] : memref<125x128xf32, #tpu.memory_space<vmem>> -> memref<120x128xf32, #tpu.memory_space<vmem>>
      %dma_start3A_90 = arith.constant 0 : i32
      %dma_start3A_91 = tpu.memref_slice %arg9[%add3A_47, %dma_start3A_90] : memref<10112x128xf32, #tpu.memory_space<vmem_shared>> -> memref<120x128xf32, #tpu.memory_space<vmem_shared>>
      %dma_start3A_92 = arith.constant 0 : i32
      %dma_start3A_93 = arith.constant 0 : i32
      %dma_start3A_94 = tpu.memref_slice %arg8[%dma_start3A_92, %dma_start3A_93] : memref<125x128xf32, #tpu.memory_space<vmem>> -> memref<120x128xf32, #tpu.memory_space<vmem>>
      %dma_start3A_95 = arith.constant 0 : i32
      %dma_start3A_96 = tpu.memref_slice %arg9[%add3A_47, %dma_start3A_95] : memref<10112x128xf32, #tpu.memory_space<vmem_shared>> -> memref<120x128xf32, #tpu.memory_space<vmem_shared>>
      tpu.enqueue_dma source(%dma_start3A_96 : memref<120x128xf32, #tpu.memory_space<vmem_shared>>) target(%dma_start3A_94 : memref<120x128xf32, #tpu.memory_space<vmem>>) target_semaphore(%run_scoped3A : memref<!tpu.dma_semaphore, #tpu.memory_space<semaphore_mem>>)
      %dma_wait3A = arith.constant 0 : i32
      %dma_wait3A_97 = arith.constant 0 : i32
      %dma_wait3A_98 = tpu.memref_slice %arg8[%dma_wait3A, %dma_wait3A_97] : memref<125x128xf32, #tpu.memory_space<vmem>> -> memref<120x128xf32, #tpu.memory_space<vmem>>
      %dma_wait3A_99 = arith.constant 0 : i32
      %dma_wait3A_100 = tpu.memref_slice %arg9[%add3A_47, %dma_wait3A_99] : memref<10112x128xf32, #tpu.memory_space<vmem_shared>> -> memref<120x128xf32, #tpu.memory_space<vmem_shared>>
      %dma_wait3A_101 = arith.constant 0 : i32
      %dma_wait3A_102 = arith.constant 0 : i32
      %dma_wait3A_103 = tpu.memref_slice %arg8[%dma_wait3A_101, %dma_wait3A_102] : memref<125x128xf32, #tpu.memory_space<vmem>> -> memref<120x128xf32, #tpu.memory_space<vmem>>
      %dma_wait3A_104 = arith.constant 0 : i32
      %dma_wait3A_105 = tpu.memref_slice %arg9[%add3A_47, %dma_wait3A_104] : memref<10112x128xf32, #tpu.memory_space<vmem_shared>> -> memref<120x128xf32, #tpu.memory_space<vmem_shared>>
      tpu.wait_dma2 semaphore(%run_scoped3A : memref<!tpu.dma_semaphore, #tpu.memory_space<semaphore_mem>>) src(%dma_wait3A_105 : memref<120x128xf32, #tpu.memory_space<vmem_shared>>) dst(%dma_wait3A_103 : memref<120x128xf32, #tpu.memory_space<vmem>>)
      tpu.yield
    }) : () -> ()
    %mul3A_48 = arith.constant 632 : i32
    %mul3A_49 = arith.muli %arg1, %mul3A_48 : i32
    %add3A_50 = arith.constant 120 : i32
    %add3A_51 = arith.addi %mul3A_49, %add3A_50 : i32
    "tpu.region"() ({
      %run_scoped3A = tpu.sem_alloc : memref<!tpu.dma_semaphore, #tpu.memory_space<semaphore_mem>>
      %dma_start3A = arith.constant 0 : i32
      %dma_start3A_88 = arith.constant 0 : i32
      %dma_start3A_89 = tpu.memref_slice %arg8[%dma_start3A, %dma_start3A_88] : memref<125x128xf32, #tpu.memory_space<vmem>> -> memref<120x128xf32, #tpu.memory_space<vmem>>
      %dma_start3A_90 = arith.constant 0 : i32
      %dma_start3A_91 = tpu.memref_slice %arg5[%arg0, %add3A_51, %dma_start3A_90] : memref<2x10112x128xf32, #tpu.memory_space<hbm>> -> memref<1x120x128xf32, #tpu.memory_space<hbm>>
      %dma_start3A_92 = tpu.memref_squeeze %dma_start3A_91 : memref<1x120x128xf32, #tpu.memory_space<hbm>> -> memref<120x128xf32, #tpu.memory_space<hbm>>
      %dma_start3A_93 = arith.constant 0 : i32
      %dma_start3A_94 = tpu.memref_slice %arg5[%arg0, %add3A_51, %dma_start3A_93] : memref<2x10112x128xf32, #tpu.memory_space<hbm>> -> memref<1x120x128xf32, #tpu.memory_space<hbm>>
      %dma_start3A_95 = tpu.memref_squeeze %dma_start3A_94 : memref<1x120x128xf32, #tpu.memory_space<hbm>> -> memref<120x128xf32, #tpu.memory_space<hbm>>
      %dma_start3A_96 = arith.constant 0 : i32
      %dma_start3A_97 = arith.constant 0 : i32
      %dma_start3A_98 = tpu.memref_slice %arg8[%dma_start3A_96, %dma_start3A_97] : memref<125x128xf32, #tpu.memory_space<vmem>> -> memref<120x128xf32, #tpu.memory_space<vmem>>
      tpu.enqueue_dma source(%dma_start3A_98 : memref<120x128xf32, #tpu.memory_space<vmem>>) target(%dma_start3A_95 : memref<120x128xf32, #tpu.memory_space<hbm>>) target_semaphore(%run_scoped3A : memref<!tpu.dma_semaphore, #tpu.memory_space<semaphore_mem>>)
      %dma_wait3A = arith.constant 0 : i32
      %dma_wait3A_99 = arith.constant 0 : i32
      %dma_wait3A_100 = tpu.memref_slice %arg8[%dma_wait3A, %dma_wait3A_99] : memref<125x128xf32, #tpu.memory_space<vmem>> -> memref<120x128xf32, #tpu.memory_space<vmem>>
      %dma_wait3A_101 = arith.constant 0 : i32
      %dma_wait3A_102 = tpu.memref_slice %arg5[%arg0, %add3A_51, %dma_wait3A_101] : memref<2x10112x128xf32, #tpu.memory_space<hbm>> -> memref<1x120x128xf32, #tpu.memory_space<hbm>>
      %dma_wait3A_103 = tpu.memref_squeeze %dma_wait3A_102 : memref<1x120x128xf32, #tpu.memory_space<hbm>> -> memref<120x128xf32, #tpu.memory_space<hbm>>
      %dma_wait3A_104 = arith.constant 0 : i32
      %dma_wait3A_105 = tpu.memref_slice %arg5[%arg0, %add3A_51, %dma_wait3A_104] : memref<2x10112x128xf32, #tpu.memory_space<hbm>> -> memref<1x120x128xf32, #tpu.memory_space<hbm>>
      %dma_wait3A_106 = tpu.memref_squeeze %dma_wait3A_105 : memref<1x120x128xf32, #tpu.memory_space<hbm>> -> memref<120x128xf32, #tpu.memory_space<hbm>>
      %dma_wait3A_107 = arith.constant 0 : i32
      %dma_wait3A_108 = arith.constant 0 : i32
      %dma_wait3A_109 = tpu.memref_slice %arg8[%dma_wait3A_107, %dma_wait3A_108] : memref<125x128xf32, #tpu.memory_space<vmem>> -> memref<120x128xf32, #tpu.memory_space<vmem>>
      tpu.wait_dma2 semaphore(%run_scoped3A : memref<!tpu.dma_semaphore, #tpu.memory_space<semaphore_mem>>) src(%dma_wait3A_109 : memref<120x128xf32, #tpu.memory_space<vmem>>) dst(%dma_wait3A_106 : memref<120x128xf32, #tpu.memory_space<hbm>>)
      tpu.yield
    }) : () -> ()
    %mul3A_52 = arith.constant 632 : i32
    %mul3A_53 = arith.muli %arg1, %mul3A_52 : i32
    %add3A_54 = arith.constant 240 : i32
    %add3A_55 = arith.addi %mul3A_53, %add3A_54 : i32
    "tpu.region"() ({
      %run_scoped3A = tpu.sem_alloc : memref<!tpu.dma_semaphore, #tpu.memory_space<semaphore_mem>>
      %dma_start3A = arith.constant 0 : i32
      %dma_start3A_88 = arith.constant 0 : i32
      %dma_start3A_89 = tpu.memref_slice %arg8[%dma_start3A, %dma_start3A_88] : memref<125x128xf32, #tpu.memory_space<vmem>> -> memref<120x128xf32, #tpu.memory_space<vmem>>
      %dma_start3A_90 = arith.constant 0 : i32
      %dma_start3A_91 = tpu.memref_slice %arg9[%add3A_55, %dma_start3A_90] : memref<10112x128xf32, #tpu.memory_space<vmem_shared>> -> memref<120x128xf32, #tpu.memory_space<vmem_shared>>
      %dma_start3A_92 = arith.constant 0 : i32
      %dma_start3A_93 = arith.constant 0 : i32
      %dma_start3A_94 = tpu.memref_slice %arg8[%dma_start3A_92, %dma_start3A_93] : memref<125x128xf32, #tpu.memory_space<vmem>> -> memref<120x128xf32, #tpu.memory_space<vmem>>
      %dma_start3A_95 = arith.constant 0 : i32
      %dma_start3A_96 = tpu.memref_slice %arg9[%add3A_55, %dma_start3A_95] : memref<10112x128xf32, #tpu.memory_space<vmem_shared>> -> memref<120x128xf32, #tpu.memory_space<vmem_shared>>
      tpu.enqueue_dma source(%dma_start3A_96 : memref<120x128xf32, #tpu.memory_space<vmem_shared>>) target(%dma_start3A_94 : memref<120x128xf32, #tpu.memory_space<vmem>>) target_semaphore(%run_scoped3A : memref<!tpu.dma_semaphore, #tpu.memory_space<semaphore_mem>>)
      %dma_wait3A = arith.constant 0 : i32
      %dma_wait3A_97 = arith.constant 0 : i32
      %dma_wait3A_98 = tpu.memref_slice %arg8[%dma_wait3A, %dma_wait3A_97] : memref<125x128xf32, #tpu.memory_space<vmem>> -> memref<120x128xf32, #tpu.memory_space<vmem>>
      %dma_wait3A_99 = arith.constant 0 : i32
      %dma_wait3A_100 = tpu.memref_slice %arg9[%add3A_55, %dma_wait3A_99] : memref<10112x128xf32, #tpu.memory_space<vmem_shared>> -> memref<120x128xf32, #tpu.memory_space<vmem_shared>>
      %dma_wait3A_101 = arith.constant 0 : i32
      %dma_wait3A_102 = arith.constant 0 : i32
      %dma_wait3A_103 = tpu.memref_slice %arg8[%dma_wait3A_101, %dma_wait3A_102] : memref<125x128xf32, #tpu.memory_space<vmem>> -> memref<120x128xf32, #tpu.memory_space<vmem>>
      %dma_wait3A_104 = arith.constant 0 : i32
      %dma_wait3A_105 = tpu.memref_slice %arg9[%add3A_55, %dma_wait3A_104] : memref<10112x128xf32, #tpu.memory_space<vmem_shared>> -> memref<120x128xf32, #tpu.memory_space<vmem_shared>>
      tpu.wait_dma2 semaphore(%run_scoped3A : memref<!tpu.dma_semaphore, #tpu.memory_space<semaphore_mem>>) src(%dma_wait3A_105 : memref<120x128xf32, #tpu.memory_space<vmem_shared>>) dst(%dma_wait3A_103 : memref<120x128xf32, #tpu.memory_space<vmem>>)
      tpu.yield
    }) : () -> ()
    %mul3A_56 = arith.constant 632 : i32
    %mul3A_57 = arith.muli %arg1, %mul3A_56 : i32
    %add3A_58 = arith.constant 240 : i32
    %add3A_59 = arith.addi %mul3A_57, %add3A_58 : i32
    "tpu.region"() ({
      %run_scoped3A = tpu.sem_alloc : memref<!tpu.dma_semaphore, #tpu.memory_space<semaphore_mem>>
      %dma_start3A = arith.constant 0 : i32
      %dma_start3A_88 = arith.constant 0 : i32
      %dma_start3A_89 = tpu.memref_slice %arg8[%dma_start3A, %dma_start3A_88] : memref<125x128xf32, #tpu.memory_space<vmem>> -> memref<120x128xf32, #tpu.memory_space<vmem>>
      %dma_start3A_90 = arith.constant 0 : i32
      %dma_start3A_91 = tpu.memref_slice %arg5[%arg0, %add3A_59, %dma_start3A_90] : memref<2x10112x128xf32, #tpu.memory_space<hbm>> -> memref<1x120x128xf32, #tpu.memory_space<hbm>>
      %dma_start3A_92 = tpu.memref_squeeze %dma_start3A_91 : memref<1x120x128xf32, #tpu.memory_space<hbm>> -> memref<120x128xf32, #tpu.memory_space<hbm>>
      %dma_start3A_93 = arith.constant 0 : i32
      %dma_start3A_94 = tpu.memref_slice %arg5[%arg0, %add3A_59, %dma_start3A_93] : memref<2x10112x128xf32, #tpu.memory_space<hbm>> -> memref<1x120x128xf32, #tpu.memory_space<hbm>>
      %dma_start3A_95 = tpu.memref_squeeze %dma_start3A_94 : memref<1x120x128xf32, #tpu.memory_space<hbm>> -> memref<120x128xf32, #tpu.memory_space<hbm>>
      %dma_start3A_96 = arith.constant 0 : i32
      %dma_start3A_97 = arith.constant 0 : i32
      %dma_start3A_98 = tpu.memref_slice %arg8[%dma_start3A_96, %dma_start3A_97] : memref<125x128xf32, #tpu.memory_space<vmem>> -> memref<120x128xf32, #tpu.memory_space<vmem>>
      tpu.enqueue_dma source(%dma_start3A_98 : memref<120x128xf32, #tpu.memory_space<vmem>>) target(%dma_start3A_95 : memref<120x128xf32, #tpu.memory_space<hbm>>) target_semaphore(%run_scoped3A : memref<!tpu.dma_semaphore, #tpu.memory_space<semaphore_mem>>)
      %dma_wait3A = arith.constant 0 : i32
      %dma_wait3A_99 = arith.constant 0 : i32
      %dma_wait3A_100 = tpu.memref_slice %arg8[%dma_wait3A, %dma_wait3A_99] : memref<125x128xf32, #tpu.memory_space<vmem>> -> memref<120x128xf32, #tpu.memory_space<vmem>>
      %dma_wait3A_101 = arith.constant 0 : i32
      %dma_wait3A_102 = tpu.memref_slice %arg5[%arg0, %add3A_59, %dma_wait3A_101] : memref<2x10112x128xf32, #tpu.memory_space<hbm>> -> memref<1x120x128xf32, #tpu.memory_space<hbm>>
      %dma_wait3A_103 = tpu.memref_squeeze %dma_wait3A_102 : memref<1x120x128xf32, #tpu.memory_space<hbm>> -> memref<120x128xf32, #tpu.memory_space<hbm>>
      %dma_wait3A_104 = arith.constant 0 : i32
      %dma_wait3A_105 = tpu.memref_slice %arg5[%arg0, %add3A_59, %dma_wait3A_104] : memref<2x10112x128xf32, #tpu.memory_space<hbm>> -> memref<1x120x128xf32, #tpu.memory_space<hbm>>
      %dma_wait3A_106 = tpu.memref_squeeze %dma_wait3A_105 : memref<1x120x128xf32, #tpu.memory_space<hbm>> -> memref<120x128xf32, #tpu.memory_space<hbm>>
      %dma_wait3A_107 = arith.constant 0 : i32
      %dma_wait3A_108 = arith.constant 0 : i32
      %dma_wait3A_109 = tpu.memref_slice %arg8[%dma_wait3A_107, %dma_wait3A_108] : memref<125x128xf32, #tpu.memory_space<vmem>> -> memref<120x128xf32, #tpu.memory_space<vmem>>
      tpu.wait_dma2 semaphore(%run_scoped3A : memref<!tpu.dma_semaphore, #tpu.memory_space<semaphore_mem>>) src(%dma_wait3A_109 : memref<120x128xf32, #tpu.memory_space<vmem>>) dst(%dma_wait3A_106 : memref<120x128xf32, #tpu.memory_space<hbm>>)
      tpu.yield
    }) : () -> ()
    %mul3A_60 = arith.constant 632 : i32
    %mul3A_61 = arith.muli %arg1, %mul3A_60 : i32
    %add3A_62 = arith.constant 360 : i32
    %add3A_63 = arith.addi %mul3A_61, %add3A_62 : i32
    "tpu.region"() ({
      %run_scoped3A = tpu.sem_alloc : memref<!tpu.dma_semaphore, #tpu.memory_space<semaphore_mem>>
      %dma_start3A = arith.constant 0 : i32
      %dma_start3A_88 = arith.constant 0 : i32
      %dma_start3A_89 = tpu.memref_slice %arg8[%dma_start3A, %dma_start3A_88] : memref<125x128xf32, #tpu.memory_space<vmem>> -> memref<120x128xf32, #tpu.memory_space<vmem>>
      %dma_start3A_90 = arith.constant 0 : i32
      %dma_start3A_91 = tpu.memref_slice %arg9[%add3A_63, %dma_start3A_90] : memref<10112x128xf32, #tpu.memory_space<vmem_shared>> -> memref<120x128xf32, #tpu.memory_space<vmem_shared>>
      %dma_start3A_92 = arith.constant 0 : i32
      %dma_start3A_93 = arith.constant 0 : i32
      %dma_start3A_94 = tpu.memref_slice %arg8[%dma_start3A_92, %dma_start3A_93] : memref<125x128xf32, #tpu.memory_space<vmem>> -> memref<120x128xf32, #tpu.memory_space<vmem>>
      %dma_start3A_95 = arith.constant 0 : i32
      %dma_start3A_96 = tpu.memref_slice %arg9[%add3A_63, %dma_start3A_95] : memref<10112x128xf32, #tpu.memory_space<vmem_shared>> -> memref<120x128xf32, #tpu.memory_space<vmem_shared>>
      tpu.enqueue_dma source(%dma_start3A_96 : memref<120x128xf32, #tpu.memory_space<vmem_shared>>) target(%dma_start3A_94 : memref<120x128xf32, #tpu.memory_space<vmem>>) target_semaphore(%run_scoped3A : memref<!tpu.dma_semaphore, #tpu.memory_space<semaphore_mem>>)
      %dma_wait3A = arith.constant 0 : i32
      %dma_wait3A_97 = arith.constant 0 : i32
      %dma_wait3A_98 = tpu.memref_slice %arg8[%dma_wait3A, %dma_wait3A_97] : memref<125x128xf32, #tpu.memory_space<vmem>> -> memref<120x128xf32, #tpu.memory_space<vmem>>
      %dma_wait3A_99 = arith.constant 0 : i32
      %dma_wait3A_100 = tpu.memref_slice %arg9[%add3A_63, %dma_wait3A_99] : memref<10112x128xf32, #tpu.memory_space<vmem_shared>> -> memref<120x128xf32, #tpu.memory_space<vmem_shared>>
      %dma_wait3A_101 = arith.constant 0 : i32
      %dma_wait3A_102 = arith.constant 0 : i32
      %dma_wait3A_103 = tpu.memref_slice %arg8[%dma_wait3A_101, %dma_wait3A_102] : memref<125x128xf32, #tpu.memory_space<vmem>> -> memref<120x128xf32, #tpu.memory_space<vmem>>
      %dma_wait3A_104 = arith.constant 0 : i32
      %dma_wait3A_105 = tpu.memref_slice %arg9[%add3A_63, %dma_wait3A_104] : memref<10112x128xf32, #tpu.memory_space<vmem_shared>> -> memref<120x128xf32, #tpu.memory_space<vmem_shared>>
      tpu.wait_dma2 semaphore(%run_scoped3A : memref<!tpu.dma_semaphore, #tpu.memory_space<semaphore_mem>>) src(%dma_wait3A_105 : memref<120x128xf32, #tpu.memory_space<vmem_shared>>) dst(%dma_wait3A_103 : memref<120x128xf32, #tpu.memory_space<vmem>>)
      tpu.yield
    }) : () -> ()
    %mul3A_64 = arith.constant 632 : i32
    %mul3A_65 = arith.muli %arg1, %mul3A_64 : i32
    %add3A_66 = arith.constant 360 : i32
    %add3A_67 = arith.addi %mul3A_65, %add3A_66 : i32
    "tpu.region"() ({
      %run_scoped3A = tpu.sem_alloc : memref<!tpu.dma_semaphore, #tpu.memory_space<semaphore_mem>>
      %dma_start3A = arith.constant 0 : i32
      %dma_start3A_88 = arith.constant 0 : i32
      %dma_start3A_89 = tpu.memref_slice %arg8[%dma_start3A, %dma_start3A_88] : memref<125x128xf32, #tpu.memory_space<vmem>> -> memref<120x128xf32, #tpu.memory_space<vmem>>
      %dma_start3A_90 = arith.constant 0 : i32
      %dma_start3A_91 = tpu.memref_slice %arg5[%arg0, %add3A_67, %dma_start3A_90] : memref<2x10112x128xf32, #tpu.memory_space<hbm>> -> memref<1x120x128xf32, #tpu.memory_space<hbm>>
      %dma_start3A_92 = tpu.memref_squeeze %dma_start3A_91 : memref<1x120x128xf32, #tpu.memory_space<hbm>> -> memref<120x128xf32, #tpu.memory_space<hbm>>
      %dma_start3A_93 = arith.constant 0 : i32
      %dma_start3A_94 = tpu.memref_slice %arg5[%arg0, %add3A_67, %dma_start3A_93] : memref<2x10112x128xf32, #tpu.memory_space<hbm>> -> memref<1x120x128xf32, #tpu.memory_space<hbm>>
      %dma_start3A_95 = tpu.memref_squeeze %dma_start3A_94 : memref<1x120x128xf32, #tpu.memory_space<hbm>> -> memref<120x128xf32, #tpu.memory_space<hbm>>
      %dma_start3A_96 = arith.constant 0 : i32
      %dma_start3A_97 = arith.constant 0 : i32
      %dma_start3A_98 = tpu.memref_slice %arg8[%dma_start3A_96, %dma_start3A_97] : memref<125x128xf32, #tpu.memory_space<vmem>> -> memref<120x128xf32, #tpu.memory_space<vmem>>
      tpu.enqueue_dma source(%dma_start3A_98 : memref<120x128xf32, #tpu.memory_space<vmem>>) target(%dma_start3A_95 : memref<120x128xf32, #tpu.memory_space<hbm>>) target_semaphore(%run_scoped3A : memref<!tpu.dma_semaphore, #tpu.memory_space<semaphore_mem>>)
      %dma_wait3A = arith.constant 0 : i32
      %dma_wait3A_99 = arith.constant 0 : i32
      %dma_wait3A_100 = tpu.memref_slice %arg8[%dma_wait3A, %dma_wait3A_99] : memref<125x128xf32, #tpu.memory_space<vmem>> -> memref<120x128xf32, #tpu.memory_space<vmem>>
      %dma_wait3A_101 = arith.constant 0 : i32
      %dma_wait3A_102 = tpu.memref_slice %arg5[%arg0, %add3A_67, %dma_wait3A_101] : memref<2x10112x128xf32, #tpu.memory_space<hbm>> -> memref<1x120x128xf32, #tpu.memory_space<hbm>>
      %dma_wait3A_103 = tpu.memref_squeeze %dma_wait3A_102 : memref<1x120x128xf32, #tpu.memory_space<hbm>> -> memref<120x128xf32, #tpu.memory_space<hbm>>
      %dma_wait3A_104 = arith.constant 0 : i32
      %dma_wait3A_105 = tpu.memref_slice %arg5[%arg0, %add3A_67, %dma_wait3A_104] : memref<2x10112x128xf32, #tpu.memory_space<hbm>> -> memref<1x120x128xf32, #tpu.memory_space<hbm>>
      %dma_wait3A_106 = tpu.memref_squeeze %dma_wait3A_105 : memref<1x120x128xf32, #tpu.memory_space<hbm>> -> memref<120x128xf32, #tpu.memory_space<hbm>>
      %dma_wait3A_107 = arith.constant 0 : i32
      %dma_wait3A_108 = arith.constant 0 : i32
      %dma_wait3A_109 = tpu.memref_slice %arg8[%dma_wait3A_107, %dma_wait3A_108] : memref<125x128xf32, #tpu.memory_space<vmem>> -> memref<120x128xf32, #tpu.memory_space<vmem>>
      tpu.wait_dma2 semaphore(%run_scoped3A : memref<!tpu.dma_semaphore, #tpu.memory_space<semaphore_mem>>) src(%dma_wait3A_109 : memref<120x128xf32, #tpu.memory_space<vmem>>) dst(%dma_wait3A_106 : memref<120x128xf32, #tpu.memory_space<hbm>>)
      tpu.yield
    }) : () -> ()
    %mul3A_68 = arith.constant 632 : i32
    %mul3A_69 = arith.muli %arg1, %mul3A_68 : i32
    %add3A_70 = arith.constant 480 : i32
    %add3A_71 = arith.addi %mul3A_69, %add3A_70 : i32
    "tpu.region"() ({
      %run_scoped3A = tpu.sem_alloc : memref<!tpu.dma_semaphore, #tpu.memory_space<semaphore_mem>>
      %dma_start3A = arith.constant 0 : i32
      %dma_start3A_88 = arith.constant 0 : i32
      %dma_start3A_89 = tpu.memref_slice %arg8[%dma_start3A, %dma_start3A_88] : memref<125x128xf32, #tpu.memory_space<vmem>> -> memref<120x128xf32, #tpu.memory_space<vmem>>
      %dma_start3A_90 = arith.constant 0 : i32
      %dma_start3A_91 = tpu.memref_slice %arg9[%add3A_71, %dma_start3A_90] : memref<10112x128xf32, #tpu.memory_space<vmem_shared>> -> memref<120x128xf32, #tpu.memory_space<vmem_shared>>
      %dma_start3A_92 = arith.constant 0 : i32
      %dma_start3A_93 = arith.constant 0 : i32
      %dma_start3A_94 = tpu.memref_slice %arg8[%dma_start3A_92, %dma_start3A_93] : memref<125x128xf32, #tpu.memory_space<vmem>> -> memref<120x128xf32, #tpu.memory_space<vmem>>
      %dma_start3A_95 = arith.constant 0 : i32
      %dma_start3A_96 = tpu.memref_slice %arg9[%add3A_71, %dma_start3A_95] : memref<10112x128xf32, #tpu.memory_space<vmem_shared>> -> memref<120x128xf32, #tpu.memory_space<vmem_shared>>
      tpu.enqueue_dma source(%dma_start3A_96 : memref<120x128xf32, #tpu.memory_space<vmem_shared>>) target(%dma_start3A_94 : memref<120x128xf32, #tpu.memory_space<vmem>>) target_semaphore(%run_scoped3A : memref<!tpu.dma_semaphore, #tpu.memory_space<semaphore_mem>>)
      %dma_wait3A = arith.constant 0 : i32
      %dma_wait3A_97 = arith.constant 0 : i32
      %dma_wait3A_98 = tpu.memref_slice %arg8[%dma_wait3A, %dma_wait3A_97] : memref<125x128xf32, #tpu.memory_space<vmem>> -> memref<120x128xf32, #tpu.memory_space<vmem>>
      %dma_wait3A_99 = arith.constant 0 : i32
      %dma_wait3A_100 = tpu.memref_slice %arg9[%add3A_71, %dma_wait3A_99] : memref<10112x128xf32, #tpu.memory_space<vmem_shared>> -> memref<120x128xf32, #tpu.memory_space<vmem_shared>>
      %dma_wait3A_101 = arith.constant 0 : i32
      %dma_wait3A_102 = arith.constant 0 : i32
      %dma_wait3A_103 = tpu.memref_slice %arg8[%dma_wait3A_101, %dma_wait3A_102] : memref<125x128xf32, #tpu.memory_space<vmem>> -> memref<120x128xf32, #tpu.memory_space<vmem>>
      %dma_wait3A_104 = arith.constant 0 : i32
      %dma_wait3A_105 = tpu.memref_slice %arg9[%add3A_71, %dma_wait3A_104] : memref<10112x128xf32, #tpu.memory_space<vmem_shared>> -> memref<120x128xf32, #tpu.memory_space<vmem_shared>>
      tpu.wait_dma2 semaphore(%run_scoped3A : memref<!tpu.dma_semaphore, #tpu.memory_space<semaphore_mem>>) src(%dma_wait3A_105 : memref<120x128xf32, #tpu.memory_space<vmem_shared>>) dst(%dma_wait3A_103 : memref<120x128xf32, #tpu.memory_space<vmem>>)
      tpu.yield
    }) : () -> ()
    %mul3A_72 = arith.constant 632 : i32
    %mul3A_73 = arith.muli %arg1, %mul3A_72 : i32
    %add3A_74 = arith.constant 480 : i32
    %add3A_75 = arith.addi %mul3A_73, %add3A_74 : i32
    "tpu.region"() ({
      %run_scoped3A = tpu.sem_alloc : memref<!tpu.dma_semaphore, #tpu.memory_space<semaphore_mem>>
      %dma_start3A = arith.constant 0 : i32
      %dma_start3A_88 = arith.constant 0 : i32
      %dma_start3A_89 = tpu.memref_slice %arg8[%dma_start3A, %dma_start3A_88] : memref<125x128xf32, #tpu.memory_space<vmem>> -> memref<120x128xf32, #tpu.memory_space<vmem>>
      %dma_start3A_90 = arith.constant 0 : i32
      %dma_start3A_91 = tpu.memref_slice %arg5[%arg0, %add3A_75, %dma_start3A_90] : memref<2x10112x128xf32, #tpu.memory_space<hbm>> -> memref<1x120x128xf32, #tpu.memory_space<hbm>>
      %dma_start3A_92 = tpu.memref_squeeze %dma_start3A_91 : memref<1x120x128xf32, #tpu.memory_space<hbm>> -> memref<120x128xf32, #tpu.memory_space<hbm>>
      %dma_start3A_93 = arith.constant 0 : i32
      %dma_start3A_94 = tpu.memref_slice %arg5[%arg0, %add3A_75, %dma_start3A_93] : memref<2x10112x128xf32, #tpu.memory_space<hbm>> -> memref<1x120x128xf32, #tpu.memory_space<hbm>>
      %dma_start3A_95 = tpu.memref_squeeze %dma_start3A_94 : memref<1x120x128xf32, #tpu.memory_space<hbm>> -> memref<120x128xf32, #tpu.memory_space<hbm>>
      %dma_start3A_96 = arith.constant 0 : i32
      %dma_start3A_97 = arith.constant 0 : i32
      %dma_start3A_98 = tpu.memref_slice %arg8[%dma_start3A_96, %dma_start3A_97] : memref<125x128xf32, #tpu.memory_space<vmem>> -> memref<120x128xf32, #tpu.memory_space<vmem>>
      tpu.enqueue_dma source(%dma_start3A_98 : memref<120x128xf32, #tpu.memory_space<vmem>>) target(%dma_start3A_95 : memref<120x128xf32, #tpu.memory_space<hbm>>) target_semaphore(%run_scoped3A : memref<!tpu.dma_semaphore, #tpu.memory_space<semaphore_mem>>)
      %dma_wait3A = arith.constant 0 : i32
      %dma_wait3A_99 = arith.constant 0 : i32
      %dma_wait3A_100 = tpu.memref_slice %arg8[%dma_wait3A, %dma_wait3A_99] : memref<125x128xf32, #tpu.memory_space<vmem>> -> memref<120x128xf32, #tpu.memory_space<vmem>>
      %dma_wait3A_101 = arith.constant 0 : i32
      %dma_wait3A_102 = tpu.memref_slice %arg5[%arg0, %add3A_75, %dma_wait3A_101] : memref<2x10112x128xf32, #tpu.memory_space<hbm>> -> memref<1x120x128xf32, #tpu.memory_space<hbm>>
      %dma_wait3A_103 = tpu.memref_squeeze %dma_wait3A_102 : memref<1x120x128xf32, #tpu.memory_space<hbm>> -> memref<120x128xf32, #tpu.memory_space<hbm>>
      %dma_wait3A_104 = arith.constant 0 : i32
      %dma_wait3A_105 = tpu.memref_slice %arg5[%arg0, %add3A_75, %dma_wait3A_104] : memref<2x10112x128xf32, #tpu.memory_space<hbm>> -> memref<1x120x128xf32, #tpu.memory_space<hbm>>
      %dma_wait3A_106 = tpu.memref_squeeze %dma_wait3A_105 : memref<1x120x128xf32, #tpu.memory_space<hbm>> -> memref<120x128xf32, #tpu.memory_space<hbm>>
      %dma_wait3A_107 = arith.constant 0 : i32
      %dma_wait3A_108 = arith.constant 0 : i32
      %dma_wait3A_109 = tpu.memref_slice %arg8[%dma_wait3A_107, %dma_wait3A_108] : memref<125x128xf32, #tpu.memory_space<vmem>> -> memref<120x128xf32, #tpu.memory_space<vmem>>
      tpu.wait_dma2 semaphore(%run_scoped3A : memref<!tpu.dma_semaphore, #tpu.memory_space<semaphore_mem>>) src(%dma_wait3A_109 : memref<120x128xf32, #tpu.memory_space<vmem>>) dst(%dma_wait3A_106 : memref<120x128xf32, #tpu.memory_space<hbm>>)
      tpu.yield
    }) : () -> ()
    %mul3A_76 = arith.constant 632 : i32
    %mul3A_77 = arith.muli %arg1, %mul3A_76 : i32
    %add3A_78 = arith.constant 632 : i32
    %add3A_79 = arith.addi %mul3A_77, %add3A_78 : i32
    %sub3A_80 = arith.constant 32 : i32
    %sub3A_81 = arith.subi %add3A_79, %sub3A_80 : i32
    "tpu.region"() ({
      %run_scoped3A = tpu.sem_alloc : memref<!tpu.dma_semaphore, #tpu.memory_space<semaphore_mem>>
      %dma_start3A = arith.constant 0 : i32
      %dma_start3A_88 = arith.constant 0 : i32
      %dma_start3A_89 = tpu.memref_slice %arg8[%dma_start3A, %dma_start3A_88] : memref<125x128xf32, #tpu.memory_space<vmem>> -> memref<32x128xf32, #tpu.memory_space<vmem>>
      %dma_start3A_90 = arith.constant 0 : i32
      %dma_start3A_91 = tpu.memref_slice %arg9[%sub3A_81, %dma_start3A_90] : memref<10112x128xf32, #tpu.memory_space<vmem_shared>> -> memref<32x128xf32, #tpu.memory_space<vmem_shared>>
      %dma_start3A_92 = arith.constant 0 : i32
      %dma_start3A_93 = arith.constant 0 : i32
      %dma_start3A_94 = tpu.memref_slice %arg8[%dma_start3A_92, %dma_start3A_93] : memref<125x128xf32, #tpu.memory_space<vmem>> -> memref<32x128xf32, #tpu.memory_space<vmem>>
      %dma_start3A_95 = arith.constant 0 : i32
      %dma_start3A_96 = tpu.memref_slice %arg9[%sub3A_81, %dma_start3A_95] : memref<10112x128xf32, #tpu.memory_space<vmem_shared>> -> memref<32x128xf32, #tpu.memory_space<vmem_shared>>
      tpu.enqueue_dma source(%dma_start3A_96 : memref<32x128xf32, #tpu.memory_space<vmem_shared>>) target(%dma_start3A_94 : memref<32x128xf32, #tpu.memory_space<vmem>>) target_semaphore(%run_scoped3A : memref<!tpu.dma_semaphore, #tpu.memory_space<semaphore_mem>>)
      %dma_wait3A = arith.constant 0 : i32
      %dma_wait3A_97 = arith.constant 0 : i32
      %dma_wait3A_98 = tpu.memref_slice %arg8[%dma_wait3A, %dma_wait3A_97] : memref<125x128xf32, #tpu.memory_space<vmem>> -> memref<32x128xf32, #tpu.memory_space<vmem>>
      %dma_wait3A_99 = arith.constant 0 : i32
      %dma_wait3A_100 = tpu.memref_slice %arg9[%sub3A_81, %dma_wait3A_99] : memref<10112x128xf32, #tpu.memory_space<vmem_shared>> -> memref<32x128xf32, #tpu.memory_space<vmem_shared>>
      %dma_wait3A_101 = arith.constant 0 : i32
      %dma_wait3A_102 = arith.constant 0 : i32
      %dma_wait3A_103 = tpu.memref_slice %arg8[%dma_wait3A_101, %dma_wait3A_102] : memref<125x128xf32, #tpu.memory_space<vmem>> -> memref<32x128xf32, #tpu.memory_space<vmem>>
      %dma_wait3A_104 = arith.constant 0 : i32
      %dma_wait3A_105 = tpu.memref_slice %arg9[%sub3A_81, %dma_wait3A_104] : memref<10112x128xf32, #tpu.memory_space<vmem_shared>> -> memref<32x128xf32, #tpu.memory_space<vmem_shared>>
      tpu.wait_dma2 semaphore(%run_scoped3A : memref<!tpu.dma_semaphore, #tpu.memory_space<semaphore_mem>>) src(%dma_wait3A_105 : memref<32x128xf32, #tpu.memory_space<vmem_shared>>) dst(%dma_wait3A_103 : memref<32x128xf32, #tpu.memory_space<vmem>>)
      tpu.yield
    }) : () -> ()
    %mul3A_82 = arith.constant 632 : i32
    %mul3A_83 = arith.muli %arg1, %mul3A_82 : i32
    %add3A_84 = arith.constant 632 : i32
    %add3A_85 = arith.addi %mul3A_83, %add3A_84 : i32
    %sub3A_86 = arith.constant 32 : i32
    %sub3A_87 = arith.subi %add3A_85, %sub3A_86 : i32
    "tpu.region"() ({
      %run_scoped3A = tpu.sem_alloc : memref<!tpu.dma_semaphore, #tpu.memory_space<semaphore_mem>>
      %dma_start3A = arith.constant 0 : i32
      %dma_start3A_88 = arith.constant 0 : i32
      %dma_start3A_89 = tpu.memref_slice %arg8[%dma_start3A, %dma_start3A_88] : memref<125x128xf32, #tpu.memory_space<vmem>> -> memref<32x128xf32, #tpu.memory_space<vmem>>
      %dma_start3A_90 = arith.constant 0 : i32
      %dma_start3A_91 = tpu.memref_slice %arg5[%arg0, %sub3A_87, %dma_start3A_90] : memref<2x10112x128xf32, #tpu.memory_space<hbm>> -> memref<1x32x128xf32, #tpu.memory_space<hbm>>
      %dma_start3A_92 = tpu.memref_squeeze %dma_start3A_91 : memref<1x32x128xf32, #tpu.memory_space<hbm>> -> memref<32x128xf32, #tpu.memory_space<hbm>>
      %dma_start3A_93 = arith.constant 0 : i32
      %dma_start3A_94 = tpu.memref_slice %arg5[%arg0, %sub3A_87, %dma_start3A_93] : memref<2x10112x128xf32, #tpu.memory_space<hbm>> -> memref<1x32x128xf32, #tpu.memory_space<hbm>>
      %dma_start3A_95 = tpu.memref_squeeze %dma_start3A_94 : memref<1x32x128xf32, #tpu.memory_space<hbm>> -> memref<32x128xf32, #tpu.memory_space<hbm>>
      %dma_start3A_96 = arith.constant 0 : i32
      %dma_start3A_97 = arith.constant 0 : i32
      %dma_start3A_98 = tpu.memref_slice %arg8[%dma_start3A_96, %dma_start3A_97] : memref<125x128xf32, #tpu.memory_space<vmem>> -> memref<32x128xf32, #tpu.memory_space<vmem>>
      tpu.enqueue_dma source(%dma_start3A_98 : memref<32x128xf32, #tpu.memory_space<vmem>>) target(%dma_start3A_95 : memref<32x128xf32, #tpu.memory_space<hbm>>) target_semaphore(%run_scoped3A : memref<!tpu.dma_semaphore, #tpu.memory_space<semaphore_mem>>)
      %dma_wait3A = arith.constant 0 : i32
      %dma_wait3A_99 = arith.constant 0 : i32
      %dma_wait3A_100 = tpu.memref_slice %arg8[%dma_wait3A, %dma_wait3A_99] : memref<125x128xf32, #tpu.memory_space<vmem>> -> memref<32x128xf32, #tpu.memory_space<vmem>>
      %dma_wait3A_101 = arith.constant 0 : i32
      %dma_wait3A_102 = tpu.memref_slice %arg5[%arg0, %sub3A_87, %dma_wait3A_101] : memref<2x10112x128xf32, #tpu.memory_space<hbm>> -> memref<1x32x128xf32, #tpu.memory_space<hbm>>
      %dma_wait3A_103 = tpu.memref_squeeze %dma_wait3A_102 : memref<1x32x128xf32, #tpu.memory_space<hbm>> -> memref<32x128xf32, #tpu.memory_space<hbm>>
      %dma_wait3A_104 = arith.constant 0 : i32
      %dma_wait3A_105 = tpu.memref_slice %arg5[%arg0, %sub3A_87, %dma_wait3A_104] : memref<2x10112x128xf32, #tpu.memory_space<hbm>> -> memref<1x32x128xf32, #tpu.memory_space<hbm>>
      %dma_wait3A_106 = tpu.memref_squeeze %dma_wait3A_105 : memref<1x32x128xf32, #tpu.memory_space<hbm>> -> memref<32x128xf32, #tpu.memory_space<hbm>>
      %dma_wait3A_107 = arith.constant 0 : i32
      %dma_wait3A_108 = arith.constant 0 : i32
      %dma_wait3A_109 = tpu.memref_slice %arg8[%dma_wait3A_107, %dma_wait3A_108] : memref<125x128xf32, #tpu.memory_space<vmem>> -> memref<32x128xf32, #tpu.memory_space<vmem>>
      tpu.wait_dma2 semaphore(%run_scoped3A : memref<!tpu.dma_semaphore, #tpu.memory_space<semaphore_mem>>) src(%dma_wait3A_109 : memref<32x128xf32, #tpu.memory_space<vmem>>) dst(%dma_wait3A_106 : memref<32x128xf32, #tpu.memory_space<hbm>>)
      tpu.yield
    }) : () -> ()
    return
  }
}

#map = affine_map<(d0, d1) -> (0, 0)>
#map1 = affine_map<(d0, d1) -> (0, 0, 0)>
module attributes {stable_mosaic.version = 14 : i64} {
  func.func @_edge_body(%arg0: i32, %arg1: i32, %arg2: memref<10000x128xf32, #tpu.memory_space<hbm>>, %arg3: memref<32x80x125xi32, #tpu.memory_space<hbm>>, %arg4: memref<32x80x125xi32, #tpu.memory_space<hbm>>, %arg5: memref<2x10112x128xf32, #tpu.memory_space<hbm>>, %arg6: memref<80x125xi32, #tpu.memory_space<vmem>>, %arg7: memref<80x125xi32, #tpu.memory_space<vmem>>, %arg8: memref<125x128xf32, #tpu.memory_space<vmem>>, %arg9: memref<10112x128xf32, #tpu.memory_space<vmem_shared>>, %arg10: memref<!tpu.dma_semaphore, #tpu.memory_space<semaphore_mem>>) attributes {dimension_semantics = [#tpu.dimension_semantics<core_parallel>, #tpu.dimension_semantics<subcore_parallel>], iteration_bounds = array<i64: 2, 16>, scalar_prefetch = 0 : i64, scratch_operands = 5 : i64, tpu.core_type = #tpu.core_type<sc_vector_subcore>, window_params = [{transform_indices = #map}, {transform_indices = #map1}, {transform_indices = #map1}, {transform_indices = #map1}]} {
    %mul3A = arith.constant 16 : i32
    %mul3A_0 = arith.muli %arg0, %mul3A : i32
    %add3A = arith.addi %mul3A_0, %arg1 : i32
    %scan3A = arith.constant 0 : i32
    %scan3A_1 = arith.constant 125 : i32
    %scan3A_2 = arith.addi %scan3A, %scan3A_1 : i32
    %scan3A_3 = arith.constant 1 : i32
    scf.for %scan3A_88 = %scan3A to %scan3A_2 step %scan3A_3  : i32 {
      %mul3A_89 = arith.constant 1 : i32
      %mul3A_90 = arith.muli %scan3A_88, %mul3A_89 : i32
      %add3A_91 = arith.constant 0 : i32
      %add3A_92 = arith.addi %add3A_91, %mul3A_90 : i32
      %broadcast_in_dim3A = arith.constant 0.000000e+00 : f32
      %broadcast_in_dim3A_93 = vector.broadcast %broadcast_in_dim3A : f32 to vector<16xf32>
      %swap3A = arith.index_cast %add3A_92 : i32 to index
      %swap3A_94 = arith.constant 0 : index
      %swap3A_95 = tpu.vector_load %arg8[%swap3A, %swap3A_94] {strides = array<i32>} : memref<125x128xf32, #tpu.memory_space<vmem>>, vector<1x16xf32>,
      %swap3A_96 = vector.shape_cast %swap3A_95 : vector<1x16xf32> to vector<16xf32>
      %swap3A_97 = vector.shape_cast %broadcast_in_dim3A_93 : vector<16xf32> to vector<1x16xf32>
      tpu.vector_store %arg8[%swap3A, %swap3A_94], %swap3A_97 {strides = array<i32>} : memref<125x128xf32, #tpu.memory_space<vmem>>, vector<1x16xf32>,
      %broadcast_in_dim3A_98 = arith.constant 0.000000e+00 : f32
      %broadcast_in_dim3A_99 = vector.broadcast %broadcast_in_dim3A_98 : f32 to vector<16xf32>
      %swap3A_100 = arith.index_cast %add3A_92 : i32 to index
      %swap3A_101 = arith.constant 16 : index
      %swap3A_102 = tpu.vector_load %arg8[%swap3A_100, %swap3A_101] {strides = array<i32>} : memref<125x128xf32, #tpu.memory_space<vmem>>, vector<1x16xf32>,
      %swap3A_103 = vector.shape_cast %swap3A_102 : vector<1x16xf32> to vector<16xf32>
      %swap3A_104 = vector.shape_cast %broadcast_in_dim3A_99 : vector<16xf32> to vector<1x16xf32>
      tpu.vector_store %arg8[%swap3A_100, %swap3A_101], %swap3A_104 {strides = array<i32>} : memref<125x128xf32, #tpu.memory_space<vmem>>, vector<1x16xf32>,
      %broadcast_in_dim3A_105 = arith.constant 0.000000e+00 : f32
      %broadcast_in_dim3A_106 = vector.broadcast %broadcast_in_dim3A_105 : f32 to vector<16xf32>
      %swap3A_107 = arith.index_cast %add3A_92 : i32 to index
      %swap3A_108 = arith.constant 32 : index
      %swap3A_109 = tpu.vector_load %arg8[%swap3A_107, %swap3A_108] {strides = array<i32>} : memref<125x128xf32, #tpu.memory_space<vmem>>, vector<1x16xf32>,
      %swap3A_110 = vector.shape_cast %swap3A_109 : vector<1x16xf32> to vector<16xf32>
      %swap3A_111 = vector.shape_cast %broadcast_in_dim3A_106 : vector<16xf32> to vector<1x16xf32>
      tpu.vector_store %arg8[%swap3A_107, %swap3A_108], %swap3A_111 {strides = array<i32>} : memref<125x128xf32, #tpu.memory_space<vmem>>, vector<1x16xf32>,
      %broadcast_in_dim3A_112 = arith.constant 0.000000e+00 : f32
      %broadcast_in_dim3A_113 = vector.broadcast %broadcast_in_dim3A_112 : f32 to vector<16xf32>
      %swap3A_114 = arith.index_cast %add3A_92 : i32 to index
      %swap3A_115 = arith.constant 48 : index
      %swap3A_116 = tpu.vector_load %arg8[%swap3A_114, %swap3A_115] {strides = array<i32>} : memref<125x128xf32, #tpu.memory_space<vmem>>, vector<1x16xf32>,
      %swap3A_117 = vector.shape_cast %swap3A_116 : vector<1x16xf32> to vector<16xf32>
      %swap3A_118 = vector.shape_cast %broadcast_in_dim3A_113 : vector<16xf32> to vector<1x16xf32>
      tpu.vector_store %arg8[%swap3A_114, %swap3A_115], %swap3A_118 {strides = array<i32>} : memref<125x128xf32, #tpu.memory_space<vmem>>, vector<1x16xf32>,
      %broadcast_in_dim3A_119 = arith.constant 0.000000e+00 : f32
      %broadcast_in_dim3A_120 = vector.broadcast %broadcast_in_dim3A_119 : f32 to vector<16xf32>
      %swap3A_121 = arith.index_cast %add3A_92 : i32 to index
      %swap3A_122 = arith.constant 64 : index
      %swap3A_123 = tpu.vector_load %arg8[%swap3A_121, %swap3A_122] {strides = array<i32>} : memref<125x128xf32, #tpu.memory_space<vmem>>, vector<1x16xf32>,
      %swap3A_124 = vector.shape_cast %swap3A_123 : vector<1x16xf32> to vector<16xf32>
      %swap3A_125 = vector.shape_cast %broadcast_in_dim3A_120 : vector<16xf32> to vector<1x16xf32>
      tpu.vector_store %arg8[%swap3A_121, %swap3A_122], %swap3A_125 {strides = array<i32>} : memref<125x128xf32, #tpu.memory_space<vmem>>, vector<1x16xf32>,
      %broadcast_in_dim3A_126 = arith.constant 0.000000e+00 : f32
      %broadcast_in_dim3A_127 = vector.broadcast %broadcast_in_dim3A_126 : f32 to vector<16xf32>
      %swap3A_128 = arith.index_cast %add3A_92 : i32 to index
      %swap3A_129 = arith.constant 80 : index
      %swap3A_130 = tpu.vector_load %arg8[%swap3A_128, %swap3A_129] {strides = array<i32>} : memref<125x128xf32, #tpu.memory_space<vmem>>, vector<1x16xf32>,
      %swap3A_131 = vector.shape_cast %swap3A_130 : vector<1x16xf32> to vector<16xf32>
      %swap3A_132 = vector.shape_cast %broadcast_in_dim3A_127 : vector<16xf32> to vector<1x16xf32>
      tpu.vector_store %arg8[%swap3A_128, %swap3A_129], %swap3A_132 {strides = array<i32>} : memref<125x128xf32, #tpu.memory_space<vmem>>, vector<1x16xf32>,
      %broadcast_in_dim3A_133 = arith.constant 0.000000e+00 : f32
      %broadcast_in_dim3A_134 = vector.broadcast %broadcast_in_dim3A_133 : f32 to vector<16xf32>
      %swap3A_135 = arith.index_cast %add3A_92 : i32 to index
      %swap3A_136 = arith.constant 96 : index
      %swap3A_137 = tpu.vector_load %arg8[%swap3A_135, %swap3A_136] {strides = array<i32>} : memref<125x128xf32, #tpu.memory_space<vmem>>, vector<1x16xf32>,
      %swap3A_138 = vector.shape_cast %swap3A_137 : vector<1x16xf32> to vector<16xf32>
      %swap3A_139 = vector.shape_cast %broadcast_in_dim3A_134 : vector<16xf32> to vector<1x16xf32>
      tpu.vector_store %arg8[%swap3A_135, %swap3A_136], %swap3A_139 {strides = array<i32>} : memref<125x128xf32, #tpu.memory_space<vmem>>, vector<1x16xf32>,
      %broadcast_in_dim3A_140 = arith.constant 0.000000e+00 : f32
      %broadcast_in_dim3A_141 = vector.broadcast %broadcast_in_dim3A_140 : f32 to vector<16xf32>
      %swap3A_142 = arith.index_cast %add3A_92 : i32 to index
      %swap3A_143 = arith.constant 112 : index
      %swap3A_144 = tpu.vector_load %arg8[%swap3A_142, %swap3A_143] {strides = array<i32>} : memref<125x128xf32, #tpu.memory_space<vmem>>, vector<1x16xf32>,
      %swap3A_145 = vector.shape_cast %swap3A_144 : vector<1x16xf32> to vector<16xf32>
      %swap3A_146 = vector.shape_cast %broadcast_in_dim3A_141 : vector<16xf32> to vector<1x16xf32>
      tpu.vector_store %arg8[%swap3A_142, %swap3A_143], %swap3A_146 {strides = array<i32>} : memref<125x128xf32, #tpu.memory_space<vmem>>, vector<1x16xf32>,
    }
    %scan3A_4 = arith.constant 125 : i32
    %mul3A_5 = arith.constant 632 : i32
    %mul3A_6 = arith.muli %arg1, %mul3A_5 : i32
    %add3A_7 = arith.constant 0 : i32
    %add3A_8 = arith.addi %mul3A_6, %add3A_7 : i32
    "tpu.region"() ({
      %run_scoped3A = tpu.sem_alloc : memref<!tpu.dma_semaphore, #tpu.memory_space<semaphore_mem>>
      %dma_start3A = arith.constant 0 : i32
      %dma_start3A_88 = tpu.memref_slice %arg9[%add3A_8, %dma_start3A] : memref<10112x128xf32, #tpu.memory_space<vmem_shared>> -> memref<125x128xf32, #tpu.memory_space<vmem_shared>>
      %dma_start3A_89 = arith.constant 0 : i32
      %dma_start3A_90 = tpu.memref_slice %arg9[%add3A_8, %dma_start3A_89] : memref<10112x128xf32, #tpu.memory_space<vmem_shared>> -> memref<125x128xf32, #tpu.memory_space<vmem_shared>>
      tpu.enqueue_dma source(%arg8 : memref<125x128xf32, #tpu.memory_space<vmem>>) target(%dma_start3A_90 : memref<125x128xf32, #tpu.memory_space<vmem_shared>>) target_semaphore(%run_scoped3A : memref<!tpu.dma_semaphore, #tpu.memory_space<semaphore_mem>>)
      %dma_wait3A = arith.constant 0 : i32
      %dma_wait3A_91 = tpu.memref_slice %arg9[%add3A_8, %dma_wait3A] : memref<10112x128xf32, #tpu.memory_space<vmem_shared>> -> memref<125x128xf32, #tpu.memory_space<vmem_shared>>
      %dma_wait3A_92 = arith.constant 0 : i32
      %dma_wait3A_93 = tpu.memref_slice %arg9[%add3A_8, %dma_wait3A_92] : memref<10112x128xf32, #tpu.memory_space<vmem_shared>> -> memref<125x128xf32, #tpu.memory_space<vmem_shared>>
      tpu.wait_dma2 semaphore(%run_scoped3A : memref<!tpu.dma_semaphore, #tpu.memory_space<semaphore_mem>>) src(%arg8 : memref<125x128xf32, #tpu.memory_space<vmem>>) dst(%dma_wait3A_93 : memref<125x128xf32, #tpu.memory_space<vmem_shared>>)
      tpu.yield
    }) : () -> ()
    %mul3A_9 = arith.constant 632 : i32
    %mul3A_10 = arith.muli %arg1, %mul3A_9 : i32
    %add3A_11 = arith.constant 125 : i32
    %add3A_12 = arith.addi %mul3A_10, %add3A_11 : i32
    "tpu.region"() ({
      %run_scoped3A = tpu.sem_alloc : memref<!tpu.dma_semaphore, #tpu.memory_space<semaphore_mem>>
      %dma_start3A = arith.constant 0 : i32
      %dma_start3A_88 = tpu.memref_slice %arg9[%add3A_12, %dma_start3A] : memref<10112x128xf32, #tpu.memory_space<vmem_shared>> -> memref<125x128xf32, #tpu.memory_space<vmem_shared>>
      %dma_start3A_89 = arith.constant 0 : i32
      %dma_start3A_90 = tpu.memref_slice %arg9[%add3A_12, %dma_start3A_89] : memref<10112x128xf32, #tpu.memory_space<vmem_shared>> -> memref<125x128xf32, #tpu.memory_space<vmem_shared>>
      tpu.enqueue_dma source(%arg8 : memref<125x128xf32, #tpu.memory_space<vmem>>) target(%dma_start3A_90 : memref<125x128xf32, #tpu.memory_space<vmem_shared>>) target_semaphore(%run_scoped3A : memref<!tpu.dma_semaphore, #tpu.memory_space<semaphore_mem>>)
      %dma_wait3A = arith.constant 0 : i32
      %dma_wait3A_91 = tpu.memref_slice %arg9[%add3A_12, %dma_wait3A] : memref<10112x128xf32, #tpu.memory_space<vmem_shared>> -> memref<125x128xf32, #tpu.memory_space<vmem_shared>>
      %dma_wait3A_92 = arith.constant 0 : i32
      %dma_wait3A_93 = tpu.memref_slice %arg9[%add3A_12, %dma_wait3A_92] : memref<10112x128xf32, #tpu.memory_space<vmem_shared>> -> memref<125x128xf32, #tpu.memory_space<vmem_shared>>
      tpu.wait_dma2 semaphore(%run_scoped3A : memref<!tpu.dma_semaphore, #tpu.memory_space<semaphore_mem>>) src(%arg8 : memref<125x128xf32, #tpu.memory_space<vmem>>) dst(%dma_wait3A_93 : memref<125x128xf32, #tpu.memory_space<vmem_shared>>)
      tpu.yield
    }) : () -> ()
    %mul3A_13 = arith.constant 632 : i32
    %mul3A_14 = arith.muli %arg1, %mul3A_13 : i32
    %add3A_15 = arith.constant 250 : i32
    %add3A_16 = arith.addi %mul3A_14, %add3A_15 : i32
    "tpu.region"() ({
      %run_scoped3A = tpu.sem_alloc : memref<!tpu.dma_semaphore, #tpu.memory_space<semaphore_mem>>
      %dma_start3A = arith.constant 0 : i32
      %dma_start3A_88 = tpu.memref_slice %arg9[%add3A_16, %dma_start3A] : memref<10112x128xf32, #tpu.memory_space<vmem_shared>> -> memref<125x128xf32, #tpu.memory_space<vmem_shared>>
      %dma_start3A_89 = arith.constant 0 : i32
      %dma_start3A_90 = tpu.memref_slice %arg9[%add3A_16, %dma_start3A_89] : memref<10112x128xf32, #tpu.memory_space<vmem_shared>> -> memref<125x128xf32, #tpu.memory_space<vmem_shared>>
      tpu.enqueue_dma source(%arg8 : memref<125x128xf32, #tpu.memory_space<vmem>>) target(%dma_start3A_90 : memref<125x128xf32, #tpu.memory_space<vmem_shared>>) target_semaphore(%run_scoped3A : memref<!tpu.dma_semaphore, #tpu.memory_space<semaphore_mem>>)
      %dma_wait3A = arith.constant 0 : i32
      %dma_wait3A_91 = tpu.memref_slice %arg9[%add3A_16, %dma_wait3A] : memref<10112x128xf32, #tpu.memory_space<vmem_shared>> -> memref<125x128xf32, #tpu.memory_space<vmem_shared>>
      %dma_wait3A_92 = arith.constant 0 : i32
      %dma_wait3A_93 = tpu.memref_slice %arg9[%add3A_16, %dma_wait3A_92] : memref<10112x128xf32, #tpu.memory_space<vmem_shared>> -> memref<125x128xf32, #tpu.memory_space<vmem_shared>>
      tpu.wait_dma2 semaphore(%run_scoped3A : memref<!tpu.dma_semaphore, #tpu.memory_space<semaphore_mem>>) src(%arg8 : memref<125x128xf32, #tpu.memory_space<vmem>>) dst(%dma_wait3A_93 : memref<125x128xf32, #tpu.memory_space<vmem_shared>>)
      tpu.yield
    }) : () -> ()
    %mul3A_17 = arith.constant 632 : i32
    %mul3A_18 = arith.muli %arg1, %mul3A_17 : i32
    %add3A_19 = arith.constant 375 : i32
    %add3A_20 = arith.addi %mul3A_18, %add3A_19 : i32
    "tpu.region"() ({
      %run_scoped3A = tpu.sem_alloc : memref<!tpu.dma_semaphore, #tpu.memory_space<semaphore_mem>>
      %dma_start3A = arith.constant 0 : i32
      %dma_start3A_88 = tpu.memref_slice %arg9[%add3A_20, %dma_start3A] : memref<10112x128xf32, #tpu.memory_space<vmem_shared>> -> memref<125x128xf32, #tpu.memory_space<vmem_shared>>
      %dma_start3A_89 = arith.constant 0 : i32
      %dma_start3A_90 = tpu.memref_slice %arg9[%add3A_20, %dma_start3A_89] : memref<10112x128xf32, #tpu.memory_space<vmem_shared>> -> memref<125x128xf32, #tpu.memory_space<vmem_shared>>
      tpu.enqueue_dma source(%arg8 : memref<125x128xf32, #tpu.memory_space<vmem>>) target(%dma_start3A_90 : memref<125x128xf32, #tpu.memory_space<vmem_shared>>) target_semaphore(%run_scoped3A : memref<!tpu.dma_semaphore, #tpu.memory_space<semaphore_mem>>)
      %dma_wait3A = arith.constant 0 : i32
      %dma_wait3A_91 = tpu.memref_slice %arg9[%add3A_20, %dma_wait3A] : memref<10112x128xf32, #tpu.memory_space<vmem_shared>> -> memref<125x128xf32, #tpu.memory_space<vmem_shared>>
      %dma_wait3A_92 = arith.constant 0 : i32
      %dma_wait3A_93 = tpu.memref_slice %arg9[%add3A_20, %dma_wait3A_92] : memref<10112x128xf32, #tpu.memory_space<vmem_shared>> -> memref<125x128xf32, #tpu.memory_space<vmem_shared>>
      tpu.wait_dma2 semaphore(%run_scoped3A : memref<!tpu.dma_semaphore, #tpu.memory_space<semaphore_mem>>) src(%arg8 : memref<125x128xf32, #tpu.memory_space<vmem>>) dst(%dma_wait3A_93 : memref<125x128xf32, #tpu.memory_space<vmem_shared>>)
      tpu.yield
    }) : () -> ()
    %mul3A_21 = arith.constant 632 : i32
    %mul3A_22 = arith.muli %arg1, %mul3A_21 : i32
    %add3A_23 = arith.constant 500 : i32
    %add3A_24 = arith.addi %mul3A_22, %add3A_23 : i32
    "tpu.region"() ({
      %run_scoped3A = tpu.sem_alloc : memref<!tpu.dma_semaphore, #tpu.memory_space<semaphore_mem>>
      %dma_start3A = arith.constant 0 : i32
      %dma_start3A_88 = tpu.memref_slice %arg9[%add3A_24, %dma_start3A] : memref<10112x128xf32, #tpu.memory_space<vmem_shared>> -> memref<125x128xf32, #tpu.memory_space<vmem_shared>>
      %dma_start3A_89 = arith.constant 0 : i32
      %dma_start3A_90 = tpu.memref_slice %arg9[%add3A_24, %dma_start3A_89] : memref<10112x128xf32, #tpu.memory_space<vmem_shared>> -> memref<125x128xf32, #tpu.memory_space<vmem_shared>>
      tpu.enqueue_dma source(%arg8 : memref<125x128xf32, #tpu.memory_space<vmem>>) target(%dma_start3A_90 : memref<125x128xf32, #tpu.memory_space<vmem_shared>>) target_semaphore(%run_scoped3A : memref<!tpu.dma_semaphore, #tpu.memory_space<semaphore_mem>>)
      %dma_wait3A = arith.constant 0 : i32
      %dma_wait3A_91 = tpu.memref_slice %arg9[%add3A_24, %dma_wait3A] : memref<10112x128xf32, #tpu.memory_space<vmem_shared>> -> memref<125x128xf32, #tpu.memory_space<vmem_shared>>
      %dma_wait3A_92 = arith.constant 0 : i32
      %dma_wait3A_93 = tpu.memref_slice %arg9[%add3A_24, %dma_wait3A_92] : memref<10112x128xf32, #tpu.memory_space<vmem_shared>> -> memref<125x128xf32, #tpu.memory_space<vmem_shared>>
      tpu.wait_dma2 semaphore(%run_scoped3A : memref<!tpu.dma_semaphore, #tpu.memory_space<semaphore_mem>>) src(%arg8 : memref<125x128xf32, #tpu.memory_space<vmem>>) dst(%dma_wait3A_93 : memref<125x128xf32, #tpu.memory_space<vmem_shared>>)
      tpu.yield
    }) : () -> ()
    %mul3A_25 = arith.constant 632 : i32
    %mul3A_26 = arith.muli %arg1, %mul3A_25 : i32
    %add3A_27 = arith.constant 632 : i32
    %add3A_28 = arith.addi %mul3A_26, %add3A_27 : i32
    %sub3A = arith.constant 7 : i32
    %sub3A_29 = arith.subi %add3A_28, %sub3A : i32
    "tpu.region"() ({
      %run_scoped3A = tpu.sem_alloc : memref<!tpu.dma_semaphore, #tpu.memory_space<semaphore_mem>>
      %dma_start3A = arith.constant 0 : i32
      %dma_start3A_88 = arith.constant 0 : i32
      %dma_start3A_89 = tpu.memref_slice %arg8[%dma_start3A, %dma_start3A_88] : memref<125x128xf32, #tpu.memory_space<vmem>> -> memref<7x128xf32, #tpu.memory_space<vmem>>
      %dma_start3A_90 = arith.constant 0 : i32
      %dma_start3A_91 = tpu.memref_slice %arg9[%sub3A_29, %dma_start3A_90] : memref<10112x128xf32, #tpu.memory_space<vmem_shared>> -> memref<7x128xf32, #tpu.memory_space<vmem_shared>>
      %dma_start3A_92 = arith.constant 0 : i32
      %dma_start3A_93 = tpu.memref_slice %arg9[%sub3A_29, %dma_start3A_92] : memref<10112x128xf32, #tpu.memory_space<vmem_shared>> -> memref<7x128xf32, #tpu.memory_space<vmem_shared>>
      %dma_start3A_94 = arith.constant 0 : i32
      %dma_start3A_95 = arith.constant 0 : i32
      %dma_start3A_96 = tpu.memref_slice %arg8[%dma_start3A_94, %dma_start3A_95] : memref<125x128xf32, #tpu.memory_space<vmem>> -> memref<7x128xf32, #tpu.memory_space<vmem>>
      tpu.enqueue_dma source(%dma_start3A_96 : memref<7x128xf32, #tpu.memory_space<vmem>>) target(%dma_start3A_93 : memref<7x128xf32, #tpu.memory_space<vmem_shared>>) target_semaphore(%run_scoped3A : memref<!tpu.dma_semaphore, #tpu.memory_space<semaphore_mem>>)
      %dma_wait3A = arith.constant 0 : i32
      %dma_wait3A_97 = arith.constant 0 : i32
      %dma_wait3A_98 = tpu.memref_slice %arg8[%dma_wait3A, %dma_wait3A_97] : memref<125x128xf32, #tpu.memory_space<vmem>> -> memref<7x128xf32, #tpu.memory_space<vmem>>
      %dma_wait3A_99 = arith.constant 0 : i32
      %dma_wait3A_100 = tpu.memref_slice %arg9[%sub3A_29, %dma_wait3A_99] : memref<10112x128xf32, #tpu.memory_space<vmem_shared>> -> memref<7x128xf32, #tpu.memory_space<vmem_shared>>
      %dma_wait3A_101 = arith.constant 0 : i32
      %dma_wait3A_102 = tpu.memref_slice %arg9[%sub3A_29, %dma_wait3A_101] : memref<10112x128xf32, #tpu.memory_space<vmem_shared>> -> memref<7x128xf32, #tpu.memory_space<vmem_shared>>
      %dma_wait3A_103 = arith.constant 0 : i32
      %dma_wait3A_104 = arith.constant 0 : i32
      %dma_wait3A_105 = tpu.memref_slice %arg8[%dma_wait3A_103, %dma_wait3A_104] : memref<125x128xf32, #tpu.memory_space<vmem>> -> memref<7x128xf32, #tpu.memory_space<vmem>>
      tpu.wait_dma2 semaphore(%run_scoped3A : memref<!tpu.dma_semaphore, #tpu.memory_space<semaphore_mem>>) src(%dma_wait3A_105 : memref<7x128xf32, #tpu.memory_space<vmem>>) dst(%dma_wait3A_102 : memref<7x128xf32, #tpu.memory_space<vmem_shared>>)
      tpu.yield
    }) : () -> ()
    %barrier3A = arith.constant 0 : index
    tpu.barrier barrier_id(%barrier3A)
    "tpu.region"() ({
      %run_scoped3A = tpu.sem_alloc : memref<!tpu.dma_semaphore, #tpu.memory_space<semaphore_mem>>
      %dma_start3A = arith.constant 0 : i32
      %dma_start3A_88 = arith.constant 0 : i32
      %dma_start3A_89 = tpu.memref_slice %arg3[%add3A, %dma_start3A, %dma_start3A_88] : memref<32x80x125xi32, #tpu.memory_space<hbm>> -> memref<1x80x125xi32, #tpu.memory_space<hbm>>
      %dma_start3A_90 = tpu.memref_squeeze %dma_start3A_89 : memref<1x80x125xi32, #tpu.memory_space<hbm>> -> memref<80x125xi32, #tpu.memory_space<hbm>>
      %dma_start3A_91 = arith.constant 0 : i32
      %dma_start3A_92 = arith.constant 0 : i32
      %dma_start3A_93 = tpu.memref_slice %arg3[%add3A, %dma_start3A_91, %dma_start3A_92] : memref<32x80x125xi32, #tpu.memory_space<hbm>> -> memref<1x80x125xi32, #tpu.memory_space<hbm>>
      %dma_start3A_94 = tpu.memref_squeeze %dma_start3A_93 : memref<1x80x125xi32, #tpu.memory_space<hbm>> -> memref<80x125xi32, #tpu.memory_space<hbm>>
      tpu.enqueue_dma source(%dma_start3A_94 : memref<80x125xi32, #tpu.memory_space<hbm>>) target(%arg6 : memref<80x125xi32, #tpu.memory_space<vmem>>) target_semaphore(%run_scoped3A : memref<!tpu.dma_semaphore, #tpu.memory_space<semaphore_mem>>)
      %dma_wait3A = arith.constant 0 : i32
      %dma_wait3A_95 = arith.constant 0 : i32
      %dma_wait3A_96 = tpu.memref_slice %arg3[%add3A, %dma_wait3A, %dma_wait3A_95] : memref<32x80x125xi32, #tpu.memory_space<hbm>> -> memref<1x80x125xi32, #tpu.memory_space<hbm>>
      %dma_wait3A_97 = tpu.memref_squeeze %dma_wait3A_96 : memref<1x80x125xi32, #tpu.memory_space<hbm>> -> memref<80x125xi32, #tpu.memory_space<hbm>>
      %dma_wait3A_98 = arith.constant 0 : i32
      %dma_wait3A_99 = arith.constant 0 : i32
      %dma_wait3A_100 = tpu.memref_slice %arg3[%add3A, %dma_wait3A_98, %dma_wait3A_99] : memref<32x80x125xi32, #tpu.memory_space<hbm>> -> memref<1x80x125xi32, #tpu.memory_space<hbm>>
      %dma_wait3A_101 = tpu.memref_squeeze %dma_wait3A_100 : memref<1x80x125xi32, #tpu.memory_space<hbm>> -> memref<80x125xi32, #tpu.memory_space<hbm>>
      tpu.wait_dma2 semaphore(%run_scoped3A : memref<!tpu.dma_semaphore, #tpu.memory_space<semaphore_mem>>) src(%dma_wait3A_101 : memref<80x125xi32, #tpu.memory_space<hbm>>) dst(%arg6 : memref<80x125xi32, #tpu.memory_space<vmem>>)
      tpu.yield
    }) : () -> ()
    "tpu.region"() ({
      %run_scoped3A = tpu.sem_alloc : memref<!tpu.dma_semaphore, #tpu.memory_space<semaphore_mem>>
      %dma_start3A = arith.constant 0 : i32
      %dma_start3A_88 = arith.constant 0 : i32
      %dma_start3A_89 = tpu.memref_slice %arg4[%add3A, %dma_start3A, %dma_start3A_88] : memref<32x80x125xi32, #tpu.memory_space<hbm>> -> memref<1x80x125xi32, #tpu.memory_space<hbm>>
      %dma_start3A_90 = tpu.memref_squeeze %dma_start3A_89 : memref<1x80x125xi32, #tpu.memory_space<hbm>> -> memref<80x125xi32, #tpu.memory_space<hbm>>
      %dma_start3A_91 = arith.constant 0 : i32
      %dma_start3A_92 = arith.constant 0 : i32
      %dma_start3A_93 = tpu.memref_slice %arg4[%add3A, %dma_start3A_91, %dma_start3A_92] : memref<32x80x125xi32, #tpu.memory_space<hbm>> -> memref<1x80x125xi32, #tpu.memory_space<hbm>>
      %dma_start3A_94 = tpu.memref_squeeze %dma_start3A_93 : memref<1x80x125xi32, #tpu.memory_space<hbm>> -> memref<80x125xi32, #tpu.memory_space<hbm>>
      tpu.enqueue_dma source(%dma_start3A_94 : memref<80x125xi32, #tpu.memory_space<hbm>>) target(%arg7 : memref<80x125xi32, #tpu.memory_space<vmem>>) target_semaphore(%run_scoped3A : memref<!tpu.dma_semaphore, #tpu.memory_space<semaphore_mem>>)
      %dma_wait3A = arith.constant 0 : i32
      %dma_wait3A_95 = arith.constant 0 : i32
      %dma_wait3A_96 = tpu.memref_slice %arg4[%add3A, %dma_wait3A, %dma_wait3A_95] : memref<32x80x125xi32, #tpu.memory_space<hbm>> -> memref<1x80x125xi32, #tpu.memory_space<hbm>>
      %dma_wait3A_97 = tpu.memref_squeeze %dma_wait3A_96 : memref<1x80x125xi32, #tpu.memory_space<hbm>> -> memref<80x125xi32, #tpu.memory_space<hbm>>
      %dma_wait3A_98 = arith.constant 0 : i32
      %dma_wait3A_99 = arith.constant 0 : i32
      %dma_wait3A_100 = tpu.memref_slice %arg4[%add3A, %dma_wait3A_98, %dma_wait3A_99] : memref<32x80x125xi32, #tpu.memory_space<hbm>> -> memref<1x80x125xi32, #tpu.memory_space<hbm>>
      %dma_wait3A_101 = tpu.memref_squeeze %dma_wait3A_100 : memref<1x80x125xi32, #tpu.memory_space<hbm>> -> memref<80x125xi32, #tpu.memory_space<hbm>>
      tpu.wait_dma2 semaphore(%run_scoped3A : memref<!tpu.dma_semaphore, #tpu.memory_space<semaphore_mem>>) src(%dma_wait3A_101 : memref<80x125xi32, #tpu.memory_space<hbm>>) dst(%arg7 : memref<80x125xi32, #tpu.memory_space<vmem>>)
      tpu.yield
    }) : () -> ()
    %scan3A_30 = arith.constant 0 : i32
    %scan3A_31 = arith.constant 80 : i32
    %scan3A_32 = arith.addi %scan3A_30, %scan3A_31 : i32
    %scan3A_33 = arith.constant 1 : i32
    scf.for %scan3A_88 = %scan3A_30 to %scan3A_32 step %scan3A_33  : i32 {
      %mul3A_89 = arith.constant 1 : i32
      %mul3A_90 = arith.muli %scan3A_88, %mul3A_89 : i32
      %add3A_91 = arith.constant 0 : i32
      %add3A_92 = arith.addi %add3A_91, %mul3A_90 : i32
      %dma_start3A = arith.constant 0 : i32
      %dma_start3A_93 = tpu.memref_slice %arg6[%add3A_92, %dma_start3A] : memref<80x125xi32, #tpu.memory_space<vmem>> -> memref<1x125xi32, #tpu.memory_space<vmem>>
      %dma_start3A_94 = tpu.memref_squeeze %dma_start3A_93 : memref<1x125xi32, #tpu.memory_space<vmem>> -> memref<125xi32, #tpu.memory_space<vmem>>
      %dma_start3A_95 = arith.constant 0 : i32
      %dma_start3A_96 = arith.constant 0 : i32
      %dma_start3A_97 = tpu.memref_slice %arg2[%dma_start3A_95, %dma_start3A_96] : memref<10000x128xf32, #tpu.memory_space<hbm>> -> memref<10000x128xf32, #tpu.memory_space<hbm>>
      tpu.enqueue_indirect_dma source(%dma_start3A_97 : memref<10000x128xf32, #tpu.memory_space<hbm>>) target(%arg8 : memref<125x128xf32, #tpu.memory_space<vmem>>) offsets(%dma_start3A_94 : memref<125xi32, #tpu.memory_space<vmem>>) semaphore(%arg10 : memref<!tpu.dma_semaphore, #tpu.memory_space<semaphore_mem>>)
      %dma_wait3A = arith.constant 0 : i32
      %dma_wait3A_98 = tpu.memref_slice %arg6[%add3A_92, %dma_wait3A] : memref<80x125xi32, #tpu.memory_space<vmem>> -> memref<1x125xi32, #tpu.memory_space<vmem>>
      %dma_wait3A_99 = tpu.memref_squeeze %dma_wait3A_98 : memref<1x125xi32, #tpu.memory_space<vmem>> -> memref<125xi32, #tpu.memory_space<vmem>>
      %dma_wait3A_100 = arith.constant 0 : i32
      %dma_wait3A_101 = arith.constant 0 : i32
      %dma_wait3A_102 = tpu.memref_slice %arg2[%dma_wait3A_100, %dma_wait3A_101] : memref<10000x128xf32, #tpu.memory_space<hbm>> -> memref<10000x128xf32, #tpu.memory_space<hbm>>
      tpu.wait_indirect_dma semaphore(%arg10 : memref<!tpu.dma_semaphore, #tpu.memory_space<semaphore_mem>>) src(%dma_wait3A_102 : memref<10000x128xf32, #tpu.memory_space<hbm>>) dst(%arg8 : memref<125x128xf32, #tpu.memory_space<vmem>>)
      "tpu.region"() ({
        %run_scoped3A = tpu.sem_alloc : memref<!tpu.dma_semaphore, #tpu.memory_space<semaphore_mem>>
        %dma_start3A_103 = arith.constant 0 : i32
        %dma_start3A_104 = tpu.memref_slice %arg7[%add3A_92, %dma_start3A_103] : memref<80x125xi32, #tpu.memory_space<vmem>> -> memref<1x125xi32, #tpu.memory_space<vmem>>
        %dma_start3A_105 = tpu.memref_squeeze %dma_start3A_104 : memref<1x125xi32, #tpu.memory_space<vmem>> -> memref<125xi32, #tpu.memory_space<vmem>>
        %dma_start3A_106 = arith.constant 0 : i32
        %dma_start3A_107 = arith.constant 0 : i32
        %dma_start3A_108 = tpu.memref_slice %arg9[%dma_start3A_106, %dma_start3A_107] : memref<10112x128xf32, #tpu.memory_space<vmem_shared>> -> memref<10112x128xf32, #tpu.memory_space<vmem_shared>>
        tpu.enqueue_indirect_dma source(%arg8 : memref<125x128xf32, #tpu.memory_space<vmem>>) target(%dma_start3A_108 : memref<10112x128xf32, #tpu.memory_space<vmem_shared>>) offsets(%dma_start3A_105 : memref<125xi32, #tpu.memory_space<vmem>>) semaphore(%run_scoped3A : memref<!tpu.dma_semaphore, #tpu.memory_space<semaphore_mem>>) {add = true}
        %dma_wait3A_109 = arith.constant 0 : i32
        %dma_wait3A_110 = tpu.memref_slice %arg7[%add3A_92, %dma_wait3A_109] : memref<80x125xi32, #tpu.memory_space<vmem>> -> memref<1x125xi32, #tpu.memory_space<vmem>>
        %dma_wait3A_111 = tpu.memref_squeeze %dma_wait3A_110 : memref<1x125xi32, #tpu.memory_space<vmem>> -> memref<125xi32, #tpu.memory_space<vmem>>
        %dma_wait3A_112 = arith.constant 0 : i32
        %dma_wait3A_113 = arith.constant 0 : i32
        %dma_wait3A_114 = tpu.memref_slice %arg9[%dma_wait3A_112, %dma_wait3A_113] : memref<10112x128xf32, #tpu.memory_space<vmem_shared>> -> memref<10112x128xf32, #tpu.memory_space<vmem_shared>>
        tpu.wait_indirect_dma semaphore(%run_scoped3A : memref<!tpu.dma_semaphore, #tpu.memory_space<semaphore_mem>>) src(%arg8 : memref<125x128xf32, #tpu.memory_space<vmem>>) dst(%dma_wait3A_114 : memref<10112x128xf32, #tpu.memory_space<vmem_shared>>)
        tpu.yield
      }) : () -> ()
    }
    %scan3A_34 = arith.constant 80 : i32
    %barrier3A_35 = arith.constant 0 : index
    tpu.barrier barrier_id(%barrier3A_35)
    %mul3A_36 = arith.constant 632 : i32
    %mul3A_37 = arith.muli %arg1, %mul3A_36 : i32
    %add3A_38 = arith.constant 0 : i32
    %add3A_39 = arith.addi %mul3A_37, %add3A_38 : i32
    "tpu.region"() ({
      %run_scoped3A = tpu.sem_alloc : memref<!tpu.dma_semaphore, #tpu.memory_space<semaphore_mem>>
      %dma_start3A = arith.constant 0 : i32
      %dma_start3A_88 = arith.constant 0 : i32
      %dma_start3A_89 = tpu.memref_slice %arg8[%dma_start3A, %dma_start3A_88] : memref<125x128xf32, #tpu.memory_space<vmem>> -> memref<120x128xf32, #tpu.memory_space<vmem>>
      %dma_start3A_90 = arith.constant 0 : i32
      %dma_start3A_91 = tpu.memref_slice %arg9[%add3A_39, %dma_start3A_90] : memref<10112x128xf32, #tpu.memory_space<vmem_shared>> -> memref<120x128xf32, #tpu.memory_space<vmem_shared>>
      %dma_start3A_92 = arith.constant 0 : i32
      %dma_start3A_93 = arith.constant 0 : i32
      %dma_start3A_94 = tpu.memref_slice %arg8[%dma_start3A_92, %dma_start3A_93] : memref<125x128xf32, #tpu.memory_space<vmem>> -> memref<120x128xf32, #tpu.memory_space<vmem>>
      %dma_start3A_95 = arith.constant 0 : i32
      %dma_start3A_96 = tpu.memref_slice %arg9[%add3A_39, %dma_start3A_95] : memref<10112x128xf32, #tpu.memory_space<vmem_shared>> -> memref<120x128xf32, #tpu.memory_space<vmem_shared>>
      tpu.enqueue_dma source(%dma_start3A_96 : memref<120x128xf32, #tpu.memory_space<vmem_shared>>) target(%dma_start3A_94 : memref<120x128xf32, #tpu.memory_space<vmem>>) target_semaphore(%run_scoped3A : memref<!tpu.dma_semaphore, #tpu.memory_space<semaphore_mem>>)
      %dma_wait3A = arith.constant 0 : i32
      %dma_wait3A_97 = arith.constant 0 : i32
      %dma_wait3A_98 = tpu.memref_slice %arg8[%dma_wait3A, %dma_wait3A_97] : memref<125x128xf32, #tpu.memory_space<vmem>> -> memref<120x128xf32, #tpu.memory_space<vmem>>
      %dma_wait3A_99 = arith.constant 0 : i32
      %dma_wait3A_100 = tpu.memref_slice %arg9[%add3A_39, %dma_wait3A_99] : memref<10112x128xf32, #tpu.memory_space<vmem_shared>> -> memref<120x128xf32, #tpu.memory_space<vmem_shared>>
      %dma_wait3A_101 = arith.constant 0 : i32
      %dma_wait3A_102 = arith.constant 0 : i32
      %dma_wait3A_103 = tpu.memref_slice %arg8[%dma_wait3A_101, %dma_wait3A_102] : memref<125x128xf32, #tpu.memory_space<vmem>> -> memref<120x128xf32, #tpu.memory_space<vmem>>
      %dma_wait3A_104 = arith.constant 0 : i32
      %dma_wait3A_105 = tpu.memref_slice %arg9[%add3A_39, %dma_wait3A_104] : memref<10112x128xf32, #tpu.memory_space<vmem_shared>> -> memref<120x128xf32, #tpu.memory_space<vmem_shared>>
      tpu.wait_dma2 semaphore(%run_scoped3A : memref<!tpu.dma_semaphore, #tpu.memory_space<semaphore_mem>>) src(%dma_wait3A_105 : memref<120x128xf32, #tpu.memory_space<vmem_shared>>) dst(%dma_wait3A_103 : memref<120x128xf32, #tpu.memory_space<vmem>>)
      tpu.yield
    }) : () -> ()
    %mul3A_40 = arith.constant 632 : i32
    %mul3A_41 = arith.muli %arg1, %mul3A_40 : i32
    %add3A_42 = arith.constant 0 : i32
    %add3A_43 = arith.addi %mul3A_41, %add3A_42 : i32
    "tpu.region"() ({
      %run_scoped3A = tpu.sem_alloc : memref<!tpu.dma_semaphore, #tpu.memory_space<semaphore_mem>>
      %dma_start3A = arith.constant 0 : i32
      %dma_start3A_88 = arith.constant 0 : i32
      %dma_start3A_89 = tpu.memref_slice %arg8[%dma_start3A, %dma_start3A_88] : memref<125x128xf32, #tpu.memory_space<vmem>> -> memref<120x128xf32, #tpu.memory_space<vmem>>
      %dma_start3A_90 = arith.constant 0 : i32
      %dma_start3A_91 = tpu.memref_slice %arg5[%arg0, %add3A_43, %dma_start3A_90] : memref<2x10112x128xf32, #tpu.memory_space<hbm>> -> memref<1x120x128xf32, #tpu.memory_space<hbm>>
      %dma_start3A_92 = tpu.memref_squeeze %dma_start3A_91 : memref<1x120x128xf32, #tpu.memory_space<hbm>> -> memref<120x128xf32, #tpu.memory_space<hbm>>
      %dma_start3A_93 = arith.constant 0 : i32
      %dma_start3A_94 = tpu.memref_slice %arg5[%arg0, %add3A_43, %dma_start3A_93] : memref<2x10112x128xf32, #tpu.memory_space<hbm>> -> memref<1x120x128xf32, #tpu.memory_space<hbm>>
      %dma_start3A_95 = tpu.memref_squeeze %dma_start3A_94 : memref<1x120x128xf32, #tpu.memory_space<hbm>> -> memref<120x128xf32, #tpu.memory_space<hbm>>
      %dma_start3A_96 = arith.constant 0 : i32
      %dma_start3A_97 = arith.constant 0 : i32
      %dma_start3A_98 = tpu.memref_slice %arg8[%dma_start3A_96, %dma_start3A_97] : memref<125x128xf32, #tpu.memory_space<vmem>> -> memref<120x128xf32, #tpu.memory_space<vmem>>
      tpu.enqueue_dma source(%dma_start3A_98 : memref<120x128xf32, #tpu.memory_space<vmem>>) target(%dma_start3A_95 : memref<120x128xf32, #tpu.memory_space<hbm>>) target_semaphore(%run_scoped3A : memref<!tpu.dma_semaphore, #tpu.memory_space<semaphore_mem>>)
      %dma_wait3A = arith.constant 0 : i32
      %dma_wait3A_99 = arith.constant 0 : i32
      %dma_wait3A_100 = tpu.memref_slice %arg8[%dma_wait3A, %dma_wait3A_99] : memref<125x128xf32, #tpu.memory_space<vmem>> -> memref<120x128xf32, #tpu.memory_space<vmem>>
      %dma_wait3A_101 = arith.constant 0 : i32
      %dma_wait3A_102 = tpu.memref_slice %arg5[%arg0, %add3A_43, %dma_wait3A_101] : memref<2x10112x128xf32, #tpu.memory_space<hbm>> -> memref<1x120x128xf32, #tpu.memory_space<hbm>>
      %dma_wait3A_103 = tpu.memref_squeeze %dma_wait3A_102 : memref<1x120x128xf32, #tpu.memory_space<hbm>> -> memref<120x128xf32, #tpu.memory_space<hbm>>
      %dma_wait3A_104 = arith.constant 0 : i32
      %dma_wait3A_105 = tpu.memref_slice %arg5[%arg0, %add3A_43, %dma_wait3A_104] : memref<2x10112x128xf32, #tpu.memory_space<hbm>> -> memref<1x120x128xf32, #tpu.memory_space<hbm>>
      %dma_wait3A_106 = tpu.memref_squeeze %dma_wait3A_105 : memref<1x120x128xf32, #tpu.memory_space<hbm>> -> memref<120x128xf32, #tpu.memory_space<hbm>>
      %dma_wait3A_107 = arith.constant 0 : i32
      %dma_wait3A_108 = arith.constant 0 : i32
      %dma_wait3A_109 = tpu.memref_slice %arg8[%dma_wait3A_107, %dma_wait3A_108] : memref<125x128xf32, #tpu.memory_space<vmem>> -> memref<120x128xf32, #tpu.memory_space<vmem>>
      tpu.wait_dma2 semaphore(%run_scoped3A : memref<!tpu.dma_semaphore, #tpu.memory_space<semaphore_mem>>) src(%dma_wait3A_109 : memref<120x128xf32, #tpu.memory_space<vmem>>) dst(%dma_wait3A_106 : memref<120x128xf32, #tpu.memory_space<hbm>>)
      tpu.yield
    }) : () -> ()
    %mul3A_44 = arith.constant 632 : i32
    %mul3A_45 = arith.muli %arg1, %mul3A_44 : i32
    %add3A_46 = arith.constant 120 : i32
    %add3A_47 = arith.addi %mul3A_45, %add3A_46 : i32
    "tpu.region"() ({
      %run_scoped3A = tpu.sem_alloc : memref<!tpu.dma_semaphore, #tpu.memory_space<semaphore_mem>>
      %dma_start3A = arith.constant 0 : i32
      %dma_start3A_88 = arith.constant 0 : i32
      %dma_start3A_89 = tpu.memref_slice %arg8[%dma_start3A, %dma_start3A_88] : memref<125x128xf32, #tpu.memory_space<vmem>> -> memref<120x128xf32, #tpu.memory_space<vmem>>
      %dma_start3A_90 = arith.constant 0 : i32
      %dma_start3A_91 = tpu.memref_slice %arg9[%add3A_47, %dma_start3A_90] : memref<10112x128xf32, #tpu.memory_space<vmem_shared>> -> memref<120x128xf32, #tpu.memory_space<vmem_shared>>
      %dma_start3A_92 = arith.constant 0 : i32
      %dma_start3A_93 = arith.constant 0 : i32
      %dma_start3A_94 = tpu.memref_slice %arg8[%dma_start3A_92, %dma_start3A_93] : memref<125x128xf32, #tpu.memory_space<vmem>> -> memref<120x128xf32, #tpu.memory_space<vmem>>
      %dma_start3A_95 = arith.constant 0 : i32
      %dma_start3A_96 = tpu.memref_slice %arg9[%add3A_47, %dma_start3A_95] : memref<10112x128xf32, #tpu.memory_space<vmem_shared>> -> memref<120x128xf32, #tpu.memory_space<vmem_shared>>
      tpu.enqueue_dma source(%dma_start3A_96 : memref<120x128xf32, #tpu.memory_space<vmem_shared>>) target(%dma_start3A_94 : memref<120x128xf32, #tpu.memory_space<vmem>>) target_semaphore(%run_scoped3A : memref<!tpu.dma_semaphore, #tpu.memory_space<semaphore_mem>>)
      %dma_wait3A = arith.constant 0 : i32
      %dma_wait3A_97 = arith.constant 0 : i32
      %dma_wait3A_98 = tpu.memref_slice %arg8[%dma_wait3A, %dma_wait3A_97] : memref<125x128xf32, #tpu.memory_space<vmem>> -> memref<120x128xf32, #tpu.memory_space<vmem>>
      %dma_wait3A_99 = arith.constant 0 : i32
      %dma_wait3A_100 = tpu.memref_slice %arg9[%add3A_47, %dma_wait3A_99] : memref<10112x128xf32, #tpu.memory_space<vmem_shared>> -> memref<120x128xf32, #tpu.memory_space<vmem_shared>>
      %dma_wait3A_101 = arith.constant 0 : i32
      %dma_wait3A_102 = arith.constant 0 : i32
      %dma_wait3A_103 = tpu.memref_slice %arg8[%dma_wait3A_101, %dma_wait3A_102] : memref<125x128xf32, #tpu.memory_space<vmem>> -> memref<120x128xf32, #tpu.memory_space<vmem>>
      %dma_wait3A_104 = arith.constant 0 : i32
      %dma_wait3A_105 = tpu.memref_slice %arg9[%add3A_47, %dma_wait3A_104] : memref<10112x128xf32, #tpu.memory_space<vmem_shared>> -> memref<120x128xf32, #tpu.memory_space<vmem_shared>>
      tpu.wait_dma2 semaphore(%run_scoped3A : memref<!tpu.dma_semaphore, #tpu.memory_space<semaphore_mem>>) src(%dma_wait3A_105 : memref<120x128xf32, #tpu.memory_space<vmem_shared>>) dst(%dma_wait3A_103 : memref<120x128xf32, #tpu.memory_space<vmem>>)
      tpu.yield
    }) : () -> ()
    %mul3A_48 = arith.constant 632 : i32
    %mul3A_49 = arith.muli %arg1, %mul3A_48 : i32
    %add3A_50 = arith.constant 120 : i32
    %add3A_51 = arith.addi %mul3A_49, %add3A_50 : i32
    "tpu.region"() ({
      %run_scoped3A = tpu.sem_alloc : memref<!tpu.dma_semaphore, #tpu.memory_space<semaphore_mem>>
      %dma_start3A = arith.constant 0 : i32
      %dma_start3A_88 = arith.constant 0 : i32
      %dma_start3A_89 = tpu.memref_slice %arg8[%dma_start3A, %dma_start3A_88] : memref<125x128xf32, #tpu.memory_space<vmem>> -> memref<120x128xf32, #tpu.memory_space<vmem>>
      %dma_start3A_90 = arith.constant 0 : i32
      %dma_start3A_91 = tpu.memref_slice %arg5[%arg0, %add3A_51, %dma_start3A_90] : memref<2x10112x128xf32, #tpu.memory_space<hbm>> -> memref<1x120x128xf32, #tpu.memory_space<hbm>>
      %dma_start3A_92 = tpu.memref_squeeze %dma_start3A_91 : memref<1x120x128xf32, #tpu.memory_space<hbm>> -> memref<120x128xf32, #tpu.memory_space<hbm>>
      %dma_start3A_93 = arith.constant 0 : i32
      %dma_start3A_94 = tpu.memref_slice %arg5[%arg0, %add3A_51, %dma_start3A_93] : memref<2x10112x128xf32, #tpu.memory_space<hbm>> -> memref<1x120x128xf32, #tpu.memory_space<hbm>>
      %dma_start3A_95 = tpu.memref_squeeze %dma_start3A_94 : memref<1x120x128xf32, #tpu.memory_space<hbm>> -> memref<120x128xf32, #tpu.memory_space<hbm>>
      %dma_start3A_96 = arith.constant 0 : i32
      %dma_start3A_97 = arith.constant 0 : i32
      %dma_start3A_98 = tpu.memref_slice %arg8[%dma_start3A_96, %dma_start3A_97] : memref<125x128xf32, #tpu.memory_space<vmem>> -> memref<120x128xf32, #tpu.memory_space<vmem>>
      tpu.enqueue_dma source(%dma_start3A_98 : memref<120x128xf32, #tpu.memory_space<vmem>>) target(%dma_start3A_95 : memref<120x128xf32, #tpu.memory_space<hbm>>) target_semaphore(%run_scoped3A : memref<!tpu.dma_semaphore, #tpu.memory_space<semaphore_mem>>)
      %dma_wait3A = arith.constant 0 : i32
      %dma_wait3A_99 = arith.constant 0 : i32
      %dma_wait3A_100 = tpu.memref_slice %arg8[%dma_wait3A, %dma_wait3A_99] : memref<125x128xf32, #tpu.memory_space<vmem>> -> memref<120x128xf32, #tpu.memory_space<vmem>>
      %dma_wait3A_101 = arith.constant 0 : i32
      %dma_wait3A_102 = tpu.memref_slice %arg5[%arg0, %add3A_51, %dma_wait3A_101] : memref<2x10112x128xf32, #tpu.memory_space<hbm>> -> memref<1x120x128xf32, #tpu.memory_space<hbm>>
      %dma_wait3A_103 = tpu.memref_squeeze %dma_wait3A_102 : memref<1x120x128xf32, #tpu.memory_space<hbm>> -> memref<120x128xf32, #tpu.memory_space<hbm>>
      %dma_wait3A_104 = arith.constant 0 : i32
      %dma_wait3A_105 = tpu.memref_slice %arg5[%arg0, %add3A_51, %dma_wait3A_104] : memref<2x10112x128xf32, #tpu.memory_space<hbm>> -> memref<1x120x128xf32, #tpu.memory_space<hbm>>
      %dma_wait3A_106 = tpu.memref_squeeze %dma_wait3A_105 : memref<1x120x128xf32, #tpu.memory_space<hbm>> -> memref<120x128xf32, #tpu.memory_space<hbm>>
      %dma_wait3A_107 = arith.constant 0 : i32
      %dma_wait3A_108 = arith.constant 0 : i32
      %dma_wait3A_109 = tpu.memref_slice %arg8[%dma_wait3A_107, %dma_wait3A_108] : memref<125x128xf32, #tpu.memory_space<vmem>> -> memref<120x128xf32, #tpu.memory_space<vmem>>
      tpu.wait_dma2 semaphore(%run_scoped3A : memref<!tpu.dma_semaphore, #tpu.memory_space<semaphore_mem>>) src(%dma_wait3A_109 : memref<120x128xf32, #tpu.memory_space<vmem>>) dst(%dma_wait3A_106 : memref<120x128xf32, #tpu.memory_space<hbm>>)
      tpu.yield
    }) : () -> ()
    %mul3A_52 = arith.constant 632 : i32
    %mul3A_53 = arith.muli %arg1, %mul3A_52 : i32
    %add3A_54 = arith.constant 240 : i32
    %add3A_55 = arith.addi %mul3A_53, %add3A_54 : i32
    "tpu.region"() ({
      %run_scoped3A = tpu.sem_alloc : memref<!tpu.dma_semaphore, #tpu.memory_space<semaphore_mem>>
      %dma_start3A = arith.constant 0 : i32
      %dma_start3A_88 = arith.constant 0 : i32
      %dma_start3A_89 = tpu.memref_slice %arg8[%dma_start3A, %dma_start3A_88] : memref<125x128xf32, #tpu.memory_space<vmem>> -> memref<120x128xf32, #tpu.memory_space<vmem>>
      %dma_start3A_90 = arith.constant 0 : i32
      %dma_start3A_91 = tpu.memref_slice %arg9[%add3A_55, %dma_start3A_90] : memref<10112x128xf32, #tpu.memory_space<vmem_shared>> -> memref<120x128xf32, #tpu.memory_space<vmem_shared>>
      %dma_start3A_92 = arith.constant 0 : i32
      %dma_start3A_93 = arith.constant 0 : i32
      %dma_start3A_94 = tpu.memref_slice %arg8[%dma_start3A_92, %dma_start3A_93] : memref<125x128xf32, #tpu.memory_space<vmem>> -> memref<120x128xf32, #tpu.memory_space<vmem>>
      %dma_start3A_95 = arith.constant 0 : i32
      %dma_start3A_96 = tpu.memref_slice %arg9[%add3A_55, %dma_start3A_95] : memref<10112x128xf32, #tpu.memory_space<vmem_shared>> -> memref<120x128xf32, #tpu.memory_space<vmem_shared>>
      tpu.enqueue_dma source(%dma_start3A_96 : memref<120x128xf32, #tpu.memory_space<vmem_shared>>) target(%dma_start3A_94 : memref<120x128xf32, #tpu.memory_space<vmem>>) target_semaphore(%run_scoped3A : memref<!tpu.dma_semaphore, #tpu.memory_space<semaphore_mem>>)
      %dma_wait3A = arith.constant 0 : i32
      %dma_wait3A_97 = arith.constant 0 : i32
      %dma_wait3A_98 = tpu.memref_slice %arg8[%dma_wait3A, %dma_wait3A_97] : memref<125x128xf32, #tpu.memory_space<vmem>> -> memref<120x128xf32, #tpu.memory_space<vmem>>
      %dma_wait3A_99 = arith.constant 0 : i32
      %dma_wait3A_100 = tpu.memref_slice %arg9[%add3A_55, %dma_wait3A_99] : memref<10112x128xf32, #tpu.memory_space<vmem_shared>> -> memref<120x128xf32, #tpu.memory_space<vmem_shared>>
      %dma_wait3A_101 = arith.constant 0 : i32
      %dma_wait3A_102 = arith.constant 0 : i32
      %dma_wait3A_103 = tpu.memref_slice %arg8[%dma_wait3A_101, %dma_wait3A_102] : memref<125x128xf32, #tpu.memory_space<vmem>> -> memref<120x128xf32, #tpu.memory_space<vmem>>
      %dma_wait3A_104 = arith.constant 0 : i32
      %dma_wait3A_105 = tpu.memref_slice %arg9[%add3A_55, %dma_wait3A_104] : memref<10112x128xf32, #tpu.memory_space<vmem_shared>> -> memref<120x128xf32, #tpu.memory_space<vmem_shared>>
      tpu.wait_dma2 semaphore(%run_scoped3A : memref<!tpu.dma_semaphore, #tpu.memory_space<semaphore_mem>>) src(%dma_wait3A_105 : memref<120x128xf32, #tpu.memory_space<vmem_shared>>) dst(%dma_wait3A_103 : memref<120x128xf32, #tpu.memory_space<vmem>>)
      tpu.yield
    }) : () -> ()
    %mul3A_56 = arith.constant 632 : i32
    %mul3A_57 = arith.muli %arg1, %mul3A_56 : i32
    %add3A_58 = arith.constant 240 : i32
    %add3A_59 = arith.addi %mul3A_57, %add3A_58 : i32
    "tpu.region"() ({
      %run_scoped3A = tpu.sem_alloc : memref<!tpu.dma_semaphore, #tpu.memory_space<semaphore_mem>>
      %dma_start3A = arith.constant 0 : i32
      %dma_start3A_88 = arith.constant 0 : i32
      %dma_start3A_89 = tpu.memref_slice %arg8[%dma_start3A, %dma_start3A_88] : memref<125x128xf32, #tpu.memory_space<vmem>> -> memref<120x128xf32, #tpu.memory_space<vmem>>
      %dma_start3A_90 = arith.constant 0 : i32
      %dma_start3A_91 = tpu.memref_slice %arg5[%arg0, %add3A_59, %dma_start3A_90] : memref<2x10112x128xf32, #tpu.memory_space<hbm>> -> memref<1x120x128xf32, #tpu.memory_space<hbm>>
      %dma_start3A_92 = tpu.memref_squeeze %dma_start3A_91 : memref<1x120x128xf32, #tpu.memory_space<hbm>> -> memref<120x128xf32, #tpu.memory_space<hbm>>
      %dma_start3A_93 = arith.constant 0 : i32
      %dma_start3A_94 = tpu.memref_slice %arg5[%arg0, %add3A_59, %dma_start3A_93] : memref<2x10112x128xf32, #tpu.memory_space<hbm>> -> memref<1x120x128xf32, #tpu.memory_space<hbm>>
      %dma_start3A_95 = tpu.memref_squeeze %dma_start3A_94 : memref<1x120x128xf32, #tpu.memory_space<hbm>> -> memref<120x128xf32, #tpu.memory_space<hbm>>
      %dma_start3A_96 = arith.constant 0 : i32
      %dma_start3A_97 = arith.constant 0 : i32
      %dma_start3A_98 = tpu.memref_slice %arg8[%dma_start3A_96, %dma_start3A_97] : memref<125x128xf32, #tpu.memory_space<vmem>> -> memref<120x128xf32, #tpu.memory_space<vmem>>
      tpu.enqueue_dma source(%dma_start3A_98 : memref<120x128xf32, #tpu.memory_space<vmem>>) target(%dma_start3A_95 : memref<120x128xf32, #tpu.memory_space<hbm>>) target_semaphore(%run_scoped3A : memref<!tpu.dma_semaphore, #tpu.memory_space<semaphore_mem>>)
      %dma_wait3A = arith.constant 0 : i32
      %dma_wait3A_99 = arith.constant 0 : i32
      %dma_wait3A_100 = tpu.memref_slice %arg8[%dma_wait3A, %dma_wait3A_99] : memref<125x128xf32, #tpu.memory_space<vmem>> -> memref<120x128xf32, #tpu.memory_space<vmem>>
      %dma_wait3A_101 = arith.constant 0 : i32
      %dma_wait3A_102 = tpu.memref_slice %arg5[%arg0, %add3A_59, %dma_wait3A_101] : memref<2x10112x128xf32, #tpu.memory_space<hbm>> -> memref<1x120x128xf32, #tpu.memory_space<hbm>>
      %dma_wait3A_103 = tpu.memref_squeeze %dma_wait3A_102 : memref<1x120x128xf32, #tpu.memory_space<hbm>> -> memref<120x128xf32, #tpu.memory_space<hbm>>
      %dma_wait3A_104 = arith.constant 0 : i32
      %dma_wait3A_105 = tpu.memref_slice %arg5[%arg0, %add3A_59, %dma_wait3A_104] : memref<2x10112x128xf32, #tpu.memory_space<hbm>> -> memref<1x120x128xf32, #tpu.memory_space<hbm>>
      %dma_wait3A_106 = tpu.memref_squeeze %dma_wait3A_105 : memref<1x120x128xf32, #tpu.memory_space<hbm>> -> memref<120x128xf32, #tpu.memory_space<hbm>>
      %dma_wait3A_107 = arith.constant 0 : i32
      %dma_wait3A_108 = arith.constant 0 : i32
      %dma_wait3A_109 = tpu.memref_slice %arg8[%dma_wait3A_107, %dma_wait3A_108] : memref<125x128xf32, #tpu.memory_space<vmem>> -> memref<120x128xf32, #tpu.memory_space<vmem>>
      tpu.wait_dma2 semaphore(%run_scoped3A : memref<!tpu.dma_semaphore, #tpu.memory_space<semaphore_mem>>) src(%dma_wait3A_109 : memref<120x128xf32, #tpu.memory_space<vmem>>) dst(%dma_wait3A_106 : memref<120x128xf32, #tpu.memory_space<hbm>>)
      tpu.yield
    }) : () -> ()
    %mul3A_60 = arith.constant 632 : i32
    %mul3A_61 = arith.muli %arg1, %mul3A_60 : i32
    %add3A_62 = arith.constant 360 : i32
    %add3A_63 = arith.addi %mul3A_61, %add3A_62 : i32
    "tpu.region"() ({
      %run_scoped3A = tpu.sem_alloc : memref<!tpu.dma_semaphore, #tpu.memory_space<semaphore_mem>>
      %dma_start3A = arith.constant 0 : i32
      %dma_start3A_88 = arith.constant 0 : i32
      %dma_start3A_89 = tpu.memref_slice %arg8[%dma_start3A, %dma_start3A_88] : memref<125x128xf32, #tpu.memory_space<vmem>> -> memref<120x128xf32, #tpu.memory_space<vmem>>
      %dma_start3A_90 = arith.constant 0 : i32
      %dma_start3A_91 = tpu.memref_slice %arg9[%add3A_63, %dma_start3A_90] : memref<10112x128xf32, #tpu.memory_space<vmem_shared>> -> memref<120x128xf32, #tpu.memory_space<vmem_shared>>
      %dma_start3A_92 = arith.constant 0 : i32
      %dma_start3A_93 = arith.constant 0 : i32
      %dma_start3A_94 = tpu.memref_slice %arg8[%dma_start3A_92, %dma_start3A_93] : memref<125x128xf32, #tpu.memory_space<vmem>> -> memref<120x128xf32, #tpu.memory_space<vmem>>
      %dma_start3A_95 = arith.constant 0 : i32
      %dma_start3A_96 = tpu.memref_slice %arg9[%add3A_63, %dma_start3A_95] : memref<10112x128xf32, #tpu.memory_space<vmem_shared>> -> memref<120x128xf32, #tpu.memory_space<vmem_shared>>
      tpu.enqueue_dma source(%dma_start3A_96 : memref<120x128xf32, #tpu.memory_space<vmem_shared>>) target(%dma_start3A_94 : memref<120x128xf32, #tpu.memory_space<vmem>>) target_semaphore(%run_scoped3A : memref<!tpu.dma_semaphore, #tpu.memory_space<semaphore_mem>>)
      %dma_wait3A = arith.constant 0 : i32
      %dma_wait3A_97 = arith.constant 0 : i32
      %dma_wait3A_98 = tpu.memref_slice %arg8[%dma_wait3A, %dma_wait3A_97] : memref<125x128xf32, #tpu.memory_space<vmem>> -> memref<120x128xf32, #tpu.memory_space<vmem>>
      %dma_wait3A_99 = arith.constant 0 : i32
      %dma_wait3A_100 = tpu.memref_slice %arg9[%add3A_63, %dma_wait3A_99] : memref<10112x128xf32, #tpu.memory_space<vmem_shared>> -> memref<120x128xf32, #tpu.memory_space<vmem_shared>>
      %dma_wait3A_101 = arith.constant 0 : i32
      %dma_wait3A_102 = arith.constant 0 : i32
      %dma_wait3A_103 = tpu.memref_slice %arg8[%dma_wait3A_101, %dma_wait3A_102] : memref<125x128xf32, #tpu.memory_space<vmem>> -> memref<120x128xf32, #tpu.memory_space<vmem>>
      %dma_wait3A_104 = arith.constant 0 : i32
      %dma_wait3A_105 = tpu.memref_slice %arg9[%add3A_63, %dma_wait3A_104] : memref<10112x128xf32, #tpu.memory_space<vmem_shared>> -> memref<120x128xf32, #tpu.memory_space<vmem_shared>>
      tpu.wait_dma2 semaphore(%run_scoped3A : memref<!tpu.dma_semaphore, #tpu.memory_space<semaphore_mem>>) src(%dma_wait3A_105 : memref<120x128xf32, #tpu.memory_space<vmem_shared>>) dst(%dma_wait3A_103 : memref<120x128xf32, #tpu.memory_space<vmem>>)
      tpu.yield
    }) : () -> ()
    %mul3A_64 = arith.constant 632 : i32
    %mul3A_65 = arith.muli %arg1, %mul3A_64 : i32
    %add3A_66 = arith.constant 360 : i32
    %add3A_67 = arith.addi %mul3A_65, %add3A_66 : i32
    "tpu.region"() ({
      %run_scoped3A = tpu.sem_alloc : memref<!tpu.dma_semaphore, #tpu.memory_space<semaphore_mem>>
      %dma_start3A = arith.constant 0 : i32
      %dma_start3A_88 = arith.constant 0 : i32
      %dma_start3A_89 = tpu.memref_slice %arg8[%dma_start3A, %dma_start3A_88] : memref<125x128xf32, #tpu.memory_space<vmem>> -> memref<120x128xf32, #tpu.memory_space<vmem>>
      %dma_start3A_90 = arith.constant 0 : i32
      %dma_start3A_91 = tpu.memref_slice %arg5[%arg0, %add3A_67, %dma_start3A_90] : memref<2x10112x128xf32, #tpu.memory_space<hbm>> -> memref<1x120x128xf32, #tpu.memory_space<hbm>>
      %dma_start3A_92 = tpu.memref_squeeze %dma_start3A_91 : memref<1x120x128xf32, #tpu.memory_space<hbm>> -> memref<120x128xf32, #tpu.memory_space<hbm>>
      %dma_start3A_93 = arith.constant 0 : i32
      %dma_start3A_94 = tpu.memref_slice %arg5[%arg0, %add3A_67, %dma_start3A_93] : memref<2x10112x128xf32, #tpu.memory_space<hbm>> -> memref<1x120x128xf32, #tpu.memory_space<hbm>>
      %dma_start3A_95 = tpu.memref_squeeze %dma_start3A_94 : memref<1x120x128xf32, #tpu.memory_space<hbm>> -> memref<120x128xf32, #tpu.memory_space<hbm>>
      %dma_start3A_96 = arith.constant 0 : i32
      %dma_start3A_97 = arith.constant 0 : i32
      %dma_start3A_98 = tpu.memref_slice %arg8[%dma_start3A_96, %dma_start3A_97] : memref<125x128xf32, #tpu.memory_space<vmem>> -> memref<120x128xf32, #tpu.memory_space<vmem>>
      tpu.enqueue_dma source(%dma_start3A_98 : memref<120x128xf32, #tpu.memory_space<vmem>>) target(%dma_start3A_95 : memref<120x128xf32, #tpu.memory_space<hbm>>) target_semaphore(%run_scoped3A : memref<!tpu.dma_semaphore, #tpu.memory_space<semaphore_mem>>)
      %dma_wait3A = arith.constant 0 : i32
      %dma_wait3A_99 = arith.constant 0 : i32
      %dma_wait3A_100 = tpu.memref_slice %arg8[%dma_wait3A, %dma_wait3A_99] : memref<125x128xf32, #tpu.memory_space<vmem>> -> memref<120x128xf32, #tpu.memory_space<vmem>>
      %dma_wait3A_101 = arith.constant 0 : i32
      %dma_wait3A_102 = tpu.memref_slice %arg5[%arg0, %add3A_67, %dma_wait3A_101] : memref<2x10112x128xf32, #tpu.memory_space<hbm>> -> memref<1x120x128xf32, #tpu.memory_space<hbm>>
      %dma_wait3A_103 = tpu.memref_squeeze %dma_wait3A_102 : memref<1x120x128xf32, #tpu.memory_space<hbm>> -> memref<120x128xf32, #tpu.memory_space<hbm>>
      %dma_wait3A_104 = arith.constant 0 : i32
      %dma_wait3A_105 = tpu.memref_slice %arg5[%arg0, %add3A_67, %dma_wait3A_104] : memref<2x10112x128xf32, #tpu.memory_space<hbm>> -> memref<1x120x128xf32, #tpu.memory_space<hbm>>
      %dma_wait3A_106 = tpu.memref_squeeze %dma_wait3A_105 : memref<1x120x128xf32, #tpu.memory_space<hbm>> -> memref<120x128xf32, #tpu.memory_space<hbm>>
      %dma_wait3A_107 = arith.constant 0 : i32
      %dma_wait3A_108 = arith.constant 0 : i32
      %dma_wait3A_109 = tpu.memref_slice %arg8[%dma_wait3A_107, %dma_wait3A_108] : memref<125x128xf32, #tpu.memory_space<vmem>> -> memref<120x128xf32, #tpu.memory_space<vmem>>
      tpu.wait_dma2 semaphore(%run_scoped3A : memref<!tpu.dma_semaphore, #tpu.memory_space<semaphore_mem>>) src(%dma_wait3A_109 : memref<120x128xf32, #tpu.memory_space<vmem>>) dst(%dma_wait3A_106 : memref<120x128xf32, #tpu.memory_space<hbm>>)
      tpu.yield
    }) : () -> ()
    %mul3A_68 = arith.constant 632 : i32
    %mul3A_69 = arith.muli %arg1, %mul3A_68 : i32
    %add3A_70 = arith.constant 480 : i32
    %add3A_71 = arith.addi %mul3A_69, %add3A_70 : i32
    "tpu.region"() ({
      %run_scoped3A = tpu.sem_alloc : memref<!tpu.dma_semaphore, #tpu.memory_space<semaphore_mem>>
      %dma_start3A = arith.constant 0 : i32
      %dma_start3A_88 = arith.constant 0 : i32
      %dma_start3A_89 = tpu.memref_slice %arg8[%dma_start3A, %dma_start3A_88] : memref<125x128xf32, #tpu.memory_space<vmem>> -> memref<120x128xf32, #tpu.memory_space<vmem>>
      %dma_start3A_90 = arith.constant 0 : i32
      %dma_start3A_91 = tpu.memref_slice %arg9[%add3A_71, %dma_start3A_90] : memref<10112x128xf32, #tpu.memory_space<vmem_shared>> -> memref<120x128xf32, #tpu.memory_space<vmem_shared>>
      %dma_start3A_92 = arith.constant 0 : i32
      %dma_start3A_93 = arith.constant 0 : i32
      %dma_start3A_94 = tpu.memref_slice %arg8[%dma_start3A_92, %dma_start3A_93] : memref<125x128xf32, #tpu.memory_space<vmem>> -> memref<120x128xf32, #tpu.memory_space<vmem>>
      %dma_start3A_95 = arith.constant 0 : i32
      %dma_start3A_96 = tpu.memref_slice %arg9[%add3A_71, %dma_start3A_95] : memref<10112x128xf32, #tpu.memory_space<vmem_shared>> -> memref<120x128xf32, #tpu.memory_space<vmem_shared>>
      tpu.enqueue_dma source(%dma_start3A_96 : memref<120x128xf32, #tpu.memory_space<vmem_shared>>) target(%dma_start3A_94 : memref<120x128xf32, #tpu.memory_space<vmem>>) target_semaphore(%run_scoped3A : memref<!tpu.dma_semaphore, #tpu.memory_space<semaphore_mem>>)
      %dma_wait3A = arith.constant 0 : i32
      %dma_wait3A_97 = arith.constant 0 : i32
      %dma_wait3A_98 = tpu.memref_slice %arg8[%dma_wait3A, %dma_wait3A_97] : memref<125x128xf32, #tpu.memory_space<vmem>> -> memref<120x128xf32, #tpu.memory_space<vmem>>
      %dma_wait3A_99 = arith.constant 0 : i32
      %dma_wait3A_100 = tpu.memref_slice %arg9[%add3A_71, %dma_wait3A_99] : memref<10112x128xf32, #tpu.memory_space<vmem_shared>> -> memref<120x128xf32, #tpu.memory_space<vmem_shared>>
      %dma_wait3A_101 = arith.constant 0 : i32
      %dma_wait3A_102 = arith.constant 0 : i32
      %dma_wait3A_103 = tpu.memref_slice %arg8[%dma_wait3A_101, %dma_wait3A_102] : memref<125x128xf32, #tpu.memory_space<vmem>> -> memref<120x128xf32, #tpu.memory_space<vmem>>
      %dma_wait3A_104 = arith.constant 0 : i32
      %dma_wait3A_105 = tpu.memref_slice %arg9[%add3A_71, %dma_wait3A_104] : memref<10112x128xf32, #tpu.memory_space<vmem_shared>> -> memref<120x128xf32, #tpu.memory_space<vmem_shared>>
      tpu.wait_dma2 semaphore(%run_scoped3A : memref<!tpu.dma_semaphore, #tpu.memory_space<semaphore_mem>>) src(%dma_wait3A_105 : memref<120x128xf32, #tpu.memory_space<vmem_shared>>) dst(%dma_wait3A_103 : memref<120x128xf32, #tpu.memory_space<vmem>>)
      tpu.yield
    }) : () -> ()
    %mul3A_72 = arith.constant 632 : i32
    %mul3A_73 = arith.muli %arg1, %mul3A_72 : i32
    %add3A_74 = arith.constant 480 : i32
    %add3A_75 = arith.addi %mul3A_73, %add3A_74 : i32
    "tpu.region"() ({
      %run_scoped3A = tpu.sem_alloc : memref<!tpu.dma_semaphore, #tpu.memory_space<semaphore_mem>>
      %dma_start3A = arith.constant 0 : i32
      %dma_start3A_88 = arith.constant 0 : i32
      %dma_start3A_89 = tpu.memref_slice %arg8[%dma_start3A, %dma_start3A_88] : memref<125x128xf32, #tpu.memory_space<vmem>> -> memref<120x128xf32, #tpu.memory_space<vmem>>
      %dma_start3A_90 = arith.constant 0 : i32
      %dma_start3A_91 = tpu.memref_slice %arg5[%arg0, %add3A_75, %dma_start3A_90] : memref<2x10112x128xf32, #tpu.memory_space<hbm>> -> memref<1x120x128xf32, #tpu.memory_space<hbm>>
      %dma_start3A_92 = tpu.memref_squeeze %dma_start3A_91 : memref<1x120x128xf32, #tpu.memory_space<hbm>> -> memref<120x128xf32, #tpu.memory_space<hbm>>
      %dma_start3A_93 = arith.constant 0 : i32
      %dma_start3A_94 = tpu.memref_slice %arg5[%arg0, %add3A_75, %dma_start3A_93] : memref<2x10112x128xf32, #tpu.memory_space<hbm>> -> memref<1x120x128xf32, #tpu.memory_space<hbm>>
      %dma_start3A_95 = tpu.memref_squeeze %dma_start3A_94 : memref<1x120x128xf32, #tpu.memory_space<hbm>> -> memref<120x128xf32, #tpu.memory_space<hbm>>
      %dma_start3A_96 = arith.constant 0 : i32
      %dma_start3A_97 = arith.constant 0 : i32
      %dma_start3A_98 = tpu.memref_slice %arg8[%dma_start3A_96, %dma_start3A_97] : memref<125x128xf32, #tpu.memory_space<vmem>> -> memref<120x128xf32, #tpu.memory_space<vmem>>
      tpu.enqueue_dma source(%dma_start3A_98 : memref<120x128xf32, #tpu.memory_space<vmem>>) target(%dma_start3A_95 : memref<120x128xf32, #tpu.memory_space<hbm>>) target_semaphore(%run_scoped3A : memref<!tpu.dma_semaphore, #tpu.memory_space<semaphore_mem>>)
      %dma_wait3A = arith.constant 0 : i32
      %dma_wait3A_99 = arith.constant 0 : i32
      %dma_wait3A_100 = tpu.memref_slice %arg8[%dma_wait3A, %dma_wait3A_99] : memref<125x128xf32, #tpu.memory_space<vmem>> -> memref<120x128xf32, #tpu.memory_space<vmem>>
      %dma_wait3A_101 = arith.constant 0 : i32
      %dma_wait3A_102 = tpu.memref_slice %arg5[%arg0, %add3A_75, %dma_wait3A_101] : memref<2x10112x128xf32, #tpu.memory_space<hbm>> -> memref<1x120x128xf32, #tpu.memory_space<hbm>>
      %dma_wait3A_103 = tpu.memref_squeeze %dma_wait3A_102 : memref<1x120x128xf32, #tpu.memory_space<hbm>> -> memref<120x128xf32, #tpu.memory_space<hbm>>
      %dma_wait3A_104 = arith.constant 0 : i32
      %dma_wait3A_105 = tpu.memref_slice %arg5[%arg0, %add3A_75, %dma_wait3A_104] : memref<2x10112x128xf32, #tpu.memory_space<hbm>> -> memref<1x120x128xf32, #tpu.memory_space<hbm>>
      %dma_wait3A_106 = tpu.memref_squeeze %dma_wait3A_105 : memref<1x120x128xf32, #tpu.memory_space<hbm>> -> memref<120x128xf32, #tpu.memory_space<hbm>>
      %dma_wait3A_107 = arith.constant 0 : i32
      %dma_wait3A_108 = arith.constant 0 : i32
      %dma_wait3A_109 = tpu.memref_slice %arg8[%dma_wait3A_107, %dma_wait3A_108] : memref<125x128xf32, #tpu.memory_space<vmem>> -> memref<120x128xf32, #tpu.memory_space<vmem>>
      tpu.wait_dma2 semaphore(%run_scoped3A : memref<!tpu.dma_semaphore, #tpu.memory_space<semaphore_mem>>) src(%dma_wait3A_109 : memref<120x128xf32, #tpu.memory_space<vmem>>) dst(%dma_wait3A_106 : memref<120x128xf32, #tpu.memory_space<hbm>>)
      tpu.yield
    }) : () -> ()
    %mul3A_76 = arith.constant 632 : i32
    %mul3A_77 = arith.muli %arg1, %mul3A_76 : i32
    %add3A_78 = arith.constant 632 : i32
    %add3A_79 = arith.addi %mul3A_77, %add3A_78 : i32
    %sub3A_80 = arith.constant 32 : i32
    %sub3A_81 = arith.subi %add3A_79, %sub3A_80 : i32
    "tpu.region"() ({
      %run_scoped3A = tpu.sem_alloc : memref<!tpu.dma_semaphore, #tpu.memory_space<semaphore_mem>>
      %dma_start3A = arith.constant 0 : i32
      %dma_start3A_88 = arith.constant 0 : i32
      %dma_start3A_89 = tpu.memref_slice %arg8[%dma_start3A, %dma_start3A_88] : memref<125x128xf32, #tpu.memory_space<vmem>> -> memref<32x128xf32, #tpu.memory_space<vmem>>
      %dma_start3A_90 = arith.constant 0 : i32
      %dma_start3A_91 = tpu.memref_slice %arg9[%sub3A_81, %dma_start3A_90] : memref<10112x128xf32, #tpu.memory_space<vmem_shared>> -> memref<32x128xf32, #tpu.memory_space<vmem_shared>>
      %dma_start3A_92 = arith.constant 0 : i32
      %dma_start3A_93 = arith.constant 0 : i32
      %dma_start3A_94 = tpu.memref_slice %arg8[%dma_start3A_92, %dma_start3A_93] : memref<125x128xf32, #tpu.memory_space<vmem>> -> memref<32x128xf32, #tpu.memory_space<vmem>>
      %dma_start3A_95 = arith.constant 0 : i32
      %dma_start3A_96 = tpu.memref_slice %arg9[%sub3A_81, %dma_start3A_95] : memref<10112x128xf32, #tpu.memory_space<vmem_shared>> -> memref<32x128xf32, #tpu.memory_space<vmem_shared>>
      tpu.enqueue_dma source(%dma_start3A_96 : memref<32x128xf32, #tpu.memory_space<vmem_shared>>) target(%dma_start3A_94 : memref<32x128xf32, #tpu.memory_space<vmem>>) target_semaphore(%run_scoped3A : memref<!tpu.dma_semaphore, #tpu.memory_space<semaphore_mem>>)
      %dma_wait3A = arith.constant 0 : i32
      %dma_wait3A_97 = arith.constant 0 : i32
      %dma_wait3A_98 = tpu.memref_slice %arg8[%dma_wait3A, %dma_wait3A_97] : memref<125x128xf32, #tpu.memory_space<vmem>> -> memref<32x128xf32, #tpu.memory_space<vmem>>
      %dma_wait3A_99 = arith.constant 0 : i32
      %dma_wait3A_100 = tpu.memref_slice %arg9[%sub3A_81, %dma_wait3A_99] : memref<10112x128xf32, #tpu.memory_space<vmem_shared>> -> memref<32x128xf32, #tpu.memory_space<vmem_shared>>
      %dma_wait3A_101 = arith.constant 0 : i32
      %dma_wait3A_102 = arith.constant 0 : i32
      %dma_wait3A_103 = tpu.memref_slice %arg8[%dma_wait3A_101, %dma_wait3A_102] : memref<125x128xf32, #tpu.memory_space<vmem>> -> memref<32x128xf32, #tpu.memory_space<vmem>>
      %dma_wait3A_104 = arith.constant 0 : i32
      %dma_wait3A_105 = tpu.memref_slice %arg9[%sub3A_81, %dma_wait3A_104] : memref<10112x128xf32, #tpu.memory_space<vmem_shared>> -> memref<32x128xf32, #tpu.memory_space<vmem_shared>>
      tpu.wait_dma2 semaphore(%run_scoped3A : memref<!tpu.dma_semaphore, #tpu.memory_space<semaphore_mem>>) src(%dma_wait3A_105 : memref<32x128xf32, #tpu.memory_space<vmem_shared>>) dst(%dma_wait3A_103 : memref<32x128xf32, #tpu.memory_space<vmem>>)
      tpu.yield
    }) : () -> ()
    %mul3A_82 = arith.constant 632 : i32
    %mul3A_83 = arith.muli %arg1, %mul3A_82 : i32
    %add3A_84 = arith.constant 632 : i32
    %add3A_85 = arith.addi %mul3A_83, %add3A_84 : i32
    %sub3A_86 = arith.constant 32 : i32
    %sub3A_87 = arith.subi %add3A_85, %sub3A_86 : i32
    "tpu.region"() ({
      %run_scoped3A = tpu.sem_alloc : memref<!tpu.dma_semaphore, #tpu.memory_space<semaphore_mem>>
      %dma_start3A = arith.constant 0 : i32
      %dma_start3A_88 = arith.constant 0 : i32
      %dma_start3A_89 = tpu.memref_slice %arg8[%dma_start3A, %dma_start3A_88] : memref<125x128xf32, #tpu.memory_space<vmem>> -> memref<32x128xf32, #tpu.memory_space<vmem>>
      %dma_start3A_90 = arith.constant 0 : i32
      %dma_start3A_91 = tpu.memref_slice %arg5[%arg0, %sub3A_87, %dma_start3A_90] : memref<2x10112x128xf32, #tpu.memory_space<hbm>> -> memref<1x32x128xf32, #tpu.memory_space<hbm>>
      %dma_start3A_92 = tpu.memref_squeeze %dma_start3A_91 : memref<1x32x128xf32, #tpu.memory_space<hbm>> -> memref<32x128xf32, #tpu.memory_space<hbm>>
      %dma_start3A_93 = arith.constant 0 : i32
      %dma_start3A_94 = tpu.memref_slice %arg5[%arg0, %sub3A_87, %dma_start3A_93] : memref<2x10112x128xf32, #tpu.memory_space<hbm>> -> memref<1x32x128xf32, #tpu.memory_space<hbm>>
      %dma_start3A_95 = tpu.memref_squeeze %dma_start3A_94 : memref<1x32x128xf32, #tpu.memory_space<hbm>> -> memref<32x128xf32, #tpu.memory_space<hbm>>
      %dma_start3A_96 = arith.constant 0 : i32
      %dma_start3A_97 = arith.constant 0 : i32
      %dma_start3A_98 = tpu.memref_slice %arg8[%dma_start3A_96, %dma_start3A_97] : memref<125x128xf32, #tpu.memory_space<vmem>> -> memref<32x128xf32, #tpu.memory_space<vmem>>
      tpu.enqueue_dma source(%dma_start3A_98 : memref<32x128xf32, #tpu.memory_space<vmem>>) target(%dma_start3A_95 : memref<32x128xf32, #tpu.memory_space<hbm>>) target_semaphore(%run_scoped3A : memref<!tpu.dma_semaphore, #tpu.memory_space<semaphore_mem>>)
      %dma_wait3A = arith.constant 0 : i32
      %dma_wait3A_99 = arith.constant 0 : i32
      %dma_wait3A_100 = tpu.memref_slice %arg8[%dma_wait3A, %dma_wait3A_99] : memref<125x128xf32, #tpu.memory_space<vmem>> -> memref<32x128xf32, #tpu.memory_space<vmem>>
      %dma_wait3A_101 = arith.constant 0 : i32
      %dma_wait3A_102 = tpu.memref_slice %arg5[%arg0, %sub3A_87, %dma_wait3A_101] : memref<2x10112x128xf32, #tpu.memory_space<hbm>> -> memref<1x32x128xf32, #tpu.memory_space<hbm>>
      %dma_wait3A_103 = tpu.memref_squeeze %dma_wait3A_102 : memref<1x32x128xf32, #tpu.memory_space<hbm>> -> memref<32x128xf32, #tpu.memory_space<hbm>>
      %dma_wait3A_104 = arith.constant 0 : i32
      %dma_wait3A_105 = tpu.memref_slice %arg5[%arg0, %sub3A_87, %dma_wait3A_104] : memref<2x10112x128xf32, #tpu.memory_space<hbm>> -> memref<1x32x128xf32, #tpu.memory_space<hbm>>
      %dma_wait3A_106 = tpu.memref_squeeze %dma_wait3A_105 : memref<1x32x128xf32, #tpu.memory_space<hbm>> -> memref<32x128xf32, #tpu.memory_space<hbm>>
      %dma_wait3A_107 = arith.constant 0 : i32
      %dma_wait3A_108 = arith.constant 0 : i32
      %dma_wait3A_109 = tpu.memref_slice %arg8[%dma_wait3A_107, %dma_wait3A_108] : memref<125x128xf32, #tpu.memory_space<vmem>> -> memref<32x128xf32, #tpu.memory_space<vmem>>
      tpu.wait_dma2 semaphore(%run_scoped3A : memref<!tpu.dma_semaphore, #tpu.memory_space<semaphore_mem>>) src(%dma_wait3A_109 : memref<32x128xf32, #tpu.memory_space<vmem>>) dst(%dma_wait3A_106 : memref<32x128xf32, #tpu.memory_space<hbm>>)
      tpu.yield
    }) : () -> ()
    return
  }
}

#map = affine_map<(d0, d1) -> (0, 0)>
#map1 = affine_map<(d0, d1) -> (0, 0, 0)>
module attributes {stable_mosaic.version = 14 : i64} {
  func.func @_edge_body(%arg0: i32, %arg1: i32, %arg2: memref<10000x128xf32, #tpu.memory_space<hbm>>, %arg3: memref<32x80x125xi32, #tpu.memory_space<hbm>>, %arg4: memref<32x80x125xi32, #tpu.memory_space<hbm>>, %arg5: memref<2x10112x128xf32, #tpu.memory_space<hbm>>, %arg6: memref<80x125xi32, #tpu.memory_space<vmem>>, %arg7: memref<80x125xi32, #tpu.memory_space<vmem>>, %arg8: memref<125x128xf32, #tpu.memory_space<vmem>>, %arg9: memref<10112x128xf32, #tpu.memory_space<vmem_shared>>, %arg10: memref<!tpu.dma_semaphore, #tpu.memory_space<semaphore_mem>>) attributes {dimension_semantics = [#tpu.dimension_semantics<core_parallel>, #tpu.dimension_semantics<subcore_parallel>], iteration_bounds = array<i64: 2, 16>, scalar_prefetch = 0 : i64, scratch_operands = 5 : i64, tpu.core_type = #tpu.core_type<sc_vector_subcore>, window_params = [{transform_indices = #map}, {transform_indices = #map1}, {transform_indices = #map1}, {transform_indices = #map1}]} {
    %mul3A = arith.constant 16 : i32
    %mul3A_0 = arith.muli %arg0, %mul3A : i32
    %add3A = arith.addi %mul3A_0, %arg1 : i32
    %scan3A = arith.constant 0 : i32
    %scan3A_1 = arith.constant 125 : i32
    %scan3A_2 = arith.addi %scan3A, %scan3A_1 : i32
    %scan3A_3 = arith.constant 1 : i32
    scf.for %scan3A_88 = %scan3A to %scan3A_2 step %scan3A_3  : i32 {
      %mul3A_89 = arith.constant 1 : i32
      %mul3A_90 = arith.muli %scan3A_88, %mul3A_89 : i32
      %add3A_91 = arith.constant 0 : i32
      %add3A_92 = arith.addi %add3A_91, %mul3A_90 : i32
      %broadcast_in_dim3A = arith.constant 0.000000e+00 : f32
      %broadcast_in_dim3A_93 = vector.broadcast %broadcast_in_dim3A : f32 to vector<16xf32>
      %swap3A = arith.index_cast %add3A_92 : i32 to index
      %swap3A_94 = arith.constant 0 : index
      %swap3A_95 = tpu.vector_load %arg8[%swap3A, %swap3A_94] {strides = array<i32>} : memref<125x128xf32, #tpu.memory_space<vmem>>, vector<1x16xf32>,
      %swap3A_96 = vector.shape_cast %swap3A_95 : vector<1x16xf32> to vector<16xf32>
      %swap3A_97 = vector.shape_cast %broadcast_in_dim3A_93 : vector<16xf32> to vector<1x16xf32>
      tpu.vector_store %arg8[%swap3A, %swap3A_94], %swap3A_97 {strides = array<i32>} : memref<125x128xf32, #tpu.memory_space<vmem>>, vector<1x16xf32>,
      %broadcast_in_dim3A_98 = arith.constant 0.000000e+00 : f32
      %broadcast_in_dim3A_99 = vector.broadcast %broadcast_in_dim3A_98 : f32 to vector<16xf32>
      %swap3A_100 = arith.index_cast %add3A_92 : i32 to index
      %swap3A_101 = arith.constant 16 : index
      %swap3A_102 = tpu.vector_load %arg8[%swap3A_100, %swap3A_101] {strides = array<i32>} : memref<125x128xf32, #tpu.memory_space<vmem>>, vector<1x16xf32>,
      %swap3A_103 = vector.shape_cast %swap3A_102 : vector<1x16xf32> to vector<16xf32>
      %swap3A_104 = vector.shape_cast %broadcast_in_dim3A_99 : vector<16xf32> to vector<1x16xf32>
      tpu.vector_store %arg8[%swap3A_100, %swap3A_101], %swap3A_104 {strides = array<i32>} : memref<125x128xf32, #tpu.memory_space<vmem>>, vector<1x16xf32>,
      %broadcast_in_dim3A_105 = arith.constant 0.000000e+00 : f32
      %broadcast_in_dim3A_106 = vector.broadcast %broadcast_in_dim3A_105 : f32 to vector<16xf32>
      %swap3A_107 = arith.index_cast %add3A_92 : i32 to index
      %swap3A_108 = arith.constant 32 : index
      %swap3A_109 = tpu.vector_load %arg8[%swap3A_107, %swap3A_108] {strides = array<i32>} : memref<125x128xf32, #tpu.memory_space<vmem>>, vector<1x16xf32>,
      %swap3A_110 = vector.shape_cast %swap3A_109 : vector<1x16xf32> to vector<16xf32>
      %swap3A_111 = vector.shape_cast %broadcast_in_dim3A_106 : vector<16xf32> to vector<1x16xf32>
      tpu.vector_store %arg8[%swap3A_107, %swap3A_108], %swap3A_111 {strides = array<i32>} : memref<125x128xf32, #tpu.memory_space<vmem>>, vector<1x16xf32>,
      %broadcast_in_dim3A_112 = arith.constant 0.000000e+00 : f32
      %broadcast_in_dim3A_113 = vector.broadcast %broadcast_in_dim3A_112 : f32 to vector<16xf32>
      %swap3A_114 = arith.index_cast %add3A_92 : i32 to index
      %swap3A_115 = arith.constant 48 : index
      %swap3A_116 = tpu.vector_load %arg8[%swap3A_114, %swap3A_115] {strides = array<i32>} : memref<125x128xf32, #tpu.memory_space<vmem>>, vector<1x16xf32>,
      %swap3A_117 = vector.shape_cast %swap3A_116 : vector<1x16xf32> to vector<16xf32>
      %swap3A_118 = vector.shape_cast %broadcast_in_dim3A_113 : vector<16xf32> to vector<1x16xf32>
      tpu.vector_store %arg8[%swap3A_114, %swap3A_115], %swap3A_118 {strides = array<i32>} : memref<125x128xf32, #tpu.memory_space<vmem>>, vector<1x16xf32>,
      %broadcast_in_dim3A_119 = arith.constant 0.000000e+00 : f32
      %broadcast_in_dim3A_120 = vector.broadcast %broadcast_in_dim3A_119 : f32 to vector<16xf32>
      %swap3A_121 = arith.index_cast %add3A_92 : i32 to index
      %swap3A_122 = arith.constant 64 : index
      %swap3A_123 = tpu.vector_load %arg8[%swap3A_121, %swap3A_122] {strides = array<i32>} : memref<125x128xf32, #tpu.memory_space<vmem>>, vector<1x16xf32>,
      %swap3A_124 = vector.shape_cast %swap3A_123 : vector<1x16xf32> to vector<16xf32>
      %swap3A_125 = vector.shape_cast %broadcast_in_dim3A_120 : vector<16xf32> to vector<1x16xf32>
      tpu.vector_store %arg8[%swap3A_121, %swap3A_122], %swap3A_125 {strides = array<i32>} : memref<125x128xf32, #tpu.memory_space<vmem>>, vector<1x16xf32>,
      %broadcast_in_dim3A_126 = arith.constant 0.000000e+00 : f32
      %broadcast_in_dim3A_127 = vector.broadcast %broadcast_in_dim3A_126 : f32 to vector<16xf32>
      %swap3A_128 = arith.index_cast %add3A_92 : i32 to index
      %swap3A_129 = arith.constant 80 : index
      %swap3A_130 = tpu.vector_load %arg8[%swap3A_128, %swap3A_129] {strides = array<i32>} : memref<125x128xf32, #tpu.memory_space<vmem>>, vector<1x16xf32>,
      %swap3A_131 = vector.shape_cast %swap3A_130 : vector<1x16xf32> to vector<16xf32>
      %swap3A_132 = vector.shape_cast %broadcast_in_dim3A_127 : vector<16xf32> to vector<1x16xf32>
      tpu.vector_store %arg8[%swap3A_128, %swap3A_129], %swap3A_132 {strides = array<i32>} : memref<125x128xf32, #tpu.memory_space<vmem>>, vector<1x16xf32>,
      %broadcast_in_dim3A_133 = arith.constant 0.000000e+00 : f32
      %broadcast_in_dim3A_134 = vector.broadcast %broadcast_in_dim3A_133 : f32 to vector<16xf32>
      %swap3A_135 = arith.index_cast %add3A_92 : i32 to index
      %swap3A_136 = arith.constant 96 : index
      %swap3A_137 = tpu.vector_load %arg8[%swap3A_135, %swap3A_136] {strides = array<i32>} : memref<125x128xf32, #tpu.memory_space<vmem>>, vector<1x16xf32>,
      %swap3A_138 = vector.shape_cast %swap3A_137 : vector<1x16xf32> to vector<16xf32>
      %swap3A_139 = vector.shape_cast %broadcast_in_dim3A_134 : vector<16xf32> to vector<1x16xf32>
      tpu.vector_store %arg8[%swap3A_135, %swap3A_136], %swap3A_139 {strides = array<i32>} : memref<125x128xf32, #tpu.memory_space<vmem>>, vector<1x16xf32>,
      %broadcast_in_dim3A_140 = arith.constant 0.000000e+00 : f32
      %broadcast_in_dim3A_141 = vector.broadcast %broadcast_in_dim3A_140 : f32 to vector<16xf32>
      %swap3A_142 = arith.index_cast %add3A_92 : i32 to index
      %swap3A_143 = arith.constant 112 : index
      %swap3A_144 = tpu.vector_load %arg8[%swap3A_142, %swap3A_143] {strides = array<i32>} : memref<125x128xf32, #tpu.memory_space<vmem>>, vector<1x16xf32>,
      %swap3A_145 = vector.shape_cast %swap3A_144 : vector<1x16xf32> to vector<16xf32>
      %swap3A_146 = vector.shape_cast %broadcast_in_dim3A_141 : vector<16xf32> to vector<1x16xf32>
      tpu.vector_store %arg8[%swap3A_142, %swap3A_143], %swap3A_146 {strides = array<i32>} : memref<125x128xf32, #tpu.memory_space<vmem>>, vector<1x16xf32>,
    }
    %scan3A_4 = arith.constant 125 : i32
    %mul3A_5 = arith.constant 632 : i32
    %mul3A_6 = arith.muli %arg1, %mul3A_5 : i32
    %add3A_7 = arith.constant 0 : i32
    %add3A_8 = arith.addi %mul3A_6, %add3A_7 : i32
    "tpu.region"() ({
      %run_scoped3A = tpu.sem_alloc : memref<!tpu.dma_semaphore, #tpu.memory_space<semaphore_mem>>
      %dma_start3A = arith.constant 0 : i32
      %dma_start3A_88 = tpu.memref_slice %arg9[%add3A_8, %dma_start3A] : memref<10112x128xf32, #tpu.memory_space<vmem_shared>> -> memref<125x128xf32, #tpu.memory_space<vmem_shared>>
      %dma_start3A_89 = arith.constant 0 : i32
      %dma_start3A_90 = tpu.memref_slice %arg9[%add3A_8, %dma_start3A_89] : memref<10112x128xf32, #tpu.memory_space<vmem_shared>> -> memref<125x128xf32, #tpu.memory_space<vmem_shared>>
      tpu.enqueue_dma source(%arg8 : memref<125x128xf32, #tpu.memory_space<vmem>>) target(%dma_start3A_90 : memref<125x128xf32, #tpu.memory_space<vmem_shared>>) target_semaphore(%run_scoped3A : memref<!tpu.dma_semaphore, #tpu.memory_space<semaphore_mem>>)
      %dma_wait3A = arith.constant 0 : i32
      %dma_wait3A_91 = tpu.memref_slice %arg9[%add3A_8, %dma_wait3A] : memref<10112x128xf32, #tpu.memory_space<vmem_shared>> -> memref<125x128xf32, #tpu.memory_space<vmem_shared>>
      %dma_wait3A_92 = arith.constant 0 : i32
      %dma_wait3A_93 = tpu.memref_slice %arg9[%add3A_8, %dma_wait3A_92] : memref<10112x128xf32, #tpu.memory_space<vmem_shared>> -> memref<125x128xf32, #tpu.memory_space<vmem_shared>>
      tpu.wait_dma2 semaphore(%run_scoped3A : memref<!tpu.dma_semaphore, #tpu.memory_space<semaphore_mem>>) src(%arg8 : memref<125x128xf32, #tpu.memory_space<vmem>>) dst(%dma_wait3A_93 : memref<125x128xf32, #tpu.memory_space<vmem_shared>>)
      tpu.yield
    }) : () -> ()
    %mul3A_9 = arith.constant 632 : i32
    %mul3A_10 = arith.muli %arg1, %mul3A_9 : i32
    %add3A_11 = arith.constant 125 : i32
    %add3A_12 = arith.addi %mul3A_10, %add3A_11 : i32
    "tpu.region"() ({
      %run_scoped3A = tpu.sem_alloc : memref<!tpu.dma_semaphore, #tpu.memory_space<semaphore_mem>>
      %dma_start3A = arith.constant 0 : i32
      %dma_start3A_88 = tpu.memref_slice %arg9[%add3A_12, %dma_start3A] : memref<10112x128xf32, #tpu.memory_space<vmem_shared>> -> memref<125x128xf32, #tpu.memory_space<vmem_shared>>
      %dma_start3A_89 = arith.constant 0 : i32
      %dma_start3A_90 = tpu.memref_slice %arg9[%add3A_12, %dma_start3A_89] : memref<10112x128xf32, #tpu.memory_space<vmem_shared>> -> memref<125x128xf32, #tpu.memory_space<vmem_shared>>
      tpu.enqueue_dma source(%arg8 : memref<125x128xf32, #tpu.memory_space<vmem>>) target(%dma_start3A_90 : memref<125x128xf32, #tpu.memory_space<vmem_shared>>) target_semaphore(%run_scoped3A : memref<!tpu.dma_semaphore, #tpu.memory_space<semaphore_mem>>)
      %dma_wait3A = arith.constant 0 : i32
      %dma_wait3A_91 = tpu.memref_slice %arg9[%add3A_12, %dma_wait3A] : memref<10112x128xf32, #tpu.memory_space<vmem_shared>> -> memref<125x128xf32, #tpu.memory_space<vmem_shared>>
      %dma_wait3A_92 = arith.constant 0 : i32
      %dma_wait3A_93 = tpu.memref_slice %arg9[%add3A_12, %dma_wait3A_92] : memref<10112x128xf32, #tpu.memory_space<vmem_shared>> -> memref<125x128xf32, #tpu.memory_space<vmem_shared>>
      tpu.wait_dma2 semaphore(%run_scoped3A : memref<!tpu.dma_semaphore, #tpu.memory_space<semaphore_mem>>) src(%arg8 : memref<125x128xf32, #tpu.memory_space<vmem>>) dst(%dma_wait3A_93 : memref<125x128xf32, #tpu.memory_space<vmem_shared>>)
      tpu.yield
    }) : () -> ()
    %mul3A_13 = arith.constant 632 : i32
    %mul3A_14 = arith.muli %arg1, %mul3A_13 : i32
    %add3A_15 = arith.constant 250 : i32
    %add3A_16 = arith.addi %mul3A_14, %add3A_15 : i32
    "tpu.region"() ({
      %run_scoped3A = tpu.sem_alloc : memref<!tpu.dma_semaphore, #tpu.memory_space<semaphore_mem>>
      %dma_start3A = arith.constant 0 : i32
      %dma_start3A_88 = tpu.memref_slice %arg9[%add3A_16, %dma_start3A] : memref<10112x128xf32, #tpu.memory_space<vmem_shared>> -> memref<125x128xf32, #tpu.memory_space<vmem_shared>>
      %dma_start3A_89 = arith.constant 0 : i32
      %dma_start3A_90 = tpu.memref_slice %arg9[%add3A_16, %dma_start3A_89] : memref<10112x128xf32, #tpu.memory_space<vmem_shared>> -> memref<125x128xf32, #tpu.memory_space<vmem_shared>>
      tpu.enqueue_dma source(%arg8 : memref<125x128xf32, #tpu.memory_space<vmem>>) target(%dma_start3A_90 : memref<125x128xf32, #tpu.memory_space<vmem_shared>>) target_semaphore(%run_scoped3A : memref<!tpu.dma_semaphore, #tpu.memory_space<semaphore_mem>>)
      %dma_wait3A = arith.constant 0 : i32
      %dma_wait3A_91 = tpu.memref_slice %arg9[%add3A_16, %dma_wait3A] : memref<10112x128xf32, #tpu.memory_space<vmem_shared>> -> memref<125x128xf32, #tpu.memory_space<vmem_shared>>
      %dma_wait3A_92 = arith.constant 0 : i32
      %dma_wait3A_93 = tpu.memref_slice %arg9[%add3A_16, %dma_wait3A_92] : memref<10112x128xf32, #tpu.memory_space<vmem_shared>> -> memref<125x128xf32, #tpu.memory_space<vmem_shared>>
      tpu.wait_dma2 semaphore(%run_scoped3A : memref<!tpu.dma_semaphore, #tpu.memory_space<semaphore_mem>>) src(%arg8 : memref<125x128xf32, #tpu.memory_space<vmem>>) dst(%dma_wait3A_93 : memref<125x128xf32, #tpu.memory_space<vmem_shared>>)
      tpu.yield
    }) : () -> ()
    %mul3A_17 = arith.constant 632 : i32
    %mul3A_18 = arith.muli %arg1, %mul3A_17 : i32
    %add3A_19 = arith.constant 375 : i32
    %add3A_20 = arith.addi %mul3A_18, %add3A_19 : i32
    "tpu.region"() ({
      %run_scoped3A = tpu.sem_alloc : memref<!tpu.dma_semaphore, #tpu.memory_space<semaphore_mem>>
      %dma_start3A = arith.constant 0 : i32
      %dma_start3A_88 = tpu.memref_slice %arg9[%add3A_20, %dma_start3A] : memref<10112x128xf32, #tpu.memory_space<vmem_shared>> -> memref<125x128xf32, #tpu.memory_space<vmem_shared>>
      %dma_start3A_89 = arith.constant 0 : i32
      %dma_start3A_90 = tpu.memref_slice %arg9[%add3A_20, %dma_start3A_89] : memref<10112x128xf32, #tpu.memory_space<vmem_shared>> -> memref<125x128xf32, #tpu.memory_space<vmem_shared>>
      tpu.enqueue_dma source(%arg8 : memref<125x128xf32, #tpu.memory_space<vmem>>) target(%dma_start3A_90 : memref<125x128xf32, #tpu.memory_space<vmem_shared>>) target_semaphore(%run_scoped3A : memref<!tpu.dma_semaphore, #tpu.memory_space<semaphore_mem>>)
      %dma_wait3A = arith.constant 0 : i32
      %dma_wait3A_91 = tpu.memref_slice %arg9[%add3A_20, %dma_wait3A] : memref<10112x128xf32, #tpu.memory_space<vmem_shared>> -> memref<125x128xf32, #tpu.memory_space<vmem_shared>>
      %dma_wait3A_92 = arith.constant 0 : i32
      %dma_wait3A_93 = tpu.memref_slice %arg9[%add3A_20, %dma_wait3A_92] : memref<10112x128xf32, #tpu.memory_space<vmem_shared>> -> memref<125x128xf32, #tpu.memory_space<vmem_shared>>
      tpu.wait_dma2 semaphore(%run_scoped3A : memref<!tpu.dma_semaphore, #tpu.memory_space<semaphore_mem>>) src(%arg8 : memref<125x128xf32, #tpu.memory_space<vmem>>) dst(%dma_wait3A_93 : memref<125x128xf32, #tpu.memory_space<vmem_shared>>)
      tpu.yield
    }) : () -> ()
    %mul3A_21 = arith.constant 632 : i32
    %mul3A_22 = arith.muli %arg1, %mul3A_21 : i32
    %add3A_23 = arith.constant 500 : i32
    %add3A_24 = arith.addi %mul3A_22, %add3A_23 : i32
    "tpu.region"() ({
      %run_scoped3A = tpu.sem_alloc : memref<!tpu.dma_semaphore, #tpu.memory_space<semaphore_mem>>
      %dma_start3A = arith.constant 0 : i32
      %dma_start3A_88 = tpu.memref_slice %arg9[%add3A_24, %dma_start3A] : memref<10112x128xf32, #tpu.memory_space<vmem_shared>> -> memref<125x128xf32, #tpu.memory_space<vmem_shared>>
      %dma_start3A_89 = arith.constant 0 : i32
      %dma_start3A_90 = tpu.memref_slice %arg9[%add3A_24, %dma_start3A_89] : memref<10112x128xf32, #tpu.memory_space<vmem_shared>> -> memref<125x128xf32, #tpu.memory_space<vmem_shared>>
      tpu.enqueue_dma source(%arg8 : memref<125x128xf32, #tpu.memory_space<vmem>>) target(%dma_start3A_90 : memref<125x128xf32, #tpu.memory_space<vmem_shared>>) target_semaphore(%run_scoped3A : memref<!tpu.dma_semaphore, #tpu.memory_space<semaphore_mem>>)
      %dma_wait3A = arith.constant 0 : i32
      %dma_wait3A_91 = tpu.memref_slice %arg9[%add3A_24, %dma_wait3A] : memref<10112x128xf32, #tpu.memory_space<vmem_shared>> -> memref<125x128xf32, #tpu.memory_space<vmem_shared>>
      %dma_wait3A_92 = arith.constant 0 : i32
      %dma_wait3A_93 = tpu.memref_slice %arg9[%add3A_24, %dma_wait3A_92] : memref<10112x128xf32, #tpu.memory_space<vmem_shared>> -> memref<125x128xf32, #tpu.memory_space<vmem_shared>>
      tpu.wait_dma2 semaphore(%run_scoped3A : memref<!tpu.dma_semaphore, #tpu.memory_space<semaphore_mem>>) src(%arg8 : memref<125x128xf32, #tpu.memory_space<vmem>>) dst(%dma_wait3A_93 : memref<125x128xf32, #tpu.memory_space<vmem_shared>>)
      tpu.yield
    }) : () -> ()
    %mul3A_25 = arith.constant 632 : i32
    %mul3A_26 = arith.muli %arg1, %mul3A_25 : i32
    %add3A_27 = arith.constant 632 : i32
    %add3A_28 = arith.addi %mul3A_26, %add3A_27 : i32
    %sub3A = arith.constant 7 : i32
    %sub3A_29 = arith.subi %add3A_28, %sub3A : i32
    "tpu.region"() ({
      %run_scoped3A = tpu.sem_alloc : memref<!tpu.dma_semaphore, #tpu.memory_space<semaphore_mem>>
      %dma_start3A = arith.constant 0 : i32
      %dma_start3A_88 = arith.constant 0 : i32
      %dma_start3A_89 = tpu.memref_slice %arg8[%dma_start3A, %dma_start3A_88] : memref<125x128xf32, #tpu.memory_space<vmem>> -> memref<7x128xf32, #tpu.memory_space<vmem>>
      %dma_start3A_90 = arith.constant 0 : i32
      %dma_start3A_91 = tpu.memref_slice %arg9[%sub3A_29, %dma_start3A_90] : memref<10112x128xf32, #tpu.memory_space<vmem_shared>> -> memref<7x128xf32, #tpu.memory_space<vmem_shared>>
      %dma_start3A_92 = arith.constant 0 : i32
      %dma_start3A_93 = tpu.memref_slice %arg9[%sub3A_29, %dma_start3A_92] : memref<10112x128xf32, #tpu.memory_space<vmem_shared>> -> memref<7x128xf32, #tpu.memory_space<vmem_shared>>
      %dma_start3A_94 = arith.constant 0 : i32
      %dma_start3A_95 = arith.constant 0 : i32
      %dma_start3A_96 = tpu.memref_slice %arg8[%dma_start3A_94, %dma_start3A_95] : memref<125x128xf32, #tpu.memory_space<vmem>> -> memref<7x128xf32, #tpu.memory_space<vmem>>
      tpu.enqueue_dma source(%dma_start3A_96 : memref<7x128xf32, #tpu.memory_space<vmem>>) target(%dma_start3A_93 : memref<7x128xf32, #tpu.memory_space<vmem_shared>>) target_semaphore(%run_scoped3A : memref<!tpu.dma_semaphore, #tpu.memory_space<semaphore_mem>>)
      %dma_wait3A = arith.constant 0 : i32
      %dma_wait3A_97 = arith.constant 0 : i32
      %dma_wait3A_98 = tpu.memref_slice %arg8[%dma_wait3A, %dma_wait3A_97] : memref<125x128xf32, #tpu.memory_space<vmem>> -> memref<7x128xf32, #tpu.memory_space<vmem>>
      %dma_wait3A_99 = arith.constant 0 : i32
      %dma_wait3A_100 = tpu.memref_slice %arg9[%sub3A_29, %dma_wait3A_99] : memref<10112x128xf32, #tpu.memory_space<vmem_shared>> -> memref<7x128xf32, #tpu.memory_space<vmem_shared>>
      %dma_wait3A_101 = arith.constant 0 : i32
      %dma_wait3A_102 = tpu.memref_slice %arg9[%sub3A_29, %dma_wait3A_101] : memref<10112x128xf32, #tpu.memory_space<vmem_shared>> -> memref<7x128xf32, #tpu.memory_space<vmem_shared>>
      %dma_wait3A_103 = arith.constant 0 : i32
      %dma_wait3A_104 = arith.constant 0 : i32
      %dma_wait3A_105 = tpu.memref_slice %arg8[%dma_wait3A_103, %dma_wait3A_104] : memref<125x128xf32, #tpu.memory_space<vmem>> -> memref<7x128xf32, #tpu.memory_space<vmem>>
      tpu.wait_dma2 semaphore(%run_scoped3A : memref<!tpu.dma_semaphore, #tpu.memory_space<semaphore_mem>>) src(%dma_wait3A_105 : memref<7x128xf32, #tpu.memory_space<vmem>>) dst(%dma_wait3A_102 : memref<7x128xf32, #tpu.memory_space<vmem_shared>>)
      tpu.yield
    }) : () -> ()
    %barrier3A = arith.constant 0 : index
    tpu.barrier barrier_id(%barrier3A)
    "tpu.region"() ({
      %run_scoped3A = tpu.sem_alloc : memref<!tpu.dma_semaphore, #tpu.memory_space<semaphore_mem>>
      %dma_start3A = arith.constant 0 : i32
      %dma_start3A_88 = arith.constant 0 : i32
      %dma_start3A_89 = tpu.memref_slice %arg3[%add3A, %dma_start3A, %dma_start3A_88] : memref<32x80x125xi32, #tpu.memory_space<hbm>> -> memref<1x80x125xi32, #tpu.memory_space<hbm>>
      %dma_start3A_90 = tpu.memref_squeeze %dma_start3A_89 : memref<1x80x125xi32, #tpu.memory_space<hbm>> -> memref<80x125xi32, #tpu.memory_space<hbm>>
      %dma_start3A_91 = arith.constant 0 : i32
      %dma_start3A_92 = arith.constant 0 : i32
      %dma_start3A_93 = tpu.memref_slice %arg3[%add3A, %dma_start3A_91, %dma_start3A_92] : memref<32x80x125xi32, #tpu.memory_space<hbm>> -> memref<1x80x125xi32, #tpu.memory_space<hbm>>
      %dma_start3A_94 = tpu.memref_squeeze %dma_start3A_93 : memref<1x80x125xi32, #tpu.memory_space<hbm>> -> memref<80x125xi32, #tpu.memory_space<hbm>>
      tpu.enqueue_dma source(%dma_start3A_94 : memref<80x125xi32, #tpu.memory_space<hbm>>) target(%arg6 : memref<80x125xi32, #tpu.memory_space<vmem>>) target_semaphore(%run_scoped3A : memref<!tpu.dma_semaphore, #tpu.memory_space<semaphore_mem>>)
      %dma_wait3A = arith.constant 0 : i32
      %dma_wait3A_95 = arith.constant 0 : i32
      %dma_wait3A_96 = tpu.memref_slice %arg3[%add3A, %dma_wait3A, %dma_wait3A_95] : memref<32x80x125xi32, #tpu.memory_space<hbm>> -> memref<1x80x125xi32, #tpu.memory_space<hbm>>
      %dma_wait3A_97 = tpu.memref_squeeze %dma_wait3A_96 : memref<1x80x125xi32, #tpu.memory_space<hbm>> -> memref<80x125xi32, #tpu.memory_space<hbm>>
      %dma_wait3A_98 = arith.constant 0 : i32
      %dma_wait3A_99 = arith.constant 0 : i32
      %dma_wait3A_100 = tpu.memref_slice %arg3[%add3A, %dma_wait3A_98, %dma_wait3A_99] : memref<32x80x125xi32, #tpu.memory_space<hbm>> -> memref<1x80x125xi32, #tpu.memory_space<hbm>>
      %dma_wait3A_101 = tpu.memref_squeeze %dma_wait3A_100 : memref<1x80x125xi32, #tpu.memory_space<hbm>> -> memref<80x125xi32, #tpu.memory_space<hbm>>
      tpu.wait_dma2 semaphore(%run_scoped3A : memref<!tpu.dma_semaphore, #tpu.memory_space<semaphore_mem>>) src(%dma_wait3A_101 : memref<80x125xi32, #tpu.memory_space<hbm>>) dst(%arg6 : memref<80x125xi32, #tpu.memory_space<vmem>>)
      tpu.yield
    }) : () -> ()
    "tpu.region"() ({
      %run_scoped3A = tpu.sem_alloc : memref<!tpu.dma_semaphore, #tpu.memory_space<semaphore_mem>>
      %dma_start3A = arith.constant 0 : i32
      %dma_start3A_88 = arith.constant 0 : i32
      %dma_start3A_89 = tpu.memref_slice %arg4[%add3A, %dma_start3A, %dma_start3A_88] : memref<32x80x125xi32, #tpu.memory_space<hbm>> -> memref<1x80x125xi32, #tpu.memory_space<hbm>>
      %dma_start3A_90 = tpu.memref_squeeze %dma_start3A_89 : memref<1x80x125xi32, #tpu.memory_space<hbm>> -> memref<80x125xi32, #tpu.memory_space<hbm>>
      %dma_start3A_91 = arith.constant 0 : i32
      %dma_start3A_92 = arith.constant 0 : i32
      %dma_start3A_93 = tpu.memref_slice %arg4[%add3A, %dma_start3A_91, %dma_start3A_92] : memref<32x80x125xi32, #tpu.memory_space<hbm>> -> memref<1x80x125xi32, #tpu.memory_space<hbm>>
      %dma_start3A_94 = tpu.memref_squeeze %dma_start3A_93 : memref<1x80x125xi32, #tpu.memory_space<hbm>> -> memref<80x125xi32, #tpu.memory_space<hbm>>
      tpu.enqueue_dma source(%dma_start3A_94 : memref<80x125xi32, #tpu.memory_space<hbm>>) target(%arg7 : memref<80x125xi32, #tpu.memory_space<vmem>>) target_semaphore(%run_scoped3A : memref<!tpu.dma_semaphore, #tpu.memory_space<semaphore_mem>>)
      %dma_wait3A = arith.constant 0 : i32
      %dma_wait3A_95 = arith.constant 0 : i32
      %dma_wait3A_96 = tpu.memref_slice %arg4[%add3A, %dma_wait3A, %dma_wait3A_95] : memref<32x80x125xi32, #tpu.memory_space<hbm>> -> memref<1x80x125xi32, #tpu.memory_space<hbm>>
      %dma_wait3A_97 = tpu.memref_squeeze %dma_wait3A_96 : memref<1x80x125xi32, #tpu.memory_space<hbm>> -> memref<80x125xi32, #tpu.memory_space<hbm>>
      %dma_wait3A_98 = arith.constant 0 : i32
      %dma_wait3A_99 = arith.constant 0 : i32
      %dma_wait3A_100 = tpu.memref_slice %arg4[%add3A, %dma_wait3A_98, %dma_wait3A_99] : memref<32x80x125xi32, #tpu.memory_space<hbm>> -> memref<1x80x125xi32, #tpu.memory_space<hbm>>
      %dma_wait3A_101 = tpu.memref_squeeze %dma_wait3A_100 : memref<1x80x125xi32, #tpu.memory_space<hbm>> -> memref<80x125xi32, #tpu.memory_space<hbm>>
      tpu.wait_dma2 semaphore(%run_scoped3A : memref<!tpu.dma_semaphore, #tpu.memory_space<semaphore_mem>>) src(%dma_wait3A_101 : memref<80x125xi32, #tpu.memory_space<hbm>>) dst(%arg7 : memref<80x125xi32, #tpu.memory_space<vmem>>)
      tpu.yield
    }) : () -> ()
    %scan3A_30 = arith.constant 0 : i32
    %scan3A_31 = arith.constant 80 : i32
    %scan3A_32 = arith.addi %scan3A_30, %scan3A_31 : i32
    %scan3A_33 = arith.constant 1 : i32
    scf.for %scan3A_88 = %scan3A_30 to %scan3A_32 step %scan3A_33  : i32 {
      %mul3A_89 = arith.constant 1 : i32
      %mul3A_90 = arith.muli %scan3A_88, %mul3A_89 : i32
      %add3A_91 = arith.constant 0 : i32
      %add3A_92 = arith.addi %add3A_91, %mul3A_90 : i32
      %dma_start3A = arith.constant 0 : i32
      %dma_start3A_93 = tpu.memref_slice %arg6[%add3A_92, %dma_start3A] : memref<80x125xi32, #tpu.memory_space<vmem>> -> memref<1x125xi32, #tpu.memory_space<vmem>>
      %dma_start3A_94 = tpu.memref_squeeze %dma_start3A_93 : memref<1x125xi32, #tpu.memory_space<vmem>> -> memref<125xi32, #tpu.memory_space<vmem>>
      %dma_start3A_95 = arith.constant 0 : i32
      %dma_start3A_96 = arith.constant 0 : i32
      %dma_start3A_97 = tpu.memref_slice %arg2[%dma_start3A_95, %dma_start3A_96] : memref<10000x128xf32, #tpu.memory_space<hbm>> -> memref<10000x128xf32, #tpu.memory_space<hbm>>
      tpu.enqueue_indirect_dma source(%dma_start3A_97 : memref<10000x128xf32, #tpu.memory_space<hbm>>) target(%arg8 : memref<125x128xf32, #tpu.memory_space<vmem>>) offsets(%dma_start3A_94 : memref<125xi32, #tpu.memory_space<vmem>>) semaphore(%arg10 : memref<!tpu.dma_semaphore, #tpu.memory_space<semaphore_mem>>)
      %dma_wait3A = arith.constant 0 : i32
      %dma_wait3A_98 = tpu.memref_slice %arg6[%add3A_92, %dma_wait3A] : memref<80x125xi32, #tpu.memory_space<vmem>> -> memref<1x125xi32, #tpu.memory_space<vmem>>
      %dma_wait3A_99 = tpu.memref_squeeze %dma_wait3A_98 : memref<1x125xi32, #tpu.memory_space<vmem>> -> memref<125xi32, #tpu.memory_space<vmem>>
      %dma_wait3A_100 = arith.constant 0 : i32
      %dma_wait3A_101 = arith.constant 0 : i32
      %dma_wait3A_102 = tpu.memref_slice %arg2[%dma_wait3A_100, %dma_wait3A_101] : memref<10000x128xf32, #tpu.memory_space<hbm>> -> memref<10000x128xf32, #tpu.memory_space<hbm>>
      tpu.wait_indirect_dma semaphore(%arg10 : memref<!tpu.dma_semaphore, #tpu.memory_space<semaphore_mem>>) src(%dma_wait3A_102 : memref<10000x128xf32, #tpu.memory_space<hbm>>) dst(%arg8 : memref<125x128xf32, #tpu.memory_space<vmem>>)
      "tpu.region"() ({
        %run_scoped3A = tpu.sem_alloc : memref<!tpu.dma_semaphore, #tpu.memory_space<semaphore_mem>>
        %dma_start3A_103 = arith.constant 0 : i32
        %dma_start3A_104 = tpu.memref_slice %arg7[%add3A_92, %dma_start3A_103] : memref<80x125xi32, #tpu.memory_space<vmem>> -> memref<1x125xi32, #tpu.memory_space<vmem>>
        %dma_start3A_105 = tpu.memref_squeeze %dma_start3A_104 : memref<1x125xi32, #tpu.memory_space<vmem>> -> memref<125xi32, #tpu.memory_space<vmem>>
        %dma_start3A_106 = arith.constant 0 : i32
        %dma_start3A_107 = arith.constant 0 : i32
        %dma_start3A_108 = tpu.memref_slice %arg9[%dma_start3A_106, %dma_start3A_107] : memref<10112x128xf32, #tpu.memory_space<vmem_shared>> -> memref<10112x128xf32, #tpu.memory_space<vmem_shared>>
        tpu.enqueue_indirect_dma source(%arg8 : memref<125x128xf32, #tpu.memory_space<vmem>>) target(%dma_start3A_108 : memref<10112x128xf32, #tpu.memory_space<vmem_shared>>) offsets(%dma_start3A_105 : memref<125xi32, #tpu.memory_space<vmem>>) semaphore(%run_scoped3A : memref<!tpu.dma_semaphore, #tpu.memory_space<semaphore_mem>>) {add = true}
        %dma_wait3A_109 = arith.constant 0 : i32
        %dma_wait3A_110 = tpu.memref_slice %arg7[%add3A_92, %dma_wait3A_109] : memref<80x125xi32, #tpu.memory_space<vmem>> -> memref<1x125xi32, #tpu.memory_space<vmem>>
        %dma_wait3A_111 = tpu.memref_squeeze %dma_wait3A_110 : memref<1x125xi32, #tpu.memory_space<vmem>> -> memref<125xi32, #tpu.memory_space<vmem>>
        %dma_wait3A_112 = arith.constant 0 : i32
        %dma_wait3A_113 = arith.constant 0 : i32
        %dma_wait3A_114 = tpu.memref_slice %arg9[%dma_wait3A_112, %dma_wait3A_113] : memref<10112x128xf32, #tpu.memory_space<vmem_shared>> -> memref<10112x128xf32, #tpu.memory_space<vmem_shared>>
        tpu.wait_indirect_dma semaphore(%run_scoped3A : memref<!tpu.dma_semaphore, #tpu.memory_space<semaphore_mem>>) src(%arg8 : memref<125x128xf32, #tpu.memory_space<vmem>>) dst(%dma_wait3A_114 : memref<10112x128xf32, #tpu.memory_space<vmem_shared>>)
        tpu.yield
      }) : () -> ()
    }
    %scan3A_34 = arith.constant 80 : i32
    %barrier3A_35 = arith.constant 0 : index
    tpu.barrier barrier_id(%barrier3A_35)
    %mul3A_36 = arith.constant 632 : i32
    %mul3A_37 = arith.muli %arg1, %mul3A_36 : i32
    %add3A_38 = arith.constant 0 : i32
    %add3A_39 = arith.addi %mul3A_37, %add3A_38 : i32
    "tpu.region"() ({
      %run_scoped3A = tpu.sem_alloc : memref<!tpu.dma_semaphore, #tpu.memory_space<semaphore_mem>>
      %dma_start3A = arith.constant 0 : i32
      %dma_start3A_88 = arith.constant 0 : i32
      %dma_start3A_89 = tpu.memref_slice %arg8[%dma_start3A, %dma_start3A_88] : memref<125x128xf32, #tpu.memory_space<vmem>> -> memref<120x128xf32, #tpu.memory_space<vmem>>
      %dma_start3A_90 = arith.constant 0 : i32
      %dma_start3A_91 = tpu.memref_slice %arg9[%add3A_39, %dma_start3A_90] : memref<10112x128xf32, #tpu.memory_space<vmem_shared>> -> memref<120x128xf32, #tpu.memory_space<vmem_shared>>
      %dma_start3A_92 = arith.constant 0 : i32
      %dma_start3A_93 = arith.constant 0 : i32
      %dma_start3A_94 = tpu.memref_slice %arg8[%dma_start3A_92, %dma_start3A_93] : memref<125x128xf32, #tpu.memory_space<vmem>> -> memref<120x128xf32, #tpu.memory_space<vmem>>
      %dma_start3A_95 = arith.constant 0 : i32
      %dma_start3A_96 = tpu.memref_slice %arg9[%add3A_39, %dma_start3A_95] : memref<10112x128xf32, #tpu.memory_space<vmem_shared>> -> memref<120x128xf32, #tpu.memory_space<vmem_shared>>
      tpu.enqueue_dma source(%dma_start3A_96 : memref<120x128xf32, #tpu.memory_space<vmem_shared>>) target(%dma_start3A_94 : memref<120x128xf32, #tpu.memory_space<vmem>>) target_semaphore(%run_scoped3A : memref<!tpu.dma_semaphore, #tpu.memory_space<semaphore_mem>>)
      %dma_wait3A = arith.constant 0 : i32
      %dma_wait3A_97 = arith.constant 0 : i32
      %dma_wait3A_98 = tpu.memref_slice %arg8[%dma_wait3A, %dma_wait3A_97] : memref<125x128xf32, #tpu.memory_space<vmem>> -> memref<120x128xf32, #tpu.memory_space<vmem>>
      %dma_wait3A_99 = arith.constant 0 : i32
      %dma_wait3A_100 = tpu.memref_slice %arg9[%add3A_39, %dma_wait3A_99] : memref<10112x128xf32, #tpu.memory_space<vmem_shared>> -> memref<120x128xf32, #tpu.memory_space<vmem_shared>>
      %dma_wait3A_101 = arith.constant 0 : i32
      %dma_wait3A_102 = arith.constant 0 : i32
      %dma_wait3A_103 = tpu.memref_slice %arg8[%dma_wait3A_101, %dma_wait3A_102] : memref<125x128xf32, #tpu.memory_space<vmem>> -> memref<120x128xf32, #tpu.memory_space<vmem>>
      %dma_wait3A_104 = arith.constant 0 : i32
      %dma_wait3A_105 = tpu.memref_slice %arg9[%add3A_39, %dma_wait3A_104] : memref<10112x128xf32, #tpu.memory_space<vmem_shared>> -> memref<120x128xf32, #tpu.memory_space<vmem_shared>>
      tpu.wait_dma2 semaphore(%run_scoped3A : memref<!tpu.dma_semaphore, #tpu.memory_space<semaphore_mem>>) src(%dma_wait3A_105 : memref<120x128xf32, #tpu.memory_space<vmem_shared>>) dst(%dma_wait3A_103 : memref<120x128xf32, #tpu.memory_space<vmem>>)
      tpu.yield
    }) : () -> ()
    %mul3A_40 = arith.constant 632 : i32
    %mul3A_41 = arith.muli %arg1, %mul3A_40 : i32
    %add3A_42 = arith.constant 0 : i32
    %add3A_43 = arith.addi %mul3A_41, %add3A_42 : i32
    "tpu.region"() ({
      %run_scoped3A = tpu.sem_alloc : memref<!tpu.dma_semaphore, #tpu.memory_space<semaphore_mem>>
      %dma_start3A = arith.constant 0 : i32
      %dma_start3A_88 = arith.constant 0 : i32
      %dma_start3A_89 = tpu.memref_slice %arg8[%dma_start3A, %dma_start3A_88] : memref<125x128xf32, #tpu.memory_space<vmem>> -> memref<120x128xf32, #tpu.memory_space<vmem>>
      %dma_start3A_90 = arith.constant 0 : i32
      %dma_start3A_91 = tpu.memref_slice %arg5[%arg0, %add3A_43, %dma_start3A_90] : memref<2x10112x128xf32, #tpu.memory_space<hbm>> -> memref<1x120x128xf32, #tpu.memory_space<hbm>>
      %dma_start3A_92 = tpu.memref_squeeze %dma_start3A_91 : memref<1x120x128xf32, #tpu.memory_space<hbm>> -> memref<120x128xf32, #tpu.memory_space<hbm>>
      %dma_start3A_93 = arith.constant 0 : i32
      %dma_start3A_94 = tpu.memref_slice %arg5[%arg0, %add3A_43, %dma_start3A_93] : memref<2x10112x128xf32, #tpu.memory_space<hbm>> -> memref<1x120x128xf32, #tpu.memory_space<hbm>>
      %dma_start3A_95 = tpu.memref_squeeze %dma_start3A_94 : memref<1x120x128xf32, #tpu.memory_space<hbm>> -> memref<120x128xf32, #tpu.memory_space<hbm>>
      %dma_start3A_96 = arith.constant 0 : i32
      %dma_start3A_97 = arith.constant 0 : i32
      %dma_start3A_98 = tpu.memref_slice %arg8[%dma_start3A_96, %dma_start3A_97] : memref<125x128xf32, #tpu.memory_space<vmem>> -> memref<120x128xf32, #tpu.memory_space<vmem>>
      tpu.enqueue_dma source(%dma_start3A_98 : memref<120x128xf32, #tpu.memory_space<vmem>>) target(%dma_start3A_95 : memref<120x128xf32, #tpu.memory_space<hbm>>) target_semaphore(%run_scoped3A : memref<!tpu.dma_semaphore, #tpu.memory_space<semaphore_mem>>)
      %dma_wait3A = arith.constant 0 : i32
      %dma_wait3A_99 = arith.constant 0 : i32
      %dma_wait3A_100 = tpu.memref_slice %arg8[%dma_wait3A, %dma_wait3A_99] : memref<125x128xf32, #tpu.memory_space<vmem>> -> memref<120x128xf32, #tpu.memory_space<vmem>>
      %dma_wait3A_101 = arith.constant 0 : i32
      %dma_wait3A_102 = tpu.memref_slice %arg5[%arg0, %add3A_43, %dma_wait3A_101] : memref<2x10112x128xf32, #tpu.memory_space<hbm>> -> memref<1x120x128xf32, #tpu.memory_space<hbm>>
      %dma_wait3A_103 = tpu.memref_squeeze %dma_wait3A_102 : memref<1x120x128xf32, #tpu.memory_space<hbm>> -> memref<120x128xf32, #tpu.memory_space<hbm>>
      %dma_wait3A_104 = arith.constant 0 : i32
      %dma_wait3A_105 = tpu.memref_slice %arg5[%arg0, %add3A_43, %dma_wait3A_104] : memref<2x10112x128xf32, #tpu.memory_space<hbm>> -> memref<1x120x128xf32, #tpu.memory_space<hbm>>
      %dma_wait3A_106 = tpu.memref_squeeze %dma_wait3A_105 : memref<1x120x128xf32, #tpu.memory_space<hbm>> -> memref<120x128xf32, #tpu.memory_space<hbm>>
      %dma_wait3A_107 = arith.constant 0 : i32
      %dma_wait3A_108 = arith.constant 0 : i32
      %dma_wait3A_109 = tpu.memref_slice %arg8[%dma_wait3A_107, %dma_wait3A_108] : memref<125x128xf32, #tpu.memory_space<vmem>> -> memref<120x128xf32, #tpu.memory_space<vmem>>
      tpu.wait_dma2 semaphore(%run_scoped3A : memref<!tpu.dma_semaphore, #tpu.memory_space<semaphore_mem>>) src(%dma_wait3A_109 : memref<120x128xf32, #tpu.memory_space<vmem>>) dst(%dma_wait3A_106 : memref<120x128xf32, #tpu.memory_space<hbm>>)
      tpu.yield
    }) : () -> ()
    %mul3A_44 = arith.constant 632 : i32
    %mul3A_45 = arith.muli %arg1, %mul3A_44 : i32
    %add3A_46 = arith.constant 120 : i32
    %add3A_47 = arith.addi %mul3A_45, %add3A_46 : i32
    "tpu.region"() ({
      %run_scoped3A = tpu.sem_alloc : memref<!tpu.dma_semaphore, #tpu.memory_space<semaphore_mem>>
      %dma_start3A = arith.constant 0 : i32
      %dma_start3A_88 = arith.constant 0 : i32
      %dma_start3A_89 = tpu.memref_slice %arg8[%dma_start3A, %dma_start3A_88] : memref<125x128xf32, #tpu.memory_space<vmem>> -> memref<120x128xf32, #tpu.memory_space<vmem>>
      %dma_start3A_90 = arith.constant 0 : i32
      %dma_start3A_91 = tpu.memref_slice %arg9[%add3A_47, %dma_start3A_90] : memref<10112x128xf32, #tpu.memory_space<vmem_shared>> -> memref<120x128xf32, #tpu.memory_space<vmem_shared>>
      %dma_start3A_92 = arith.constant 0 : i32
      %dma_start3A_93 = arith.constant 0 : i32
      %dma_start3A_94 = tpu.memref_slice %arg8[%dma_start3A_92, %dma_start3A_93] : memref<125x128xf32, #tpu.memory_space<vmem>> -> memref<120x128xf32, #tpu.memory_space<vmem>>
      %dma_start3A_95 = arith.constant 0 : i32
      %dma_start3A_96 = tpu.memref_slice %arg9[%add3A_47, %dma_start3A_95] : memref<10112x128xf32, #tpu.memory_space<vmem_shared>> -> memref<120x128xf32, #tpu.memory_space<vmem_shared>>
      tpu.enqueue_dma source(%dma_start3A_96 : memref<120x128xf32, #tpu.memory_space<vmem_shared>>) target(%dma_start3A_94 : memref<120x128xf32, #tpu.memory_space<vmem>>) target_semaphore(%run_scoped3A : memref<!tpu.dma_semaphore, #tpu.memory_space<semaphore_mem>>)
      %dma_wait3A = arith.constant 0 : i32
      %dma_wait3A_97 = arith.constant 0 : i32
      %dma_wait3A_98 = tpu.memref_slice %arg8[%dma_wait3A, %dma_wait3A_97] : memref<125x128xf32, #tpu.memory_space<vmem>> -> memref<120x128xf32, #tpu.memory_space<vmem>>
      %dma_wait3A_99 = arith.constant 0 : i32
      %dma_wait3A_100 = tpu.memref_slice %arg9[%add3A_47, %dma_wait3A_99] : memref<10112x128xf32, #tpu.memory_space<vmem_shared>> -> memref<120x128xf32, #tpu.memory_space<vmem_shared>>
      %dma_wait3A_101 = arith.constant 0 : i32
      %dma_wait3A_102 = arith.constant 0 : i32
      %dma_wait3A_103 = tpu.memref_slice %arg8[%dma_wait3A_101, %dma_wait3A_102] : memref<125x128xf32, #tpu.memory_space<vmem>> -> memref<120x128xf32, #tpu.memory_space<vmem>>
      %dma_wait3A_104 = arith.constant 0 : i32
      %dma_wait3A_105 = tpu.memref_slice %arg9[%add3A_47, %dma_wait3A_104] : memref<10112x128xf32, #tpu.memory_space<vmem_shared>> -> memref<120x128xf32, #tpu.memory_space<vmem_shared>>
      tpu.wait_dma2 semaphore(%run_scoped3A : memref<!tpu.dma_semaphore, #tpu.memory_space<semaphore_mem>>) src(%dma_wait3A_105 : memref<120x128xf32, #tpu.memory_space<vmem_shared>>) dst(%dma_wait3A_103 : memref<120x128xf32, #tpu.memory_space<vmem>>)
      tpu.yield
    }) : () -> ()
    %mul3A_48 = arith.constant 632 : i32
    %mul3A_49 = arith.muli %arg1, %mul3A_48 : i32
    %add3A_50 = arith.constant 120 : i32
    %add3A_51 = arith.addi %mul3A_49, %add3A_50 : i32
    "tpu.region"() ({
      %run_scoped3A = tpu.sem_alloc : memref<!tpu.dma_semaphore, #tpu.memory_space<semaphore_mem>>
      %dma_start3A = arith.constant 0 : i32
      %dma_start3A_88 = arith.constant 0 : i32
      %dma_start3A_89 = tpu.memref_slice %arg8[%dma_start3A, %dma_start3A_88] : memref<125x128xf32, #tpu.memory_space<vmem>> -> memref<120x128xf32, #tpu.memory_space<vmem>>
      %dma_start3A_90 = arith.constant 0 : i32
      %dma_start3A_91 = tpu.memref_slice %arg5[%arg0, %add3A_51, %dma_start3A_90] : memref<2x10112x128xf32, #tpu.memory_space<hbm>> -> memref<1x120x128xf32, #tpu.memory_space<hbm>>
      %dma_start3A_92 = tpu.memref_squeeze %dma_start3A_91 : memref<1x120x128xf32, #tpu.memory_space<hbm>> -> memref<120x128xf32, #tpu.memory_space<hbm>>
      %dma_start3A_93 = arith.constant 0 : i32
      %dma_start3A_94 = tpu.memref_slice %arg5[%arg0, %add3A_51, %dma_start3A_93] : memref<2x10112x128xf32, #tpu.memory_space<hbm>> -> memref<1x120x128xf32, #tpu.memory_space<hbm>>
      %dma_start3A_95 = tpu.memref_squeeze %dma_start3A_94 : memref<1x120x128xf32, #tpu.memory_space<hbm>> -> memref<120x128xf32, #tpu.memory_space<hbm>>
      %dma_start3A_96 = arith.constant 0 : i32
      %dma_start3A_97 = arith.constant 0 : i32
      %dma_start3A_98 = tpu.memref_slice %arg8[%dma_start3A_96, %dma_start3A_97] : memref<125x128xf32, #tpu.memory_space<vmem>> -> memref<120x128xf32, #tpu.memory_space<vmem>>
      tpu.enqueue_dma source(%dma_start3A_98 : memref<120x128xf32, #tpu.memory_space<vmem>>) target(%dma_start3A_95 : memref<120x128xf32, #tpu.memory_space<hbm>>) target_semaphore(%run_scoped3A : memref<!tpu.dma_semaphore, #tpu.memory_space<semaphore_mem>>)
      %dma_wait3A = arith.constant 0 : i32
      %dma_wait3A_99 = arith.constant 0 : i32
      %dma_wait3A_100 = tpu.memref_slice %arg8[%dma_wait3A, %dma_wait3A_99] : memref<125x128xf32, #tpu.memory_space<vmem>> -> memref<120x128xf32, #tpu.memory_space<vmem>>
      %dma_wait3A_101 = arith.constant 0 : i32
      %dma_wait3A_102 = tpu.memref_slice %arg5[%arg0, %add3A_51, %dma_wait3A_101] : memref<2x10112x128xf32, #tpu.memory_space<hbm>> -> memref<1x120x128xf32, #tpu.memory_space<hbm>>
      %dma_wait3A_103 = tpu.memref_squeeze %dma_wait3A_102 : memref<1x120x128xf32, #tpu.memory_space<hbm>> -> memref<120x128xf32, #tpu.memory_space<hbm>>
      %dma_wait3A_104 = arith.constant 0 : i32
      %dma_wait3A_105 = tpu.memref_slice %arg5[%arg0, %add3A_51, %dma_wait3A_104] : memref<2x10112x128xf32, #tpu.memory_space<hbm>> -> memref<1x120x128xf32, #tpu.memory_space<hbm>>
      %dma_wait3A_106 = tpu.memref_squeeze %dma_wait3A_105 : memref<1x120x128xf32, #tpu.memory_space<hbm>> -> memref<120x128xf32, #tpu.memory_space<hbm>>
      %dma_wait3A_107 = arith.constant 0 : i32
      %dma_wait3A_108 = arith.constant 0 : i32
      %dma_wait3A_109 = tpu.memref_slice %arg8[%dma_wait3A_107, %dma_wait3A_108] : memref<125x128xf32, #tpu.memory_space<vmem>> -> memref<120x128xf32, #tpu.memory_space<vmem>>
      tpu.wait_dma2 semaphore(%run_scoped3A : memref<!tpu.dma_semaphore, #tpu.memory_space<semaphore_mem>>) src(%dma_wait3A_109 : memref<120x128xf32, #tpu.memory_space<vmem>>) dst(%dma_wait3A_106 : memref<120x128xf32, #tpu.memory_space<hbm>>)
      tpu.yield
    }) : () -> ()
    %mul3A_52 = arith.constant 632 : i32
    %mul3A_53 = arith.muli %arg1, %mul3A_52 : i32
    %add3A_54 = arith.constant 240 : i32
    %add3A_55 = arith.addi %mul3A_53, %add3A_54 : i32
    "tpu.region"() ({
      %run_scoped3A = tpu.sem_alloc : memref<!tpu.dma_semaphore, #tpu.memory_space<semaphore_mem>>
      %dma_start3A = arith.constant 0 : i32
      %dma_start3A_88 = arith.constant 0 : i32
      %dma_start3A_89 = tpu.memref_slice %arg8[%dma_start3A, %dma_start3A_88] : memref<125x128xf32, #tpu.memory_space<vmem>> -> memref<120x128xf32, #tpu.memory_space<vmem>>
      %dma_start3A_90 = arith.constant 0 : i32
      %dma_start3A_91 = tpu.memref_slice %arg9[%add3A_55, %dma_start3A_90] : memref<10112x128xf32, #tpu.memory_space<vmem_shared>> -> memref<120x128xf32, #tpu.memory_space<vmem_shared>>
      %dma_start3A_92 = arith.constant 0 : i32
      %dma_start3A_93 = arith.constant 0 : i32
      %dma_start3A_94 = tpu.memref_slice %arg8[%dma_start3A_92, %dma_start3A_93] : memref<125x128xf32, #tpu.memory_space<vmem>> -> memref<120x128xf32, #tpu.memory_space<vmem>>
      %dma_start3A_95 = arith.constant 0 : i32
      %dma_start3A_96 = tpu.memref_slice %arg9[%add3A_55, %dma_start3A_95] : memref<10112x128xf32, #tpu.memory_space<vmem_shared>> -> memref<120x128xf32, #tpu.memory_space<vmem_shared>>
      tpu.enqueue_dma source(%dma_start3A_96 : memref<120x128xf32, #tpu.memory_space<vmem_shared>>) target(%dma_start3A_94 : memref<120x128xf32, #tpu.memory_space<vmem>>) target_semaphore(%run_scoped3A : memref<!tpu.dma_semaphore, #tpu.memory_space<semaphore_mem>>)
      %dma_wait3A = arith.constant 0 : i32
      %dma_wait3A_97 = arith.constant 0 : i32
      %dma_wait3A_98 = tpu.memref_slice %arg8[%dma_wait3A, %dma_wait3A_97] : memref<125x128xf32, #tpu.memory_space<vmem>> -> memref<120x128xf32, #tpu.memory_space<vmem>>
      %dma_wait3A_99 = arith.constant 0 : i32
      %dma_wait3A_100 = tpu.memref_slice %arg9[%add3A_55, %dma_wait3A_99] : memref<10112x128xf32, #tpu.memory_space<vmem_shared>> -> memref<120x128xf32, #tpu.memory_space<vmem_shared>>
      %dma_wait3A_101 = arith.constant 0 : i32
      %dma_wait3A_102 = arith.constant 0 : i32
      %dma_wait3A_103 = tpu.memref_slice %arg8[%dma_wait3A_101, %dma_wait3A_102] : memref<125x128xf32, #tpu.memory_space<vmem>> -> memref<120x128xf32, #tpu.memory_space<vmem>>
      %dma_wait3A_104 = arith.constant 0 : i32
      %dma_wait3A_105 = tpu.memref_slice %arg9[%add3A_55, %dma_wait3A_104] : memref<10112x128xf32, #tpu.memory_space<vmem_shared>> -> memref<120x128xf32, #tpu.memory_space<vmem_shared>>
      tpu.wait_dma2 semaphore(%run_scoped3A : memref<!tpu.dma_semaphore, #tpu.memory_space<semaphore_mem>>) src(%dma_wait3A_105 : memref<120x128xf32, #tpu.memory_space<vmem_shared>>) dst(%dma_wait3A_103 : memref<120x128xf32, #tpu.memory_space<vmem>>)
      tpu.yield
    }) : () -> ()
    %mul3A_56 = arith.constant 632 : i32
    %mul3A_57 = arith.muli %arg1, %mul3A_56 : i32
    %add3A_58 = arith.constant 240 : i32
    %add3A_59 = arith.addi %mul3A_57, %add3A_58 : i32
    "tpu.region"() ({
      %run_scoped3A = tpu.sem_alloc : memref<!tpu.dma_semaphore, #tpu.memory_space<semaphore_mem>>
      %dma_start3A = arith.constant 0 : i32
      %dma_start3A_88 = arith.constant 0 : i32
      %dma_start3A_89 = tpu.memref_slice %arg8[%dma_start3A, %dma_start3A_88] : memref<125x128xf32, #tpu.memory_space<vmem>> -> memref<120x128xf32, #tpu.memory_space<vmem>>
      %dma_start3A_90 = arith.constant 0 : i32
      %dma_start3A_91 = tpu.memref_slice %arg5[%arg0, %add3A_59, %dma_start3A_90] : memref<2x10112x128xf32, #tpu.memory_space<hbm>> -> memref<1x120x128xf32, #tpu.memory_space<hbm>>
      %dma_start3A_92 = tpu.memref_squeeze %dma_start3A_91 : memref<1x120x128xf32, #tpu.memory_space<hbm>> -> memref<120x128xf32, #tpu.memory_space<hbm>>
      %dma_start3A_93 = arith.constant 0 : i32
      %dma_start3A_94 = tpu.memref_slice %arg5[%arg0, %add3A_59, %dma_start3A_93] : memref<2x10112x128xf32, #tpu.memory_space<hbm>> -> memref<1x120x128xf32, #tpu.memory_space<hbm>>
      %dma_start3A_95 = tpu.memref_squeeze %dma_start3A_94 : memref<1x120x128xf32, #tpu.memory_space<hbm>> -> memref<120x128xf32, #tpu.memory_space<hbm>>
      %dma_start3A_96 = arith.constant 0 : i32
      %dma_start3A_97 = arith.constant 0 : i32
      %dma_start3A_98 = tpu.memref_slice %arg8[%dma_start3A_96, %dma_start3A_97] : memref<125x128xf32, #tpu.memory_space<vmem>> -> memref<120x128xf32, #tpu.memory_space<vmem>>
      tpu.enqueue_dma source(%dma_start3A_98 : memref<120x128xf32, #tpu.memory_space<vmem>>) target(%dma_start3A_95 : memref<120x128xf32, #tpu.memory_space<hbm>>) target_semaphore(%run_scoped3A : memref<!tpu.dma_semaphore, #tpu.memory_space<semaphore_mem>>)
      %dma_wait3A = arith.constant 0 : i32
      %dma_wait3A_99 = arith.constant 0 : i32
      %dma_wait3A_100 = tpu.memref_slice %arg8[%dma_wait3A, %dma_wait3A_99] : memref<125x128xf32, #tpu.memory_space<vmem>> -> memref<120x128xf32, #tpu.memory_space<vmem>>
      %dma_wait3A_101 = arith.constant 0 : i32
      %dma_wait3A_102 = tpu.memref_slice %arg5[%arg0, %add3A_59, %dma_wait3A_101] : memref<2x10112x128xf32, #tpu.memory_space<hbm>> -> memref<1x120x128xf32, #tpu.memory_space<hbm>>
      %dma_wait3A_103 = tpu.memref_squeeze %dma_wait3A_102 : memref<1x120x128xf32, #tpu.memory_space<hbm>> -> memref<120x128xf32, #tpu.memory_space<hbm>>
      %dma_wait3A_104 = arith.constant 0 : i32
      %dma_wait3A_105 = tpu.memref_slice %arg5[%arg0, %add3A_59, %dma_wait3A_104] : memref<2x10112x128xf32, #tpu.memory_space<hbm>> -> memref<1x120x128xf32, #tpu.memory_space<hbm>>
      %dma_wait3A_106 = tpu.memref_squeeze %dma_wait3A_105 : memref<1x120x128xf32, #tpu.memory_space<hbm>> -> memref<120x128xf32, #tpu.memory_space<hbm>>
      %dma_wait3A_107 = arith.constant 0 : i32
      %dma_wait3A_108 = arith.constant 0 : i32
      %dma_wait3A_109 = tpu.memref_slice %arg8[%dma_wait3A_107, %dma_wait3A_108] : memref<125x128xf32, #tpu.memory_space<vmem>> -> memref<120x128xf32, #tpu.memory_space<vmem>>
      tpu.wait_dma2 semaphore(%run_scoped3A : memref<!tpu.dma_semaphore, #tpu.memory_space<semaphore_mem>>) src(%dma_wait3A_109 : memref<120x128xf32, #tpu.memory_space<vmem>>) dst(%dma_wait3A_106 : memref<120x128xf32, #tpu.memory_space<hbm>>)
      tpu.yield
    }) : () -> ()
    %mul3A_60 = arith.constant 632 : i32
    %mul3A_61 = arith.muli %arg1, %mul3A_60 : i32
    %add3A_62 = arith.constant 360 : i32
    %add3A_63 = arith.addi %mul3A_61, %add3A_62 : i32
    "tpu.region"() ({
      %run_scoped3A = tpu.sem_alloc : memref<!tpu.dma_semaphore, #tpu.memory_space<semaphore_mem>>
      %dma_start3A = arith.constant 0 : i32
      %dma_start3A_88 = arith.constant 0 : i32
      %dma_start3A_89 = tpu.memref_slice %arg8[%dma_start3A, %dma_start3A_88] : memref<125x128xf32, #tpu.memory_space<vmem>> -> memref<120x128xf32, #tpu.memory_space<vmem>>
      %dma_start3A_90 = arith.constant 0 : i32
      %dma_start3A_91 = tpu.memref_slice %arg9[%add3A_63, %dma_start3A_90] : memref<10112x128xf32, #tpu.memory_space<vmem_shared>> -> memref<120x128xf32, #tpu.memory_space<vmem_shared>>
      %dma_start3A_92 = arith.constant 0 : i32
      %dma_start3A_93 = arith.constant 0 : i32
      %dma_start3A_94 = tpu.memref_slice %arg8[%dma_start3A_92, %dma_start3A_93] : memref<125x128xf32, #tpu.memory_space<vmem>> -> memref<120x128xf32, #tpu.memory_space<vmem>>
      %dma_start3A_95 = arith.constant 0 : i32
      %dma_start3A_96 = tpu.memref_slice %arg9[%add3A_63, %dma_start3A_95] : memref<10112x128xf32, #tpu.memory_space<vmem_shared>> -> memref<120x128xf32, #tpu.memory_space<vmem_shared>>
      tpu.enqueue_dma source(%dma_start3A_96 : memref<120x128xf32, #tpu.memory_space<vmem_shared>>) target(%dma_start3A_94 : memref<120x128xf32, #tpu.memory_space<vmem>>) target_semaphore(%run_scoped3A : memref<!tpu.dma_semaphore, #tpu.memory_space<semaphore_mem>>)
      %dma_wait3A = arith.constant 0 : i32
      %dma_wait3A_97 = arith.constant 0 : i32
      %dma_wait3A_98 = tpu.memref_slice %arg8[%dma_wait3A, %dma_wait3A_97] : memref<125x128xf32, #tpu.memory_space<vmem>> -> memref<120x128xf32, #tpu.memory_space<vmem>>
      %dma_wait3A_99 = arith.constant 0 : i32
      %dma_wait3A_100 = tpu.memref_slice %arg9[%add3A_63, %dma_wait3A_99] : memref<10112x128xf32, #tpu.memory_space<vmem_shared>> -> memref<120x128xf32, #tpu.memory_space<vmem_shared>>
      %dma_wait3A_101 = arith.constant 0 : i32
      %dma_wait3A_102 = arith.constant 0 : i32
      %dma_wait3A_103 = tpu.memref_slice %arg8[%dma_wait3A_101, %dma_wait3A_102] : memref<125x128xf32, #tpu.memory_space<vmem>> -> memref<120x128xf32, #tpu.memory_space<vmem>>
      %dma_wait3A_104 = arith.constant 0 : i32
      %dma_wait3A_105 = tpu.memref_slice %arg9[%add3A_63, %dma_wait3A_104] : memref<10112x128xf32, #tpu.memory_space<vmem_shared>> -> memref<120x128xf32, #tpu.memory_space<vmem_shared>>
      tpu.wait_dma2 semaphore(%run_scoped3A : memref<!tpu.dma_semaphore, #tpu.memory_space<semaphore_mem>>) src(%dma_wait3A_105 : memref<120x128xf32, #tpu.memory_space<vmem_shared>>) dst(%dma_wait3A_103 : memref<120x128xf32, #tpu.memory_space<vmem>>)
      tpu.yield
    }) : () -> ()
    %mul3A_64 = arith.constant 632 : i32
    %mul3A_65 = arith.muli %arg1, %mul3A_64 : i32
    %add3A_66 = arith.constant 360 : i32
    %add3A_67 = arith.addi %mul3A_65, %add3A_66 : i32
    "tpu.region"() ({
      %run_scoped3A = tpu.sem_alloc : memref<!tpu.dma_semaphore, #tpu.memory_space<semaphore_mem>>
      %dma_start3A = arith.constant 0 : i32
      %dma_start3A_88 = arith.constant 0 : i32
      %dma_start3A_89 = tpu.memref_slice %arg8[%dma_start3A, %dma_start3A_88] : memref<125x128xf32, #tpu.memory_space<vmem>> -> memref<120x128xf32, #tpu.memory_space<vmem>>
      %dma_start3A_90 = arith.constant 0 : i32
      %dma_start3A_91 = tpu.memref_slice %arg5[%arg0, %add3A_67, %dma_start3A_90] : memref<2x10112x128xf32, #tpu.memory_space<hbm>> -> memref<1x120x128xf32, #tpu.memory_space<hbm>>
      %dma_start3A_92 = tpu.memref_squeeze %dma_start3A_91 : memref<1x120x128xf32, #tpu.memory_space<hbm>> -> memref<120x128xf32, #tpu.memory_space<hbm>>
      %dma_start3A_93 = arith.constant 0 : i32
      %dma_start3A_94 = tpu.memref_slice %arg5[%arg0, %add3A_67, %dma_start3A_93] : memref<2x10112x128xf32, #tpu.memory_space<hbm>> -> memref<1x120x128xf32, #tpu.memory_space<hbm>>
      %dma_start3A_95 = tpu.memref_squeeze %dma_start3A_94 : memref<1x120x128xf32, #tpu.memory_space<hbm>> -> memref<120x128xf32, #tpu.memory_space<hbm>>
      %dma_start3A_96 = arith.constant 0 : i32
      %dma_start3A_97 = arith.constant 0 : i32
      %dma_start3A_98 = tpu.memref_slice %arg8[%dma_start3A_96, %dma_start3A_97] : memref<125x128xf32, #tpu.memory_space<vmem>> -> memref<120x128xf32, #tpu.memory_space<vmem>>
      tpu.enqueue_dma source(%dma_start3A_98 : memref<120x128xf32, #tpu.memory_space<vmem>>) target(%dma_start3A_95 : memref<120x128xf32, #tpu.memory_space<hbm>>) target_semaphore(%run_scoped3A : memref<!tpu.dma_semaphore, #tpu.memory_space<semaphore_mem>>)
      %dma_wait3A = arith.constant 0 : i32
      %dma_wait3A_99 = arith.constant 0 : i32
      %dma_wait3A_100 = tpu.memref_slice %arg8[%dma_wait3A, %dma_wait3A_99] : memref<125x128xf32, #tpu.memory_space<vmem>> -> memref<120x128xf32, #tpu.memory_space<vmem>>
      %dma_wait3A_101 = arith.constant 0 : i32
      %dma_wait3A_102 = tpu.memref_slice %arg5[%arg0, %add3A_67, %dma_wait3A_101] : memref<2x10112x128xf32, #tpu.memory_space<hbm>> -> memref<1x120x128xf32, #tpu.memory_space<hbm>>
      %dma_wait3A_103 = tpu.memref_squeeze %dma_wait3A_102 : memref<1x120x128xf32, #tpu.memory_space<hbm>> -> memref<120x128xf32, #tpu.memory_space<hbm>>
      %dma_wait3A_104 = arith.constant 0 : i32
      %dma_wait3A_105 = tpu.memref_slice %arg5[%arg0, %add3A_67, %dma_wait3A_104] : memref<2x10112x128xf32, #tpu.memory_space<hbm>> -> memref<1x120x128xf32, #tpu.memory_space<hbm>>
      %dma_wait3A_106 = tpu.memref_squeeze %dma_wait3A_105 : memref<1x120x128xf32, #tpu.memory_space<hbm>> -> memref<120x128xf32, #tpu.memory_space<hbm>>
      %dma_wait3A_107 = arith.constant 0 : i32
      %dma_wait3A_108 = arith.constant 0 : i32
      %dma_wait3A_109 = tpu.memref_slice %arg8[%dma_wait3A_107, %dma_wait3A_108] : memref<125x128xf32, #tpu.memory_space<vmem>> -> memref<120x128xf32, #tpu.memory_space<vmem>>
      tpu.wait_dma2 semaphore(%run_scoped3A : memref<!tpu.dma_semaphore, #tpu.memory_space<semaphore_mem>>) src(%dma_wait3A_109 : memref<120x128xf32, #tpu.memory_space<vmem>>) dst(%dma_wait3A_106 : memref<120x128xf32, #tpu.memory_space<hbm>>)
      tpu.yield
    }) : () -> ()
    %mul3A_68 = arith.constant 632 : i32
    %mul3A_69 = arith.muli %arg1, %mul3A_68 : i32
    %add3A_70 = arith.constant 480 : i32
    %add3A_71 = arith.addi %mul3A_69, %add3A_70 : i32
    "tpu.region"() ({
      %run_scoped3A = tpu.sem_alloc : memref<!tpu.dma_semaphore, #tpu.memory_space<semaphore_mem>>
      %dma_start3A = arith.constant 0 : i32
      %dma_start3A_88 = arith.constant 0 : i32
      %dma_start3A_89 = tpu.memref_slice %arg8[%dma_start3A, %dma_start3A_88] : memref<125x128xf32, #tpu.memory_space<vmem>> -> memref<120x128xf32, #tpu.memory_space<vmem>>
      %dma_start3A_90 = arith.constant 0 : i32
      %dma_start3A_91 = tpu.memref_slice %arg9[%add3A_71, %dma_start3A_90] : memref<10112x128xf32, #tpu.memory_space<vmem_shared>> -> memref<120x128xf32, #tpu.memory_space<vmem_shared>>
      %dma_start3A_92 = arith.constant 0 : i32
      %dma_start3A_93 = arith.constant 0 : i32
      %dma_start3A_94 = tpu.memref_slice %arg8[%dma_start3A_92, %dma_start3A_93] : memref<125x128xf32, #tpu.memory_space<vmem>> -> memref<120x128xf32, #tpu.memory_space<vmem>>
      %dma_start3A_95 = arith.constant 0 : i32
      %dma_start3A_96 = tpu.memref_slice %arg9[%add3A_71, %dma_start3A_95] : memref<10112x128xf32, #tpu.memory_space<vmem_shared>> -> memref<120x128xf32, #tpu.memory_space<vmem_shared>>
      tpu.enqueue_dma source(%dma_start3A_96 : memref<120x128xf32, #tpu.memory_space<vmem_shared>>) target(%dma_start3A_94 : memref<120x128xf32, #tpu.memory_space<vmem>>) target_semaphore(%run_scoped3A : memref<!tpu.dma_semaphore, #tpu.memory_space<semaphore_mem>>)
      %dma_wait3A = arith.constant 0 : i32
      %dma_wait3A_97 = arith.constant 0 : i32
      %dma_wait3A_98 = tpu.memref_slice %arg8[%dma_wait3A, %dma_wait3A_97] : memref<125x128xf32, #tpu.memory_space<vmem>> -> memref<120x128xf32, #tpu.memory_space<vmem>>
      %dma_wait3A_99 = arith.constant 0 : i32
      %dma_wait3A_100 = tpu.memref_slice %arg9[%add3A_71, %dma_wait3A_99] : memref<10112x128xf32, #tpu.memory_space<vmem_shared>> -> memref<120x128xf32, #tpu.memory_space<vmem_shared>>
      %dma_wait3A_101 = arith.constant 0 : i32
      %dma_wait3A_102 = arith.constant 0 : i32
      %dma_wait3A_103 = tpu.memref_slice %arg8[%dma_wait3A_101, %dma_wait3A_102] : memref<125x128xf32, #tpu.memory_space<vmem>> -> memref<120x128xf32, #tpu.memory_space<vmem>>
      %dma_wait3A_104 = arith.constant 0 : i32
      %dma_wait3A_105 = tpu.memref_slice %arg9[%add3A_71, %dma_wait3A_104] : memref<10112x128xf32, #tpu.memory_space<vmem_shared>> -> memref<120x128xf32, #tpu.memory_space<vmem_shared>>
      tpu.wait_dma2 semaphore(%run_scoped3A : memref<!tpu.dma_semaphore, #tpu.memory_space<semaphore_mem>>) src(%dma_wait3A_105 : memref<120x128xf32, #tpu.memory_space<vmem_shared>>) dst(%dma_wait3A_103 : memref<120x128xf32, #tpu.memory_space<vmem>>)
      tpu.yield
    }) : () -> ()
    %mul3A_72 = arith.constant 632 : i32
    %mul3A_73 = arith.muli %arg1, %mul3A_72 : i32
    %add3A_74 = arith.constant 480 : i32
    %add3A_75 = arith.addi %mul3A_73, %add3A_74 : i32
    "tpu.region"() ({
      %run_scoped3A = tpu.sem_alloc : memref<!tpu.dma_semaphore, #tpu.memory_space<semaphore_mem>>
      %dma_start3A = arith.constant 0 : i32
      %dma_start3A_88 = arith.constant 0 : i32
      %dma_start3A_89 = tpu.memref_slice %arg8[%dma_start3A, %dma_start3A_88] : memref<125x128xf32, #tpu.memory_space<vmem>> -> memref<120x128xf32, #tpu.memory_space<vmem>>
      %dma_start3A_90 = arith.constant 0 : i32
      %dma_start3A_91 = tpu.memref_slice %arg5[%arg0, %add3A_75, %dma_start3A_90] : memref<2x10112x128xf32, #tpu.memory_space<hbm>> -> memref<1x120x128xf32, #tpu.memory_space<hbm>>
      %dma_start3A_92 = tpu.memref_squeeze %dma_start3A_91 : memref<1x120x128xf32, #tpu.memory_space<hbm>> -> memref<120x128xf32, #tpu.memory_space<hbm>>
      %dma_start3A_93 = arith.constant 0 : i32
      %dma_start3A_94 = tpu.memref_slice %arg5[%arg0, %add3A_75, %dma_start3A_93] : memref<2x10112x128xf32, #tpu.memory_space<hbm>> -> memref<1x120x128xf32, #tpu.memory_space<hbm>>
      %dma_start3A_95 = tpu.memref_squeeze %dma_start3A_94 : memref<1x120x128xf32, #tpu.memory_space<hbm>> -> memref<120x128xf32, #tpu.memory_space<hbm>>
      %dma_start3A_96 = arith.constant 0 : i32
      %dma_start3A_97 = arith.constant 0 : i32
      %dma_start3A_98 = tpu.memref_slice %arg8[%dma_start3A_96, %dma_start3A_97] : memref<125x128xf32, #tpu.memory_space<vmem>> -> memref<120x128xf32, #tpu.memory_space<vmem>>
      tpu.enqueue_dma source(%dma_start3A_98 : memref<120x128xf32, #tpu.memory_space<vmem>>) target(%dma_start3A_95 : memref<120x128xf32, #tpu.memory_space<hbm>>) target_semaphore(%run_scoped3A : memref<!tpu.dma_semaphore, #tpu.memory_space<semaphore_mem>>)
      %dma_wait3A = arith.constant 0 : i32
      %dma_wait3A_99 = arith.constant 0 : i32
      %dma_wait3A_100 = tpu.memref_slice %arg8[%dma_wait3A, %dma_wait3A_99] : memref<125x128xf32, #tpu.memory_space<vmem>> -> memref<120x128xf32, #tpu.memory_space<vmem>>
      %dma_wait3A_101 = arith.constant 0 : i32
      %dma_wait3A_102 = tpu.memref_slice %arg5[%arg0, %add3A_75, %dma_wait3A_101] : memref<2x10112x128xf32, #tpu.memory_space<hbm>> -> memref<1x120x128xf32, #tpu.memory_space<hbm>>
      %dma_wait3A_103 = tpu.memref_squeeze %dma_wait3A_102 : memref<1x120x128xf32, #tpu.memory_space<hbm>> -> memref<120x128xf32, #tpu.memory_space<hbm>>
      %dma_wait3A_104 = arith.constant 0 : i32
      %dma_wait3A_105 = tpu.memref_slice %arg5[%arg0, %add3A_75, %dma_wait3A_104] : memref<2x10112x128xf32, #tpu.memory_space<hbm>> -> memref<1x120x128xf32, #tpu.memory_space<hbm>>
      %dma_wait3A_106 = tpu.memref_squeeze %dma_wait3A_105 : memref<1x120x128xf32, #tpu.memory_space<hbm>> -> memref<120x128xf32, #tpu.memory_space<hbm>>
      %dma_wait3A_107 = arith.constant 0 : i32
      %dma_wait3A_108 = arith.constant 0 : i32
      %dma_wait3A_109 = tpu.memref_slice %arg8[%dma_wait3A_107, %dma_wait3A_108] : memref<125x128xf32, #tpu.memory_space<vmem>> -> memref<120x128xf32, #tpu.memory_space<vmem>>
      tpu.wait_dma2 semaphore(%run_scoped3A : memref<!tpu.dma_semaphore, #tpu.memory_space<semaphore_mem>>) src(%dma_wait3A_109 : memref<120x128xf32, #tpu.memory_space<vmem>>) dst(%dma_wait3A_106 : memref<120x128xf32, #tpu.memory_space<hbm>>)
      tpu.yield
    }) : () -> ()
    %mul3A_76 = arith.constant 632 : i32
    %mul3A_77 = arith.muli %arg1, %mul3A_76 : i32
    %add3A_78 = arith.constant 632 : i32
    %add3A_79 = arith.addi %mul3A_77, %add3A_78 : i32
    %sub3A_80 = arith.constant 32 : i32
    %sub3A_81 = arith.subi %add3A_79, %sub3A_80 : i32
    "tpu.region"() ({
      %run_scoped3A = tpu.sem_alloc : memref<!tpu.dma_semaphore, #tpu.memory_space<semaphore_mem>>
      %dma_start3A = arith.constant 0 : i32
      %dma_start3A_88 = arith.constant 0 : i32
      %dma_start3A_89 = tpu.memref_slice %arg8[%dma_start3A, %dma_start3A_88] : memref<125x128xf32, #tpu.memory_space<vmem>> -> memref<32x128xf32, #tpu.memory_space<vmem>>
      %dma_start3A_90 = arith.constant 0 : i32
      %dma_start3A_91 = tpu.memref_slice %arg9[%sub3A_81, %dma_start3A_90] : memref<10112x128xf32, #tpu.memory_space<vmem_shared>> -> memref<32x128xf32, #tpu.memory_space<vmem_shared>>
      %dma_start3A_92 = arith.constant 0 : i32
      %dma_start3A_93 = arith.constant 0 : i32
      %dma_start3A_94 = tpu.memref_slice %arg8[%dma_start3A_92, %dma_start3A_93] : memref<125x128xf32, #tpu.memory_space<vmem>> -> memref<32x128xf32, #tpu.memory_space<vmem>>
      %dma_start3A_95 = arith.constant 0 : i32
      %dma_start3A_96 = tpu.memref_slice %arg9[%sub3A_81, %dma_start3A_95] : memref<10112x128xf32, #tpu.memory_space<vmem_shared>> -> memref<32x128xf32, #tpu.memory_space<vmem_shared>>
      tpu.enqueue_dma source(%dma_start3A_96 : memref<32x128xf32, #tpu.memory_space<vmem_shared>>) target(%dma_start3A_94 : memref<32x128xf32, #tpu.memory_space<vmem>>) target_semaphore(%run_scoped3A : memref<!tpu.dma_semaphore, #tpu.memory_space<semaphore_mem>>)
      %dma_wait3A = arith.constant 0 : i32
      %dma_wait3A_97 = arith.constant 0 : i32
      %dma_wait3A_98 = tpu.memref_slice %arg8[%dma_wait3A, %dma_wait3A_97] : memref<125x128xf32, #tpu.memory_space<vmem>> -> memref<32x128xf32, #tpu.memory_space<vmem>>
      %dma_wait3A_99 = arith.constant 0 : i32
      %dma_wait3A_100 = tpu.memref_slice %arg9[%sub3A_81, %dma_wait3A_99] : memref<10112x128xf32, #tpu.memory_space<vmem_shared>> -> memref<32x128xf32, #tpu.memory_space<vmem_shared>>
      %dma_wait3A_101 = arith.constant 0 : i32
      %dma_wait3A_102 = arith.constant 0 : i32
      %dma_wait3A_103 = tpu.memref_slice %arg8[%dma_wait3A_101, %dma_wait3A_102] : memref<125x128xf32, #tpu.memory_space<vmem>> -> memref<32x128xf32, #tpu.memory_space<vmem>>
      %dma_wait3A_104 = arith.constant 0 : i32
      %dma_wait3A_105 = tpu.memref_slice %arg9[%sub3A_81, %dma_wait3A_104] : memref<10112x128xf32, #tpu.memory_space<vmem_shared>> -> memref<32x128xf32, #tpu.memory_space<vmem_shared>>
      tpu.wait_dma2 semaphore(%run_scoped3A : memref<!tpu.dma_semaphore, #tpu.memory_space<semaphore_mem>>) src(%dma_wait3A_105 : memref<32x128xf32, #tpu.memory_space<vmem_shared>>) dst(%dma_wait3A_103 : memref<32x128xf32, #tpu.memory_space<vmem>>)
      tpu.yield
    }) : () -> ()
    %mul3A_82 = arith.constant 632 : i32
    %mul3A_83 = arith.muli %arg1, %mul3A_82 : i32
    %add3A_84 = arith.constant 632 : i32
    %add3A_85 = arith.addi %mul3A_83, %add3A_84 : i32
    %sub3A_86 = arith.constant 32 : i32
    %sub3A_87 = arith.subi %add3A_85, %sub3A_86 : i32
    "tpu.region"() ({
      %run_scoped3A = tpu.sem_alloc : memref<!tpu.dma_semaphore, #tpu.memory_space<semaphore_mem>>
      %dma_start3A = arith.constant 0 : i32
      %dma_start3A_88 = arith.constant 0 : i32
      %dma_start3A_89 = tpu.memref_slice %arg8[%dma_start3A, %dma_start3A_88] : memref<125x128xf32, #tpu.memory_space<vmem>> -> memref<32x128xf32, #tpu.memory_space<vmem>>
      %dma_start3A_90 = arith.constant 0 : i32
      %dma_start3A_91 = tpu.memref_slice %arg5[%arg0, %sub3A_87, %dma_start3A_90] : memref<2x10112x128xf32, #tpu.memory_space<hbm>> -> memref<1x32x128xf32, #tpu.memory_space<hbm>>
      %dma_start3A_92 = tpu.memref_squeeze %dma_start3A_91 : memref<1x32x128xf32, #tpu.memory_space<hbm>> -> memref<32x128xf32, #tpu.memory_space<hbm>>
      %dma_start3A_93 = arith.constant 0 : i32
      %dma_start3A_94 = tpu.memref_slice %arg5[%arg0, %sub3A_87, %dma_start3A_93] : memref<2x10112x128xf32, #tpu.memory_space<hbm>> -> memref<1x32x128xf32, #tpu.memory_space<hbm>>
      %dma_start3A_95 = tpu.memref_squeeze %dma_start3A_94 : memref<1x32x128xf32, #tpu.memory_space<hbm>> -> memref<32x128xf32, #tpu.memory_space<hbm>>
      %dma_start3A_96 = arith.constant 0 : i32
      %dma_start3A_97 = arith.constant 0 : i32
      %dma_start3A_98 = tpu.memref_slice %arg8[%dma_start3A_96, %dma_start3A_97] : memref<125x128xf32, #tpu.memory_space<vmem>> -> memref<32x128xf32, #tpu.memory_space<vmem>>
      tpu.enqueue_dma source(%dma_start3A_98 : memref<32x128xf32, #tpu.memory_space<vmem>>) target(%dma_start3A_95 : memref<32x128xf32, #tpu.memory_space<hbm>>) target_semaphore(%run_scoped3A : memref<!tpu.dma_semaphore, #tpu.memory_space<semaphore_mem>>)
      %dma_wait3A = arith.constant 0 : i32
      %dma_wait3A_99 = arith.constant 0 : i32
      %dma_wait3A_100 = tpu.memref_slice %arg8[%dma_wait3A, %dma_wait3A_99] : memref<125x128xf32, #tpu.memory_space<vmem>> -> memref<32x128xf32, #tpu.memory_space<vmem>>
      %dma_wait3A_101 = arith.constant 0 : i32
      %dma_wait3A_102 = tpu.memref_slice %arg5[%arg0, %sub3A_87, %dma_wait3A_101] : memref<2x10112x128xf32, #tpu.memory_space<hbm>> -> memref<1x32x128xf32, #tpu.memory_space<hbm>>
      %dma_wait3A_103 = tpu.memref_squeeze %dma_wait3A_102 : memref<1x32x128xf32, #tpu.memory_space<hbm>> -> memref<32x128xf32, #tpu.memory_space<hbm>>
      %dma_wait3A_104 = arith.constant 0 : i32
      %dma_wait3A_105 = tpu.memref_slice %arg5[%arg0, %sub3A_87, %dma_wait3A_104] : memref<2x10112x128xf32, #tpu.memory_space<hbm>> -> memref<1x32x128xf32, #tpu.memory_space<hbm>>
      %dma_wait3A_106 = tpu.memref_squeeze %dma_wait3A_105 : memref<1x32x128xf32, #tpu.memory_space<hbm>> -> memref<32x128xf32, #tpu.memory_space<hbm>>
      %dma_wait3A_107 = arith.constant 0 : i32
      %dma_wait3A_108 = arith.constant 0 : i32
      %dma_wait3A_109 = tpu.memref_slice %arg8[%dma_wait3A_107, %dma_wait3A_108] : memref<125x128xf32, #tpu.memory_space<vmem>> -> memref<32x128xf32, #tpu.memory_space<vmem>>
      tpu.wait_dma2 semaphore(%run_scoped3A : memref<!tpu.dma_semaphore, #tpu.memory_space<semaphore_mem>>) src(%dma_wait3A_109 : memref<32x128xf32, #tpu.memory_space<vmem>>) dst(%dma_wait3A_106 : memref<32x128xf32, #tpu.memory_space<hbm>>)
      tpu.yield
    }) : () -> ()
    return
  }
}

#map = affine_map<(d0, d1) -> (0, 0)>
#map1 = affine_map<(d0, d1) -> (0, 0, 0)>
module attributes {stable_mosaic.version = 14 : i64} {
  func.func @_edge_body(%arg0: i32, %arg1: i32, %arg2: memref<10000x128xf32, #tpu.memory_space<hbm>>, %arg3: memref<32x80x125xi32, #tpu.memory_space<hbm>>, %arg4: memref<32x80x125xi32, #tpu.memory_space<hbm>>, %arg5: memref<2x10112x128xf32, #tpu.memory_space<hbm>>, %arg6: memref<80x125xi32, #tpu.memory_space<vmem>>, %arg7: memref<80x125xi32, #tpu.memory_space<vmem>>, %arg8: memref<125x128xf32, #tpu.memory_space<vmem>>, %arg9: memref<10112x128xf32, #tpu.memory_space<vmem_shared>>, %arg10: memref<!tpu.dma_semaphore, #tpu.memory_space<semaphore_mem>>) attributes {dimension_semantics = [#tpu.dimension_semantics<core_parallel>, #tpu.dimension_semantics<subcore_parallel>], iteration_bounds = array<i64: 2, 16>, scalar_prefetch = 0 : i64, scratch_operands = 5 : i64, tpu.core_type = #tpu.core_type<sc_vector_subcore>, window_params = [{transform_indices = #map}, {transform_indices = #map1}, {transform_indices = #map1}, {transform_indices = #map1}]} {
    %mul3A = arith.constant 16 : i32
    %mul3A_0 = arith.muli %arg0, %mul3A : i32
    %add3A = arith.addi %mul3A_0, %arg1 : i32
    %scan3A = arith.constant 0 : i32
    %scan3A_1 = arith.constant 125 : i32
    %scan3A_2 = arith.addi %scan3A, %scan3A_1 : i32
    %scan3A_3 = arith.constant 1 : i32
    scf.for %scan3A_88 = %scan3A to %scan3A_2 step %scan3A_3  : i32 {
      %mul3A_89 = arith.constant 1 : i32
      %mul3A_90 = arith.muli %scan3A_88, %mul3A_89 : i32
      %add3A_91 = arith.constant 0 : i32
      %add3A_92 = arith.addi %add3A_91, %mul3A_90 : i32
      %broadcast_in_dim3A = arith.constant 0.000000e+00 : f32
      %broadcast_in_dim3A_93 = vector.broadcast %broadcast_in_dim3A : f32 to vector<16xf32>
      %swap3A = arith.index_cast %add3A_92 : i32 to index
      %swap3A_94 = arith.constant 0 : index
      %swap3A_95 = tpu.vector_load %arg8[%swap3A, %swap3A_94] {strides = array<i32>} : memref<125x128xf32, #tpu.memory_space<vmem>>, vector<1x16xf32>,
      %swap3A_96 = vector.shape_cast %swap3A_95 : vector<1x16xf32> to vector<16xf32>
      %swap3A_97 = vector.shape_cast %broadcast_in_dim3A_93 : vector<16xf32> to vector<1x16xf32>
      tpu.vector_store %arg8[%swap3A, %swap3A_94], %swap3A_97 {strides = array<i32>} : memref<125x128xf32, #tpu.memory_space<vmem>>, vector<1x16xf32>,
      %broadcast_in_dim3A_98 = arith.constant 0.000000e+00 : f32
      %broadcast_in_dim3A_99 = vector.broadcast %broadcast_in_dim3A_98 : f32 to vector<16xf32>
      %swap3A_100 = arith.index_cast %add3A_92 : i32 to index
      %swap3A_101 = arith.constant 16 : index
      %swap3A_102 = tpu.vector_load %arg8[%swap3A_100, %swap3A_101] {strides = array<i32>} : memref<125x128xf32, #tpu.memory_space<vmem>>, vector<1x16xf32>,
      %swap3A_103 = vector.shape_cast %swap3A_102 : vector<1x16xf32> to vector<16xf32>
      %swap3A_104 = vector.shape_cast %broadcast_in_dim3A_99 : vector<16xf32> to vector<1x16xf32>
      tpu.vector_store %arg8[%swap3A_100, %swap3A_101], %swap3A_104 {strides = array<i32>} : memref<125x128xf32, #tpu.memory_space<vmem>>, vector<1x16xf32>,
      %broadcast_in_dim3A_105 = arith.constant 0.000000e+00 : f32
      %broadcast_in_dim3A_106 = vector.broadcast %broadcast_in_dim3A_105 : f32 to vector<16xf32>
      %swap3A_107 = arith.index_cast %add3A_92 : i32 to index
      %swap3A_108 = arith.constant 32 : index
      %swap3A_109 = tpu.vector_load %arg8[%swap3A_107, %swap3A_108] {strides = array<i32>} : memref<125x128xf32, #tpu.memory_space<vmem>>, vector<1x16xf32>,
      %swap3A_110 = vector.shape_cast %swap3A_109 : vector<1x16xf32> to vector<16xf32>
      %swap3A_111 = vector.shape_cast %broadcast_in_dim3A_106 : vector<16xf32> to vector<1x16xf32>
      tpu.vector_store %arg8[%swap3A_107, %swap3A_108], %swap3A_111 {strides = array<i32>} : memref<125x128xf32, #tpu.memory_space<vmem>>, vector<1x16xf32>,
      %broadcast_in_dim3A_112 = arith.constant 0.000000e+00 : f32
      %broadcast_in_dim3A_113 = vector.broadcast %broadcast_in_dim3A_112 : f32 to vector<16xf32>
      %swap3A_114 = arith.index_cast %add3A_92 : i32 to index
      %swap3A_115 = arith.constant 48 : index
      %swap3A_116 = tpu.vector_load %arg8[%swap3A_114, %swap3A_115] {strides = array<i32>} : memref<125x128xf32, #tpu.memory_space<vmem>>, vector<1x16xf32>,
      %swap3A_117 = vector.shape_cast %swap3A_116 : vector<1x16xf32> to vector<16xf32>
      %swap3A_118 = vector.shape_cast %broadcast_in_dim3A_113 : vector<16xf32> to vector<1x16xf32>
      tpu.vector_store %arg8[%swap3A_114, %swap3A_115], %swap3A_118 {strides = array<i32>} : memref<125x128xf32, #tpu.memory_space<vmem>>, vector<1x16xf32>,
      %broadcast_in_dim3A_119 = arith.constant 0.000000e+00 : f32
      %broadcast_in_dim3A_120 = vector.broadcast %broadcast_in_dim3A_119 : f32 to vector<16xf32>
      %swap3A_121 = arith.index_cast %add3A_92 : i32 to index
      %swap3A_122 = arith.constant 64 : index
      %swap3A_123 = tpu.vector_load %arg8[%swap3A_121, %swap3A_122] {strides = array<i32>} : memref<125x128xf32, #tpu.memory_space<vmem>>, vector<1x16xf32>,
      %swap3A_124 = vector.shape_cast %swap3A_123 : vector<1x16xf32> to vector<16xf32>
      %swap3A_125 = vector.shape_cast %broadcast_in_dim3A_120 : vector<16xf32> to vector<1x16xf32>
      tpu.vector_store %arg8[%swap3A_121, %swap3A_122], %swap3A_125 {strides = array<i32>} : memref<125x128xf32, #tpu.memory_space<vmem>>, vector<1x16xf32>,
      %broadcast_in_dim3A_126 = arith.constant 0.000000e+00 : f32
      %broadcast_in_dim3A_127 = vector.broadcast %broadcast_in_dim3A_126 : f32 to vector<16xf32>
      %swap3A_128 = arith.index_cast %add3A_92 : i32 to index
      %swap3A_129 = arith.constant 80 : index
      %swap3A_130 = tpu.vector_load %arg8[%swap3A_128, %swap3A_129] {strides = array<i32>} : memref<125x128xf32, #tpu.memory_space<vmem>>, vector<1x16xf32>,
      %swap3A_131 = vector.shape_cast %swap3A_130 : vector<1x16xf32> to vector<16xf32>
      %swap3A_132 = vector.shape_cast %broadcast_in_dim3A_127 : vector<16xf32> to vector<1x16xf32>
      tpu.vector_store %arg8[%swap3A_128, %swap3A_129], %swap3A_132 {strides = array<i32>} : memref<125x128xf32, #tpu.memory_space<vmem>>, vector<1x16xf32>,
      %broadcast_in_dim3A_133 = arith.constant 0.000000e+00 : f32
      %broadcast_in_dim3A_134 = vector.broadcast %broadcast_in_dim3A_133 : f32 to vector<16xf32>
      %swap3A_135 = arith.index_cast %add3A_92 : i32 to index
      %swap3A_136 = arith.constant 96 : index
      %swap3A_137 = tpu.vector_load %arg8[%swap3A_135, %swap3A_136] {strides = array<i32>} : memref<125x128xf32, #tpu.memory_space<vmem>>, vector<1x16xf32>,
      %swap3A_138 = vector.shape_cast %swap3A_137 : vector<1x16xf32> to vector<16xf32>
      %swap3A_139 = vector.shape_cast %broadcast_in_dim3A_134 : vector<16xf32> to vector<1x16xf32>
      tpu.vector_store %arg8[%swap3A_135, %swap3A_136], %swap3A_139 {strides = array<i32>} : memref<125x128xf32, #tpu.memory_space<vmem>>, vector<1x16xf32>,
      %broadcast_in_dim3A_140 = arith.constant 0.000000e+00 : f32
      %broadcast_in_dim3A_141 = vector.broadcast %broadcast_in_dim3A_140 : f32 to vector<16xf32>
      %swap3A_142 = arith.index_cast %add3A_92 : i32 to index
      %swap3A_143 = arith.constant 112 : index
      %swap3A_144 = tpu.vector_load %arg8[%swap3A_142, %swap3A_143] {strides = array<i32>} : memref<125x128xf32, #tpu.memory_space<vmem>>, vector<1x16xf32>,
      %swap3A_145 = vector.shape_cast %swap3A_144 : vector<1x16xf32> to vector<16xf32>
      %swap3A_146 = vector.shape_cast %broadcast_in_dim3A_141 : vector<16xf32> to vector<1x16xf32>
      tpu.vector_store %arg8[%swap3A_142, %swap3A_143], %swap3A_146 {strides = array<i32>} : memref<125x128xf32, #tpu.memory_space<vmem>>, vector<1x16xf32>,
    }
    %scan3A_4 = arith.constant 125 : i32
    %mul3A_5 = arith.constant 632 : i32
    %mul3A_6 = arith.muli %arg1, %mul3A_5 : i32
    %add3A_7 = arith.constant 0 : i32
    %add3A_8 = arith.addi %mul3A_6, %add3A_7 : i32
    "tpu.region"() ({
      %run_scoped3A = tpu.sem_alloc : memref<!tpu.dma_semaphore, #tpu.memory_space<semaphore_mem>>
      %dma_start3A = arith.constant 0 : i32
      %dma_start3A_88 = tpu.memref_slice %arg9[%add3A_8, %dma_start3A] : memref<10112x128xf32, #tpu.memory_space<vmem_shared>> -> memref<125x128xf32, #tpu.memory_space<vmem_shared>>
      %dma_start3A_89 = arith.constant 0 : i32
      %dma_start3A_90 = tpu.memref_slice %arg9[%add3A_8, %dma_start3A_89] : memref<10112x128xf32, #tpu.memory_space<vmem_shared>> -> memref<125x128xf32, #tpu.memory_space<vmem_shared>>
      tpu.enqueue_dma source(%arg8 : memref<125x128xf32, #tpu.memory_space<vmem>>) target(%dma_start3A_90 : memref<125x128xf32, #tpu.memory_space<vmem_shared>>) target_semaphore(%run_scoped3A : memref<!tpu.dma_semaphore, #tpu.memory_space<semaphore_mem>>)
      %dma_wait3A = arith.constant 0 : i32
      %dma_wait3A_91 = tpu.memref_slice %arg9[%add3A_8, %dma_wait3A] : memref<10112x128xf32, #tpu.memory_space<vmem_shared>> -> memref<125x128xf32, #tpu.memory_space<vmem_shared>>
      %dma_wait3A_92 = arith.constant 0 : i32
      %dma_wait3A_93 = tpu.memref_slice %arg9[%add3A_8, %dma_wait3A_92] : memref<10112x128xf32, #tpu.memory_space<vmem_shared>> -> memref<125x128xf32, #tpu.memory_space<vmem_shared>>
      tpu.wait_dma2 semaphore(%run_scoped3A : memref<!tpu.dma_semaphore, #tpu.memory_space<semaphore_mem>>) src(%arg8 : memref<125x128xf32, #tpu.memory_space<vmem>>) dst(%dma_wait3A_93 : memref<125x128xf32, #tpu.memory_space<vmem_shared>>)
      tpu.yield
    }) : () -> ()
    %mul3A_9 = arith.constant 632 : i32
    %mul3A_10 = arith.muli %arg1, %mul3A_9 : i32
    %add3A_11 = arith.constant 125 : i32
    %add3A_12 = arith.addi %mul3A_10, %add3A_11 : i32
    "tpu.region"() ({
      %run_scoped3A = tpu.sem_alloc : memref<!tpu.dma_semaphore, #tpu.memory_space<semaphore_mem>>
      %dma_start3A = arith.constant 0 : i32
      %dma_start3A_88 = tpu.memref_slice %arg9[%add3A_12, %dma_start3A] : memref<10112x128xf32, #tpu.memory_space<vmem_shared>> -> memref<125x128xf32, #tpu.memory_space<vmem_shared>>
      %dma_start3A_89 = arith.constant 0 : i32
      %dma_start3A_90 = tpu.memref_slice %arg9[%add3A_12, %dma_start3A_89] : memref<10112x128xf32, #tpu.memory_space<vmem_shared>> -> memref<125x128xf32, #tpu.memory_space<vmem_shared>>
      tpu.enqueue_dma source(%arg8 : memref<125x128xf32, #tpu.memory_space<vmem>>) target(%dma_start3A_90 : memref<125x128xf32, #tpu.memory_space<vmem_shared>>) target_semaphore(%run_scoped3A : memref<!tpu.dma_semaphore, #tpu.memory_space<semaphore_mem>>)
      %dma_wait3A = arith.constant 0 : i32
      %dma_wait3A_91 = tpu.memref_slice %arg9[%add3A_12, %dma_wait3A] : memref<10112x128xf32, #tpu.memory_space<vmem_shared>> -> memref<125x128xf32, #tpu.memory_space<vmem_shared>>
      %dma_wait3A_92 = arith.constant 0 : i32
      %dma_wait3A_93 = tpu.memref_slice %arg9[%add3A_12, %dma_wait3A_92] : memref<10112x128xf32, #tpu.memory_space<vmem_shared>> -> memref<125x128xf32, #tpu.memory_space<vmem_shared>>
      tpu.wait_dma2 semaphore(%run_scoped3A : memref<!tpu.dma_semaphore, #tpu.memory_space<semaphore_mem>>) src(%arg8 : memref<125x128xf32, #tpu.memory_space<vmem>>) dst(%dma_wait3A_93 : memref<125x128xf32, #tpu.memory_space<vmem_shared>>)
      tpu.yield
    }) : () -> ()
    %mul3A_13 = arith.constant 632 : i32
    %mul3A_14 = arith.muli %arg1, %mul3A_13 : i32
    %add3A_15 = arith.constant 250 : i32
    %add3A_16 = arith.addi %mul3A_14, %add3A_15 : i32
    "tpu.region"() ({
      %run_scoped3A = tpu.sem_alloc : memref<!tpu.dma_semaphore, #tpu.memory_space<semaphore_mem>>
      %dma_start3A = arith.constant 0 : i32
      %dma_start3A_88 = tpu.memref_slice %arg9[%add3A_16, %dma_start3A] : memref<10112x128xf32, #tpu.memory_space<vmem_shared>> -> memref<125x128xf32, #tpu.memory_space<vmem_shared>>
      %dma_start3A_89 = arith.constant 0 : i32
      %dma_start3A_90 = tpu.memref_slice %arg9[%add3A_16, %dma_start3A_89] : memref<10112x128xf32, #tpu.memory_space<vmem_shared>> -> memref<125x128xf32, #tpu.memory_space<vmem_shared>>
      tpu.enqueue_dma source(%arg8 : memref<125x128xf32, #tpu.memory_space<vmem>>) target(%dma_start3A_90 : memref<125x128xf32, #tpu.memory_space<vmem_shared>>) target_semaphore(%run_scoped3A : memref<!tpu.dma_semaphore, #tpu.memory_space<semaphore_mem>>)
      %dma_wait3A = arith.constant 0 : i32
      %dma_wait3A_91 = tpu.memref_slice %arg9[%add3A_16, %dma_wait3A] : memref<10112x128xf32, #tpu.memory_space<vmem_shared>> -> memref<125x128xf32, #tpu.memory_space<vmem_shared>>
      %dma_wait3A_92 = arith.constant 0 : i32
      %dma_wait3A_93 = tpu.memref_slice %arg9[%add3A_16, %dma_wait3A_92] : memref<10112x128xf32, #tpu.memory_space<vmem_shared>> -> memref<125x128xf32, #tpu.memory_space<vmem_shared>>
      tpu.wait_dma2 semaphore(%run_scoped3A : memref<!tpu.dma_semaphore, #tpu.memory_space<semaphore_mem>>) src(%arg8 : memref<125x128xf32, #tpu.memory_space<vmem>>) dst(%dma_wait3A_93 : memref<125x128xf32, #tpu.memory_space<vmem_shared>>)
      tpu.yield
    }) : () -> ()
    %mul3A_17 = arith.constant 632 : i32
    %mul3A_18 = arith.muli %arg1, %mul3A_17 : i32
    %add3A_19 = arith.constant 375 : i32
    %add3A_20 = arith.addi %mul3A_18, %add3A_19 : i32
    "tpu.region"() ({
      %run_scoped3A = tpu.sem_alloc : memref<!tpu.dma_semaphore, #tpu.memory_space<semaphore_mem>>
      %dma_start3A = arith.constant 0 : i32
      %dma_start3A_88 = tpu.memref_slice %arg9[%add3A_20, %dma_start3A] : memref<10112x128xf32, #tpu.memory_space<vmem_shared>> -> memref<125x128xf32, #tpu.memory_space<vmem_shared>>
      %dma_start3A_89 = arith.constant 0 : i32
      %dma_start3A_90 = tpu.memref_slice %arg9[%add3A_20, %dma_start3A_89] : memref<10112x128xf32, #tpu.memory_space<vmem_shared>> -> memref<125x128xf32, #tpu.memory_space<vmem_shared>>
      tpu.enqueue_dma source(%arg8 : memref<125x128xf32, #tpu.memory_space<vmem>>) target(%dma_start3A_90 : memref<125x128xf32, #tpu.memory_space<vmem_shared>>) target_semaphore(%run_scoped3A : memref<!tpu.dma_semaphore, #tpu.memory_space<semaphore_mem>>)
      %dma_wait3A = arith.constant 0 : i32
      %dma_wait3A_91 = tpu.memref_slice %arg9[%add3A_20, %dma_wait3A] : memref<10112x128xf32, #tpu.memory_space<vmem_shared>> -> memref<125x128xf32, #tpu.memory_space<vmem_shared>>
      %dma_wait3A_92 = arith.constant 0 : i32
      %dma_wait3A_93 = tpu.memref_slice %arg9[%add3A_20, %dma_wait3A_92] : memref<10112x128xf32, #tpu.memory_space<vmem_shared>> -> memref<125x128xf32, #tpu.memory_space<vmem_shared>>
      tpu.wait_dma2 semaphore(%run_scoped3A : memref<!tpu.dma_semaphore, #tpu.memory_space<semaphore_mem>>) src(%arg8 : memref<125x128xf32, #tpu.memory_space<vmem>>) dst(%dma_wait3A_93 : memref<125x128xf32, #tpu.memory_space<vmem_shared>>)
      tpu.yield
    }) : () -> ()
    %mul3A_21 = arith.constant 632 : i32
    %mul3A_22 = arith.muli %arg1, %mul3A_21 : i32
    %add3A_23 = arith.constant 500 : i32
    %add3A_24 = arith.addi %mul3A_22, %add3A_23 : i32
    "tpu.region"() ({
      %run_scoped3A = tpu.sem_alloc : memref<!tpu.dma_semaphore, #tpu.memory_space<semaphore_mem>>
      %dma_start3A = arith.constant 0 : i32
      %dma_start3A_88 = tpu.memref_slice %arg9[%add3A_24, %dma_start3A] : memref<10112x128xf32, #tpu.memory_space<vmem_shared>> -> memref<125x128xf32, #tpu.memory_space<vmem_shared>>
      %dma_start3A_89 = arith.constant 0 : i32
      %dma_start3A_90 = tpu.memref_slice %arg9[%add3A_24, %dma_start3A_89] : memref<10112x128xf32, #tpu.memory_space<vmem_shared>> -> memref<125x128xf32, #tpu.memory_space<vmem_shared>>
      tpu.enqueue_dma source(%arg8 : memref<125x128xf32, #tpu.memory_space<vmem>>) target(%dma_start3A_90 : memref<125x128xf32, #tpu.memory_space<vmem_shared>>) target_semaphore(%run_scoped3A : memref<!tpu.dma_semaphore, #tpu.memory_space<semaphore_mem>>)
      %dma_wait3A = arith.constant 0 : i32
      %dma_wait3A_91 = tpu.memref_slice %arg9[%add3A_24, %dma_wait3A] : memref<10112x128xf32, #tpu.memory_space<vmem_shared>> -> memref<125x128xf32, #tpu.memory_space<vmem_shared>>
      %dma_wait3A_92 = arith.constant 0 : i32
      %dma_wait3A_93 = tpu.memref_slice %arg9[%add3A_24, %dma_wait3A_92] : memref<10112x128xf32, #tpu.memory_space<vmem_shared>> -> memref<125x128xf32, #tpu.memory_space<vmem_shared>>
      tpu.wait_dma2 semaphore(%run_scoped3A : memref<!tpu.dma_semaphore, #tpu.memory_space<semaphore_mem>>) src(%arg8 : memref<125x128xf32, #tpu.memory_space<vmem>>) dst(%dma_wait3A_93 : memref<125x128xf32, #tpu.memory_space<vmem_shared>>)
      tpu.yield
    }) : () -> ()
    %mul3A_25 = arith.constant 632 : i32
    %mul3A_26 = arith.muli %arg1, %mul3A_25 : i32
    %add3A_27 = arith.constant 632 : i32
    %add3A_28 = arith.addi %mul3A_26, %add3A_27 : i32
    %sub3A = arith.constant 7 : i32
    %sub3A_29 = arith.subi %add3A_28, %sub3A : i32
    "tpu.region"() ({
      %run_scoped3A = tpu.sem_alloc : memref<!tpu.dma_semaphore, #tpu.memory_space<semaphore_mem>>
      %dma_start3A = arith.constant 0 : i32
      %dma_start3A_88 = arith.constant 0 : i32
      %dma_start3A_89 = tpu.memref_slice %arg8[%dma_start3A, %dma_start3A_88] : memref<125x128xf32, #tpu.memory_space<vmem>> -> memref<7x128xf32, #tpu.memory_space<vmem>>
      %dma_start3A_90 = arith.constant 0 : i32
      %dma_start3A_91 = tpu.memref_slice %arg9[%sub3A_29, %dma_start3A_90] : memref<10112x128xf32, #tpu.memory_space<vmem_shared>> -> memref<7x128xf32, #tpu.memory_space<vmem_shared>>
      %dma_start3A_92 = arith.constant 0 : i32
      %dma_start3A_93 = tpu.memref_slice %arg9[%sub3A_29, %dma_start3A_92] : memref<10112x128xf32, #tpu.memory_space<vmem_shared>> -> memref<7x128xf32, #tpu.memory_space<vmem_shared>>
      %dma_start3A_94 = arith.constant 0 : i32
      %dma_start3A_95 = arith.constant 0 : i32
      %dma_start3A_96 = tpu.memref_slice %arg8[%dma_start3A_94, %dma_start3A_95] : memref<125x128xf32, #tpu.memory_space<vmem>> -> memref<7x128xf32, #tpu.memory_space<vmem>>
      tpu.enqueue_dma source(%dma_start3A_96 : memref<7x128xf32, #tpu.memory_space<vmem>>) target(%dma_start3A_93 : memref<7x128xf32, #tpu.memory_space<vmem_shared>>) target_semaphore(%run_scoped3A : memref<!tpu.dma_semaphore, #tpu.memory_space<semaphore_mem>>)
      %dma_wait3A = arith.constant 0 : i32
      %dma_wait3A_97 = arith.constant 0 : i32
      %dma_wait3A_98 = tpu.memref_slice %arg8[%dma_wait3A, %dma_wait3A_97] : memref<125x128xf32, #tpu.memory_space<vmem>> -> memref<7x128xf32, #tpu.memory_space<vmem>>
      %dma_wait3A_99 = arith.constant 0 : i32
      %dma_wait3A_100 = tpu.memref_slice %arg9[%sub3A_29, %dma_wait3A_99] : memref<10112x128xf32, #tpu.memory_space<vmem_shared>> -> memref<7x128xf32, #tpu.memory_space<vmem_shared>>
      %dma_wait3A_101 = arith.constant 0 : i32
      %dma_wait3A_102 = tpu.memref_slice %arg9[%sub3A_29, %dma_wait3A_101] : memref<10112x128xf32, #tpu.memory_space<vmem_shared>> -> memref<7x128xf32, #tpu.memory_space<vmem_shared>>
      %dma_wait3A_103 = arith.constant 0 : i32
      %dma_wait3A_104 = arith.constant 0 : i32
      %dma_wait3A_105 = tpu.memref_slice %arg8[%dma_wait3A_103, %dma_wait3A_104] : memref<125x128xf32, #tpu.memory_space<vmem>> -> memref<7x128xf32, #tpu.memory_space<vmem>>
      tpu.wait_dma2 semaphore(%run_scoped3A : memref<!tpu.dma_semaphore, #tpu.memory_space<semaphore_mem>>) src(%dma_wait3A_105 : memref<7x128xf32, #tpu.memory_space<vmem>>) dst(%dma_wait3A_102 : memref<7x128xf32, #tpu.memory_space<vmem_shared>>)
      tpu.yield
    }) : () -> ()
    %barrier3A = arith.constant 0 : index
    tpu.barrier barrier_id(%barrier3A)
    "tpu.region"() ({
      %run_scoped3A = tpu.sem_alloc : memref<!tpu.dma_semaphore, #tpu.memory_space<semaphore_mem>>
      %dma_start3A = arith.constant 0 : i32
      %dma_start3A_88 = arith.constant 0 : i32
      %dma_start3A_89 = tpu.memref_slice %arg3[%add3A, %dma_start3A, %dma_start3A_88] : memref<32x80x125xi32, #tpu.memory_space<hbm>> -> memref<1x80x125xi32, #tpu.memory_space<hbm>>
      %dma_start3A_90 = tpu.memref_squeeze %dma_start3A_89 : memref<1x80x125xi32, #tpu.memory_space<hbm>> -> memref<80x125xi32, #tpu.memory_space<hbm>>
      %dma_start3A_91 = arith.constant 0 : i32
      %dma_start3A_92 = arith.constant 0 : i32
      %dma_start3A_93 = tpu.memref_slice %arg3[%add3A, %dma_start3A_91, %dma_start3A_92] : memref<32x80x125xi32, #tpu.memory_space<hbm>> -> memref<1x80x125xi32, #tpu.memory_space<hbm>>
      %dma_start3A_94 = tpu.memref_squeeze %dma_start3A_93 : memref<1x80x125xi32, #tpu.memory_space<hbm>> -> memref<80x125xi32, #tpu.memory_space<hbm>>
      tpu.enqueue_dma source(%dma_start3A_94 : memref<80x125xi32, #tpu.memory_space<hbm>>) target(%arg6 : memref<80x125xi32, #tpu.memory_space<vmem>>) target_semaphore(%run_scoped3A : memref<!tpu.dma_semaphore, #tpu.memory_space<semaphore_mem>>)
      %dma_wait3A = arith.constant 0 : i32
      %dma_wait3A_95 = arith.constant 0 : i32
      %dma_wait3A_96 = tpu.memref_slice %arg3[%add3A, %dma_wait3A, %dma_wait3A_95] : memref<32x80x125xi32, #tpu.memory_space<hbm>> -> memref<1x80x125xi32, #tpu.memory_space<hbm>>
      %dma_wait3A_97 = tpu.memref_squeeze %dma_wait3A_96 : memref<1x80x125xi32, #tpu.memory_space<hbm>> -> memref<80x125xi32, #tpu.memory_space<hbm>>
      %dma_wait3A_98 = arith.constant 0 : i32
      %dma_wait3A_99 = arith.constant 0 : i32
      %dma_wait3A_100 = tpu.memref_slice %arg3[%add3A, %dma_wait3A_98, %dma_wait3A_99] : memref<32x80x125xi32, #tpu.memory_space<hbm>> -> memref<1x80x125xi32, #tpu.memory_space<hbm>>
      %dma_wait3A_101 = tpu.memref_squeeze %dma_wait3A_100 : memref<1x80x125xi32, #tpu.memory_space<hbm>> -> memref<80x125xi32, #tpu.memory_space<hbm>>
      tpu.wait_dma2 semaphore(%run_scoped3A : memref<!tpu.dma_semaphore, #tpu.memory_space<semaphore_mem>>) src(%dma_wait3A_101 : memref<80x125xi32, #tpu.memory_space<hbm>>) dst(%arg6 : memref<80x125xi32, #tpu.memory_space<vmem>>)
      tpu.yield
    }) : () -> ()
    "tpu.region"() ({
      %run_scoped3A = tpu.sem_alloc : memref<!tpu.dma_semaphore, #tpu.memory_space<semaphore_mem>>
      %dma_start3A = arith.constant 0 : i32
      %dma_start3A_88 = arith.constant 0 : i32
      %dma_start3A_89 = tpu.memref_slice %arg4[%add3A, %dma_start3A, %dma_start3A_88] : memref<32x80x125xi32, #tpu.memory_space<hbm>> -> memref<1x80x125xi32, #tpu.memory_space<hbm>>
      %dma_start3A_90 = tpu.memref_squeeze %dma_start3A_89 : memref<1x80x125xi32, #tpu.memory_space<hbm>> -> memref<80x125xi32, #tpu.memory_space<hbm>>
      %dma_start3A_91 = arith.constant 0 : i32
      %dma_start3A_92 = arith.constant 0 : i32
      %dma_start3A_93 = tpu.memref_slice %arg4[%add3A, %dma_start3A_91, %dma_start3A_92] : memref<32x80x125xi32, #tpu.memory_space<hbm>> -> memref<1x80x125xi32, #tpu.memory_space<hbm>>
      %dma_start3A_94 = tpu.memref_squeeze %dma_start3A_93 : memref<1x80x125xi32, #tpu.memory_space<hbm>> -> memref<80x125xi32, #tpu.memory_space<hbm>>
      tpu.enqueue_dma source(%dma_start3A_94 : memref<80x125xi32, #tpu.memory_space<hbm>>) target(%arg7 : memref<80x125xi32, #tpu.memory_space<vmem>>) target_semaphore(%run_scoped3A : memref<!tpu.dma_semaphore, #tpu.memory_space<semaphore_mem>>)
      %dma_wait3A = arith.constant 0 : i32
      %dma_wait3A_95 = arith.constant 0 : i32
      %dma_wait3A_96 = tpu.memref_slice %arg4[%add3A, %dma_wait3A, %dma_wait3A_95] : memref<32x80x125xi32, #tpu.memory_space<hbm>> -> memref<1x80x125xi32, #tpu.memory_space<hbm>>
      %dma_wait3A_97 = tpu.memref_squeeze %dma_wait3A_96 : memref<1x80x125xi32, #tpu.memory_space<hbm>> -> memref<80x125xi32, #tpu.memory_space<hbm>>
      %dma_wait3A_98 = arith.constant 0 : i32
      %dma_wait3A_99 = arith.constant 0 : i32
      %dma_wait3A_100 = tpu.memref_slice %arg4[%add3A, %dma_wait3A_98, %dma_wait3A_99] : memref<32x80x125xi32, #tpu.memory_space<hbm>> -> memref<1x80x125xi32, #tpu.memory_space<hbm>>
      %dma_wait3A_101 = tpu.memref_squeeze %dma_wait3A_100 : memref<1x80x125xi32, #tpu.memory_space<hbm>> -> memref<80x125xi32, #tpu.memory_space<hbm>>
      tpu.wait_dma2 semaphore(%run_scoped3A : memref<!tpu.dma_semaphore, #tpu.memory_space<semaphore_mem>>) src(%dma_wait3A_101 : memref<80x125xi32, #tpu.memory_space<hbm>>) dst(%arg7 : memref<80x125xi32, #tpu.memory_space<vmem>>)
      tpu.yield
    }) : () -> ()
    %scan3A_30 = arith.constant 0 : i32
    %scan3A_31 = arith.constant 80 : i32
    %scan3A_32 = arith.addi %scan3A_30, %scan3A_31 : i32
    %scan3A_33 = arith.constant 1 : i32
    scf.for %scan3A_88 = %scan3A_30 to %scan3A_32 step %scan3A_33  : i32 {
      %mul3A_89 = arith.constant 1 : i32
      %mul3A_90 = arith.muli %scan3A_88, %mul3A_89 : i32
      %add3A_91 = arith.constant 0 : i32
      %add3A_92 = arith.addi %add3A_91, %mul3A_90 : i32
      %dma_start3A = arith.constant 0 : i32
      %dma_start3A_93 = tpu.memref_slice %arg6[%add3A_92, %dma_start3A] : memref<80x125xi32, #tpu.memory_space<vmem>> -> memref<1x125xi32, #tpu.memory_space<vmem>>
      %dma_start3A_94 = tpu.memref_squeeze %dma_start3A_93 : memref<1x125xi32, #tpu.memory_space<vmem>> -> memref<125xi32, #tpu.memory_space<vmem>>
      %dma_start3A_95 = arith.constant 0 : i32
      %dma_start3A_96 = arith.constant 0 : i32
      %dma_start3A_97 = tpu.memref_slice %arg2[%dma_start3A_95, %dma_start3A_96] : memref<10000x128xf32, #tpu.memory_space<hbm>> -> memref<10000x128xf32, #tpu.memory_space<hbm>>
      tpu.enqueue_indirect_dma source(%dma_start3A_97 : memref<10000x128xf32, #tpu.memory_space<hbm>>) target(%arg8 : memref<125x128xf32, #tpu.memory_space<vmem>>) offsets(%dma_start3A_94 : memref<125xi32, #tpu.memory_space<vmem>>) semaphore(%arg10 : memref<!tpu.dma_semaphore, #tpu.memory_space<semaphore_mem>>)
      %dma_wait3A = arith.constant 0 : i32
      %dma_wait3A_98 = tpu.memref_slice %arg6[%add3A_92, %dma_wait3A] : memref<80x125xi32, #tpu.memory_space<vmem>> -> memref<1x125xi32, #tpu.memory_space<vmem>>
      %dma_wait3A_99 = tpu.memref_squeeze %dma_wait3A_98 : memref<1x125xi32, #tpu.memory_space<vmem>> -> memref<125xi32, #tpu.memory_space<vmem>>
      %dma_wait3A_100 = arith.constant 0 : i32
      %dma_wait3A_101 = arith.constant 0 : i32
      %dma_wait3A_102 = tpu.memref_slice %arg2[%dma_wait3A_100, %dma_wait3A_101] : memref<10000x128xf32, #tpu.memory_space<hbm>> -> memref<10000x128xf32, #tpu.memory_space<hbm>>
      tpu.wait_indirect_dma semaphore(%arg10 : memref<!tpu.dma_semaphore, #tpu.memory_space<semaphore_mem>>) src(%dma_wait3A_102 : memref<10000x128xf32, #tpu.memory_space<hbm>>) dst(%arg8 : memref<125x128xf32, #tpu.memory_space<vmem>>)
      "tpu.region"() ({
        %run_scoped3A = tpu.sem_alloc : memref<!tpu.dma_semaphore, #tpu.memory_space<semaphore_mem>>
        %dma_start3A_103 = arith.constant 0 : i32
        %dma_start3A_104 = tpu.memref_slice %arg7[%add3A_92, %dma_start3A_103] : memref<80x125xi32, #tpu.memory_space<vmem>> -> memref<1x125xi32, #tpu.memory_space<vmem>>
        %dma_start3A_105 = tpu.memref_squeeze %dma_start3A_104 : memref<1x125xi32, #tpu.memory_space<vmem>> -> memref<125xi32, #tpu.memory_space<vmem>>
        %dma_start3A_106 = arith.constant 0 : i32
        %dma_start3A_107 = arith.constant 0 : i32
        %dma_start3A_108 = tpu.memref_slice %arg9[%dma_start3A_106, %dma_start3A_107] : memref<10112x128xf32, #tpu.memory_space<vmem_shared>> -> memref<10112x128xf32, #tpu.memory_space<vmem_shared>>
        tpu.enqueue_indirect_dma source(%arg8 : memref<125x128xf32, #tpu.memory_space<vmem>>) target(%dma_start3A_108 : memref<10112x128xf32, #tpu.memory_space<vmem_shared>>) offsets(%dma_start3A_105 : memref<125xi32, #tpu.memory_space<vmem>>) semaphore(%run_scoped3A : memref<!tpu.dma_semaphore, #tpu.memory_space<semaphore_mem>>) {add = true}
        %dma_wait3A_109 = arith.constant 0 : i32
        %dma_wait3A_110 = tpu.memref_slice %arg7[%add3A_92, %dma_wait3A_109] : memref<80x125xi32, #tpu.memory_space<vmem>> -> memref<1x125xi32, #tpu.memory_space<vmem>>
        %dma_wait3A_111 = tpu.memref_squeeze %dma_wait3A_110 : memref<1x125xi32, #tpu.memory_space<vmem>> -> memref<125xi32, #tpu.memory_space<vmem>>
        %dma_wait3A_112 = arith.constant 0 : i32
        %dma_wait3A_113 = arith.constant 0 : i32
        %dma_wait3A_114 = tpu.memref_slice %arg9[%dma_wait3A_112, %dma_wait3A_113] : memref<10112x128xf32, #tpu.memory_space<vmem_shared>> -> memref<10112x128xf32, #tpu.memory_space<vmem_shared>>
        tpu.wait_indirect_dma semaphore(%run_scoped3A : memref<!tpu.dma_semaphore, #tpu.memory_space<semaphore_mem>>) src(%arg8 : memref<125x128xf32, #tpu.memory_space<vmem>>) dst(%dma_wait3A_114 : memref<10112x128xf32, #tpu.memory_space<vmem_shared>>)
        tpu.yield
      }) : () -> ()
    }
    %scan3A_34 = arith.constant 80 : i32
    %barrier3A_35 = arith.constant 0 : index
    tpu.barrier barrier_id(%barrier3A_35)
    %mul3A_36 = arith.constant 632 : i32
    %mul3A_37 = arith.muli %arg1, %mul3A_36 : i32
    %add3A_38 = arith.constant 0 : i32
    %add3A_39 = arith.addi %mul3A_37, %add3A_38 : i32
    "tpu.region"() ({
      %run_scoped3A = tpu.sem_alloc : memref<!tpu.dma_semaphore, #tpu.memory_space<semaphore_mem>>
      %dma_start3A = arith.constant 0 : i32
      %dma_start3A_88 = arith.constant 0 : i32
      %dma_start3A_89 = tpu.memref_slice %arg8[%dma_start3A, %dma_start3A_88] : memref<125x128xf32, #tpu.memory_space<vmem>> -> memref<120x128xf32, #tpu.memory_space<vmem>>
      %dma_start3A_90 = arith.constant 0 : i32
      %dma_start3A_91 = tpu.memref_slice %arg9[%add3A_39, %dma_start3A_90] : memref<10112x128xf32, #tpu.memory_space<vmem_shared>> -> memref<120x128xf32, #tpu.memory_space<vmem_shared>>
      %dma_start3A_92 = arith.constant 0 : i32
      %dma_start3A_93 = arith.constant 0 : i32
      %dma_start3A_94 = tpu.memref_slice %arg8[%dma_start3A_92, %dma_start3A_93] : memref<125x128xf32, #tpu.memory_space<vmem>> -> memref<120x128xf32, #tpu.memory_space<vmem>>
      %dma_start3A_95 = arith.constant 0 : i32
      %dma_start3A_96 = tpu.memref_slice %arg9[%add3A_39, %dma_start3A_95] : memref<10112x128xf32, #tpu.memory_space<vmem_shared>> -> memref<120x128xf32, #tpu.memory_space<vmem_shared>>
      tpu.enqueue_dma source(%dma_start3A_96 : memref<120x128xf32, #tpu.memory_space<vmem_shared>>) target(%dma_start3A_94 : memref<120x128xf32, #tpu.memory_space<vmem>>) target_semaphore(%run_scoped3A : memref<!tpu.dma_semaphore, #tpu.memory_space<semaphore_mem>>)
      %dma_wait3A = arith.constant 0 : i32
      %dma_wait3A_97 = arith.constant 0 : i32
      %dma_wait3A_98 = tpu.memref_slice %arg8[%dma_wait3A, %dma_wait3A_97] : memref<125x128xf32, #tpu.memory_space<vmem>> -> memref<120x128xf32, #tpu.memory_space<vmem>>
      %dma_wait3A_99 = arith.constant 0 : i32
      %dma_wait3A_100 = tpu.memref_slice %arg9[%add3A_39, %dma_wait3A_99] : memref<10112x128xf32, #tpu.memory_space<vmem_shared>> -> memref<120x128xf32, #tpu.memory_space<vmem_shared>>
      %dma_wait3A_101 = arith.constant 0 : i32
      %dma_wait3A_102 = arith.constant 0 : i32
      %dma_wait3A_103 = tpu.memref_slice %arg8[%dma_wait3A_101, %dma_wait3A_102] : memref<125x128xf32, #tpu.memory_space<vmem>> -> memref<120x128xf32, #tpu.memory_space<vmem>>
      %dma_wait3A_104 = arith.constant 0 : i32
      %dma_wait3A_105 = tpu.memref_slice %arg9[%add3A_39, %dma_wait3A_104] : memref<10112x128xf32, #tpu.memory_space<vmem_shared>> -> memref<120x128xf32, #tpu.memory_space<vmem_shared>>
      tpu.wait_dma2 semaphore(%run_scoped3A : memref<!tpu.dma_semaphore, #tpu.memory_space<semaphore_mem>>) src(%dma_wait3A_105 : memref<120x128xf32, #tpu.memory_space<vmem_shared>>) dst(%dma_wait3A_103 : memref<120x128xf32, #tpu.memory_space<vmem>>)
      tpu.yield
    }) : () -> ()
    %mul3A_40 = arith.constant 632 : i32
    %mul3A_41 = arith.muli %arg1, %mul3A_40 : i32
    %add3A_42 = arith.constant 0 : i32
    %add3A_43 = arith.addi %mul3A_41, %add3A_42 : i32
    "tpu.region"() ({
      %run_scoped3A = tpu.sem_alloc : memref<!tpu.dma_semaphore, #tpu.memory_space<semaphore_mem>>
      %dma_start3A = arith.constant 0 : i32
      %dma_start3A_88 = arith.constant 0 : i32
      %dma_start3A_89 = tpu.memref_slice %arg8[%dma_start3A, %dma_start3A_88] : memref<125x128xf32, #tpu.memory_space<vmem>> -> memref<120x128xf32, #tpu.memory_space<vmem>>
      %dma_start3A_90 = arith.constant 0 : i32
      %dma_start3A_91 = tpu.memref_slice %arg5[%arg0, %add3A_43, %dma_start3A_90] : memref<2x10112x128xf32, #tpu.memory_space<hbm>> -> memref<1x120x128xf32, #tpu.memory_space<hbm>>
      %dma_start3A_92 = tpu.memref_squeeze %dma_start3A_91 : memref<1x120x128xf32, #tpu.memory_space<hbm>> -> memref<120x128xf32, #tpu.memory_space<hbm>>
      %dma_start3A_93 = arith.constant 0 : i32
      %dma_start3A_94 = tpu.memref_slice %arg5[%arg0, %add3A_43, %dma_start3A_93] : memref<2x10112x128xf32, #tpu.memory_space<hbm>> -> memref<1x120x128xf32, #tpu.memory_space<hbm>>
      %dma_start3A_95 = tpu.memref_squeeze %dma_start3A_94 : memref<1x120x128xf32, #tpu.memory_space<hbm>> -> memref<120x128xf32, #tpu.memory_space<hbm>>
      %dma_start3A_96 = arith.constant 0 : i32
      %dma_start3A_97 = arith.constant 0 : i32
      %dma_start3A_98 = tpu.memref_slice %arg8[%dma_start3A_96, %dma_start3A_97] : memref<125x128xf32, #tpu.memory_space<vmem>> -> memref<120x128xf32, #tpu.memory_space<vmem>>
      tpu.enqueue_dma source(%dma_start3A_98 : memref<120x128xf32, #tpu.memory_space<vmem>>) target(%dma_start3A_95 : memref<120x128xf32, #tpu.memory_space<hbm>>) target_semaphore(%run_scoped3A : memref<!tpu.dma_semaphore, #tpu.memory_space<semaphore_mem>>)
      %dma_wait3A = arith.constant 0 : i32
      %dma_wait3A_99 = arith.constant 0 : i32
      %dma_wait3A_100 = tpu.memref_slice %arg8[%dma_wait3A, %dma_wait3A_99] : memref<125x128xf32, #tpu.memory_space<vmem>> -> memref<120x128xf32, #tpu.memory_space<vmem>>
      %dma_wait3A_101 = arith.constant 0 : i32
      %dma_wait3A_102 = tpu.memref_slice %arg5[%arg0, %add3A_43, %dma_wait3A_101] : memref<2x10112x128xf32, #tpu.memory_space<hbm>> -> memref<1x120x128xf32, #tpu.memory_space<hbm>>
      %dma_wait3A_103 = tpu.memref_squeeze %dma_wait3A_102 : memref<1x120x128xf32, #tpu.memory_space<hbm>> -> memref<120x128xf32, #tpu.memory_space<hbm>>
      %dma_wait3A_104 = arith.constant 0 : i32
      %dma_wait3A_105 = tpu.memref_slice %arg5[%arg0, %add3A_43, %dma_wait3A_104] : memref<2x10112x128xf32, #tpu.memory_space<hbm>> -> memref<1x120x128xf32, #tpu.memory_space<hbm>>
      %dma_wait3A_106 = tpu.memref_squeeze %dma_wait3A_105 : memref<1x120x128xf32, #tpu.memory_space<hbm>> -> memref<120x128xf32, #tpu.memory_space<hbm>>
      %dma_wait3A_107 = arith.constant 0 : i32
      %dma_wait3A_108 = arith.constant 0 : i32
      %dma_wait3A_109 = tpu.memref_slice %arg8[%dma_wait3A_107, %dma_wait3A_108] : memref<125x128xf32, #tpu.memory_space<vmem>> -> memref<120x128xf32, #tpu.memory_space<vmem>>
      tpu.wait_dma2 semaphore(%run_scoped3A : memref<!tpu.dma_semaphore, #tpu.memory_space<semaphore_mem>>) src(%dma_wait3A_109 : memref<120x128xf32, #tpu.memory_space<vmem>>) dst(%dma_wait3A_106 : memref<120x128xf32, #tpu.memory_space<hbm>>)
      tpu.yield
    }) : () -> ()
    %mul3A_44 = arith.constant 632 : i32
    %mul3A_45 = arith.muli %arg1, %mul3A_44 : i32
    %add3A_46 = arith.constant 120 : i32
    %add3A_47 = arith.addi %mul3A_45, %add3A_46 : i32
    "tpu.region"() ({
      %run_scoped3A = tpu.sem_alloc : memref<!tpu.dma_semaphore, #tpu.memory_space<semaphore_mem>>
      %dma_start3A = arith.constant 0 : i32
      %dma_start3A_88 = arith.constant 0 : i32
      %dma_start3A_89 = tpu.memref_slice %arg8[%dma_start3A, %dma_start3A_88] : memref<125x128xf32, #tpu.memory_space<vmem>> -> memref<120x128xf32, #tpu.memory_space<vmem>>
      %dma_start3A_90 = arith.constant 0 : i32
      %dma_start3A_91 = tpu.memref_slice %arg9[%add3A_47, %dma_start3A_90] : memref<10112x128xf32, #tpu.memory_space<vmem_shared>> -> memref<120x128xf32, #tpu.memory_space<vmem_shared>>
      %dma_start3A_92 = arith.constant 0 : i32
      %dma_start3A_93 = arith.constant 0 : i32
      %dma_start3A_94 = tpu.memref_slice %arg8[%dma_start3A_92, %dma_start3A_93] : memref<125x128xf32, #tpu.memory_space<vmem>> -> memref<120x128xf32, #tpu.memory_space<vmem>>
      %dma_start3A_95 = arith.constant 0 : i32
      %dma_start3A_96 = tpu.memref_slice %arg9[%add3A_47, %dma_start3A_95] : memref<10112x128xf32, #tpu.memory_space<vmem_shared>> -> memref<120x128xf32, #tpu.memory_space<vmem_shared>>
      tpu.enqueue_dma source(%dma_start3A_96 : memref<120x128xf32, #tpu.memory_space<vmem_shared>>) target(%dma_start3A_94 : memref<120x128xf32, #tpu.memory_space<vmem>>) target_semaphore(%run_scoped3A : memref<!tpu.dma_semaphore, #tpu.memory_space<semaphore_mem>>)
      %dma_wait3A = arith.constant 0 : i32
      %dma_wait3A_97 = arith.constant 0 : i32
      %dma_wait3A_98 = tpu.memref_slice %arg8[%dma_wait3A, %dma_wait3A_97] : memref<125x128xf32, #tpu.memory_space<vmem>> -> memref<120x128xf32, #tpu.memory_space<vmem>>
      %dma_wait3A_99 = arith.constant 0 : i32
      %dma_wait3A_100 = tpu.memref_slice %arg9[%add3A_47, %dma_wait3A_99] : memref<10112x128xf32, #tpu.memory_space<vmem_shared>> -> memref<120x128xf32, #tpu.memory_space<vmem_shared>>
      %dma_wait3A_101 = arith.constant 0 : i32
      %dma_wait3A_102 = arith.constant 0 : i32
      %dma_wait3A_103 = tpu.memref_slice %arg8[%dma_wait3A_101, %dma_wait3A_102] : memref<125x128xf32, #tpu.memory_space<vmem>> -> memref<120x128xf32, #tpu.memory_space<vmem>>
      %dma_wait3A_104 = arith.constant 0 : i32
      %dma_wait3A_105 = tpu.memref_slice %arg9[%add3A_47, %dma_wait3A_104] : memref<10112x128xf32, #tpu.memory_space<vmem_shared>> -> memref<120x128xf32, #tpu.memory_space<vmem_shared>>
      tpu.wait_dma2 semaphore(%run_scoped3A : memref<!tpu.dma_semaphore, #tpu.memory_space<semaphore_mem>>) src(%dma_wait3A_105 : memref<120x128xf32, #tpu.memory_space<vmem_shared>>) dst(%dma_wait3A_103 : memref<120x128xf32, #tpu.memory_space<vmem>>)
      tpu.yield
    }) : () -> ()
    %mul3A_48 = arith.constant 632 : i32
    %mul3A_49 = arith.muli %arg1, %mul3A_48 : i32
    %add3A_50 = arith.constant 120 : i32
    %add3A_51 = arith.addi %mul3A_49, %add3A_50 : i32
    "tpu.region"() ({
      %run_scoped3A = tpu.sem_alloc : memref<!tpu.dma_semaphore, #tpu.memory_space<semaphore_mem>>
      %dma_start3A = arith.constant 0 : i32
      %dma_start3A_88 = arith.constant 0 : i32
      %dma_start3A_89 = tpu.memref_slice %arg8[%dma_start3A, %dma_start3A_88] : memref<125x128xf32, #tpu.memory_space<vmem>> -> memref<120x128xf32, #tpu.memory_space<vmem>>
      %dma_start3A_90 = arith.constant 0 : i32
      %dma_start3A_91 = tpu.memref_slice %arg5[%arg0, %add3A_51, %dma_start3A_90] : memref<2x10112x128xf32, #tpu.memory_space<hbm>> -> memref<1x120x128xf32, #tpu.memory_space<hbm>>
      %dma_start3A_92 = tpu.memref_squeeze %dma_start3A_91 : memref<1x120x128xf32, #tpu.memory_space<hbm>> -> memref<120x128xf32, #tpu.memory_space<hbm>>
      %dma_start3A_93 = arith.constant 0 : i32
      %dma_start3A_94 = tpu.memref_slice %arg5[%arg0, %add3A_51, %dma_start3A_93] : memref<2x10112x128xf32, #tpu.memory_space<hbm>> -> memref<1x120x128xf32, #tpu.memory_space<hbm>>
      %dma_start3A_95 = tpu.memref_squeeze %dma_start3A_94 : memref<1x120x128xf32, #tpu.memory_space<hbm>> -> memref<120x128xf32, #tpu.memory_space<hbm>>
      %dma_start3A_96 = arith.constant 0 : i32
      %dma_start3A_97 = arith.constant 0 : i32
      %dma_start3A_98 = tpu.memref_slice %arg8[%dma_start3A_96, %dma_start3A_97] : memref<125x128xf32, #tpu.memory_space<vmem>> -> memref<120x128xf32, #tpu.memory_space<vmem>>
      tpu.enqueue_dma source(%dma_start3A_98 : memref<120x128xf32, #tpu.memory_space<vmem>>) target(%dma_start3A_95 : memref<120x128xf32, #tpu.memory_space<hbm>>) target_semaphore(%run_scoped3A : memref<!tpu.dma_semaphore, #tpu.memory_space<semaphore_mem>>)
      %dma_wait3A = arith.constant 0 : i32
      %dma_wait3A_99 = arith.constant 0 : i32
      %dma_wait3A_100 = tpu.memref_slice %arg8[%dma_wait3A, %dma_wait3A_99] : memref<125x128xf32, #tpu.memory_space<vmem>> -> memref<120x128xf32, #tpu.memory_space<vmem>>
      %dma_wait3A_101 = arith.constant 0 : i32
      %dma_wait3A_102 = tpu.memref_slice %arg5[%arg0, %add3A_51, %dma_wait3A_101] : memref<2x10112x128xf32, #tpu.memory_space<hbm>> -> memref<1x120x128xf32, #tpu.memory_space<hbm>>
      %dma_wait3A_103 = tpu.memref_squeeze %dma_wait3A_102 : memref<1x120x128xf32, #tpu.memory_space<hbm>> -> memref<120x128xf32, #tpu.memory_space<hbm>>
      %dma_wait3A_104 = arith.constant 0 : i32
      %dma_wait3A_105 = tpu.memref_slice %arg5[%arg0, %add3A_51, %dma_wait3A_104] : memref<2x10112x128xf32, #tpu.memory_space<hbm>> -> memref<1x120x128xf32, #tpu.memory_space<hbm>>
      %dma_wait3A_106 = tpu.memref_squeeze %dma_wait3A_105 : memref<1x120x128xf32, #tpu.memory_space<hbm>> -> memref<120x128xf32, #tpu.memory_space<hbm>>
      %dma_wait3A_107 = arith.constant 0 : i32
      %dma_wait3A_108 = arith.constant 0 : i32
      %dma_wait3A_109 = tpu.memref_slice %arg8[%dma_wait3A_107, %dma_wait3A_108] : memref<125x128xf32, #tpu.memory_space<vmem>> -> memref<120x128xf32, #tpu.memory_space<vmem>>
      tpu.wait_dma2 semaphore(%run_scoped3A : memref<!tpu.dma_semaphore, #tpu.memory_space<semaphore_mem>>) src(%dma_wait3A_109 : memref<120x128xf32, #tpu.memory_space<vmem>>) dst(%dma_wait3A_106 : memref<120x128xf32, #tpu.memory_space<hbm>>)
      tpu.yield
    }) : () -> ()
    %mul3A_52 = arith.constant 632 : i32
    %mul3A_53 = arith.muli %arg1, %mul3A_52 : i32
    %add3A_54 = arith.constant 240 : i32
    %add3A_55 = arith.addi %mul3A_53, %add3A_54 : i32
    "tpu.region"() ({
      %run_scoped3A = tpu.sem_alloc : memref<!tpu.dma_semaphore, #tpu.memory_space<semaphore_mem>>
      %dma_start3A = arith.constant 0 : i32
      %dma_start3A_88 = arith.constant 0 : i32
      %dma_start3A_89 = tpu.memref_slice %arg8[%dma_start3A, %dma_start3A_88] : memref<125x128xf32, #tpu.memory_space<vmem>> -> memref<120x128xf32, #tpu.memory_space<vmem>>
      %dma_start3A_90 = arith.constant 0 : i32
      %dma_start3A_91 = tpu.memref_slice %arg9[%add3A_55, %dma_start3A_90] : memref<10112x128xf32, #tpu.memory_space<vmem_shared>> -> memref<120x128xf32, #tpu.memory_space<vmem_shared>>
      %dma_start3A_92 = arith.constant 0 : i32
      %dma_start3A_93 = arith.constant 0 : i32
      %dma_start3A_94 = tpu.memref_slice %arg8[%dma_start3A_92, %dma_start3A_93] : memref<125x128xf32, #tpu.memory_space<vmem>> -> memref<120x128xf32, #tpu.memory_space<vmem>>
      %dma_start3A_95 = arith.constant 0 : i32
      %dma_start3A_96 = tpu.memref_slice %arg9[%add3A_55, %dma_start3A_95] : memref<10112x128xf32, #tpu.memory_space<vmem_shared>> -> memref<120x128xf32, #tpu.memory_space<vmem_shared>>
      tpu.enqueue_dma source(%dma_start3A_96 : memref<120x128xf32, #tpu.memory_space<vmem_shared>>) target(%dma_start3A_94 : memref<120x128xf32, #tpu.memory_space<vmem>>) target_semaphore(%run_scoped3A : memref<!tpu.dma_semaphore, #tpu.memory_space<semaphore_mem>>)
      %dma_wait3A = arith.constant 0 : i32
      %dma_wait3A_97 = arith.constant 0 : i32
      %dma_wait3A_98 = tpu.memref_slice %arg8[%dma_wait3A, %dma_wait3A_97] : memref<125x128xf32, #tpu.memory_space<vmem>> -> memref<120x128xf32, #tpu.memory_space<vmem>>
      %dma_wait3A_99 = arith.constant 0 : i32
      %dma_wait3A_100 = tpu.memref_slice %arg9[%add3A_55, %dma_wait3A_99] : memref<10112x128xf32, #tpu.memory_space<vmem_shared>> -> memref<120x128xf32, #tpu.memory_space<vmem_shared>>
      %dma_wait3A_101 = arith.constant 0 : i32
      %dma_wait3A_102 = arith.constant 0 : i32
      %dma_wait3A_103 = tpu.memref_slice %arg8[%dma_wait3A_101, %dma_wait3A_102] : memref<125x128xf32, #tpu.memory_space<vmem>> -> memref<120x128xf32, #tpu.memory_space<vmem>>
      %dma_wait3A_104 = arith.constant 0 : i32
      %dma_wait3A_105 = tpu.memref_slice %arg9[%add3A_55, %dma_wait3A_104] : memref<10112x128xf32, #tpu.memory_space<vmem_shared>> -> memref<120x128xf32, #tpu.memory_space<vmem_shared>>
      tpu.wait_dma2 semaphore(%run_scoped3A : memref<!tpu.dma_semaphore, #tpu.memory_space<semaphore_mem>>) src(%dma_wait3A_105 : memref<120x128xf32, #tpu.memory_space<vmem_shared>>) dst(%dma_wait3A_103 : memref<120x128xf32, #tpu.memory_space<vmem>>)
      tpu.yield
    }) : () -> ()
    %mul3A_56 = arith.constant 632 : i32
    %mul3A_57 = arith.muli %arg1, %mul3A_56 : i32
    %add3A_58 = arith.constant 240 : i32
    %add3A_59 = arith.addi %mul3A_57, %add3A_58 : i32
    "tpu.region"() ({
      %run_scoped3A = tpu.sem_alloc : memref<!tpu.dma_semaphore, #tpu.memory_space<semaphore_mem>>
      %dma_start3A = arith.constant 0 : i32
      %dma_start3A_88 = arith.constant 0 : i32
      %dma_start3A_89 = tpu.memref_slice %arg8[%dma_start3A, %dma_start3A_88] : memref<125x128xf32, #tpu.memory_space<vmem>> -> memref<120x128xf32, #tpu.memory_space<vmem>>
      %dma_start3A_90 = arith.constant 0 : i32
      %dma_start3A_91 = tpu.memref_slice %arg5[%arg0, %add3A_59, %dma_start3A_90] : memref<2x10112x128xf32, #tpu.memory_space<hbm>> -> memref<1x120x128xf32, #tpu.memory_space<hbm>>
      %dma_start3A_92 = tpu.memref_squeeze %dma_start3A_91 : memref<1x120x128xf32, #tpu.memory_space<hbm>> -> memref<120x128xf32, #tpu.memory_space<hbm>>
      %dma_start3A_93 = arith.constant 0 : i32
      %dma_start3A_94 = tpu.memref_slice %arg5[%arg0, %add3A_59, %dma_start3A_93] : memref<2x10112x128xf32, #tpu.memory_space<hbm>> -> memref<1x120x128xf32, #tpu.memory_space<hbm>>
      %dma_start3A_95 = tpu.memref_squeeze %dma_start3A_94 : memref<1x120x128xf32, #tpu.memory_space<hbm>> -> memref<120x128xf32, #tpu.memory_space<hbm>>
      %dma_start3A_96 = arith.constant 0 : i32
      %dma_start3A_97 = arith.constant 0 : i32
      %dma_start3A_98 = tpu.memref_slice %arg8[%dma_start3A_96, %dma_start3A_97] : memref<125x128xf32, #tpu.memory_space<vmem>> -> memref<120x128xf32, #tpu.memory_space<vmem>>
      tpu.enqueue_dma source(%dma_start3A_98 : memref<120x128xf32, #tpu.memory_space<vmem>>) target(%dma_start3A_95 : memref<120x128xf32, #tpu.memory_space<hbm>>) target_semaphore(%run_scoped3A : memref<!tpu.dma_semaphore, #tpu.memory_space<semaphore_mem>>)
      %dma_wait3A = arith.constant 0 : i32
      %dma_wait3A_99 = arith.constant 0 : i32
      %dma_wait3A_100 = tpu.memref_slice %arg8[%dma_wait3A, %dma_wait3A_99] : memref<125x128xf32, #tpu.memory_space<vmem>> -> memref<120x128xf32, #tpu.memory_space<vmem>>
      %dma_wait3A_101 = arith.constant 0 : i32
      %dma_wait3A_102 = tpu.memref_slice %arg5[%arg0, %add3A_59, %dma_wait3A_101] : memref<2x10112x128xf32, #tpu.memory_space<hbm>> -> memref<1x120x128xf32, #tpu.memory_space<hbm>>
      %dma_wait3A_103 = tpu.memref_squeeze %dma_wait3A_102 : memref<1x120x128xf32, #tpu.memory_space<hbm>> -> memref<120x128xf32, #tpu.memory_space<hbm>>
      %dma_wait3A_104 = arith.constant 0 : i32
      %dma_wait3A_105 = tpu.memref_slice %arg5[%arg0, %add3A_59, %dma_wait3A_104] : memref<2x10112x128xf32, #tpu.memory_space<hbm>> -> memref<1x120x128xf32, #tpu.memory_space<hbm>>
      %dma_wait3A_106 = tpu.memref_squeeze %dma_wait3A_105 : memref<1x120x128xf32, #tpu.memory_space<hbm>> -> memref<120x128xf32, #tpu.memory_space<hbm>>
      %dma_wait3A_107 = arith.constant 0 : i32
      %dma_wait3A_108 = arith.constant 0 : i32
      %dma_wait3A_109 = tpu.memref_slice %arg8[%dma_wait3A_107, %dma_wait3A_108] : memref<125x128xf32, #tpu.memory_space<vmem>> -> memref<120x128xf32, #tpu.memory_space<vmem>>
      tpu.wait_dma2 semaphore(%run_scoped3A : memref<!tpu.dma_semaphore, #tpu.memory_space<semaphore_mem>>) src(%dma_wait3A_109 : memref<120x128xf32, #tpu.memory_space<vmem>>) dst(%dma_wait3A_106 : memref<120x128xf32, #tpu.memory_space<hbm>>)
      tpu.yield
    }) : () -> ()
    %mul3A_60 = arith.constant 632 : i32
    %mul3A_61 = arith.muli %arg1, %mul3A_60 : i32
    %add3A_62 = arith.constant 360 : i32
    %add3A_63 = arith.addi %mul3A_61, %add3A_62 : i32
    "tpu.region"() ({
      %run_scoped3A = tpu.sem_alloc : memref<!tpu.dma_semaphore, #tpu.memory_space<semaphore_mem>>
      %dma_start3A = arith.constant 0 : i32
      %dma_start3A_88 = arith.constant 0 : i32
      %dma_start3A_89 = tpu.memref_slice %arg8[%dma_start3A, %dma_start3A_88] : memref<125x128xf32, #tpu.memory_space<vmem>> -> memref<120x128xf32, #tpu.memory_space<vmem>>
      %dma_start3A_90 = arith.constant 0 : i32
      %dma_start3A_91 = tpu.memref_slice %arg9[%add3A_63, %dma_start3A_90] : memref<10112x128xf32, #tpu.memory_space<vmem_shared>> -> memref<120x128xf32, #tpu.memory_space<vmem_shared>>
      %dma_start3A_92 = arith.constant 0 : i32
      %dma_start3A_93 = arith.constant 0 : i32
      %dma_start3A_94 = tpu.memref_slice %arg8[%dma_start3A_92, %dma_start3A_93] : memref<125x128xf32, #tpu.memory_space<vmem>> -> memref<120x128xf32, #tpu.memory_space<vmem>>
      %dma_start3A_95 = arith.constant 0 : i32
      %dma_start3A_96 = tpu.memref_slice %arg9[%add3A_63, %dma_start3A_95] : memref<10112x128xf32, #tpu.memory_space<vmem_shared>> -> memref<120x128xf32, #tpu.memory_space<vmem_shared>>
      tpu.enqueue_dma source(%dma_start3A_96 : memref<120x128xf32, #tpu.memory_space<vmem_shared>>) target(%dma_start3A_94 : memref<120x128xf32, #tpu.memory_space<vmem>>) target_semaphore(%run_scoped3A : memref<!tpu.dma_semaphore, #tpu.memory_space<semaphore_mem>>)
      %dma_wait3A = arith.constant 0 : i32
      %dma_wait3A_97 = arith.constant 0 : i32
      %dma_wait3A_98 = tpu.memref_slice %arg8[%dma_wait3A, %dma_wait3A_97] : memref<125x128xf32, #tpu.memory_space<vmem>> -> memref<120x128xf32, #tpu.memory_space<vmem>>
      %dma_wait3A_99 = arith.constant 0 : i32
      %dma_wait3A_100 = tpu.memref_slice %arg9[%add3A_63, %dma_wait3A_99] : memref<10112x128xf32, #tpu.memory_space<vmem_shared>> -> memref<120x128xf32, #tpu.memory_space<vmem_shared>>
      %dma_wait3A_101 = arith.constant 0 : i32
      %dma_wait3A_102 = arith.constant 0 : i32
      %dma_wait3A_103 = tpu.memref_slice %arg8[%dma_wait3A_101, %dma_wait3A_102] : memref<125x128xf32, #tpu.memory_space<vmem>> -> memref<120x128xf32, #tpu.memory_space<vmem>>
      %dma_wait3A_104 = arith.constant 0 : i32
      %dma_wait3A_105 = tpu.memref_slice %arg9[%add3A_63, %dma_wait3A_104] : memref<10112x128xf32, #tpu.memory_space<vmem_shared>> -> memref<120x128xf32, #tpu.memory_space<vmem_shared>>
      tpu.wait_dma2 semaphore(%run_scoped3A : memref<!tpu.dma_semaphore, #tpu.memory_space<semaphore_mem>>) src(%dma_wait3A_105 : memref<120x128xf32, #tpu.memory_space<vmem_shared>>) dst(%dma_wait3A_103 : memref<120x128xf32, #tpu.memory_space<vmem>>)
      tpu.yield
    }) : () -> ()
    %mul3A_64 = arith.constant 632 : i32
    %mul3A_65 = arith.muli %arg1, %mul3A_64 : i32
    %add3A_66 = arith.constant 360 : i32
    %add3A_67 = arith.addi %mul3A_65, %add3A_66 : i32
    "tpu.region"() ({
      %run_scoped3A = tpu.sem_alloc : memref<!tpu.dma_semaphore, #tpu.memory_space<semaphore_mem>>
      %dma_start3A = arith.constant 0 : i32
      %dma_start3A_88 = arith.constant 0 : i32
      %dma_start3A_89 = tpu.memref_slice %arg8[%dma_start3A, %dma_start3A_88] : memref<125x128xf32, #tpu.memory_space<vmem>> -> memref<120x128xf32, #tpu.memory_space<vmem>>
      %dma_start3A_90 = arith.constant 0 : i32
      %dma_start3A_91 = tpu.memref_slice %arg5[%arg0, %add3A_67, %dma_start3A_90] : memref<2x10112x128xf32, #tpu.memory_space<hbm>> -> memref<1x120x128xf32, #tpu.memory_space<hbm>>
      %dma_start3A_92 = tpu.memref_squeeze %dma_start3A_91 : memref<1x120x128xf32, #tpu.memory_space<hbm>> -> memref<120x128xf32, #tpu.memory_space<hbm>>
      %dma_start3A_93 = arith.constant 0 : i32
      %dma_start3A_94 = tpu.memref_slice %arg5[%arg0, %add3A_67, %dma_start3A_93] : memref<2x10112x128xf32, #tpu.memory_space<hbm>> -> memref<1x120x128xf32, #tpu.memory_space<hbm>>
      %dma_start3A_95 = tpu.memref_squeeze %dma_start3A_94 : memref<1x120x128xf32, #tpu.memory_space<hbm>> -> memref<120x128xf32, #tpu.memory_space<hbm>>
      %dma_start3A_96 = arith.constant 0 : i32
      %dma_start3A_97 = arith.constant 0 : i32
      %dma_start3A_98 = tpu.memref_slice %arg8[%dma_start3A_96, %dma_start3A_97] : memref<125x128xf32, #tpu.memory_space<vmem>> -> memref<120x128xf32, #tpu.memory_space<vmem>>
      tpu.enqueue_dma source(%dma_start3A_98 : memref<120x128xf32, #tpu.memory_space<vmem>>) target(%dma_start3A_95 : memref<120x128xf32, #tpu.memory_space<hbm>>) target_semaphore(%run_scoped3A : memref<!tpu.dma_semaphore, #tpu.memory_space<semaphore_mem>>)
      %dma_wait3A = arith.constant 0 : i32
      %dma_wait3A_99 = arith.constant 0 : i32
      %dma_wait3A_100 = tpu.memref_slice %arg8[%dma_wait3A, %dma_wait3A_99] : memref<125x128xf32, #tpu.memory_space<vmem>> -> memref<120x128xf32, #tpu.memory_space<vmem>>
      %dma_wait3A_101 = arith.constant 0 : i32
      %dma_wait3A_102 = tpu.memref_slice %arg5[%arg0, %add3A_67, %dma_wait3A_101] : memref<2x10112x128xf32, #tpu.memory_space<hbm>> -> memref<1x120x128xf32, #tpu.memory_space<hbm>>
      %dma_wait3A_103 = tpu.memref_squeeze %dma_wait3A_102 : memref<1x120x128xf32, #tpu.memory_space<hbm>> -> memref<120x128xf32, #tpu.memory_space<hbm>>
      %dma_wait3A_104 = arith.constant 0 : i32
      %dma_wait3A_105 = tpu.memref_slice %arg5[%arg0, %add3A_67, %dma_wait3A_104] : memref<2x10112x128xf32, #tpu.memory_space<hbm>> -> memref<1x120x128xf32, #tpu.memory_space<hbm>>
      %dma_wait3A_106 = tpu.memref_squeeze %dma_wait3A_105 : memref<1x120x128xf32, #tpu.memory_space<hbm>> -> memref<120x128xf32, #tpu.memory_space<hbm>>
      %dma_wait3A_107 = arith.constant 0 : i32
      %dma_wait3A_108 = arith.constant 0 : i32
      %dma_wait3A_109 = tpu.memref_slice %arg8[%dma_wait3A_107, %dma_wait3A_108] : memref<125x128xf32, #tpu.memory_space<vmem>> -> memref<120x128xf32, #tpu.memory_space<vmem>>
      tpu.wait_dma2 semaphore(%run_scoped3A : memref<!tpu.dma_semaphore, #tpu.memory_space<semaphore_mem>>) src(%dma_wait3A_109 : memref<120x128xf32, #tpu.memory_space<vmem>>) dst(%dma_wait3A_106 : memref<120x128xf32, #tpu.memory_space<hbm>>)
      tpu.yield
    }) : () -> ()
    %mul3A_68 = arith.constant 632 : i32
    %mul3A_69 = arith.muli %arg1, %mul3A_68 : i32
    %add3A_70 = arith.constant 480 : i32
    %add3A_71 = arith.addi %mul3A_69, %add3A_70 : i32
    "tpu.region"() ({
      %run_scoped3A = tpu.sem_alloc : memref<!tpu.dma_semaphore, #tpu.memory_space<semaphore_mem>>
      %dma_start3A = arith.constant 0 : i32
      %dma_start3A_88 = arith.constant 0 : i32
      %dma_start3A_89 = tpu.memref_slice %arg8[%dma_start3A, %dma_start3A_88] : memref<125x128xf32, #tpu.memory_space<vmem>> -> memref<120x128xf32, #tpu.memory_space<vmem>>
      %dma_start3A_90 = arith.constant 0 : i32
      %dma_start3A_91 = tpu.memref_slice %arg9[%add3A_71, %dma_start3A_90] : memref<10112x128xf32, #tpu.memory_space<vmem_shared>> -> memref<120x128xf32, #tpu.memory_space<vmem_shared>>
      %dma_start3A_92 = arith.constant 0 : i32
      %dma_start3A_93 = arith.constant 0 : i32
      %dma_start3A_94 = tpu.memref_slice %arg8[%dma_start3A_92, %dma_start3A_93] : memref<125x128xf32, #tpu.memory_space<vmem>> -> memref<120x128xf32, #tpu.memory_space<vmem>>
      %dma_start3A_95 = arith.constant 0 : i32
      %dma_start3A_96 = tpu.memref_slice %arg9[%add3A_71, %dma_start3A_95] : memref<10112x128xf32, #tpu.memory_space<vmem_shared>> -> memref<120x128xf32, #tpu.memory_space<vmem_shared>>
      tpu.enqueue_dma source(%dma_start3A_96 : memref<120x128xf32, #tpu.memory_space<vmem_shared>>) target(%dma_start3A_94 : memref<120x128xf32, #tpu.memory_space<vmem>>) target_semaphore(%run_scoped3A : memref<!tpu.dma_semaphore, #tpu.memory_space<semaphore_mem>>)
      %dma_wait3A = arith.constant 0 : i32
      %dma_wait3A_97 = arith.constant 0 : i32
      %dma_wait3A_98 = tpu.memref_slice %arg8[%dma_wait3A, %dma_wait3A_97] : memref<125x128xf32, #tpu.memory_space<vmem>> -> memref<120x128xf32, #tpu.memory_space<vmem>>
      %dma_wait3A_99 = arith.constant 0 : i32
      %dma_wait3A_100 = tpu.memref_slice %arg9[%add3A_71, %dma_wait3A_99] : memref<10112x128xf32, #tpu.memory_space<vmem_shared>> -> memref<120x128xf32, #tpu.memory_space<vmem_shared>>
      %dma_wait3A_101 = arith.constant 0 : i32
      %dma_wait3A_102 = arith.constant 0 : i32
      %dma_wait3A_103 = tpu.memref_slice %arg8[%dma_wait3A_101, %dma_wait3A_102] : memref<125x128xf32, #tpu.memory_space<vmem>> -> memref<120x128xf32, #tpu.memory_space<vmem>>
      %dma_wait3A_104 = arith.constant 0 : i32
      %dma_wait3A_105 = tpu.memref_slice %arg9[%add3A_71, %dma_wait3A_104] : memref<10112x128xf32, #tpu.memory_space<vmem_shared>> -> memref<120x128xf32, #tpu.memory_space<vmem_shared>>
      tpu.wait_dma2 semaphore(%run_scoped3A : memref<!tpu.dma_semaphore, #tpu.memory_space<semaphore_mem>>) src(%dma_wait3A_105 : memref<120x128xf32, #tpu.memory_space<vmem_shared>>) dst(%dma_wait3A_103 : memref<120x128xf32, #tpu.memory_space<vmem>>)
      tpu.yield
    }) : () -> ()
    %mul3A_72 = arith.constant 632 : i32
    %mul3A_73 = arith.muli %arg1, %mul3A_72 : i32
    %add3A_74 = arith.constant 480 : i32
    %add3A_75 = arith.addi %mul3A_73, %add3A_74 : i32
    "tpu.region"() ({
      %run_scoped3A = tpu.sem_alloc : memref<!tpu.dma_semaphore, #tpu.memory_space<semaphore_mem>>
      %dma_start3A = arith.constant 0 : i32
      %dma_start3A_88 = arith.constant 0 : i32
      %dma_start3A_89 = tpu.memref_slice %arg8[%dma_start3A, %dma_start3A_88] : memref<125x128xf32, #tpu.memory_space<vmem>> -> memref<120x128xf32, #tpu.memory_space<vmem>>
      %dma_start3A_90 = arith.constant 0 : i32
      %dma_start3A_91 = tpu.memref_slice %arg5[%arg0, %add3A_75, %dma_start3A_90] : memref<2x10112x128xf32, #tpu.memory_space<hbm>> -> memref<1x120x128xf32, #tpu.memory_space<hbm>>
      %dma_start3A_92 = tpu.memref_squeeze %dma_start3A_91 : memref<1x120x128xf32, #tpu.memory_space<hbm>> -> memref<120x128xf32, #tpu.memory_space<hbm>>
      %dma_start3A_93 = arith.constant 0 : i32
      %dma_start3A_94 = tpu.memref_slice %arg5[%arg0, %add3A_75, %dma_start3A_93] : memref<2x10112x128xf32, #tpu.memory_space<hbm>> -> memref<1x120x128xf32, #tpu.memory_space<hbm>>
      %dma_start3A_95 = tpu.memref_squeeze %dma_start3A_94 : memref<1x120x128xf32, #tpu.memory_space<hbm>> -> memref<120x128xf32, #tpu.memory_space<hbm>>
      %dma_start3A_96 = arith.constant 0 : i32
      %dma_start3A_97 = arith.constant 0 : i32
      %dma_start3A_98 = tpu.memref_slice %arg8[%dma_start3A_96, %dma_start3A_97] : memref<125x128xf32, #tpu.memory_space<vmem>> -> memref<120x128xf32, #tpu.memory_space<vmem>>
      tpu.enqueue_dma source(%dma_start3A_98 : memref<120x128xf32, #tpu.memory_space<vmem>>) target(%dma_start3A_95 : memref<120x128xf32, #tpu.memory_space<hbm>>) target_semaphore(%run_scoped3A : memref<!tpu.dma_semaphore, #tpu.memory_space<semaphore_mem>>)
      %dma_wait3A = arith.constant 0 : i32
      %dma_wait3A_99 = arith.constant 0 : i32
      %dma_wait3A_100 = tpu.memref_slice %arg8[%dma_wait3A, %dma_wait3A_99] : memref<125x128xf32, #tpu.memory_space<vmem>> -> memref<120x128xf32, #tpu.memory_space<vmem>>
      %dma_wait3A_101 = arith.constant 0 : i32
      %dma_wait3A_102 = tpu.memref_slice %arg5[%arg0, %add3A_75, %dma_wait3A_101] : memref<2x10112x128xf32, #tpu.memory_space<hbm>> -> memref<1x120x128xf32, #tpu.memory_space<hbm>>
      %dma_wait3A_103 = tpu.memref_squeeze %dma_wait3A_102 : memref<1x120x128xf32, #tpu.memory_space<hbm>> -> memref<120x128xf32, #tpu.memory_space<hbm>>
      %dma_wait3A_104 = arith.constant 0 : i32
      %dma_wait3A_105 = tpu.memref_slice %arg5[%arg0, %add3A_75, %dma_wait3A_104] : memref<2x10112x128xf32, #tpu.memory_space<hbm>> -> memref<1x120x128xf32, #tpu.memory_space<hbm>>
      %dma_wait3A_106 = tpu.memref_squeeze %dma_wait3A_105 : memref<1x120x128xf32, #tpu.memory_space<hbm>> -> memref<120x128xf32, #tpu.memory_space<hbm>>
      %dma_wait3A_107 = arith.constant 0 : i32
      %dma_wait3A_108 = arith.constant 0 : i32
      %dma_wait3A_109 = tpu.memref_slice %arg8[%dma_wait3A_107, %dma_wait3A_108] : memref<125x128xf32, #tpu.memory_space<vmem>> -> memref<120x128xf32, #tpu.memory_space<vmem>>
      tpu.wait_dma2 semaphore(%run_scoped3A : memref<!tpu.dma_semaphore, #tpu.memory_space<semaphore_mem>>) src(%dma_wait3A_109 : memref<120x128xf32, #tpu.memory_space<vmem>>) dst(%dma_wait3A_106 : memref<120x128xf32, #tpu.memory_space<hbm>>)
      tpu.yield
    }) : () -> ()
    %mul3A_76 = arith.constant 632 : i32
    %mul3A_77 = arith.muli %arg1, %mul3A_76 : i32
    %add3A_78 = arith.constant 632 : i32
    %add3A_79 = arith.addi %mul3A_77, %add3A_78 : i32
    %sub3A_80 = arith.constant 32 : i32
    %sub3A_81 = arith.subi %add3A_79, %sub3A_80 : i32
    "tpu.region"() ({
      %run_scoped3A = tpu.sem_alloc : memref<!tpu.dma_semaphore, #tpu.memory_space<semaphore_mem>>
      %dma_start3A = arith.constant 0 : i32
      %dma_start3A_88 = arith.constant 0 : i32
      %dma_start3A_89 = tpu.memref_slice %arg8[%dma_start3A, %dma_start3A_88] : memref<125x128xf32, #tpu.memory_space<vmem>> -> memref<32x128xf32, #tpu.memory_space<vmem>>
      %dma_start3A_90 = arith.constant 0 : i32
      %dma_start3A_91 = tpu.memref_slice %arg9[%sub3A_81, %dma_start3A_90] : memref<10112x128xf32, #tpu.memory_space<vmem_shared>> -> memref<32x128xf32, #tpu.memory_space<vmem_shared>>
      %dma_start3A_92 = arith.constant 0 : i32
      %dma_start3A_93 = arith.constant 0 : i32
      %dma_start3A_94 = tpu.memref_slice %arg8[%dma_start3A_92, %dma_start3A_93] : memref<125x128xf32, #tpu.memory_space<vmem>> -> memref<32x128xf32, #tpu.memory_space<vmem>>
      %dma_start3A_95 = arith.constant 0 : i32
      %dma_start3A_96 = tpu.memref_slice %arg9[%sub3A_81, %dma_start3A_95] : memref<10112x128xf32, #tpu.memory_space<vmem_shared>> -> memref<32x128xf32, #tpu.memory_space<vmem_shared>>
      tpu.enqueue_dma source(%dma_start3A_96 : memref<32x128xf32, #tpu.memory_space<vmem_shared>>) target(%dma_start3A_94 : memref<32x128xf32, #tpu.memory_space<vmem>>) target_semaphore(%run_scoped3A : memref<!tpu.dma_semaphore, #tpu.memory_space<semaphore_mem>>)
      %dma_wait3A = arith.constant 0 : i32
      %dma_wait3A_97 = arith.constant 0 : i32
      %dma_wait3A_98 = tpu.memref_slice %arg8[%dma_wait3A, %dma_wait3A_97] : memref<125x128xf32, #tpu.memory_space<vmem>> -> memref<32x128xf32, #tpu.memory_space<vmem>>
      %dma_wait3A_99 = arith.constant 0 : i32
      %dma_wait3A_100 = tpu.memref_slice %arg9[%sub3A_81, %dma_wait3A_99] : memref<10112x128xf32, #tpu.memory_space<vmem_shared>> -> memref<32x128xf32, #tpu.memory_space<vmem_shared>>
      %dma_wait3A_101 = arith.constant 0 : i32
      %dma_wait3A_102 = arith.constant 0 : i32
      %dma_wait3A_103 = tpu.memref_slice %arg8[%dma_wait3A_101, %dma_wait3A_102] : memref<125x128xf32, #tpu.memory_space<vmem>> -> memref<32x128xf32, #tpu.memory_space<vmem>>
      %dma_wait3A_104 = arith.constant 0 : i32
      %dma_wait3A_105 = tpu.memref_slice %arg9[%sub3A_81, %dma_wait3A_104] : memref<10112x128xf32, #tpu.memory_space<vmem_shared>> -> memref<32x128xf32, #tpu.memory_space<vmem_shared>>
      tpu.wait_dma2 semaphore(%run_scoped3A : memref<!tpu.dma_semaphore, #tpu.memory_space<semaphore_mem>>) src(%dma_wait3A_105 : memref<32x128xf32, #tpu.memory_space<vmem_shared>>) dst(%dma_wait3A_103 : memref<32x128xf32, #tpu.memory_space<vmem>>)
      tpu.yield
    }) : () -> ()
    %mul3A_82 = arith.constant 632 : i32
    %mul3A_83 = arith.muli %arg1, %mul3A_82 : i32
    %add3A_84 = arith.constant 632 : i32
    %add3A_85 = arith.addi %mul3A_83, %add3A_84 : i32
    %sub3A_86 = arith.constant 32 : i32
    %sub3A_87 = arith.subi %add3A_85, %sub3A_86 : i32
    "tpu.region"() ({
      %run_scoped3A = tpu.sem_alloc : memref<!tpu.dma_semaphore, #tpu.memory_space<semaphore_mem>>
      %dma_start3A = arith.constant 0 : i32
      %dma_start3A_88 = arith.constant 0 : i32
      %dma_start3A_89 = tpu.memref_slice %arg8[%dma_start3A, %dma_start3A_88] : memref<125x128xf32, #tpu.memory_space<vmem>> -> memref<32x128xf32, #tpu.memory_space<vmem>>
      %dma_start3A_90 = arith.constant 0 : i32
      %dma_start3A_91 = tpu.memref_slice %arg5[%arg0, %sub3A_87, %dma_start3A_90] : memref<2x10112x128xf32, #tpu.memory_space<hbm>> -> memref<1x32x128xf32, #tpu.memory_space<hbm>>
      %dma_start3A_92 = tpu.memref_squeeze %dma_start3A_91 : memref<1x32x128xf32, #tpu.memory_space<hbm>> -> memref<32x128xf32, #tpu.memory_space<hbm>>
      %dma_start3A_93 = arith.constant 0 : i32
      %dma_start3A_94 = tpu.memref_slice %arg5[%arg0, %sub3A_87, %dma_start3A_93] : memref<2x10112x128xf32, #tpu.memory_space<hbm>> -> memref<1x32x128xf32, #tpu.memory_space<hbm>>
      %dma_start3A_95 = tpu.memref_squeeze %dma_start3A_94 : memref<1x32x128xf32, #tpu.memory_space<hbm>> -> memref<32x128xf32, #tpu.memory_space<hbm>>
      %dma_start3A_96 = arith.constant 0 : i32
      %dma_start3A_97 = arith.constant 0 : i32
      %dma_start3A_98 = tpu.memref_slice %arg8[%dma_start3A_96, %dma_start3A_97] : memref<125x128xf32, #tpu.memory_space<vmem>> -> memref<32x128xf32, #tpu.memory_space<vmem>>
      tpu.enqueue_dma source(%dma_start3A_98 : memref<32x128xf32, #tpu.memory_space<vmem>>) target(%dma_start3A_95 : memref<32x128xf32, #tpu.memory_space<hbm>>) target_semaphore(%run_scoped3A : memref<!tpu.dma_semaphore, #tpu.memory_space<semaphore_mem>>)
      %dma_wait3A = arith.constant 0 : i32
      %dma_wait3A_99 = arith.constant 0 : i32
      %dma_wait3A_100 = tpu.memref_slice %arg8[%dma_wait3A, %dma_wait3A_99] : memref<125x128xf32, #tpu.memory_space<vmem>> -> memref<32x128xf32, #tpu.memory_space<vmem>>
      %dma_wait3A_101 = arith.constant 0 : i32
      %dma_wait3A_102 = tpu.memref_slice %arg5[%arg0, %sub3A_87, %dma_wait3A_101] : memref<2x10112x128xf32, #tpu.memory_space<hbm>> -> memref<1x32x128xf32, #tpu.memory_space<hbm>>
      %dma_wait3A_103 = tpu.memref_squeeze %dma_wait3A_102 : memref<1x32x128xf32, #tpu.memory_space<hbm>> -> memref<32x128xf32, #tpu.memory_space<hbm>>
      %dma_wait3A_104 = arith.constant 0 : i32
      %dma_wait3A_105 = tpu.memref_slice %arg5[%arg0, %sub3A_87, %dma_wait3A_104] : memref<2x10112x128xf32, #tpu.memory_space<hbm>> -> memref<1x32x128xf32, #tpu.memory_space<hbm>>
      %dma_wait3A_106 = tpu.memref_squeeze %dma_wait3A_105 : memref<1x32x128xf32, #tpu.memory_space<hbm>> -> memref<32x128xf32, #tpu.memory_space<hbm>>
      %dma_wait3A_107 = arith.constant 0 : i32
      %dma_wait3A_108 = arith.constant 0 : i32
      %dma_wait3A_109 = tpu.memref_slice %arg8[%dma_wait3A_107, %dma_wait3A_108] : memref<125x128xf32, #tpu.memory_space<vmem>> -> memref<32x128xf32, #tpu.memory_space<vmem>>
      tpu.wait_dma2 semaphore(%run_scoped3A : memref<!tpu.dma_semaphore, #tpu.memory_space<semaphore_mem>>) src(%dma_wait3A_109 : memref<32x128xf32, #tpu.memory_space<vmem>>) dst(%dma_wait3A_106 : memref<32x128xf32, #tpu.memory_space<hbm>>)
      tpu.yield
    }) : () -> ()
    return
  }
}

module attributes {stable_mosaic.version = 14 : i64} {
  func.func @_k1_body(%arg0: i32, %arg1: memref<1000x128xf32, #tpu.memory_space<vmem>>, %arg2: memref<2x1000x128xf32, #tpu.memory_space<vmem>>, %arg3: memref<128x128xf32, #tpu.memory_space<vmem>>, %arg4: memref<1x128xf32, #tpu.memory_space<vmem>>, %arg5: memref<128x128xf32, #tpu.memory_space<vmem>>, %arg6: memref<1x128xf32, #tpu.memory_space<vmem>>, %arg7: memref<128x128xf32, #tpu.memory_space<vmem>>, %arg8: memref<1000x128xf32, #tpu.memory_space<vmem>>, %arg9: memref<1000x1xf32, #tpu.memory_space<vmem>>) attributes {dimension_semantics = [#tpu.dimension_semantics<arbitrary>], iteration_bounds = array<i64: 10>, scalar_prefetch = 0 : i64, scratch_operands = 0 : i64, tpu.core_type = #tpu.core_type<tc>, window_params = [{transform_indices = @transform_0, window_bounds = array<i64: 1000, 128>}, {transform_indices = @transform_1, window_bounds = array<i64: 2, 1000, 128>}, {pipeline_mode = #tpu.pipeline_mode<synchronous>, transform_indices = @transform_2, window_bounds = array<i64: 128, 128>}, {pipeline_mode = #tpu.pipeline_mode<synchronous>, transform_indices = @transform_3, window_bounds = array<i64: 1, 128>}, {pipeline_mode = #tpu.pipeline_mode<synchronous>, transform_indices = @transform_4, window_bounds = array<i64: 128, 128>}, {pipeline_mode = #tpu.pipeline_mode<synchronous>, transform_indices = @transform_5, window_bounds = array<i64: 1, 128>}, {pipeline_mode = #tpu.pipeline_mode<synchronous>, transform_indices = @transform_6, window_bounds = array<i64: 128, 128>}, {transform_indices = @transform_7, window_bounds = array<i64: 1000, 128>}, {transform_indices = @transform_8, window_bounds = array<i64: 1000, 1>}]} {
    %get3A = arith.constant 0 : index
    %get3A_0 = arith.constant 0 : index
    %get3A_1 = vector.load %arg1[%get3A, %get3A_0] : memref<1000x128xf32, #tpu.memory_space<vmem>>, vector<1000x128xf32>
    %get3A_2 = arith.constant 0 : index
    %get3A_3 = arith.constant 0 : index
    %get3A_4 = vector.load %arg3[%get3A_2, %get3A_3] : memref<128x128xf32, #tpu.memory_space<vmem>>, vector<128x128xf32>
    %dot_general3A = arith.constant dense<0.000000e+00> : vector<1000x128xf32>
    %dot_general3A_5 = tpu.matmul %get3A_1, %get3A_4, %dot_general3A {dimension_numbers = #tpu.dot_dimension_numbers<[1], [0], [0], [1], [0, 0, 1, 1], [], []>, transpose_lhs_hint = false} : vector<1000x128xf32>, vector<128x128xf32>, vector<1000x128xf32> -> vector<1000x128xf32>
    %get3A_6 = arith.constant 0 : index
    %get3A_7 = arith.constant 0 : index
    %get3A_8 = vector.load %arg4[%get3A_6, %get3A_7] : memref<1x128xf32, #tpu.memory_space<vmem>>, vector<1x128xf32>
    %add3A = vector.broadcast %get3A_8 : vector<1x128xf32> to vector<1000x128xf32>
    %add3A_9 = arith.addf %dot_general3A_5, %add3A : vector<1000x128xf32>
    %max3A = arith.constant 0.000000e+00 : f32
    %max3A_10 = vector.broadcast %max3A : f32 to vector<1000x128xf32>
    %max3A_11 = arith.maximumf %add3A_9, %max3A_10 : vector<1000x128xf32>
    %get3A_12 = arith.constant 0 : index
    %get3A_13 = arith.constant 0 : index
    %get3A_14 = vector.load %arg5[%get3A_12, %get3A_13] : memref<128x128xf32, #tpu.memory_space<vmem>>, vector<128x128xf32>
    %dot_general3A_15 = arith.constant dense<0.000000e+00> : vector<1000x128xf32>
    %dot_general3A_16 = tpu.matmul %max3A_11, %get3A_14, %dot_general3A_15 {dimension_numbers = #tpu.dot_dimension_numbers<[1], [0], [0], [1], [0, 0, 1, 1], [], []>, transpose_lhs_hint = false} : vector<1000x128xf32>, vector<128x128xf32>, vector<1000x128xf32> -> vector<1000x128xf32>
    %get3A_17 = arith.constant 0 : index
    %get3A_18 = arith.constant 0 : index
    %get3A_19 = vector.load %arg6[%get3A_17, %get3A_18] : memref<1x128xf32, #tpu.memory_space<vmem>>, vector<1x128xf32>
    %add3A_20 = vector.broadcast %get3A_19 : vector<1x128xf32> to vector<1000x128xf32>
    %add3A_21 = arith.addf %dot_general3A_16, %add3A_20 : vector<1000x128xf32>
    %get3A_22 = arith.constant 0 : index
    %get3A_23 = arith.constant 0 : index
    %get3A_24 = arith.constant 0 : index
    %get3A_25 = vector.load %arg2[%get3A_22, %get3A_23, %get3A_24] : memref<2x1000x128xf32, #tpu.memory_space<vmem>>, vector<1x1000x1xf32>
    %get3A_26 = vector.shape_cast %get3A_25 : vector<1x1000x1xf32> to vector<1000x1xf32>
    %get3A_27 = arith.constant 1 : index
    %get3A_28 = arith.constant 0 : index
    %get3A_29 = arith.constant 0 : index
    %get3A_30 = vector.load %arg2[%get3A_27, %get3A_28, %get3A_29] : memref<2x1000x128xf32, #tpu.memory_space<vmem>>, vector<1x1000x1xf32>
    %get3A_31 = vector.shape_cast %get3A_30 : vector<1x1000x1xf32> to vector<1000x1xf32>
    %add3A_32 = arith.addf %get3A_26, %get3A_31 : vector<1000x1xf32>
    %add3A_33 = arith.constant 1.000000e+00 : f32
    %add3A_34 = vector.broadcast %add3A_33 : f32 to vector<1000x1xf32>
    %add3A_35 = arith.addf %add3A_32, %add3A_34 : vector<1000x1xf32>
    %rsqrt3A = math.rsqrt %add3A_35 : vector<1000x1xf32>
    %swap3A = arith.constant 0 : index
    %swap3A_36 = arith.constant 0 : index
    %swap3A_37 = vector.load %arg9[%swap3A, %swap3A_36] : memref<1000x1xf32, #tpu.memory_space<vmem>>, vector<1000x1xf32>
    tpu.vector_store %arg9[%swap3A, %swap3A_36], %rsqrt3A {strides = array<i32>} : memref<1000x1xf32, #tpu.memory_space<vmem>>, vector<1000x1xf32>,
    %get3A_38 = arith.constant 0 : index
    %get3A_39 = arith.constant 0 : index
    %get3A_40 = vector.load %arg7[%get3A_38, %get3A_39] : memref<128x128xf32, #tpu.memory_space<vmem>>, vector<128x128xf32>
    %dot_general3A_41 = arith.constant dense<0.000000e+00> : vector<1000x128xf32>
    %dot_general3A_42 = tpu.matmul %add3A_21, %get3A_40, %dot_general3A_41 {dimension_numbers = #tpu.dot_dimension_numbers<[1], [0], [0], [1], [0, 0, 1, 1], [], []>, transpose_lhs_hint = false} : vector<1000x128xf32>, vector<128x128xf32>, vector<1000x128xf32> -> vector<1000x128xf32>
    %mul3A = vector.broadcast %rsqrt3A : vector<1000x1xf32> to vector<1000x128xf32>
    %mul3A_43 = arith.mulf %dot_general3A_42, %mul3A : vector<1000x128xf32>
    %swap3A_44 = arith.constant 0 : index
    %swap3A_45 = arith.constant 0 : index
    %swap3A_46 = vector.load %arg8[%swap3A_44, %swap3A_45] : memref<1000x128xf32, #tpu.memory_space<vmem>>, vector<1000x128xf32>
    tpu.vector_store %arg8[%swap3A_44, %swap3A_45], %mul3A_43 {strides = array<i32>} : memref<1000x128xf32, #tpu.memory_space<vmem>>, vector<1000x128xf32>,
    return
  }
  func.func @transform_0(%arg0: i32) -> (i32, i32) {
    %c0_i32 = arith.constant 0 : i32
    %c0_i32_0 = arith.constant 0 : i32
    return %arg0, %c0_i32 : i32, i32
  }
  func.func @transform_1(%arg0: i32) -> (i32, i32, i32) {
    %c0_i32 = arith.constant 0 : i32
    %c0_i32_0 = arith.constant 0 : i32
    %c0_i32_1 = arith.constant 0 : i32
    return %c0_i32, %arg0, %c0_i32_0 : i32, i32, i32
  }
  func.func @transform_2(%arg0: i32) -> (i32, i32) {
    %c0_i32 = arith.constant 0 : i32
    %c0_i32_0 = arith.constant 0 : i32
    %c0_i32_1 = arith.constant 0 : i32
    return %c0_i32, %c0_i32_0 : i32, i32
  }
  func.func @transform_3(%arg0: i32) -> (i32, i32) {
    %c0_i32 = arith.constant 0 : i32
    %c0_i32_0 = arith.constant 0 : i32
    %c0_i32_1 = arith.constant 0 : i32
    return %c0_i32, %c0_i32_0 : i32, i32
  }
  func.func @transform_4(%arg0: i32) -> (i32, i32) {
    %c0_i32 = arith.constant 0 : i32
    %c0_i32_0 = arith.constant 0 : i32
    %c0_i32_1 = arith.constant 0 : i32
    return %c0_i32, %c0_i32_0 : i32, i32
  }
  func.func @transform_5(%arg0: i32) -> (i32, i32) {
    %c0_i32 = arith.constant 0 : i32
    %c0_i32_0 = arith.constant 0 : i32
    %c0_i32_1 = arith.constant 0 : i32
    return %c0_i32, %c0_i32_0 : i32, i32
  }
  func.func @transform_6(%arg0: i32) -> (i32, i32) {
    %c0_i32 = arith.constant 0 : i32
    %c0_i32_0 = arith.constant 0 : i32
    %c0_i32_1 = arith.constant 0 : i32
    return %c0_i32, %c0_i32_0 : i32, i32
  }
  func.func @transform_7(%arg0: i32) -> (i32, i32) {
    %c0_i32 = arith.constant 0 : i32
    %c0_i32_0 = arith.constant 0 : i32
    return %arg0, %c0_i32 : i32, i32
  }
  func.func @transform_8(%arg0: i32) -> (i32, i32) {
    %c0_i32 = arith.constant 0 : i32
    %c0_i32_0 = arith.constant 0 : i32
    return %arg0, %c0_i32 : i32, i32
  }
}

module attributes {stable_mosaic.version = 14 : i64} {
  func.func @_k2_body(%arg0: i32, %arg1: i32, %arg2: memref<2x1000x128xf32, #tpu.memory_space<vmem>>, %arg3: memref<1000x128xf32, #tpu.memory_space<vmem>>, %arg4: memref<1000x1xf32, #tpu.memory_space<vmem>>, %arg5: memref<1x128xf32, #tpu.memory_space<vmem>>, %arg6: memref<1x128xf32, #tpu.memory_space<vmem>>, %arg7: memref<1x128xf32, #tpu.memory_space<vmem>>, %arg8: memref<128x128xf32, #tpu.memory_space<vmem>>, %arg9: memref<1000x128xf32, #tpu.memory_space<vmem>>, %arg10: memref<10000x128xf32, #tpu.memory_space<vmem>>, %arg11: memref<2x128xf32, #tpu.memory_space<vmem>>) attributes {dimension_semantics = [#tpu.dimension_semantics<arbitrary>, #tpu.dimension_semantics<arbitrary>], iteration_bounds = array<i64: 2, 10>, scalar_prefetch = 0 : i64, scratch_operands = 2 : i64, tpu.core_type = #tpu.core_type<tc>, window_params = [{transform_indices = @transform_0, window_bounds = array<i64: 2, 1000, 128>}, {transform_indices = @transform_1, window_bounds = array<i64: 1000, 128>}, {transform_indices = @transform_2, window_bounds = array<i64: 1000, 1>}, {pipeline_mode = #tpu.pipeline_mode<synchronous>, transform_indices = @transform_3, window_bounds = array<i64: 1, 128>}, {pipeline_mode = #tpu.pipeline_mode<synchronous>, transform_indices = @transform_4, window_bounds = array<i64: 1, 128>}, {pipeline_mode = #tpu.pipeline_mode<synchronous>, transform_indices = @transform_5, window_bounds = array<i64: 1, 128>}, {pipeline_mode = #tpu.pipeline_mode<synchronous>, transform_indices = @transform_6, window_bounds = array<i64: 128, 128>}, {transform_indices = @transform_7, window_bounds = array<i64: 1000, 128>}]} {
    %get3A = arith.constant 0 : index
    %get3A_0 = arith.constant 0 : index
    %get3A_1 = vector.load %arg4[%get3A, %get3A_0] : memref<1000x1xf32, #tpu.memory_space<vmem>>, vector<1000x1xf32>
    %eq3A = arith.constant 0 : i32
    %eq3A_2 = arith.cmpi eq, %arg0, %eq3A : i32
    %convert_element_type3A = arith.extui %eq3A_2 : i1 to i32
    %cond3A = arith.constant 0 : i32
    %cond3A_3 = arith.cmpi ne, %convert_element_type3A, %cond3A : i32
    scf.if %cond3A_3 {
      %get3A_9 = arith.constant 0 : index
      %get3A_10 = arith.constant 0 : index
      %get3A_11 = arith.constant 0 : index
      %get3A_12 = vector.load %arg2[%get3A_9, %get3A_10, %get3A_11] : memref<2x1000x128xf32, #tpu.memory_space<vmem>>, vector<1x1000x128xf32>
      %get3A_13 = vector.shape_cast %get3A_12 : vector<1x1000x128xf32> to vector<1000x128xf32>
      %get3A_14 = arith.constant 1 : index
      %get3A_15 = arith.constant 0 : index
      %get3A_16 = arith.constant 0 : index
      %get3A_17 = vector.load %arg2[%get3A_14, %get3A_15, %get3A_16] : memref<2x1000x128xf32, #tpu.memory_space<vmem>>, vector<1x1000x128xf32>
      %get3A_18 = vector.shape_cast %get3A_17 : vector<1x1000x128xf32> to vector<1000x128xf32>
      %add3A = arith.addf %get3A_13, %get3A_18 : vector<1000x128xf32>
      %get3A_19 = arith.constant 0 : index
      %get3A_20 = arith.constant 0 : index
      %get3A_21 = vector.load %arg3[%get3A_19, %get3A_20] : memref<1000x128xf32, #tpu.memory_space<vmem>>, vector<1000x128xf32>
      %add3A_22 = arith.addf %add3A, %get3A_21 : vector<1000x128xf32>
      %mul3A = vector.broadcast %get3A_1 : vector<1000x1xf32> to vector<1000x128xf32>
      %mul3A_23 = arith.mulf %mul3A, %add3A_22 : vector<1000x128xf32>
      %get3A_24 = arith.constant 0 : index
      %get3A_25 = arith.constant 0 : index
      %get3A_26 = vector.load %arg5[%get3A_24, %get3A_25] : memref<1x128xf32, #tpu.memory_space<vmem>>, vector<1x128xf32>
      %add3A_27 = vector.broadcast %get3A_26 : vector<1x128xf32> to vector<1000x128xf32>
      %add3A_28 = arith.addf %mul3A_23, %add3A_27 : vector<1000x128xf32>
      %mul3A_29 = arith.constant 1000 : i32
      %mul3A_30 = arith.muli %arg1, %mul3A_29 : i32
      %swap3A = arith.index_cast %mul3A_30 : i32 to index
      %swap3A_31 = arith.constant 0 : index
      %swap3A_32 = vector.load %arg10[%swap3A, %swap3A_31] : memref<10000x128xf32, #tpu.memory_space<vmem>>, vector<1000x128xf32>
      tpu.vector_store %arg10[%swap3A, %swap3A_31], %add3A_28 {strides = array<i32>} : memref<10000x128xf32, #tpu.memory_space<vmem>>, vector<1000x128xf32>,
      %eq3A_33 = arith.constant 0 : i32
      %eq3A_34 = arith.cmpi eq, %arg1, %eq3A_33 : i32
      %convert_element_type3A_35 = arith.extui %eq3A_34 : i1 to i32
      %cond3A_36 = arith.constant 0 : i32
      %cond3A_37 = arith.cmpi ne, %convert_element_type3A_35, %cond3A_36 : i32
      scf.if %cond3A_37 {
        %broadcast_in_dim3A_57 = arith.constant 0.000000e+00 : f32
        %broadcast_in_dim3A_58 = vector.broadcast %broadcast_in_dim3A_57 : f32 to vector<2x128xf32>
        %swap3A_59 = arith.constant 0 : index
        %swap3A_60 = arith.constant 0 : index
        %swap3A_61 = vector.load %arg11[%swap3A_59, %swap3A_60] : memref<2x128xf32, #tpu.memory_space<vmem>>, vector<2x128xf32>
        tpu.vector_store %arg11[%swap3A_59, %swap3A_60], %broadcast_in_dim3A_58 {strides = array<i32>} : memref<2x128xf32, #tpu.memory_space<vmem>>, vector<2x128xf32>,
      } else {
      }
      %get3A_38 = arith.constant 0 : index
      %get3A_39 = arith.constant 0 : index
      %get3A_40 = vector.load %arg11[%get3A_38, %get3A_39] : memref<2x128xf32, #tpu.memory_space<vmem>>, vector<1x128xf32>
      %reduce_sum3A = arith.constant dense<0.000000e+00> : vector<128xf32>
      %reduce_sum3A_41 = vector.multi_reduction <add>, %add3A_28, %reduce_sum3A [0] : vector<1000x128xf32> to vector<128xf32>
      %broadcast_in_dim3A = vector.shape_cast %reduce_sum3A_41 : vector<128xf32> to vector<1x128xf32>
      %add3A_42 = arith.addf %get3A_40, %broadcast_in_dim3A : vector<1x128xf32>
      %swap3A_43 = arith.constant 0 : index
      %swap3A_44 = arith.constant 0 : index
      %swap3A_45 = vector.load %arg11[%swap3A_43, %swap3A_44] : memref<2x128xf32, #tpu.memory_space<vmem>>, vector<1x128xf32>
      tpu.vector_store %arg11[%swap3A_43, %swap3A_44], %add3A_42 {strides = array<i32>} : memref<2x128xf32, #tpu.memory_space<vmem>>, vector<1x128xf32>,
      %get3A_46 = arith.constant 1 : index
      %get3A_47 = arith.constant 0 : index
      %get3A_48 = vector.load %arg11[%get3A_46, %get3A_47] : memref<2x128xf32, #tpu.memory_space<vmem>>, vector<1x128xf32>
      %mul3A_49 = arith.mulf %add3A_28, %add3A_28 : vector<1000x128xf32>
      %reduce_sum3A_50 = arith.constant dense<0.000000e+00> : vector<128xf32>
      %reduce_sum3A_51 = vector.multi_reduction <add>, %mul3A_49, %reduce_sum3A_50 [0] : vector<1000x128xf32> to vector<128xf32>
      %broadcast_in_dim3A_52 = vector.shape_cast %reduce_sum3A_51 : vector<128xf32> to vector<1x128xf32>
      %add3A_53 = arith.addf %get3A_48, %broadcast_in_dim3A_52 : vector<1x128xf32>
      %swap3A_54 = arith.constant 1 : index
      %swap3A_55 = arith.constant 0 : index
      %swap3A_56 = vector.load %arg11[%swap3A_54, %swap3A_55] : memref<2x128xf32, #tpu.memory_space<vmem>>, vector<1x128xf32>
      tpu.vector_store %arg11[%swap3A_54, %swap3A_55], %add3A_53 {strides = array<i32>} : memref<2x128xf32, #tpu.memory_space<vmem>>, vector<1x128xf32>,
    } else {
    }
    %eq3A_4 = arith.constant 1 : i32
    %eq3A_5 = arith.cmpi eq, %arg0, %eq3A_4 : i32
    %convert_element_type3A_6 = arith.extui %eq3A_5 : i1 to i32
    %cond3A_7 = arith.constant 0 : i32
    %cond3A_8 = arith.cmpi ne, %convert_element_type3A_6, %cond3A_7 : i32
    scf.if %cond3A_8 {
      %mul3A = arith.constant 1000 : i32
      %mul3A_9 = arith.muli %arg1, %mul3A : i32
      %get3A_10 = arith.index_cast %mul3A_9 : i32 to index
      %get3A_11 = arith.constant 0 : index
      %get3A_12 = vector.load %arg10[%get3A_10, %get3A_11] : memref<10000x128xf32, #tpu.memory_space<vmem>>, vector<1000x128xf32>
      %get3A_13 = arith.constant 0 : index
      %get3A_14 = arith.constant 0 : index
      %get3A_15 = vector.load %arg11[%get3A_13, %get3A_14] : memref<2x128xf32, #tpu.memory_space<vmem>>, vector<1x128xf32>
      %div3A = arith.constant 1.000000e+04 : f32
      %div3A_16 = vector.broadcast %div3A : f32 to vector<1x128xf32>
      %div3A_17 = arith.divf %get3A_15, %div3A_16 : vector<1x128xf32>
      %get3A_18 = arith.constant 1 : index
      %get3A_19 = arith.constant 0 : index
      %get3A_20 = vector.load %arg11[%get3A_18, %get3A_19] : memref<2x128xf32, #tpu.memory_space<vmem>>, vector<1x128xf32>
      %div3A_21 = arith.constant 1.000000e+04 : f32
      %div3A_22 = vector.broadcast %div3A_21 : f32 to vector<1x128xf32>
      %div3A_23 = arith.divf %get3A_20, %div3A_22 : vector<1x128xf32>
      %mul3A_24 = arith.mulf %div3A_17, %div3A_17 : vector<1x128xf32>
      %sub3A = arith.subf %div3A_23, %mul3A_24 : vector<1x128xf32>
      %sub3A_25 = vector.broadcast %div3A_17 : vector<1x128xf32> to vector<1000x128xf32>
      %sub3A_26 = arith.subf %get3A_12, %sub3A_25 : vector<1000x128xf32>
      %add3A = arith.constant 9.99999974E-6 : f32
      %add3A_27 = vector.broadcast %add3A : f32 to vector<1x128xf32>
      %add3A_28 = arith.addf %sub3A, %add3A_27 : vector<1x128xf32>
      %rsqrt3A = math.rsqrt %add3A_28 : vector<1x128xf32>
      %mul3A_29 = vector.broadcast %rsqrt3A : vector<1x128xf32> to vector<1000x128xf32>
      %mul3A_30 = arith.mulf %sub3A_26, %mul3A_29 : vector<1000x128xf32>
      %get3A_31 = arith.constant 0 : index
      %get3A_32 = arith.constant 0 : index
      %get3A_33 = vector.load %arg6[%get3A_31, %get3A_32] : memref<1x128xf32, #tpu.memory_space<vmem>>, vector<1x128xf32>
      %mul3A_34 = vector.broadcast %get3A_33 : vector<1x128xf32> to vector<1000x128xf32>
      %mul3A_35 = arith.mulf %mul3A_30, %mul3A_34 : vector<1000x128xf32>
      %get3A_36 = arith.constant 0 : index
      %get3A_37 = arith.constant 0 : index
      %get3A_38 = vector.load %arg7[%get3A_36, %get3A_37] : memref<1x128xf32, #tpu.memory_space<vmem>>, vector<1x128xf32>
      %add3A_39 = vector.broadcast %get3A_38 : vector<1x128xf32> to vector<1000x128xf32>
      %add3A_40 = arith.addf %mul3A_35, %add3A_39 : vector<1000x128xf32>
      %max3A = arith.constant 0.000000e+00 : f32
      %max3A_41 = vector.broadcast %max3A : f32 to vector<1000x128xf32>
      %max3A_42 = arith.maximumf %add3A_40, %max3A_41 : vector<1000x128xf32>
      %get3A_43 = arith.constant 0 : index
      %get3A_44 = arith.constant 0 : index
      %get3A_45 = vector.load %arg8[%get3A_43, %get3A_44] : memref<128x128xf32, #tpu.memory_space<vmem>>, vector<128x128xf32>
      %dot_general3A = arith.constant dense<0.000000e+00> : vector<1000x128xf32>
      %dot_general3A_46 = tpu.matmul %max3A_42, %get3A_45, %dot_general3A {dimension_numbers = #tpu.dot_dimension_numbers<[1], [0], [0], [1], [0, 0, 1, 1], [], []>, transpose_lhs_hint = false} : vector<1000x128xf32>, vector<128x128xf32>, vector<1000x128xf32> -> vector<1000x128xf32>
      %mul3A_47 = vector.broadcast %get3A_1 : vector<1000x1xf32> to vector<1000x128xf32>
      %mul3A_48 = arith.mulf %dot_general3A_46, %mul3A_47 : vector<1000x128xf32>
      %swap3A = arith.constant 0 : index
      %swap3A_49 = arith.constant 0 : index
      %swap3A_50 = vector.load %arg9[%swap3A, %swap3A_49] : memref<1000x128xf32, #tpu.memory_space<vmem>>, vector<1000x128xf32>
      tpu.vector_store %arg9[%swap3A, %swap3A_49], %mul3A_48 {strides = array<i32>} : memref<1000x128xf32, #tpu.memory_space<vmem>>, vector<1000x128xf32>,
    } else {
    }
    return
  }
  func.func @transform_0(%arg0: i32, %arg1: i32) -> (i32, i32, i32) {
    %c0_i32 = arith.constant 0 : i32
    %c0_i32_0 = arith.constant 0 : i32
    %c0_i32_1 = arith.constant 0 : i32
    return %c0_i32, %arg1, %c0_i32_0 : i32, i32, i32
  }
  func.func @transform_1(%arg0: i32, %arg1: i32) -> (i32, i32) {
    %c0_i32 = arith.constant 0 : i32
    %c0_i32_0 = arith.constant 0 : i32
    return %arg1, %c0_i32 : i32, i32
  }
  func.func @transform_2(%arg0: i32, %arg1: i32) -> (i32, i32) {
    %c0_i32 = arith.constant 0 : i32
    %c0_i32_0 = arith.constant 0 : i32
    return %arg1, %c0_i32 : i32, i32
  }
  func.func @transform_3(%arg0: i32, %arg1: i32) -> (i32, i32) {
    %c0_i32 = arith.constant 0 : i32
    %c0_i32_0 = arith.constant 0 : i32
    %c0_i32_1 = arith.constant 0 : i32
    return %c0_i32, %c0_i32_0 : i32, i32
  }
  func.func @transform_4(%arg0: i32, %arg1: i32) -> (i32, i32) {
    %c0_i32 = arith.constant 0 : i32
    %c0_i32_0 = arith.constant 0 : i32
    %c0_i32_1 = arith.constant 0 : i32
    return %c0_i32, %c0_i32_0 : i32, i32
  }
  func.func @transform_5(%arg0: i32, %arg1: i32) -> (i32, i32) {
    %c0_i32 = arith.constant 0 : i32
    %c0_i32_0 = arith.constant 0 : i32
    %c0_i32_1 = arith.constant 0 : i32
    return %c0_i32, %c0_i32_0 : i32, i32
  }
  func.func @transform_6(%arg0: i32, %arg1: i32) -> (i32, i32) {
    %c0_i32 = arith.constant 0 : i32
    %c0_i32_0 = arith.constant 0 : i32
    %c0_i32_1 = arith.constant 0 : i32
    return %c0_i32, %c0_i32_0 : i32, i32
  }
  func.func @transform_7(%arg0: i32, %arg1: i32) -> (i32, i32) {
    %c0_i32 = arith.constant 0 : i32
    %c0_i32_0 = arith.constant 0 : i32
    return %arg1, %c0_i32 : i32, i32
  }
}

module attributes {stable_mosaic.version = 14 : i64} {
  func.func @_k3_body(%arg0: i32, %arg1: i32, %arg2: memref<2x1000x128xf32, #tpu.memory_space<vmem>>, %arg3: memref<1000x128xf32, #tpu.memory_space<vmem>>, %arg4: memref<1000x1xf32, #tpu.memory_space<vmem>>, %arg5: memref<1000x1xi32, #tpu.memory_space<vmem>>, %arg6: memref<1x128xf32, #tpu.memory_space<vmem>>, %arg7: memref<1x128xf32, #tpu.memory_space<vmem>>, %arg8: memref<1x128xf32, #tpu.memory_space<vmem>>, %arg9: memref<128x64xf32, #tpu.memory_space<vmem>>, %arg10: memref<1x64xf32, #tpu.memory_space<vmem>>, %arg11: memref<64x64xf32, #tpu.memory_space<vmem>>, %arg12: memref<1x64xf32, #tpu.memory_space<vmem>>, %arg13: memref<64x64xf32, #tpu.memory_space<vmem>>, %arg14: memref<10000x128xf32, #tpu.memory_space<vmem>>, %arg15: memref<2x128xf32, #tpu.memory_space<vmem>>) attributes {dimension_semantics = [#tpu.dimension_semantics<arbitrary>, #tpu.dimension_semantics<arbitrary>], iteration_bounds = array<i64: 2, 10>, scalar_prefetch = 0 : i64, scratch_operands = 2 : i64, tpu.core_type = #tpu.core_type<tc>, window_params = [{transform_indices = @transform_0, window_bounds = array<i64: 2, 1000, 128>}, {transform_indices = @transform_1, window_bounds = array<i64: 1000, 128>}, {transform_indices = @transform_2, window_bounds = array<i64: 1000, 1>}, {transform_indices = @transform_3, window_bounds = array<i64: 1000, 1>}, {pipeline_mode = #tpu.pipeline_mode<synchronous>, transform_indices = @transform_4, window_bounds = array<i64: 1, 128>}, {pipeline_mode = #tpu.pipeline_mode<synchronous>, transform_indices = @transform_5, window_bounds = array<i64: 1, 128>}, {pipeline_mode = #tpu.pipeline_mode<synchronous>, transform_indices = @transform_6, window_bounds = array<i64: 1, 128>}, {pipeline_mode = #tpu.pipeline_mode<synchronous>, transform_indices = @transform_7, window_bounds = array<i64: 128, 64>}, {pipeline_mode = #tpu.pipeline_mode<synchronous>, transform_indices = @transform_8, window_bounds = array<i64: 1, 64>}, {pipeline_mode = #tpu.pipeline_mode<synchronous>, transform_indices = @transform_9, window_bounds = array<i64: 64, 64>}, {pipeline_mode = #tpu.pipeline_mode<synchronous>, transform_indices = @transform_10, window_bounds = array<i64: 1, 64>}, {pipeline_mode = #tpu.pipeline_mode<synchronous>, transform_indices = @transform_11, window_bounds = array<i64: 64, 64>}]} {
    %get3A = arith.constant 0 : index
    %get3A_0 = arith.constant 0 : index
    %get3A_1 = vector.load %arg4[%get3A, %get3A_0] : memref<1000x1xf32, #tpu.memory_space<vmem>>, vector<1000x1xf32>
    %eq3A = arith.constant 0 : i32
    %eq3A_2 = arith.cmpi eq, %arg0, %eq3A : i32
    %convert_element_type3A = arith.extui %eq3A_2 : i1 to i32
    %cond3A = arith.constant 0 : i32
    %cond3A_3 = arith.cmpi ne, %convert_element_type3A, %cond3A : i32
    scf.if %cond3A_3 {
      %get3A_9 = arith.constant 0 : index
      %get3A_10 = arith.constant 0 : index
      %get3A_11 = arith.constant 0 : index
      %get3A_12 = vector.load %arg2[%get3A_9, %get3A_10, %get3A_11] : memref<2x1000x128xf32, #tpu.memory_space<vmem>>, vector<1x1000x128xf32>
      %get3A_13 = vector.shape_cast %get3A_12 : vector<1x1000x128xf32> to vector<1000x128xf32>
      %get3A_14 = arith.constant 1 : index
      %get3A_15 = arith.constant 0 : index
      %get3A_16 = arith.constant 0 : index
      %get3A_17 = vector.load %arg2[%get3A_14, %get3A_15, %get3A_16] : memref<2x1000x128xf32, #tpu.memory_space<vmem>>, vector<1x1000x128xf32>
      %get3A_18 = vector.shape_cast %get3A_17 : vector<1x1000x128xf32> to vector<1000x128xf32>
      %add3A = arith.addf %get3A_13, %get3A_18 : vector<1000x128xf32>
      %get3A_19 = arith.constant 0 : index
      %get3A_20 = arith.constant 0 : index
      %get3A_21 = vector.load %arg3[%get3A_19, %get3A_20] : memref<1000x128xf32, #tpu.memory_space<vmem>>, vector<1000x128xf32>
      %add3A_22 = arith.addf %add3A, %get3A_21 : vector<1000x128xf32>
      %mul3A = vector.broadcast %get3A_1 : vector<1000x1xf32> to vector<1000x128xf32>
      %mul3A_23 = arith.mulf %mul3A, %add3A_22 : vector<1000x128xf32>
      %get3A_24 = arith.constant 0 : index
      %get3A_25 = arith.constant 0 : index
      %get3A_26 = vector.load %arg6[%get3A_24, %get3A_25] : memref<1x128xf32, #tpu.memory_space<vmem>>, vector<1x128xf32>
      %add3A_27 = vector.broadcast %get3A_26 : vector<1x128xf32> to vector<1000x128xf32>
      %add3A_28 = arith.addf %mul3A_23, %add3A_27 : vector<1000x128xf32>
      %mul3A_29 = arith.constant 1000 : i32
      %mul3A_30 = arith.muli %arg1, %mul3A_29 : i32
      %swap3A = arith.index_cast %mul3A_30 : i32 to index
      %swap3A_31 = arith.constant 0 : index
      %swap3A_32 = vector.load %arg14[%swap3A, %swap3A_31] : memref<10000x128xf32, #tpu.memory_space<vmem>>, vector<1000x128xf32>
      tpu.vector_store %arg14[%swap3A, %swap3A_31], %add3A_28 {strides = array<i32>} : memref<10000x128xf32, #tpu.memory_space<vmem>>, vector<1000x128xf32>,
      %eq3A_33 = arith.constant 0 : i32
      %eq3A_34 = arith.cmpi eq, %arg1, %eq3A_33 : i32
      %convert_element_type3A_35 = arith.extui %eq3A_34 : i1 to i32
      %cond3A_36 = arith.constant 0 : i32
      %cond3A_37 = arith.cmpi ne, %convert_element_type3A_35, %cond3A_36 : i32
      scf.if %cond3A_37 {
        %broadcast_in_dim3A_57 = arith.constant 0.000000e+00 : f32
        %broadcast_in_dim3A_58 = vector.broadcast %broadcast_in_dim3A_57 : f32 to vector<2x128xf32>
        %swap3A_59 = arith.constant 0 : index
        %swap3A_60 = arith.constant 0 : index
        %swap3A_61 = vector.load %arg15[%swap3A_59, %swap3A_60] : memref<2x128xf32, #tpu.memory_space<vmem>>, vector<2x128xf32>
        tpu.vector_store %arg15[%swap3A_59, %swap3A_60], %broadcast_in_dim3A_58 {strides = array<i32>} : memref<2x128xf32, #tpu.memory_space<vmem>>, vector<2x128xf32>,
        %broadcast_in_dim3A_62 = arith.constant 0.000000e+00 : f32
        %broadcast_in_dim3A_63 = vector.broadcast %broadcast_in_dim3A_62 : f32 to vector<64x64xf32>
        %swap3A_64 = arith.constant 0 : index
        %swap3A_65 = arith.constant 0 : index
        %swap3A_66 = vector.load %arg13[%swap3A_64, %swap3A_65] : memref<64x64xf32, #tpu.memory_space<vmem>>, vector<64x64xf32>
        tpu.vector_store %arg13[%swap3A_64, %swap3A_65], %broadcast_in_dim3A_63 {strides = array<i32>} : memref<64x64xf32, #tpu.memory_space<vmem>>, vector<64x64xf32>,
      } else {
      }
      %get3A_38 = arith.constant 0 : index
      %get3A_39 = arith.constant 0 : index
      %get3A_40 = vector.load %arg15[%get3A_38, %get3A_39] : memref<2x128xf32, #tpu.memory_space<vmem>>, vector<1x128xf32>
      %reduce_sum3A = arith.constant dense<0.000000e+00> : vector<128xf32>
      %reduce_sum3A_41 = vector.multi_reduction <add>, %add3A_28, %reduce_sum3A [0] : vector<1000x128xf32> to vector<128xf32>
      %broadcast_in_dim3A = vector.shape_cast %reduce_sum3A_41 : vector<128xf32> to vector<1x128xf32>
      %add3A_42 = arith.addf %get3A_40, %broadcast_in_dim3A : vector<1x128xf32>
      %swap3A_43 = arith.constant 0 : index
      %swap3A_44 = arith.constant 0 : index
      %swap3A_45 = vector.load %arg15[%swap3A_43, %swap3A_44] : memref<2x128xf32, #tpu.memory_space<vmem>>, vector<1x128xf32>
      tpu.vector_store %arg15[%swap3A_43, %swap3A_44], %add3A_42 {strides = array<i32>} : memref<2x128xf32, #tpu.memory_space<vmem>>, vector<1x128xf32>,
      %get3A_46 = arith.constant 1 : index
      %get3A_47 = arith.constant 0 : index
      %get3A_48 = vector.load %arg15[%get3A_46, %get3A_47] : memref<2x128xf32, #tpu.memory_space<vmem>>, vector<1x128xf32>
      %mul3A_49 = arith.mulf %add3A_28, %add3A_28 : vector<1000x128xf32>
      %reduce_sum3A_50 = arith.constant dense<0.000000e+00> : vector<128xf32>
      %reduce_sum3A_51 = vector.multi_reduction <add>, %mul3A_49, %reduce_sum3A_50 [0] : vector<1000x128xf32> to vector<128xf32>
      %broadcast_in_dim3A_52 = vector.shape_cast %reduce_sum3A_51 : vector<128xf32> to vector<1x128xf32>
      %add3A_53 = arith.addf %get3A_48, %broadcast_in_dim3A_52 : vector<1x128xf32>
      %swap3A_54 = arith.constant 1 : index
      %swap3A_55 = arith.constant 0 : index
      %swap3A_56 = vector.load %arg15[%swap3A_54, %swap3A_55] : memref<2x128xf32, #tpu.memory_space<vmem>>, vector<1x128xf32>
      tpu.vector_store %arg15[%swap3A_54, %swap3A_55], %add3A_53 {strides = array<i32>} : memref<2x128xf32, #tpu.memory_space<vmem>>, vector<1x128xf32>,
    } else {
    }
    %eq3A_4 = arith.constant 1 : i32
    %eq3A_5 = arith.cmpi eq, %arg0, %eq3A_4 : i32
    %convert_element_type3A_6 = arith.extui %eq3A_5 : i1 to i32
    %cond3A_7 = arith.constant 0 : i32
    %cond3A_8 = arith.cmpi ne, %convert_element_type3A_6, %cond3A_7 : i32
    scf.if %cond3A_8 {
      %mul3A = arith.constant 1000 : i32
      %mul3A_9 = arith.muli %arg1, %mul3A : i32
      %get3A_10 = arith.index_cast %mul3A_9 : i32 to index
      %get3A_11 = arith.constant 0 : index
      %get3A_12 = vector.load %arg14[%get3A_10, %get3A_11] : memref<10000x128xf32, #tpu.memory_space<vmem>>, vector<1000x128xf32>
      %get3A_13 = arith.constant 0 : index
      %get3A_14 = arith.constant 0 : index
      %get3A_15 = vector.load %arg15[%get3A_13, %get3A_14] : memref<2x128xf32, #tpu.memory_space<vmem>>, vector<1x128xf32>
      %div3A = arith.constant 1.000000e+04 : f32
      %div3A_16 = vector.broadcast %div3A : f32 to vector<1x128xf32>
      %div3A_17 = arith.divf %get3A_15, %div3A_16 : vector<1x128xf32>
      %get3A_18 = arith.constant 1 : index
      %get3A_19 = arith.constant 0 : index
      %get3A_20 = vector.load %arg15[%get3A_18, %get3A_19] : memref<2x128xf32, #tpu.memory_space<vmem>>, vector<1x128xf32>
      %div3A_21 = arith.constant 1.000000e+04 : f32
      %div3A_22 = vector.broadcast %div3A_21 : f32 to vector<1x128xf32>
      %div3A_23 = arith.divf %get3A_20, %div3A_22 : vector<1x128xf32>
      %mul3A_24 = arith.mulf %div3A_17, %div3A_17 : vector<1x128xf32>
      %sub3A = arith.subf %div3A_23, %mul3A_24 : vector<1x128xf32>
      %sub3A_25 = vector.broadcast %div3A_17 : vector<1x128xf32> to vector<1000x128xf32>
      %sub3A_26 = arith.subf %get3A_12, %sub3A_25 : vector<1000x128xf32>
      %add3A = arith.constant 9.99999974E-6 : f32
      %add3A_27 = vector.broadcast %add3A : f32 to vector<1x128xf32>
      %add3A_28 = arith.addf %sub3A, %add3A_27 : vector<1x128xf32>
      %rsqrt3A = math.rsqrt %add3A_28 : vector<1x128xf32>
      %mul3A_29 = vector.broadcast %rsqrt3A : vector<1x128xf32> to vector<1000x128xf32>
      %mul3A_30 = arith.mulf %sub3A_26, %mul3A_29 : vector<1000x128xf32>
      %get3A_31 = arith.constant 0 : index
      %get3A_32 = arith.constant 0 : index
      %get3A_33 = vector.load %arg7[%get3A_31, %get3A_32] : memref<1x128xf32, #tpu.memory_space<vmem>>, vector<1x128xf32>
      %mul3A_34 = vector.broadcast %get3A_33 : vector<1x128xf32> to vector<1000x128xf32>
      %mul3A_35 = arith.mulf %mul3A_30, %mul3A_34 : vector<1000x128xf32>
      %get3A_36 = arith.constant 0 : index
      %get3A_37 = arith.constant 0 : index
      %get3A_38 = vector.load %arg8[%get3A_36, %get3A_37] : memref<1x128xf32, #tpu.memory_space<vmem>>, vector<1x128xf32>
      %add3A_39 = vector.broadcast %get3A_38 : vector<1x128xf32> to vector<1000x128xf32>
      %add3A_40 = arith.addf %mul3A_35, %add3A_39 : vector<1000x128xf32>
      %max3A = arith.constant 0.000000e+00 : f32
      %max3A_41 = vector.broadcast %max3A : f32 to vector<1000x128xf32>
      %max3A_42 = arith.maximumf %add3A_40, %max3A_41 : vector<1000x128xf32>
      %get3A_43 = arith.constant 0 : index
      %get3A_44 = arith.constant 0 : index
      %get3A_45 = vector.load %arg9[%get3A_43, %get3A_44] : memref<128x64xf32, #tpu.memory_space<vmem>>, vector<128x64xf32>
      %dot_general3A = arith.constant dense<0.000000e+00> : vector<1000x64xf32>
      %dot_general3A_46 = tpu.matmul %max3A_42, %get3A_45, %dot_general3A {dimension_numbers = #tpu.dot_dimension_numbers<[1], [0], [0], [1], [0, 0, 1, 1], [], []>, transpose_lhs_hint = false} : vector<1000x128xf32>, vector<128x64xf32>, vector<1000x64xf32> -> vector<1000x64xf32>
      %get3A_47 = arith.constant 0 : index
      %get3A_48 = arith.constant 0 : index
      %get3A_49 = vector.load %arg10[%get3A_47, %get3A_48] : memref<1x64xf32, #tpu.memory_space<vmem>>, vector<1x64xf32>
      %add3A_50 = vector.broadcast %get3A_49 : vector<1x64xf32> to vector<1000x64xf32>
      %add3A_51 = arith.addf %dot_general3A_46, %add3A_50 : vector<1000x64xf32>
      %max3A_52 = arith.constant 0.000000e+00 : f32
      %max3A_53 = vector.broadcast %max3A_52 : f32 to vector<1000x64xf32>
      %max3A_54 = arith.maximumf %add3A_51, %max3A_53 : vector<1000x64xf32>
      %get3A_55 = arith.constant 0 : index
      %get3A_56 = arith.constant 0 : index
      %get3A_57 = vector.load %arg11[%get3A_55, %get3A_56] : memref<64x64xf32, #tpu.memory_space<vmem>>, vector<64x64xf32>
      %dot_general3A_58 = arith.constant dense<0.000000e+00> : vector<1000x64xf32>
      %dot_general3A_59 = tpu.matmul %max3A_54, %get3A_57, %dot_general3A_58 {dimension_numbers = #tpu.dot_dimension_numbers<[1], [0], [0], [1], [0, 0, 1, 1], [], []>, transpose_lhs_hint = false} : vector<1000x64xf32>, vector<64x64xf32>, vector<1000x64xf32> -> vector<1000x64xf32>
      %get3A_60 = arith.constant 0 : index
      %get3A_61 = arith.constant 0 : index
      %get3A_62 = vector.load %arg12[%get3A_60, %get3A_61] : memref<1x64xf32, #tpu.memory_space<vmem>>, vector<1x64xf32>
      %add3A_63 = vector.broadcast %get3A_62 : vector<1x64xf32> to vector<1000x64xf32>
      %add3A_64 = arith.addf %dot_general3A_59, %add3A_63 : vector<1000x64xf32>
      %iota3A = tpu.iota {dimensions = array<i32: 1>} : vector<1x64xi32>
      %get3A_65 = arith.constant 0 : index
      %get3A_66 = arith.constant 0 : index
      %get3A_67 = vector.load %arg5[%get3A_65, %get3A_66] : memref<1000x1xi32, #tpu.memory_space<vmem>>, vector<1000x1xi32>
      %eq3A_68 = vector.broadcast %get3A_67 : vector<1000x1xi32> to vector<1000x64xi32>
      %eq3A_69 = vector.broadcast %iota3A : vector<1x64xi32> to vector<1000x64xi32>
      %eq3A_70 = arith.cmpi eq, %eq3A_68, %eq3A_69 : vector<1000x64xi32>
      %convert_element_type3A_71 = arith.extui %eq3A_70 : vector<1000x64xi1> to vector<1000x64xi32>
      %convert_element_type3A_72 = arith.sitofp %convert_element_type3A_71 : vector<1000x64xi32> to vector<1000x64xf32>
      %get3A_73 = arith.constant 0 : index
      %get3A_74 = arith.constant 0 : index
      %get3A_75 = vector.load %arg13[%get3A_73, %get3A_74] : memref<64x64xf32, #tpu.memory_space<vmem>>, vector<64x64xf32>
      %dot_general3A_76 = arith.constant dense<0.000000e+00> : vector<64x64xf32>
      %dot_general3A_77 = tpu.matmul %convert_element_type3A_72, %add3A_64, %dot_general3A_76 {dimension_numbers = #tpu.dot_dimension_numbers<[0], [0], [1], [1], [0, 1, 1, 1], [], []>, transpose_lhs_hint = false} : vector<1000x64xf32>, vector<1000x64xf32>, vector<64x64xf32> -> vector<64x64xf32>
      %add3A_78 = arith.addf %get3A_75, %dot_general3A_77 : vector<64x64xf32>
      %swap3A = arith.constant 0 : index
      %swap3A_79 = arith.constant 0 : index
      %swap3A_80 = vector.load %arg13[%swap3A, %swap3A_79] : memref<64x64xf32, #tpu.memory_space<vmem>>, vector<64x64xf32>
      tpu.vector_store %arg13[%swap3A, %swap3A_79], %add3A_78 {strides = array<i32>} : memref<64x64xf32, #tpu.memory_space<vmem>>, vector<64x64xf32>,
    } else {
    }
    return
  }
  func.func @transform_0(%arg0: i32, %arg1: i32) -> (i32, i32, i32) {
    %c0_i32 = arith.constant 0 : i32
    %c0_i32_0 = arith.constant 0 : i32
    %c0_i32_1 = arith.constant 0 : i32
    return %c0_i32, %arg1, %c0_i32_0 : i32, i32, i32
  }
  func.func @transform_1(%arg0: i32, %arg1: i32) -> (i32, i32) {
    %c0_i32 = arith.constant 0 : i32
    %c0_i32_0 = arith.constant 0 : i32
    return %arg1, %c0_i32 : i32, i32
  }
  func.func @transform_2(%arg0: i32, %arg1: i32) -> (i32, i32) {
    %c0_i32 = arith.constant 0 : i32
    %c0_i32_0 = arith.constant 0 : i32
    return %arg1, %c0_i32 : i32, i32
  }
  func.func @transform_3(%arg0: i32, %arg1: i32) -> (i32, i32) {
    %c0_i32 = arith.constant 0 : i32
    %c0_i32_0 = arith.constant 0 : i32
    return %arg1, %c0_i32 : i32, i32
  }
  func.func @transform_4(%arg0: i32, %arg1: i32) -> (i32, i32) {
    %c0_i32 = arith.constant 0 : i32
    %c0_i32_0 = arith.constant 0 : i32
    %c0_i32_1 = arith.constant 0 : i32
    return %c0_i32, %c0_i32_0 : i32, i32
  }
  func.func @transform_5(%arg0: i32, %arg1: i32) -> (i32, i32) {
    %c0_i32 = arith.constant 0 : i32
    %c0_i32_0 = arith.constant 0 : i32
    %c0_i32_1 = arith.constant 0 : i32
    return %c0_i32, %c0_i32_0 : i32, i32
  }
  func.func @transform_6(%arg0: i32, %arg1: i32) -> (i32, i32) {
    %c0_i32 = arith.constant 0 : i32
    %c0_i32_0 = arith.constant 0 : i32
    %c0_i32_1 = arith.constant 0 : i32
    return %c0_i32, %c0_i32_0 : i32, i32
  }
  func.func @transform_7(%arg0: i32, %arg1: i32) -> (i32, i32) {
    %c0_i32 = arith.constant 0 : i32
    %c0_i32_0 = arith.constant 0 : i32
    %c0_i32_1 = arith.constant 0 : i32
    return %c0_i32, %c0_i32_0 : i32, i32
  }
  func.func @transform_8(%arg0: i32, %arg1: i32) -> (i32, i32) {
    %c0_i32 = arith.constant 0 : i32
    %c0_i32_0 = arith.constant 0 : i32
    %c0_i32_1 = arith.constant 0 : i32
    return %c0_i32, %c0_i32_0 : i32, i32
  }
  func.func @transform_9(%arg0: i32, %arg1: i32) -> (i32, i32) {
    %c0_i32 = arith.constant 0 : i32
    %c0_i32_0 = arith.constant 0 : i32
    %c0_i32_1 = arith.constant 0 : i32
    return %c0_i32, %c0_i32_0 : i32, i32
  }
  func.func @transform_10(%arg0: i32, %arg1: i32) -> (i32, i32) {
    %c0_i32 = arith.constant 0 : i32
    %c0_i32_0 = arith.constant 0 : i32
    %c0_i32_1 = arith.constant 0 : i32
    return %c0_i32, %c0_i32_0 : i32, i32
  }
  func.func @transform_11(%arg0: i32, %arg1: i32) -> (i32, i32) {
    %c0_i32 = arith.constant 0 : i32
    %c0_i32_0 = arith.constant 0 : i32
    %c0_i32_1 = arith.constant 0 : i32
    return %c0_i32, %c0_i32_0 : i32, i32
  }
}

</mosaic_0001>

<sc_bundles>
// kernel: kernel.10.cloned.1.call-start
scs
__scs_entry_jumppad:
0x0: {  	(pc) =	sbr.rel $0x88, $3  }
0x1: {  	(tag) =	ssettag $0x0;
	lr =	simm.s32 $0x1  }
0x2: {  	[smem:$0x3F8A] =	sst lr;
	_ =	strace $0xD0000000  }
0x3: {  	_ = 	snop  }
0x4: {  	_ = 	snop  }
0x5: {  	_ = 	snop  }
0x6: {  	_ = 	snop  }
0x7: {  	_ = 	snop  }
__scs_overlays_trampoline_lowered:
0x8: {  	[smem:$0x3F99] =	sst s0  }
0x9: {  	[smem:$0x3F9A] =	sst s1  }
0xa: {  	[smem:$0x3F9B] =	sst s2  }
0xb: {  	[smem:$0x3F9C] =	sst s3  }
0xc: {  	[smem:$0x3F9D] =	sst s4  }
0xd: {  	[smem:$0x3F9E] =	sst s5  }
0xe: {  	[smem:$0x3F9F] =	sst s6  }
0xf: {  	[smem:$0x3FA0] =	sst s7  }
0x10: {  	[smem:$0x3FA1] =	sst s8  }
0x11: {  	[smem:$0x3FA2] =	sst s9;
	s0 =	simm.s32 @!p0 $0x0  }
0x12: {  	s1 =	sld [smem:$0x3F88];
	s0 =	simm.s32 @p0 $0x1  }
0x13: {  	[smem:$0x3FA3] =	sst s0;
	s0 =	simm.s32 @!p1 $0x0  }
0x14: {  	s2 =	sld [smem:$0x3F87];
	s0 =	simm.s32 @p1 $0x1  }
0x15: {  	[smem:$0x3FA4] =	sst s0;
	s0 =	simm.s32 @!p2 $0x0  }
0x16: {  	s3 =	sld [smem:$0x3FDB];
	s0 =	simm.s32 @p2 $0x1  }
0x17: {  	s4 =	simm.s32 $0x1BF5;
	[smem:$0x3FA6] =	sst s0  }
0x18: {  	s0 =	sld [smem:$0x3F89];
	_ =	swait.ge [sflag:s4], $0x0  }
0x19: {  	s7 =	sld [smem:$0x3F8A]  }
0x1a: {  	s8 =	sadd.s32 $0xFFFFE003, lr  }
0x1b: {  	s9 =	sadd.s32 $0xFFFFFEF7, lr;
	s5 =	simm.s32 $0xFFFFFFFF;
	p2 =	slt.u32 s8, $0xFFFFF086  }
0x1c: {  	p1 =	slt.u32 s9, $0xF7A;
	s5 =	simm.s32 @!p2 $0x0  }
0x1d: {  	s5 =	simm.s32 @p1 $0x1;
	p0 =	seq.s32 s7, s2  }
0x1e: {  	s7 =	smul.u32 @!p0 $0xF7A, s2;
	p2 =	seq.s32 @!p0 s5, $0x0  }
0x1f: {  	s9 =	smul.u32 $0xF7A, s1;
	s8 =	simm.s32 @!p0 $0x1BF5;
	p2 =	por !p2, p0  }
0x20: {  	[sflag:s8] =	ssyncset.s32 @!p0 $0xFFFFF086;
	s6 =	sadd.s32 @!p0 s3, s7;
	s7 =	simm.s32 @!p0 $0x108  }
0x21: {  	s3 =	sadd.s32 s3, s9;
	s6 =	sadd.s32 @!p0 $0x88, s6;
	s7 =	simm.s32 @p2 $0x1082  }
0x22: {  	[simem:s7], [sflag:s8] =	dma.local @!p0 [hbm:s6], $0xF7A  }
0x23: {  	s9 =	sor.u32 $0xD0000000, s2;
	s6 =	simm.s32 $0x108;
	_ =	swait.ge @!p0 [sflag:s8], $0x0  }
0x24: {  	s3 =	sadd.s32 $0x88, s3;
	s6 =	simm.s32 @!p1 $0x1082;
	[sflag:s4] =	ssyncset.s32 $0xFFFFF086  }
0x25: {  	[simem:s6], [sflag:s4] =	dma.local [hbm:s3], $0xF7A  }
0x26: {  	[smem:$0x3F8A] =	sst s1;
	(tag) =	ssettag s2;
	_ =	strace s9  }
0x27: {  	s1 =	sld [smem:$0x3F9A]  }
0x28: {  	s2 =	sld [smem:$0x3F9B]  }
0x29: {  	s4 =	sld [smem:$0x3F9D]  }
0x2a: {  	p0 =	seq.s32 s5, $0x0;
	s5 =	sld [smem:$0x3F9E]  }
0x2b: {  	s6 =	sld [smem:$0x3F9F]  }
0x2c: {  	s7 =	sld [smem:$0x3FA0]  }
0x2d: {  	s3 =	simm.s32 $0x108;
	s8 =	sld [smem:$0x3FA1]  }
0x2e: {  	s3 =	simm.s32 @!p0 $0x1082;
	s9 =	sld [smem:$0x3FA2]  }
0x2f: {  	lr =	sadd.s32 s0, s3;
	s0 =	sld [smem:$0x3F99]  }
0x30: {  	s3 =	sld [smem:$0x3F9C]  }
0x31: {  	[smem:$0x3FA5] =	sst s10  }
0x32: {  	s10 =	sld [smem:$0x3FA3];
	_ =	sdelay $0x3  }
0x33: {  	p0 =	seq.s32 s10, $0x1;
	s10 =	sld [smem:$0x3FA5];
	_ =	sdelay $0x3  }
0x34: {  	[smem:$0x3FA5] =	sst s10  }
0x35: {  	s10 =	sld [smem:$0x3FA4];
	_ =	sdelay $0x3  }
0x36: {  	p1 =	seq.s32 s10, $0x1;
	s10 =	sld [smem:$0x3FA5];
	_ =	sdelay $0x3  }
0x37: {  	[smem:$0x3FA5] =	sst s10  }
0x38: {  	s10 =	sld [smem:$0x3FA6]  }
0x39: {  	_ = 	snop;
	(pc) =	sbr.ind lr, $3  }
0x3a: {  	_ = 	snop  }
0x3b: {  	_ = 	snop  }
0x3c: {  	p2 =	seq.s32 s10, $0x1;
	s10 =	sld [smem:$0x3FA5]  }
0x3d: {  	_ =	shalt  }
0x3e: {  	_ =	shalt  }
0x3f: {  	_ =	shalt  }
0x40: {  	_ =	shalt  }
0x41: {  	_ =	shalt  }
0x42: {  	_ =	shalt  }
0x43: {  	_ =	shalt  }
0x44: {  	_ =	shalt  }
0x45: {  	_ =	shalt  }
0x46: {  	_ =	shalt  }
0x47: {  	_ =	shalt  }
0x48: {  	_ =	shalt  }
0x49: {  	_ =	shalt  }
0x4a: {  	_ =	shalt  }
0x4b: {  	_ =	shalt  }
0x4c: {  	_ =	shalt  }
0x4d: {  	_ =	shalt  }
0x4e: {  	_ =	shalt  }
0x4f: {  	_ =	shalt  }
0x50: {  	_ =	shalt  }
0x51: {  	_ =	shalt  }
0x52: {  	_ =	shalt  }
0x53: {  	_ =	shalt  }
0x54: {  	_ =	shalt  }
0x55: {  	_ =	shalt  }
0x56: {  	_ =	shalt  }
0x57: {  	_ =	shalt  }
0x58: {  	_ =	shalt  }
0x59: {  	_ =	shalt  }
0x5a: {  	_ =	shalt  }
0x5b: {  	_ =	shalt  }
0x5c: {  	_ =	shalt  }
0x5d: {  	_ =	shalt  }
0x5e: {  	_ =	shalt  }
0x5f: {  	_ =	shalt  }
0x60: {  	_ =	shalt  }
0x61: {  	_ =	shalt  }
0x62: {  	_ =	shalt  }
0x63: {  	_ =	shalt  }
0x64: {  	_ =	shalt  }
0x65: {  	_ =	shalt  }
0x66: {  	_ =	shalt  }
0x67: {  	_ =	shalt  }
0x68: {  	_ =	shalt  }
0x69: {  	_ =	shalt  }
0x6a: {  	_ =	shalt  }
0x6b: {  	_ =	shalt  }
0x6c: {  	_ =	shalt  }
0x6d: {  	_ =	shalt  }
0x6e: {  	_ =	shalt  }
0x6f: {  	_ =	shalt  }
0x70: {  	_ =	shalt  }
0x71: {  	_ =	shalt  }
0x72: {  	_ =	shalt  }
0x73: {  	_ =	shalt  }
0x74: {  	_ =	shalt  }
0x75: {  	_ =	shalt  }
0x76: {  	_ =	shalt  }
0x77: {  	_ =	shalt  }
0x78: {  	_ =	shalt  }
0x79: {  	_ =	shalt  }
0x7a: {  	_ =	shalt  }
0x7b: {  	_ =	shalt  }
0x7c: {  	_ =	shalt  }
0x7d: {  	_ =	shalt  }
0x7e: {  	_ =	shalt  }
0x7f: {  	_ =	shalt  }
0x80: {  	_ =	shalt  }
0x81: {  	_ =	shalt  }
0x82: {  	_ =	shalt  }
0x83: {  	_ =	shalt  }
0x84: {  	_ =	shalt  }
0x85: {  	_ =	shalt  }
0x86: {  	_ =	shalt  }
0x87: {  	_ =	shalt  }
.Lfunc_end0:
.L_simem_size_0:
called_computation_lowered:
.L_overlay_start_0:
0x88: {  	s2 =	sld [smem:$0x3FD9]  }
0x89: {  	s3 =	sld [smem:$0x3FFE];
	_ =	sdelay $0x1  }
0x8a: {  	s1 =	srdreg.scid  }
0x8b: {  	s0 =	sand.u32 $0x1, s1  }
0x8c: {  	s16 =	sshll.u32 s0, $0xA;
	s2 =	sadd.s32 s3, s2  }
0x8d: {  	s2 =	sadd.s32 s2, s16  }
0x8e: {  	[smem:$0x3FB1] =	sst s2  }
0x8f: {  	_ = 	snop  }
0x90: {  	(tm) =	ssettm $0x1  }
0x91: {  	s17 =	sld [smem:$0x3FFB];
	_ =	sdelay $0x3  }
0x92: {  	_ =	strace s17  }
0x93: {  	s2 =	sld [smem:$0x3FFC];
	_ =	sdelay $0x3  }
0x94: {  	_ =	strace s2  }
0x95: {  	s2 =	sld [smem:$0x3FFD];
	_ =	sdelay $0x3  }
0x96: {  	_ =	strace s2  }
0x97: {  	_ =	strace $0x8FFFFFFF  }
0x98: {  	s18 =	sld [smem:$0x3FDB];
	_ =	sdelay $0x1  }
0x99: {  	s19 =	simm.s32 $_scs_section_size  }
0x9a: {  	s4 =	simm.s32 $_size__tile_overlayer_lowered;
	s5 =	simm.s32 $_tile_overlayer_lowered  }
0x9b: {  	s22 =	simm.s32 $0x1BFF;
	s21 =	sshll.u32 s5, $0x1;
	s2 =	sadd.s32 s19, s18  }
0x9c: {  	s6 =	simm.s32 $0x0;
	s20 =	sshll.u32 s4, $0x1;
	s4 =	sadd.s32 s21, s2  }
0x9d: {  	[timem:s6], [sflag:s22] =	dma.local [hbm:s4], s20  }
0x9e: {  	_ =	swait.ge [sflag:s22], s20  }
0x9f: {  	s3 =	ssub.s32 $0x0, s20;
	[sflag:s22] =	ssyncset.done $0x0  }
0xa0: {  	[sflag:s22] =	ssyncadd.s32 s3;
	_ =	sdelay $0x1  }
0xa1: {  	s23 =	simm.s32 $0x1B8B  }
0xa2: {  	_ =	swait.ge [sflag:s23], $0x1  }
0xa3: {  	[sflag:s23] =	ssyncset.done $0x0  }
0xa4: {  	s25 =	simm.s32 $0x1B8E;
	s24 =	sld [smem:$0x3FFE];
	[sflag:s23] =	ssyncadd.s32 $0xFFFFFFFF  }
0xa5: {  	s26 =	simm.s32 $execute0_lowered;
	[smem:$0x3FD2] =	sst s25  }
0xa6: {  	s4 =	sshll.u32 s26, $0x1;
	_ =	strace $0x80000046;
	[dreg:$0x1] =	wrdreg $0xFFFFFFFF  }
0xa7: {  	s28 =	simm.s32 $_size_execute0_lowered;
	s2 =	sadd.s32 s2, s4;
	[dreg:$0x0] =	wrdreg $0x0  }
0xa8: {  	s4 =	sshll.u32 s28, $0x1;
	[dreg:$0x2] =	wrdreg s2  }
0xa9: {  	[dreg:$0x3] =	wrdreg s4  }
0xaa: {  	[dreg:$0x4] =	wrdreg $0xC0  }
0xab: {  	_ =	task [dreg:s6], $0x5FFFF  }
0xac: {  	[dreg:$0x1] =	wrdreg $0xFFFFFFFF  }
0xad: {  	[dreg:$0x0] =	wrdreg $0x60  }
0xae: {  	[dreg:$0x2] =	wrdreg s24  }
0xaf: {  	[dreg:$0x3] =	wrdreg $0x90000  }
0xb0: {  	[dreg:$0x4] =	wrdreg $0x9  }
0xb1: {  	_ =	task.clear_ibuf [dreg:s6], $0x5FFFF;
	_ =	strace $0x90000046  }
0xb2: {  	s29 =	simm.s32 $0x9;
	_ =	strace $0x80000048  }
0xb3: {  	_ =	swait.ge [sflag:s29], $0x1  }
0xb4: {  	[sflag:s29] =	ssyncadd.s32 $0xFFFFFFFF  }
0xb5: {  	_ =	strace $0x90000048  }
0xb6: {  	_ =	sfence  }
0xb7: {  	s30 =	sld [smem:$0x0];
	_ =	sdelay $0x2  }
0xb8: {  	s31 =	sshll.u32 s1, $0xD;
	s1 =	sshrl.u32 s1, $0x2  }
0xb9: {  	s3 =	sand.u32 $0x4000, s31;
	s1 =	sadd.s32 s1, s30  }
0xba: {  	s0 =	sor.u32 s3, s0;
	s1 =	sshll.u32 s1, $0x11  }
0xbb: {  	s0 =	sor.u32 s1, s0  }
0xbc: {  	s0 =	sadd.s32 $0x8F2B, s0  }
0xbd: {  	[sflag:s0] =	ssyncadd.remote.s32 $0x1  }
0xbe: {  	_ =	sfence.sel $0xFFFF  }
0xbf: {  	[dreg:$0x0] =	wrdreg $0xFFFFFFFF;
	(pc) =	sbr.abs _section_cstart, $3  }
0xc0: {  	[dreg:$0x1] =	wrdreg $0xFFFFFFFF  }
0xc1: {  	_ =	task.clear_ibuf [dreg:s6], $0x2FFFF;
	_ =	strace $0x9FFFFFFF  }
0xc2: {  	(tm) =	ssettm $0x7FFFFFFF  }
0xc3: {  	_ =	shalt  }
tec
execute0_lowered:
.L_overlay_start_1:
0x0: {  	(tag) =	ssettag $0x1  }
0x1: {  	s0 =	srdreg.scid;
	s1 =	rddreg [dreg:$0x0]  }
0x2: {  	s9 =	stileid.u32;
	s2 =	rddreg [dreg:$0x1]  }
0x3: {  	s29 =	simm.s32 $0x7D;
	s30 =	simm.s32 $0x1;
	s6 =	smul.u32 $0x4F000, s9  }
0x4: {  	s31 =	simm.s32 $0x0;
	s0 =	sand.u32 $0x1, s0;
	s19 =	smul.u32 $0x13C00, s9  }
0x5: {  	s3 =	sshll.u32 s0, $0x4;
	s7 =	ssub.s32 $0x2, s0;
	s0 =	smul.u32 $0x13C000, s0  }
0x6: {  	s4 =	sor.u32 s9, s3;
	s3 =	simm.s32 $0x0;
	s25 =	sshrl.u32 s6, $0x2  }
0x7: {  	s26 =	sshrl.u32 s7, $0x1;
	s14 =	sadd.s32 $0x3C00, s19;
	s16 =	sadd.s32 $0x7800, s19  }
0x8: {  	s20 =	sadd.s32 $0xB400, s19;
	s21 =	sadd.s32 $0xF000, s19;
	s23 =	sadd.s32 $0x12C00, s19  }
0x9: {  	s5 =	smul.u32 $0x500, s4;
	[smem:$0x7FF] =	sst s3;
	s4 =	sadd.s32 $0x18800, s1  }
0xa: {  	s24 =	ssub.s32 s7, s26;
	s13 =	sadd.s32 s19, s0;
	s15 =	sadd.s32 s0, s14  }
0xb: {  	s17 =	sadd.s32 s0, s16;
	s14 =	sadd.s32 s14, s2;
	s16 =	sadd.s32 s16, s2  }
0xc: {  	s18 =	sadd.s32 s20, s2;
	s20 =	sadd.s32 s0, s20;
	s22 =	sadd.s32 s0, s21  }
0xd: {  	s0 =	sadd.s32 s0, s23;
	s26 =	simm.s32 $0x2;
	_ =	strace $0x80000047  }
0xe: {  	s13 =	sshrl.u32 s13, $0x3;
	s15 =	sshrl.u32 s15, $0x3;
	s17 =	sshrl.u32 s17, $0x3  }
0xf: {  	s20 =	sshrl.u32 s20, $0x3;
	s22 =	sshrl.u32 s22, $0x3;
	s0 =	sshrl.u32 s0, $0x3  }
0x10: {  	s24 =	smax.u32 s24, $0x1;
	s12 =	sadd.s32 s5, s1;
	s5 =	sadd.s32 s25, s2  }
0x11: {  	s1 =	sadd.s32 $0x3FA00, s1;
	s25 =	simm.s32 $0x5000;
	s28 =	sadd.s32 $0x3E80, s5  }
0x12: {  	s7 =	sadd.s32 $0x7D00, s5;
	s8 =	sadd.s32 $0xBB80, s5;
	s9 =	sadd.s32 $0xFA00, s5  }
0x13: {  	s10 =	sadd.s32 $0x13880, s5;
	s11 =	sadd.s32 $0x4800, s12;
	s12 =	sadd.s32 $0xE800, s12  }
0x14: {  	s13 =	sadd.s32 s1, s13;
	s15 =	sadd.s32 s1, s15;
	s17 =	sadd.s32 s1, s17  }
0x15: {  	s19 =	sadd.s32 s1, s20;
	s20 =	sadd.s32 s21, s2;
	s21 =	sadd.s32 s1, s22  }
0x16: {  	v0 =	vimm.f32 $0.0e+00;
	s22 =	sadd.s32 s23, s2;
	s23 =	sadd.s32 s1, s0;
	[dreg:$0x3] =	wrdreg s28  }
.LBB2_1:
0x17: {  	s1 =	simm.s32 $0x0;
	s0 =	simm.s32 $0x200  }
.LBB2_2:
0x18: {  	p0 =	sne.s32 s0, $0xF800;
	[tilespmem:s1+$0x5070] =	vst v0  }
0x19: {  	[tilespmem:s1+$0x5000] =	vst v0  }
0x1a: {  	[tilespmem:s1+$0x5010] =	vst v0  }
.Ltmp0:
0x1b: {  	[tilespmem:s1+$0x5020] =	vst v0;
	(pc) =	sbr.rel @p0 .LBB2_2-.Ltmp0, $4  }
0x1c: {  	[tilespmem:s1+$0x5030] =	vst v0  }
0x1d: {  	[tilespmem:s1+$0x5040] =	vst v0  }
0x1e: {  	[tilespmem:s1+$0x5050] =	vst v0  }
0x1f: {  	[tilespmem:s1+$0x5060] =	vst v0;
	s1 =	sshra.s32 s0, $0x2;
	s0 =	sadd.s32 $0x200, s0  }
0x20: {  	[tilespmem:s1+$0x5070] =	vst v0  }
0x21: {  	[tilespmem:s1+$0x5000] =	vst v0  }
0x22: {  	[tilespmem:s1+$0x5010] =	vst v0  }
0x23: {  	[tilespmem:s1+$0x5020] =	vst v0  }
0x24: {  	[tilespmem:s1+$0x5030] =	vst v0  }
0x25: {  	[tilespmem:s1+$0x5040] =	vst v0  }
0x26: {  	[tilespmem:s1+$0x5050] =	vst v0  }
0x27: {  	[tilespmem:s1+$0x5060] =	vst v0  }
0x28: {  	[spmem:s5] =	stream.linear.scatter [tilespmem:s25], [sflag:$0x2], $0x3E80, $0x38;
	[tilespmem:$0x1CC00] =	vst v63  }
0x29: {  	_ =	swait.ge [sflag:s26], $0x3E80  }
0x2a: {  	[sflag:s26] =	ssyncset.done $0x0  }
0x2b: {  	s0 =	rddreg [dreg:$0x3];
	[sflag:s26] =	ssyncadd.s32 $0xFFFFC180  }
0x2c: {  	[spmem:s0] =	stream.linear.scatter [tilespmem:s25], [sflag:$0x2], $0x3E80, $0x38;
	[tilespmem:$0x1CC00] =	vst v63  }
0x2d: {  	_ =	swait.ge [sflag:s26], $0x3E80  }
0x2e: {  	[sflag:s26] =	ssyncset.done $0x0  }
0x2f: {  	[sflag:s26] =	ssyncadd.s32 $0xFFFFC180  }
0x30: {  	[spmem:s7] =	stream.linear.scatter [tilespmem:s25], [sflag:$0x2], $0x3E80, $0x38;
	[tilespmem:$0x1CC00] =	vst v63  }
0x31: {  	_ =	swait.ge [sflag:s26], $0x3E80  }
0x32: {  	[sflag:s26] =	ssyncset.done $0x0  }
0x33: {  	[sflag:s26] =	ssyncadd.s32 $0xFFFFC180  }
0x34: {  	[spmem:s8] =	stream.linear.scatter [tilespmem:s25], [sflag:$0x2], $0x3E80, $0x38;
	[tilespmem:$0x1CC00] =	vst v63  }
0x35: {  	_ =	swait.ge [sflag:s26], $0x3E80  }
0x36: {  	[sflag:s26] =	ssyncset.done $0x0  }
0x37: {  	[sflag:s26] =	ssyncadd.s32 $0xFFFFC180  }
0x38: {  	[spmem:s9] =	stream.linear.scatter [tilespmem:s25], [sflag:$0x2], $0x3E80, $0x38;
	[tilespmem:$0x1CC00] =	vst v63  }
0x39: {  	_ =	swait.ge [sflag:s26], $0x3E80  }
0x3a: {  	[sflag:s26] =	ssyncset.done $0x0  }
0x3b: {  	[sflag:s26] =	ssyncadd.s32 $0xFFFFC180  }
0x3c: {  	[spmem:s10] =	stream.linear.scatter [tilespmem:s25], [sflag:$0x2], $0x380, $0x38;
	[tilespmem:$0x1CC00] =	vst v63  }
0x3d: {  	_ =	swait.ge [sflag:s26], $0x380  }
0x3e: {  	[sflag:s26] =	ssyncset.done $0x0  }
0x3f: {  	[sflag:s26] =	ssyncadd.s32 $0xFFFFFC80  }
0x40: {  	s6 =	simm.s32 $0x0;
	[bflag:$0x0] =	sbarrier.arrive $0xFFFF  }
0x41: {  	[tilespmem:s6], [sflag:$0x2] =	stream.linear.gather [hbm4b:s11+s6], $0x2800, $0x38;
	[tilespmem:$0x1CC00] =	vst v63  }
0x42: {  	_ =	swait.ge [sflag:s26], $0x2800  }
0x43: {  	[sflag:s26] =	ssyncset.done $0x0  }
0x44: {  	s28 =	simm.s32 $0x2800;
	[sflag:s26] =	ssyncadd.s32 $0xFFFFD800  }
0x45: {  	[tilespmem:s28], [sflag:$0x2] =	stream.linear.gather [hbm4b:s12+s6], $0x2800, $0x38;
	[tilespmem:$0x1CC00] =	vst v63  }
0x46: {  	_ =	swait.ge [sflag:s26], $0x2800  }
0x47: {  	[sflag:s26] =	ssyncset.done $0x0  }
0x48: {  	s6 =	simm.s32 $0x0;
	[sflag:s26] =	ssyncadd.s32 $0xFFFFD800  }
0x49: {  	[tilespmem:s25], [sflag:$0x1] =	stream.indirect.gather [hbm4b:s4+s29], $0x80, s6, s29, $0xb8;
	[tilespmem:$0x1CC00] =	vst v63  }
0x4a: {  	_ =	swait.ge [sflag:s30], $0x3E80  }
0x4b: {  	[sflag:s30] =	ssyncset.done $0x0  }
0x4c: {  	s28 =	simm.s32 $0x2800;
	[sflag:s30] =	ssyncadd.s32 $0xFFFFC180  }
0x4d: {  	[spmem:s2] =	stream.indirect.scatter.add.f32 [tilespmem:s25], [sflag:$0x2], $0x80, s28, s29, $0xb8;
	[tilespmem:$0x1CC00] =	vst v63  }
0x4e: {  	_ =	swait.ge [sflag:s26], $0x3E80  }
0x4f: {  	s1 =	simm.s32 $0x200;
	s0 =	simm.s32 $0x400;
	[sflag:s26] =	ssyncset.done $0x0  }
.LBB2_4:
0x50: {  	s28 =	sshra.s32 s1, $0x2  }
0x51: {  	[sflag:s26] =	ssyncadd.s32 $0xFFFFC180;
	s1 =	smov.u32 s0;
	s6 =	sadd.s32 $0x200, s0  }
0x52: {  	[tilespmem:s25], [sflag:$0x1] =	stream.indirect.gather [hbm4b:s4+s29], $0x80, s28, s29, $0xb8;
	[tilespmem:$0x1CC00] =	vst v63  }
0x53: {  	p0 =	sne.s32 s0, $0x9E00;
	_ =	swait.ge [sflag:s30], $0x3E80  }
.Ltmp1:
0x54: {  	[sflag:s30] =	ssyncset.done $0x0;
	(pc) =	sbr.rel @p0 .LBB2_4-.Ltmp1, $4  }
0x55: {  	s0 =	sadd.s32 $0x2800, s28;
	[sflag:s30] =	ssyncadd.s32 $0xFFFFC180  }
0x56: {  	[spmem:s2] =	stream.indirect.scatter.add.f32 [tilespmem:s25], [sflag:$0x2], $0x80, s0, s29, $0xb8;
	[tilespmem:$0x1CC00] =	vst v63  }
0x57: {  	_ =	swait.ge [sflag:s26], $0x3E80  }
0x58: {  	s0 =	smov.u32 s6;
	[sflag:s26] =	ssyncset.done $0x0  }
0x59: {  	s0 =	sshra.s32 s1, $0x2;
	[sflag:s26] =	ssyncadd.s32 $0xFFFFC180  }
0x5a: {  	[tilespmem:s25], [sflag:$0x1] =	stream.indirect.gather [hbm4b:s4+s29], $0x80, s0, s29, $0xb8;
	[tilespmem:$0x1CC00] =	vst v63  }
0x5b: {  	_ =	swait.ge [sflag:s30], $0x3E80  }
0x5c: {  	[sflag:s30] =	ssyncset.done $0x0  }
0x5d: {  	s0 =	sadd.s32 $0x2800, s0;
	[sflag:s30] =	ssyncadd.s32 $0xFFFFC180  }
0x5e: {  	[spmem:s2] =	stream.indirect.scatter.add.f32 [tilespmem:s25], [sflag:$0x2], $0x80, s0, s29, $0xb8;
	[tilespmem:$0x1CC00] =	vst v63  }
0x5f: {  	_ =	swait.ge [sflag:s26], $0x3E80  }
0x60: {  	[sflag:s26] =	ssyncset.done $0x0  }
0x61: {  	[sflag:s26] =	ssyncadd.s32 $0xFFFFC180  }
0x62: {  	[bflag:$0x0] =	sbarrier.arrive $0xFFFF  }
0x63: {  	[tilespmem:s25], [sflag:$0x2] =	stream.linear.gather [spmem:s5], $0x3C00, $0x38;
	[tilespmem:$0x1CC00] =	vst v63  }
0x64: {  	_ =	swait.ge [sflag:s26], $0x3C00  }
0x65: {  	[sflag:s26] =	ssyncset.done $0x0  }
0x66: {  	[sflag:s26] =	ssyncadd.s32 $0xFFFFC400  }
0x67: {  	[hbm4b:s13+s3] =	stream.linear.scatter [tilespmem:s25], [sflag:$0x2], $0x3C00, $0x38;
	[tilespmem:$0x1CC00] =	vst v63  }
0x68: {  	_ =	swait.ge [sflag:s26], $0x3C00  }
0x69: {  	[sflag:s26] =	ssyncset.done $0x0  }
0x6a: {  	[sflag:s26] =	ssyncadd.s32 $0xFFFFC400  }
0x6b: {  	[tilespmem:s25], [sflag:$0x2] =	stream.linear.gather [spmem:s14], $0x3C00, $0x38;
	[tilespmem:$0x1CC00] =	vst v63  }
0x6c: {  	_ =	swait.ge [sflag:s26], $0x3C00  }
0x6d: {  	[sflag:s26] =	ssyncset.done $0x0  }
0x6e: {  	[sflag:s26] =	ssyncadd.s32 $0xFFFFC400  }
0x6f: {  	[hbm4b:s15+s3] =	stream.linear.scatter [tilespmem:s25], [sflag:$0x2], $0x3C00, $0x38;
	[tilespmem:$0x1CC00] =	vst v63  }
0x70: {  	_ =	swait.ge [sflag:s26], $0x3C00  }
0x71: {  	[sflag:s26] =	ssyncset.done $0x0  }
0x72: {  	[sflag:s26] =	ssyncadd.s32 $0xFFFFC400  }
0x73: {  	[tilespmem:s25], [sflag:$0x2] =	stream.linear.gather [spmem:s16], $0x3C00, $0x38;
	[tilespmem:$0x1CC00] =	vst v63  }
0x74: {  	_ =	swait.ge [sflag:s26], $0x3C00  }
0x75: {  	[sflag:s26] =	ssyncset.done $0x0  }
0x76: {  	[sflag:s26] =	ssyncadd.s32 $0xFFFFC400  }
0x77: {  	[hbm4b:s17+s3] =	stream.linear.scatter [tilespmem:s25], [sflag:$0x2], $0x3C00, $0x38;
	[tilespmem:$0x1CC00] =	vst v63  }
0x78: {  	_ =	swait.ge [sflag:s26], $0x3C00  }
0x79: {  	[sflag:s26] =	ssyncset.done $0x0  }
0x7a: {  	[sflag:s26] =	ssyncadd.s32 $0xFFFFC400  }
0x7b: {  	[tilespmem:s25], [sflag:$0x2] =	stream.linear.gather [spmem:s18], $0x3C00, $0x38;
	[tilespmem:$0x1CC00] =	vst v63  }
0x7c: {  	_ =	swait.ge [sflag:s26], $0x3C00  }
0x7d: {  	[sflag:s26] =	ssyncset.done $0x0  }
0x7e: {  	[sflag:s26] =	ssyncadd.s32 $0xFFFFC400  }
0x7f: {  	[hbm4b:s19+s3] =	stream.linear.scatter [tilespmem:s25], [sflag:$0x2], $0x3C00, $0x38;
	[tilespmem:$0x1CC00] =	vst v63  }
0x80: {  	_ =	swait.ge [sflag:s26], $0x3C00  }
0x81: {  	[sflag:s26] =	ssyncset.done $0x0  }
0x82: {  	[sflag:s26] =	ssyncadd.s32 $0xFFFFC400  }
0x83: {  	[tilespmem:s25], [sflag:$0x2] =	stream.linear.gather [spmem:s20], $0x3C00, $0x38;
	[tilespmem:$0x1CC00] =	vst v63  }
0x84: {  	_ =	swait.ge [sflag:s26], $0x3C00  }
0x85: {  	[sflag:s26] =	ssyncset.done $0x0  }
0x86: {  	[sflag:s26] =	ssyncadd.s32 $0xFFFFC400  }
0x87: {  	[hbm4b:s21+s3] =	stream.linear.scatter [tilespmem:s25], [sflag:$0x2], $0x3C00, $0x38;
	[tilespmem:$0x1CC00] =	vst v63  }
0x88: {  	_ =	swait.ge [sflag:s26], $0x3C00  }
0x89: {  	[sflag:s26] =	ssyncset.done $0x0  }
0x8a: {  	[sflag:s26] =	ssyncadd.s32 $0xFFFFC400  }
0x8b: {  	[tilespmem:s25], [sflag:$0x2] =	stream.linear.gather [spmem:s22], $0x1000, $0x38;
	[tilespmem:$0x1CC00] =	vst v63  }
0x8c: {  	s31 =	sadd.s32 $0x1, s31;
	_ =	swait.ge [sflag:s26], $0x1000  }
0x8d: {  	p0 =	sne.s32 s31, s24;
	[sflag:s26] =	ssyncset.done $0x0  }
.Ltmp2:
0x8e: {  	[sflag:s26] =	ssyncadd.s32 $0xFFFFF000;
	(pc) =	sbr.rel @p0 .LBB2_1-.Ltmp2, $4  }
0x8f: {  	[hbm4b:s23+s3] =	stream.linear.scatter [tilespmem:s25], [sflag:$0x2], $0x1000, $0x38;
	[tilespmem:$0x1CC00] =	vst v63  }
0x90: {  	_ =	swait.ge [sflag:s26], $0x1000  }
0x91: {  	[sflag:s26] =	ssyncset.done $0x0  }
0x92: {  	[sflag:s26] =	ssyncadd.s32 $0xFFFFF000  }
0x93: {  	_ =	sfence.sel $0x180000  }
0x94: {  	[bflag:$0x0] =	sbarrier.arrive $0xFFFF  }
0x95: {  	_ =	strace $0x90000047  }
0x96: {  	s0 =	stileid.u32;
	[bflag:$0x2] =	sbarrier.arrive $0xFFFF  }
0x97: {  	p0 =	sne.s32 s0, $0x0;
	s0 =	rddreg [dreg:$0x2]  }
0x98: {  	s0 =	sadd.s32 @!p0 $0x100000, s0  }
0x99: {  	[sflag:s0] =	ssyncadd.tile.s32 @!p0 $0x1;
	_ =	shalt  }
.Lfunc_end2:
_tile_overlayer_lowered:
.L_overlay_start_2:
0x9a: {  	(tag) =	ssettag $0x2  }
0x9b: {  	s0 =	rddreg [dreg:$0x0];
	s2 =	stileid.u32  }
0x9c: {  	s1 =	rddreg [dreg:$0x1];
	p0 =	sne.s32 s2, $0x0  }
0x9d: {  	s3 =	rddreg [dreg:$0x2];
	[bflag:$0x3] =	sbarrier.arrive $0xFFFF;
	s2 =	simm.s32 @!p0 $0x1C02  }
0x9e: {  	[timem:s3], [sflag:s2] =	dma.local @!p0 [hbm:s0], s1  }
0x9f: {  	s0 =	simm.s32 @!p0 $0x2  }
0xa0: {  	_ =	swait.ge @!p0 [sflag:s0], s1  }
0xa1: {  	s1 =	ssub.s32 @!p0 $0x0, s1;
	[sflag:s0] =	ssyncset.done @!p0 $0x0  }
0xa2: {  	[sflag:s0] =	ssyncadd.s32 @!p0 s1  }
0xa3: {  	[bflag:$0x3] =	sbarrier.arrive $0xFFFF  }
0xa4: {  	_ =	shalt  }

// kernel: kernel.13.cloned.1.call-start
scs
__scs_entry_jumppad:
0x0: {  	(pc) =	sbr.rel $0x88, $3  }
0x1: {  	(tag) =	ssettag $0x0;
	lr =	simm.s32 $0x1  }
0x2: {  	[smem:$0x3F8A] =	sst lr;
	_ =	strace $0xD0000000  }
0x3: {  	_ = 	snop  }
0x4: {  	_ = 	snop  }
0x5: {  	_ = 	snop  }
0x6: {  	_ = 	snop  }
0x7: {  	_ = 	snop  }
__scs_overlays_trampoline_lowered:
0x8: {  	[smem:$0x3F99] =	sst s0  }
0x9: {  	[smem:$0x3F9A] =	sst s1  }
0xa: {  	[smem:$0x3F9B] =	sst s2  }
0xb: {  	[smem:$0x3F9C] =	sst s3  }
0xc: {  	[smem:$0x3F9D] =	sst s4  }
0xd: {  	[smem:$0x3F9E] =	sst s5  }
0xe: {  	[smem:$0x3F9F] =	sst s6  }
0xf: {  	[smem:$0x3FA0] =	sst s7  }
0x10: {  	[smem:$0x3FA1] =	sst s8  }
0x11: {  	[smem:$0x3FA2] =	sst s9;
	s0 =	simm.s32 @!p0 $0x0  }
0x12: {  	s1 =	sld [smem:$0x3F88];
	s0 =	simm.s32 @p0 $0x1  }
0x13: {  	[smem:$0x3FA3] =	sst s0;
	s0 =	simm.s32 @!p1 $0x0  }
0x14: {  	s2 =	sld [smem:$0x3F87];
	s0 =	simm.s32 @p1 $0x1  }
0x15: {  	[smem:$0x3FA4] =	sst s0;
	s0 =	simm.s32 @!p2 $0x0  }
0x16: {  	s3 =	sld [smem:$0x3FDB];
	s0 =	simm.s32 @p2 $0x1  }
0x17: {  	s4 =	simm.s32 $0x1BF5;
	[smem:$0x3FA6] =	sst s0  }
0x18: {  	s0 =	sld [smem:$0x3F89];
	_ =	swait.ge [sflag:s4], $0x0  }
0x19: {  	s7 =	sld [smem:$0x3F8A]  }
0x1a: {  	s8 =	sadd.s32 $0xFFFFE003, lr  }
0x1b: {  	s9 =	sadd.s32 $0xFFFFFEF7, lr;
	s5 =	simm.s32 $0xFFFFFFFF;
	p2 =	slt.u32 s8, $0xFFFFF086  }
0x1c: {  	p1 =	slt.u32 s9, $0xF7A;
	s5 =	simm.s32 @!p2 $0x0  }
0x1d: {  	s5 =	simm.s32 @p1 $0x1;
	p0 =	seq.s32 s7, s2  }
0x1e: {  	s7 =	smul.u32 @!p0 $0xF7A, s2;
	p2 =	seq.s32 @!p0 s5, $0x0  }
0x1f: {  	s9 =	smul.u32 $0xF7A, s1;
	s8 =	simm.s32 @!p0 $0x1BF5;
	p2 =	por !p2, p0  }
0x20: {  	[sflag:s8] =	ssyncset.s32 @!p0 $0xFFFFF086;
	s6 =	sadd.s32 @!p0 s3, s7;
	s7 =	simm.s32 @!p0 $0x108  }
0x21: {  	s3 =	sadd.s32 s3, s9;
	s6 =	sadd.s32 @!p0 $0x88, s6;
	s7 =	simm.s32 @p2 $0x1082  }
0x22: {  	[simem:s7], [sflag:s8] =	dma.local @!p0 [hbm:s6], $0xF7A  }
0x23: {  	s9 =	sor.u32 $0xD0000000, s2;
	s6 =	simm.s32 $0x108;
	_ =	swait.ge @!p0 [sflag:s8], $0x0  }
0x24: {  	s3 =	sadd.s32 $0x88, s3;
	s6 =	simm.s32 @!p1 $0x1082;
	[sflag:s4] =	ssyncset.s32 $0xFFFFF086  }
0x25: {  	[simem:s6], [sflag:s4] =	dma.local [hbm:s3], $0xF7A  }
0x26: {  	[smem:$0x3F8A] =	sst s1;
	(tag) =	ssettag s2;
	_ =	strace s9  }
0x27: {  	s1 =	sld [smem:$0x3F9A]  }
0x28: {  	s2 =	sld [smem:$0x3F9B]  }
0x29: {  	s4 =	sld [smem:$0x3F9D]  }
0x2a: {  	p0 =	seq.s32 s5, $0x0;
	s5 =	sld [smem:$0x3F9E]  }
0x2b: {  	s6 =	sld [smem:$0x3F9F]  }
0x2c: {  	s7 =	sld [smem:$0x3FA0]  }
0x2d: {  	s3 =	simm.s32 $0x108;
	s8 =	sld [smem:$0x3FA1]  }
0x2e: {  	s3 =	simm.s32 @!p0 $0x1082;
	s9 =	sld [smem:$0x3FA2]  }
0x2f: {  	lr =	sadd.s32 s0, s3;
	s0 =	sld [smem:$0x3F99]  }
0x30: {  	s3 =	sld [smem:$0x3F9C]  }
0x31: {  	[smem:$0x3FA5] =	sst s10  }
0x32: {  	s10 =	sld [smem:$0x3FA3];
	_ =	sdelay $0x3  }
0x33: {  	p0 =	seq.s32 s10, $0x1;
	s10 =	sld [smem:$0x3FA5];
	_ =	sdelay $0x3  }
0x34: {  	[smem:$0x3FA5] =	sst s10  }
0x35: {  	s10 =	sld [smem:$0x3FA4];
	_ =	sdelay $0x3  }
0x36: {  	p1 =	seq.s32 s10, $0x1;
	s10 =	sld [smem:$0x3FA5];
	_ =	sdelay $0x3  }
0x37: {  	[smem:$0x3FA5] =	sst s10  }
0x38: {  	s10 =	sld [smem:$0x3FA6]  }
0x39: {  	_ = 	snop;
	(pc) =	sbr.ind lr, $3  }
0x3a: {  	_ = 	snop  }
0x3b: {  	_ = 	snop  }
0x3c: {  	p2 =	seq.s32 s10, $0x1;
	s10 =	sld [smem:$0x3FA5]  }
0x3d: {  	_ =	shalt  }
0x3e: {  	_ =	shalt  }
0x3f: {  	_ =	shalt  }
0x40: {  	_ =	shalt  }
0x41: {  	_ =	shalt  }
0x42: {  	_ =	shalt  }
0x43: {  	_ =	shalt  }
0x44: {  	_ =	shalt  }
0x45: {  	_ =	shalt  }
0x46: {  	_ =	shalt  }
0x47: {  	_ =	shalt  }
0x48: {  	_ =	shalt  }
0x49: {  	_ =	shalt  }
0x4a: {  	_ =	shalt  }
0x4b: {  	_ =	shalt  }
0x4c: {  	_ =	shalt  }
0x4d: {  	_ =	shalt  }
0x4e: {  	_ =	shalt  }
0x4f: {  	_ =	shalt  }
0x50: {  	_ =	shalt  }
0x51: {  	_ =	shalt  }
0x52: {  	_ =	shalt  }
0x53: {  	_ =	shalt  }
0x54: {  	_ =	shalt  }
0x55: {  	_ =	shalt  }
0x56: {  	_ =	shalt  }
0x57: {  	_ =	shalt  }
0x58: {  	_ =	shalt  }
0x59: {  	_ =	shalt  }
0x5a: {  	_ =	shalt  }
0x5b: {  	_ =	shalt  }
0x5c: {  	_ =	shalt  }
0x5d: {  	_ =	shalt  }
0x5e: {  	_ =	shalt  }
0x5f: {  	_ =	shalt  }
0x60: {  	_ =	shalt  }
0x61: {  	_ =	shalt  }
0x62: {  	_ =	shalt  }
0x63: {  	_ =	shalt  }
0x64: {  	_ =	shalt  }
0x65: {  	_ =	shalt  }
0x66: {  	_ =	shalt  }
0x67: {  	_ =	shalt  }
0x68: {  	_ =	shalt  }
0x69: {  	_ =	shalt  }
0x6a: {  	_ =	shalt  }
0x6b: {  	_ =	shalt  }
0x6c: {  	_ =	shalt  }
0x6d: {  	_ =	shalt  }
0x6e: {  	_ =	shalt  }
0x6f: {  	_ =	shalt  }
0x70: {  	_ =	shalt  }
0x71: {  	_ =	shalt  }
0x72: {  	_ =	shalt  }
0x73: {  	_ =	shalt  }
0x74: {  	_ =	shalt  }
0x75: {  	_ =	shalt  }
0x76: {  	_ =	shalt  }
0x77: {  	_ =	shalt  }
0x78: {  	_ =	shalt  }
0x79: {  	_ =	shalt  }
0x7a: {  	_ =	shalt  }
0x7b: {  	_ =	shalt  }
0x7c: {  	_ =	shalt  }
0x7d: {  	_ =	shalt  }
0x7e: {  	_ =	shalt  }
0x7f: {  	_ =	shalt  }
0x80: {  	_ =	shalt  }
0x81: {  	_ =	shalt  }
0x82: {  	_ =	shalt  }
0x83: {  	_ =	shalt  }
0x84: {  	_ =	shalt  }
0x85: {  	_ =	shalt  }
0x86: {  	_ =	shalt  }
0x87: {  	_ =	shalt  }
.Lfunc_end0:
.L_simem_size_0:
called_computation.1_lowered:
.L_overlay_start_0:
0x88: {  	s2 =	sld [smem:$0x3FD9]  }
0x89: {  	s3 =	sld [smem:$0x3FFE];
	_ =	sdelay $0x1  }
0x8a: {  	s1 =	srdreg.scid  }
0x8b: {  	s0 =	sand.u32 $0x1, s1  }
0x8c: {  	s16 =	sshll.u32 s0, $0xA;
	s2 =	sadd.s32 s3, s2  }
0x8d: {  	s2 =	sadd.s32 s2, s16  }
0x8e: {  	[smem:$0x3FB1] =	sst s2  }
0x8f: {  	_ = 	snop  }
0x90: {  	(tm) =	ssettm $0x1  }
0x91: {  	s17 =	sld [smem:$0x3FFB];
	_ =	sdelay $0x3  }
0x92: {  	_ =	strace s17  }
0x93: {  	s2 =	sld [smem:$0x3FFC];
	_ =	sdelay $0x3  }
0x94: {  	_ =	strace s2  }
0x95: {  	s2 =	sld [smem:$0x3FFD];
	_ =	sdelay $0x3  }
0x96: {  	_ =	strace s2  }
0x97: {  	_ =	strace $0x8FFFFFFF  }
0x98: {  	s18 =	sld [smem:$0x3FDB];
	_ =	sdelay $0x1  }
0x99: {  	s19 =	simm.s32 $_scs_section_size  }
0x9a: {  	s4 =	simm.s32 $_size__tile_overlayer_lowered;
	s5 =	simm.s32 $_tile_overlayer_lowered  }
0x9b: {  	s22 =	simm.s32 $0x1BFF;
	s21 =	sshll.u32 s5, $0x1;
	s2 =	sadd.s32 s19, s18  }
0x9c: {  	s6 =	simm.s32 $0x0;
	s20 =	sshll.u32 s4, $0x1;
	s4 =	sadd.s32 s21, s2  }
0x9d: {  	[timem:s6], [sflag:s22] =	dma.local [hbm:s4], s20  }
0x9e: {  	_ =	swait.ge [sflag:s22], s20  }
0x9f: {  	s3 =	ssub.s32 $0x0, s20;
	[sflag:s22] =	ssyncset.done $0x0  }
0xa0: {  	[sflag:s22] =	ssyncadd.s32 s3;
	_ =	sdelay $0x1  }
0xa1: {  	s23 =	simm.s32 $0x1B8B  }
0xa2: {  	_ =	swait.ge [sflag:s23], $0x1  }
0xa3: {  	[sflag:s23] =	ssyncset.done $0x0  }
0xa4: {  	s25 =	simm.s32 $0x1B8E;
	s24 =	sld [smem:$0x3FFE];
	[sflag:s23] =	ssyncadd.s32 $0xFFFFFFFF  }
0xa5: {  	s26 =	simm.s32 $execute0_lowered;
	[smem:$0x3FD2] =	sst s25  }
0xa6: {  	s4 =	sshll.u32 s26, $0x1;
	_ =	strace $0x80000049;
	[dreg:$0x1] =	wrdreg $0xFFFFFFFF  }
0xa7: {  	s28 =	simm.s32 $_size_execute0_lowered;
	s2 =	sadd.s32 s2, s4;
	[dreg:$0x0] =	wrdreg $0x0  }
0xa8: {  	s4 =	sshll.u32 s28, $0x1;
	[dreg:$0x2] =	wrdreg s2  }
0xa9: {  	[dreg:$0x3] =	wrdreg s4  }
0xaa: {  	[dreg:$0x4] =	wrdreg $0xC0  }
0xab: {  	_ =	task [dreg:s6], $0x5FFFF  }
0xac: {  	[dreg:$0x1] =	wrdreg $0xFFFFFFFF  }
0xad: {  	[dreg:$0x0] =	wrdreg $0x60  }
0xae: {  	[dreg:$0x2] =	wrdreg s24  }
0xaf: {  	[dreg:$0x3] =	wrdreg $0x90000  }
0xb0: {  	[dreg:$0x4] =	wrdreg $0x9  }
0xb1: {  	_ =	task.clear_ibuf [dreg:s6], $0x5FFFF;
	_ =	strace $0x90000049  }
0xb2: {  	s29 =	simm.s32 $0x9;
	_ =	strace $0x8000004B  }
0xb3: {  	_ =	swait.ge [sflag:s29], $0x1  }
0xb4: {  	[sflag:s29] =	ssyncadd.s32 $0xFFFFFFFF  }
0xb5: {  	_ =	strace $0x9000004B  }
0xb6: {  	_ =	sfence  }
0xb7: {  	s30 =	sld [smem:$0x0];
	_ =	sdelay $0x2  }
0xb8: {  	s31 =	sshll.u32 s1, $0xD;
	s1 =	sshrl.u32 s1, $0x2  }
0xb9: {  	s3 =	sand.u32 $0x4000, s31;
	s1 =	sadd.s32 s1, s30  }
0xba: {  	s0 =	sor.u32 s3, s0;
	s1 =	sshll.u32 s1, $0x11  }
0xbb: {  	s0 =	sor.u32 s1, s0  }
0xbc: {  	s0 =	sadd.s32 $0x8F2B, s0  }
0xbd: {  	[sflag:s0] =	ssyncadd.remote.s32 $0x1  }
0xbe: {  	_ =	sfence.sel $0xFFFF  }
0xbf: {  	[dreg:$0x0] =	wrdreg $0xFFFFFFFF;
	(pc) =	sbr.abs _section_cstart, $3  }
0xc0: {  	[dreg:$0x1] =	wrdreg $0xFFFFFFFF  }
0xc1: {  	_ =	task.clear_ibuf [dreg:s6], $0x2FFFF;
	_ =	strace $0x9FFFFFFF  }
0xc2: {  	(tm) =	ssettm $0x7FFFFFFF  }
0xc3: {  	_ =	shalt  }
tec
execute0_lowered:
.L_overlay_start_1:
0x0: {  	(tag) =	ssettag $0x1  }
0x1: {  	s0 =	srdreg.scid;
	s1 =	rddreg [dreg:$0x0]  }
0x2: {  	s9 =	stileid.u32;
	s2 =	rddreg [dreg:$0x1]  }
0x3: {  	s29 =	simm.s32 $0x7D;
	s30 =	simm.s32 $0x1;
	s6 =	smul.u32 $0x4F000, s9  }
0x4: {  	s31 =	simm.s32 $0x0;
	s0 =	sand.u32 $0x1, s0;
	s19 =	smul.u32 $0x13C00, s9  }
0x5: {  	s3 =	sshll.u32 s0, $0x4;
	s7 =	ssub.s32 $0x2, s0;
	s0 =	smul.u32 $0x13C000, s0  }
0x6: {  	s4 =	sor.u32 s9, s3;
	s3 =	simm.s32 $0x0;
	s25 =	sshrl.u32 s6, $0x2  }
0x7: {  	s26 =	sshrl.u32 s7, $0x1;
	s14 =	sadd.s32 $0x3C00, s19;
	s16 =	sadd.s32 $0x7800, s19  }
0x8: {  	s20 =	sadd.s32 $0xB400, s19;
	s21 =	sadd.s32 $0xF000, s19;
	s23 =	sadd.s32 $0x12C00, s19  }
0x9: {  	s5 =	smul.u32 $0x500, s4;
	[smem:$0x7FF] =	sst s3;
	s4 =	sadd.s32 $0x18800, s1  }
0xa: {  	s24 =	ssub.s32 s7, s26;
	s13 =	sadd.s32 s19, s0;
	s15 =	sadd.s32 s0, s14  }
0xb: {  	s17 =	sadd.s32 s0, s16;
	s14 =	sadd.s32 s14, s2;
	s16 =	sadd.s32 s16, s2  }
0xc: {  	s18 =	sadd.s32 s20, s2;
	s20 =	sadd.s32 s0, s20;
	s22 =	sadd.s32 s0, s21  }
0xd: {  	s0 =	sadd.s32 s0, s23;
	s26 =	simm.s32 $0x2;
	_ =	strace $0x8000004A  }
0xe: {  	s13 =	sshrl.u32 s13, $0x3;
	s15 =	sshrl.u32 s15, $0x3;
	s17 =	sshrl.u32 s17, $0x3  }
0xf: {  	s20 =	sshrl.u32 s20, $0x3;
	s22 =	sshrl.u32 s22, $0x3;
	s0 =	sshrl.u32 s0, $0x3  }
0x10: {  	s24 =	smax.u32 s24, $0x1;
	s12 =	sadd.s32 s5, s1;
	s5 =	sadd.s32 s25, s2  }
0x11: {  	s1 =	sadd.s32 $0x3FA00, s1;
	s25 =	simm.s32 $0x5000;
	s28 =	sadd.s32 $0x3E80, s5  }
0x12: {  	s7 =	sadd.s32 $0x7D00, s5;
	s8 =	sadd.s32 $0xBB80, s5;
	s9 =	sadd.s32 $0xFA00, s5  }
0x13: {  	s10 =	sadd.s32 $0x13880, s5;
	s11 =	sadd.s32 $0x4800, s12;
	s12 =	sadd.s32 $0xE800, s12  }
0x14: {  	s13 =	sadd.s32 s1, s13;
	s15 =	sadd.s32 s1, s15;
	s17 =	sadd.s32 s1, s17  }
0x15: {  	s19 =	sadd.s32 s1, s20;
	s20 =	sadd.s32 s21, s2;
	s21 =	sadd.s32 s1, s22  }
0x16: {  	v0 =	vimm.f32 $0.0e+00;
	s22 =	sadd.s32 s23, s2;
	s23 =	sadd.s32 s1, s0;
	[dreg:$0x3] =	wrdreg s28  }
.LBB2_1:
0x17: {  	s1 =	simm.s32 $0x0;
	s0 =	simm.s32 $0x200  }
.LBB2_2:
0x18: {  	p0 =	sne.s32 s0, $0xF800;
	[tilespmem:s1+$0x5070] =	vst v0  }
0x19: {  	[tilespmem:s1+$0x5000] =	vst v0  }
0x1a: {  	[tilespmem:s1+$0x5010] =	vst v0  }
.Ltmp0:
0x1b: {  	[tilespmem:s1+$0x5020] =	vst v0;
	(pc) =	sbr.rel @p0 .LBB2_2-.Ltmp0, $4  }
0x1c: {  	[tilespmem:s1+$0x5030] =	vst v0  }
0x1d: {  	[tilespmem:s1+$0x5040] =	vst v0  }
0x1e: {  	[tilespmem:s1+$0x5050] =	vst v0  }
0x1f: {  	[tilespmem:s1+$0x5060] =	vst v0;
	s1 =	sshra.s32 s0, $0x2;
	s0 =	sadd.s32 $0x200, s0  }
0x20: {  	[tilespmem:s1+$0x5070] =	vst v0  }
0x21: {  	[tilespmem:s1+$0x5000] =	vst v0  }
0x22: {  	[tilespmem:s1+$0x5010] =	vst v0  }
0x23: {  	[tilespmem:s1+$0x5020] =	vst v0  }
0x24: {  	[tilespmem:s1+$0x5030] =	vst v0  }
0x25: {  	[tilespmem:s1+$0x5040] =	vst v0  }
0x26: {  	[tilespmem:s1+$0x5050] =	vst v0  }
0x27: {  	[tilespmem:s1+$0x5060] =	vst v0  }
0x28: {  	[spmem:s5] =	stream.linear.scatter [tilespmem:s25], [sflag:$0x2], $0x3E80, $0x38;
	[tilespmem:$0x1CC00] =	vst v63  }
0x29: {  	_ =	swait.ge [sflag:s26], $0x3E80  }
0x2a: {  	[sflag:s26] =	ssyncset.done $0x0  }
0x2b: {  	s0 =	rddreg [dreg:$0x3];
	[sflag:s26] =	ssyncadd.s32 $0xFFFFC180  }
0x2c: {  	[spmem:s0] =	stream.linear.scatter [tilespmem:s25], [sflag:$0x2], $0x3E80, $0x38;
	[tilespmem:$0x1CC00] =	vst v63  }
0x2d: {  	_ =	swait.ge [sflag:s26], $0x3E80  }
0x2e: {  	[sflag:s26] =	ssyncset.done $0x0  }
0x2f: {  	[sflag:s26] =	ssyncadd.s32 $0xFFFFC180  }
0x30: {  	[spmem:s7] =	stream.linear.scatter [tilespmem:s25], [sflag:$0x2], $0x3E80, $0x38;
	[tilespmem:$0x1CC00] =	vst v63  }
0x31: {  	_ =	swait.ge [sflag:s26], $0x3E80  }
0x32: {  	[sflag:s26] =	ssyncset.done $0x0  }
0x33: {  	[sflag:s26] =	ssyncadd.s32 $0xFFFFC180  }
0x34: {  	[spmem:s8] =	stream.linear.scatter [tilespmem:s25], [sflag:$0x2], $0x3E80, $0x38;
	[tilespmem:$0x1CC00] =	vst v63  }
0x35: {  	_ =	swait.ge [sflag:s26], $0x3E80  }
0x36: {  	[sflag:s26] =	ssyncset.done $0x0  }
0x37: {  	[sflag:s26] =	ssyncadd.s32 $0xFFFFC180  }
0x38: {  	[spmem:s9] =	stream.linear.scatter [tilespmem:s25], [sflag:$0x2], $0x3E80, $0x38;
	[tilespmem:$0x1CC00] =	vst v63  }
0x39: {  	_ =	swait.ge [sflag:s26], $0x3E80  }
0x3a: {  	[sflag:s26] =	ssyncset.done $0x0  }
0x3b: {  	[sflag:s26] =	ssyncadd.s32 $0xFFFFC180  }
0x3c: {  	[spmem:s10] =	stream.linear.scatter [tilespmem:s25], [sflag:$0x2], $0x380, $0x38;
	[tilespmem:$0x1CC00] =	vst v63  }
0x3d: {  	_ =	swait.ge [sflag:s26], $0x380  }
0x3e: {  	[sflag:s26] =	ssyncset.done $0x0  }
0x3f: {  	[sflag:s26] =	ssyncadd.s32 $0xFFFFFC80  }
0x40: {  	s6 =	simm.s32 $0x0;
	[bflag:$0x0] =	sbarrier.arrive $0xFFFF  }
0x41: {  	[tilespmem:s6], [sflag:$0x2] =	stream.linear.gather [hbm4b:s11+s6], $0x2800, $0x38;
	[tilespmem:$0x1CC00] =	vst v63  }
0x42: {  	_ =	swait.ge [sflag:s26], $0x2800  }
0x43: {  	[sflag:s26] =	ssyncset.done $0x0  }
0x44: {  	s28 =	simm.s32 $0x2800;
	[sflag:s26] =	ssyncadd.s32 $0xFFFFD800  }
0x45: {  	[tilespmem:s28], [sflag:$0x2] =	stream.linear.gather [hbm4b:s12+s6], $0x2800, $0x38;
	[tilespmem:$0x1CC00] =	vst v63  }
0x46: {  	_ =	swait.ge [sflag:s26], $0x2800  }
0x47: {  	[sflag:s26] =	ssyncset.done $0x0  }
0x48: {  	s6 =	simm.s32 $0x0;
	[sflag:s26] =	ssyncadd.s32 $0xFFFFD800  }
0x49: {  	[tilespmem:s25], [sflag:$0x1] =	stream.indirect.gather [hbm4b:s4+s29], $0x80, s6, s29, $0xb8;
	[tilespmem:$0x1CC00] =	vst v63  }
0x4a: {  	_ =	swait.ge [sflag:s30], $0x3E80  }
0x4b: {  	[sflag:s30] =	ssyncset.done $0x0  }
0x4c: {  	s28 =	simm.s32 $0x2800;
	[sflag:s30] =	ssyncadd.s32 $0xFFFFC180  }
0x4d: {  	[spmem:s2] =	stream.indirect.scatter.add.f32 [tilespmem:s25], [sflag:$0x2], $0x80, s28, s29, $0xb8;
	[tilespmem:$0x1CC00] =	vst v63  }
0x4e: {  	_ =	swait.ge [sflag:s26], $0x3E80  }
0x4f: {  	s1 =	simm.s32 $0x200;
	s0 =	simm.s32 $0x400;
	[sflag:s26] =	ssyncset.done $0x0  }
.LBB2_4:
0x50: {  	s28 =	sshra.s32 s1, $0x2  }
0x51: {  	[sflag:s26] =	ssyncadd.s32 $0xFFFFC180;
	s1 =	smov.u32 s0;
	s6 =	sadd.s32 $0x200, s0  }
0x52: {  	[tilespmem:s25], [sflag:$0x1] =	stream.indirect.gather [hbm4b:s4+s29], $0x80, s28, s29, $0xb8;
	[tilespmem:$0x1CC00] =	vst v63  }
0x53: {  	p0 =	sne.s32 s0, $0x9E00;
	_ =	swait.ge [sflag:s30], $0x3E80  }
.Ltmp1:
0x54: {  	[sflag:s30] =	ssyncset.done $0x0;
	(pc) =	sbr.rel @p0 .LBB2_4-.Ltmp1, $4  }
0x55: {  	s0 =	sadd.s32 $0x2800, s28;
	[sflag:s30] =	ssyncadd.s32 $0xFFFFC180  }
0x56: {  	[spmem:s2] =	stream.indirect.scatter.add.f32 [tilespmem:s25], [sflag:$0x2], $0x80, s0, s29, $0xb8;
	[tilespmem:$0x1CC00] =	vst v63  }
0x57: {  	_ =	swait.ge [sflag:s26], $0x3E80  }
0x58: {  	s0 =	smov.u32 s6;
	[sflag:s26] =	ssyncset.done $0x0  }
0x59: {  	s0 =	sshra.s32 s1, $0x2;
	[sflag:s26] =	ssyncadd.s32 $0xFFFFC180  }
0x5a: {  	[tilespmem:s25], [sflag:$0x1] =	stream.indirect.gather [hbm4b:s4+s29], $0x80, s0, s29, $0xb8;
	[tilespmem:$0x1CC00] =	vst v63  }
0x5b: {  	_ =	swait.ge [sflag:s30], $0x3E80  }
0x5c: {  	[sflag:s30] =	ssyncset.done $0x0  }
0x5d: {  	s0 =	sadd.s32 $0x2800, s0;
	[sflag:s30] =	ssyncadd.s32 $0xFFFFC180  }
0x5e: {  	[spmem:s2] =	stream.indirect.scatter.add.f32 [tilespmem:s25], [sflag:$0x2], $0x80, s0, s29, $0xb8;
	[tilespmem:$0x1CC00] =	vst v63  }
0x5f: {  	_ =	swait.ge [sflag:s26], $0x3E80  }
0x60: {  	[sflag:s26] =	ssyncset.done $0x0  }
0x61: {  	[sflag:s26] =	ssyncadd.s32 $0xFFFFC180  }
0x62: {  	[bflag:$0x0] =	sbarrier.arrive $0xFFFF  }
0x63: {  	[tilespmem:s25], [sflag:$0x2] =	stream.linear.gather [spmem:s5], $0x3C00, $0x38;
	[tilespmem:$0x1CC00] =	vst v63  }
0x64: {  	_ =	swait.ge [sflag:s26], $0x3C00  }
0x65: {  	[sflag:s26] =	ssyncset.done $0x0  }
0x66: {  	[sflag:s26] =	ssyncadd.s32 $0xFFFFC400  }
0x67: {  	[hbm4b:s13+s3] =	stream.linear.scatter [tilespmem:s25], [sflag:$0x2], $0x3C00, $0x38;
	[tilespmem:$0x1CC00] =	vst v63  }
0x68: {  	_ =	swait.ge [sflag:s26], $0x3C00  }
0x69: {  	[sflag:s26] =	ssyncset.done $0x0  }
0x6a: {  	[sflag:s26] =	ssyncadd.s32 $0xFFFFC400  }
0x6b: {  	[tilespmem:s25], [sflag:$0x2] =	stream.linear.gather [spmem:s14], $0x3C00, $0x38;
	[tilespmem:$0x1CC00] =	vst v63  }
0x6c: {  	_ =	swait.ge [sflag:s26], $0x3C00  }
0x6d: {  	[sflag:s26] =	ssyncset.done $0x0  }
0x6e: {  	[sflag:s26] =	ssyncadd.s32 $0xFFFFC400  }
0x6f: {  	[hbm4b:s15+s3] =	stream.linear.scatter [tilespmem:s25], [sflag:$0x2], $0x3C00, $0x38;
	[tilespmem:$0x1CC00] =	vst v63  }
0x70: {  	_ =	swait.ge [sflag:s26], $0x3C00  }
0x71: {  	[sflag:s26] =	ssyncset.done $0x0  }
0x72: {  	[sflag:s26] =	ssyncadd.s32 $0xFFFFC400  }
0x73: {  	[tilespmem:s25], [sflag:$0x2] =	stream.linear.gather [spmem:s16], $0x3C00, $0x38;
	[tilespmem:$0x1CC00] =	vst v63  }
0x74: {  	_ =	swait.ge [sflag:s26], $0x3C00  }
0x75: {  	[sflag:s26] =	ssyncset.done $0x0  }
0x76: {  	[sflag:s26] =	ssyncadd.s32 $0xFFFFC400  }
0x77: {  	[hbm4b:s17+s3] =	stream.linear.scatter [tilespmem:s25], [sflag:$0x2], $0x3C00, $0x38;
	[tilespmem:$0x1CC00] =	vst v63  }
0x78: {  	_ =	swait.ge [sflag:s26], $0x3C00  }
0x79: {  	[sflag:s26] =	ssyncset.done $0x0  }
0x7a: {  	[sflag:s26] =	ssyncadd.s32 $0xFFFFC400  }
0x7b: {  	[tilespmem:s25], [sflag:$0x2] =	stream.linear.gather [spmem:s18], $0x3C00, $0x38;
	[tilespmem:$0x1CC00] =	vst v63  }
0x7c: {  	_ =	swait.ge [sflag:s26], $0x3C00  }
0x7d: {  	[sflag:s26] =	ssyncset.done $0x0  }
0x7e: {  	[sflag:s26] =	ssyncadd.s32 $0xFFFFC400  }
0x7f: {  	[hbm4b:s19+s3] =	stream.linear.scatter [tilespmem:s25], [sflag:$0x2], $0x3C00, $0x38;
	[tilespmem:$0x1CC00] =	vst v63  }
0x80: {  	_ =	swait.ge [sflag:s26], $0x3C00  }
0x81: {  	[sflag:s26] =	ssyncset.done $0x0  }
0x82: {  	[sflag:s26] =	ssyncadd.s32 $0xFFFFC400  }
0x83: {  	[tilespmem:s25], [sflag:$0x2] =	stream.linear.gather [spmem:s20], $0x3C00, $0x38;
	[tilespmem:$0x1CC00] =	vst v63  }
0x84: {  	_ =	swait.ge [sflag:s26], $0x3C00  }
0x85: {  	[sflag:s26] =	ssyncset.done $0x0  }
0x86: {  	[sflag:s26] =	ssyncadd.s32 $0xFFFFC400  }
0x87: {  	[hbm4b:s21+s3] =	stream.linear.scatter [tilespmem:s25], [sflag:$0x2], $0x3C00, $0x38;
	[tilespmem:$0x1CC00] =	vst v63  }
0x88: {  	_ =	swait.ge [sflag:s26], $0x3C00  }
0x89: {  	[sflag:s26] =	ssyncset.done $0x0  }
0x8a: {  	[sflag:s26] =	ssyncadd.s32 $0xFFFFC400  }
0x8b: {  	[tilespmem:s25], [sflag:$0x2] =	stream.linear.gather [spmem:s22], $0x1000, $0x38;
	[tilespmem:$0x1CC00] =	vst v63  }
0x8c: {  	s31 =	sadd.s32 $0x1, s31;
	_ =	swait.ge [sflag:s26], $0x1000  }
0x8d: {  	p0 =	sne.s32 s31, s24;
	[sflag:s26] =	ssyncset.done $0x0  }
.Ltmp2:
0x8e: {  	[sflag:s26] =	ssyncadd.s32 $0xFFFFF000;
	(pc) =	sbr.rel @p0 .LBB2_1-.Ltmp2, $4  }
0x8f: {  	[hbm4b:s23+s3] =	stream.linear.scatter [tilespmem:s25], [sflag:$0x2], $0x1000, $0x38;
	[tilespmem:$0x1CC00] =	vst v63  }
0x90: {  	_ =	swait.ge [sflag:s26], $0x1000  }
0x91: {  	[sflag:s26] =	ssyncset.done $0x0  }
0x92: {  	[sflag:s26] =	ssyncadd.s32 $0xFFFFF000  }
0x93: {  	_ =	sfence.sel $0x180000  }
0x94: {  	[bflag:$0x0] =	sbarrier.arrive $0xFFFF  }
0x95: {  	_ =	strace $0x9000004A  }
0x96: {  	s0 =	stileid.u32;
	[bflag:$0x2] =	sbarrier.arrive $0xFFFF  }
0x97: {  	p0 =	sne.s32 s0, $0x0;
	s0 =	rddreg [dreg:$0x2]  }
0x98: {  	s0 =	sadd.s32 @!p0 $0x100000, s0  }
0x99: {  	[sflag:s0] =	ssyncadd.tile.s32 @!p0 $0x1;
	_ =	shalt  }
.Lfunc_end2:
_tile_overlayer_lowered:
.L_overlay_start_2:
0x9a: {  	(tag) =	ssettag $0x2  }
0x9b: {  	s0 =	rddreg [dreg:$0x0];
	s2 =	stileid.u32  }
0x9c: {  	s1 =	rddreg [dreg:$0x1];
	p0 =	sne.s32 s2, $0x0  }
0x9d: {  	s3 =	rddreg [dreg:$0x2];
	[bflag:$0x3] =	sbarrier.arrive $0xFFFF;
	s2 =	simm.s32 @!p0 $0x1C02  }
0x9e: {  	[timem:s3], [sflag:s2] =	dma.local @!p0 [hbm:s0], s1  }
0x9f: {  	s0 =	simm.s32 @!p0 $0x2  }
0xa0: {  	_ =	swait.ge @!p0 [sflag:s0], s1  }
0xa1: {  	s1 =	ssub.s32 @!p0 $0x0, s1;
	[sflag:s0] =	ssyncset.done @!p0 $0x0  }
0xa2: {  	[sflag:s0] =	ssyncadd.s32 @!p0 s1  }
0xa3: {  	[bflag:$0x3] =	sbarrier.arrive $0xFFFF  }
0xa4: {  	_ =	shalt  }

// kernel: kernel.16.cloned.1.call-start
scs
__scs_entry_jumppad:
0x0: {  	(pc) =	sbr.rel $0x88, $3  }
0x1: {  	(tag) =	ssettag $0x0;
	lr =	simm.s32 $0x1  }
0x2: {  	[smem:$0x3F8A] =	sst lr;
	_ =	strace $0xD0000000  }
0x3: {  	_ = 	snop  }
0x4: {  	_ = 	snop  }
0x5: {  	_ = 	snop  }
0x6: {  	_ = 	snop  }
0x7: {  	_ = 	snop  }
__scs_overlays_trampoline_lowered:
0x8: {  	[smem:$0x3F99] =	sst s0  }
0x9: {  	[smem:$0x3F9A] =	sst s1  }
0xa: {  	[smem:$0x3F9B] =	sst s2  }
0xb: {  	[smem:$0x3F9C] =	sst s3  }
0xc: {  	[smem:$0x3F9D] =	sst s4  }
0xd: {  	[smem:$0x3F9E] =	sst s5  }
0xe: {  	[smem:$0x3F9F] =	sst s6  }
0xf: {  	[smem:$0x3FA0] =	sst s7  }
0x10: {  	[smem:$0x3FA1] =	sst s8  }
0x11: {  	[smem:$0x3FA2] =	sst s9;
	s0 =	simm.s32 @!p0 $0x0  }
0x12: {  	s1 =	sld [smem:$0x3F88];
	s0 =	simm.s32 @p0 $0x1  }
0x13: {  	[smem:$0x3FA3] =	sst s0;
	s0 =	simm.s32 @!p1 $0x0  }
0x14: {  	s2 =	sld [smem:$0x3F87];
	s0 =	simm.s32 @p1 $0x1  }
0x15: {  	[smem:$0x3FA4] =	sst s0;
	s0 =	simm.s32 @!p2 $0x0  }
0x16: {  	s3 =	sld [smem:$0x3FDB];
	s0 =	simm.s32 @p2 $0x1  }
0x17: {  	s4 =	simm.s32 $0x1BF5;
	[smem:$0x3FA6] =	sst s0  }
0x18: {  	s0 =	sld [smem:$0x3F89];
	_ =	swait.ge [sflag:s4], $0x0  }
0x19: {  	s7 =	sld [smem:$0x3F8A]  }
0x1a: {  	s8 =	sadd.s32 $0xFFFFE003, lr  }
0x1b: {  	s9 =	sadd.s32 $0xFFFFFEF7, lr;
	s5 =	simm.s32 $0xFFFFFFFF;
	p2 =	slt.u32 s8, $0xFFFFF086  }
0x1c: {  	p1 =	slt.u32 s9, $0xF7A;
	s5 =	simm.s32 @!p2 $0x0  }
0x1d: {  	s5 =	simm.s32 @p1 $0x1;
	p0 =	seq.s32 s7, s2  }
0x1e: {  	s7 =	smul.u32 @!p0 $0xF7A, s2;
	p2 =	seq.s32 @!p0 s5, $0x0  }
0x1f: {  	s9 =	smul.u32 $0xF7A, s1;
	s8 =	simm.s32 @!p0 $0x1BF5;
	p2 =	por !p2, p0  }
0x20: {  	[sflag:s8] =	ssyncset.s32 @!p0 $0xFFFFF086;
	s6 =	sadd.s32 @!p0 s3, s7;
	s7 =	simm.s32 @!p0 $0x108  }
0x21: {  	s3 =	sadd.s32 s3, s9;
	s6 =	sadd.s32 @!p0 $0x88, s6;
	s7 =	simm.s32 @p2 $0x1082  }
0x22: {  	[simem:s7], [sflag:s8] =	dma.local @!p0 [hbm:s6], $0xF7A  }
0x23: {  	s9 =	sor.u32 $0xD0000000, s2;
	s6 =	simm.s32 $0x108;
	_ =	swait.ge @!p0 [sflag:s8], $0x0  }
0x24: {  	s3 =	sadd.s32 $0x88, s3;
	s6 =	simm.s32 @!p1 $0x1082;
	[sflag:s4] =	ssyncset.s32 $0xFFFFF086  }
0x25: {  	[simem:s6], [sflag:s4] =	dma.local [hbm:s3], $0xF7A  }
0x26: {  	[smem:$0x3F8A] =	sst s1;
	(tag) =	ssettag s2;
	_ =	strace s9  }
0x27: {  	s1 =	sld [smem:$0x3F9A]  }
0x28: {  	s2 =	sld [smem:$0x3F9B]  }
0x29: {  	s4 =	sld [smem:$0x3F9D]  }
0x2a: {  	p0 =	seq.s32 s5, $0x0;
	s5 =	sld [smem:$0x3F9E]  }
0x2b: {  	s6 =	sld [smem:$0x3F9F]  }
0x2c: {  	s7 =	sld [smem:$0x3FA0]  }
0x2d: {  	s3 =	simm.s32 $0x108;
	s8 =	sld [smem:$0x3FA1]  }
0x2e: {  	s3 =	simm.s32 @!p0 $0x1082;
	s9 =	sld [smem:$0x3FA2]  }
0x2f: {  	lr =	sadd.s32 s0, s3;
	s0 =	sld [smem:$0x3F99]  }
0x30: {  	s3 =	sld [smem:$0x3F9C]  }
0x31: {  	[smem:$0x3FA5] =	sst s10  }
0x32: {  	s10 =	sld [smem:$0x3FA3];
	_ =	sdelay $0x3  }
0x33: {  	p0 =	seq.s32 s10, $0x1;
	s10 =	sld [smem:$0x3FA5];
	_ =	sdelay $0x3  }
0x34: {  	[smem:$0x3FA5] =	sst s10  }
0x35: {  	s10 =	sld [smem:$0x3FA4];
	_ =	sdelay $0x3  }
0x36: {  	p1 =	seq.s32 s10, $0x1;
	s10 =	sld [smem:$0x3FA5];
	_ =	sdelay $0x3  }
0x37: {  	[smem:$0x3FA5] =	sst s10  }
0x38: {  	s10 =	sld [smem:$0x3FA6]  }
0x39: {  	_ = 	snop;
	(pc) =	sbr.ind lr, $3  }
0x3a: {  	_ = 	snop  }
0x3b: {  	_ = 	snop  }
0x3c: {  	p2 =	seq.s32 s10, $0x1;
	s10 =	sld [smem:$0x3FA5]  }
0x3d: {  	_ =	shalt  }
0x3e: {  	_ =	shalt  }
0x3f: {  	_ =	shalt  }
0x40: {  	_ =	shalt  }
0x41: {  	_ =	shalt  }
0x42: {  	_ =	shalt  }
0x43: {  	_ =	shalt  }
0x44: {  	_ =	shalt  }
0x45: {  	_ =	shalt  }
0x46: {  	_ =	shalt  }
0x47: {  	_ =	shalt  }
0x48: {  	_ =	shalt  }
0x49: {  	_ =	shalt  }
0x4a: {  	_ =	shalt  }
0x4b: {  	_ =	shalt  }
0x4c: {  	_ =	shalt  }
0x4d: {  	_ =	shalt  }
0x4e: {  	_ =	shalt  }
0x4f: {  	_ =	shalt  }
0x50: {  	_ =	shalt  }
0x51: {  	_ =	shalt  }
0x52: {  	_ =	shalt  }
0x53: {  	_ =	shalt  }
0x54: {  	_ =	shalt  }
0x55: {  	_ =	shalt  }
0x56: {  	_ =	shalt  }
0x57: {  	_ =	shalt  }
0x58: {  	_ =	shalt  }
0x59: {  	_ =	shalt  }
0x5a: {  	_ =	shalt  }
0x5b: {  	_ =	shalt  }
0x5c: {  	_ =	shalt  }
0x5d: {  	_ =	shalt  }
0x5e: {  	_ =	shalt  }
0x5f: {  	_ =	shalt  }
0x60: {  	_ =	shalt  }
0x61: {  	_ =	shalt  }
0x62: {  	_ =	shalt  }
0x63: {  	_ =	shalt  }
0x64: {  	_ =	shalt  }
0x65: {  	_ =	shalt  }
0x66: {  	_ =	shalt  }
0x67: {  	_ =	shalt  }
0x68: {  	_ =	shalt  }
0x69: {  	_ =	shalt  }
0x6a: {  	_ =	shalt  }
0x6b: {  	_ =	shalt  }
0x6c: {  	_ =	shalt  }
0x6d: {  	_ =	shalt  }
0x6e: {  	_ =	shalt  }
0x6f: {  	_ =	shalt  }
0x70: {  	_ =	shalt  }
0x71: {  	_ =	shalt  }
0x72: {  	_ =	shalt  }
0x73: {  	_ =	shalt  }
0x74: {  	_ =	shalt  }
0x75: {  	_ =	shalt  }
0x76: {  	_ =	shalt  }
0x77: {  	_ =	shalt  }
0x78: {  	_ =	shalt  }
0x79: {  	_ =	shalt  }
0x7a: {  	_ =	shalt  }
0x7b: {  	_ =	shalt  }
0x7c: {  	_ =	shalt  }
0x7d: {  	_ =	shalt  }
0x7e: {  	_ =	shalt  }
0x7f: {  	_ =	shalt  }
0x80: {  	_ =	shalt  }
0x81: {  	_ =	shalt  }
0x82: {  	_ =	shalt  }
0x83: {  	_ =	shalt  }
0x84: {  	_ =	shalt  }
0x85: {  	_ =	shalt  }
0x86: {  	_ =	shalt  }
0x87: {  	_ =	shalt  }
.Lfunc_end0:
.L_simem_size_0:
called_computation.2_lowered:
.L_overlay_start_0:
0x88: {  	s2 =	sld [smem:$0x3FD9]  }
0x89: {  	s3 =	sld [smem:$0x3FFE];
	_ =	sdelay $0x1  }
0x8a: {  	s1 =	srdreg.scid  }
0x8b: {  	s0 =	sand.u32 $0x1, s1  }
0x8c: {  	s16 =	sshll.u32 s0, $0xA;
	s2 =	sadd.s32 s3, s2  }
0x8d: {  	s2 =	sadd.s32 s2, s16  }
0x8e: {  	[smem:$0x3FB1] =	sst s2  }
0x8f: {  	_ = 	snop  }
0x90: {  	(tm) =	ssettm $0x1  }
0x91: {  	s17 =	sld [smem:$0x3FFB];
	_ =	sdelay $0x3  }
0x92: {  	_ =	strace s17  }
0x93: {  	s2 =	sld [smem:$0x3FFC];
	_ =	sdelay $0x3  }
0x94: {  	_ =	strace s2  }
0x95: {  	s2 =	sld [smem:$0x3FFD];
	_ =	sdelay $0x3  }
0x96: {  	_ =	strace s2  }
0x97: {  	_ =	strace $0x8FFFFFFF  }
0x98: {  	s18 =	sld [smem:$0x3FDB];
	_ =	sdelay $0x1  }
0x99: {  	s19 =	simm.s32 $_scs_section_size  }
0x9a: {  	s4 =	simm.s32 $_size__tile_overlayer_lowered;
	s5 =	simm.s32 $_tile_overlayer_lowered  }
0x9b: {  	s22 =	simm.s32 $0x1BFF;
	s21 =	sshll.u32 s5, $0x1;
	s2 =	sadd.s32 s19, s18  }
0x9c: {  	s6 =	simm.s32 $0x0;
	s20 =	sshll.u32 s4, $0x1;
	s4 =	sadd.s32 s21, s2  }
0x9d: {  	[timem:s6], [sflag:s22] =	dma.local [hbm:s4], s20  }
0x9e: {  	_ =	swait.ge [sflag:s22], s20  }
0x9f: {  	s3 =	ssub.s32 $0x0, s20;
	[sflag:s22] =	ssyncset.done $0x0  }
0xa0: {  	[sflag:s22] =	ssyncadd.s32 s3;
	_ =	sdelay $0x1  }
0xa1: {  	s23 =	simm.s32 $0x1B8B  }
0xa2: {  	_ =	swait.ge [sflag:s23], $0x1  }
0xa3: {  	[sflag:s23] =	ssyncset.done $0x0  }
0xa4: {  	s25 =	simm.s32 $0x1B8E;
	s24 =	sld [smem:$0x3FFE];
	[sflag:s23] =	ssyncadd.s32 $0xFFFFFFFF  }
0xa5: {  	s26 =	simm.s32 $execute0_lowered;
	[smem:$0x3FD2] =	sst s25  }
0xa6: {  	s4 =	sshll.u32 s26, $0x1;
	_ =	strace $0x8000004C;
	[dreg:$0x1] =	wrdreg $0xFFFFFFFF  }
0xa7: {  	s28 =	simm.s32 $_size_execute0_lowered;
	s2 =	sadd.s32 s2, s4;
	[dreg:$0x0] =	wrdreg $0x0  }
0xa8: {  	s4 =	sshll.u32 s28, $0x1;
	[dreg:$0x2] =	wrdreg s2  }
0xa9: {  	[dreg:$0x3] =	wrdreg s4  }
0xaa: {  	[dreg:$0x4] =	wrdreg $0xC0  }
0xab: {  	_ =	task [dreg:s6], $0x5FFFF  }
0xac: {  	[dreg:$0x1] =	wrdreg $0xFFFFFFFF  }
0xad: {  	[dreg:$0x0] =	wrdreg $0x60  }
0xae: {  	[dreg:$0x2] =	wrdreg s24  }
0xaf: {  	[dreg:$0x3] =	wrdreg $0x90000  }
0xb0: {  	[dreg:$0x4] =	wrdreg $0x9  }
0xb1: {  	_ =	task.clear_ibuf [dreg:s6], $0x5FFFF;
	_ =	strace $0x9000004C  }
0xb2: {  	s29 =	simm.s32 $0x9;
	_ =	strace $0x8000004E  }
0xb3: {  	_ =	swait.ge [sflag:s29], $0x1  }
0xb4: {  	[sflag:s29] =	ssyncadd.s32 $0xFFFFFFFF  }
0xb5: {  	_ =	strace $0x9000004E  }
0xb6: {  	_ =	sfence  }
0xb7: {  	s30 =	sld [smem:$0x0];
	_ =	sdelay $0x2  }
0xb8: {  	s31 =	sshll.u32 s1, $0xD;
	s1 =	sshrl.u32 s1, $0x2  }
0xb9: {  	s3 =	sand.u32 $0x4000, s31;
	s1 =	sadd.s32 s1, s30  }
0xba: {  	s0 =	sor.u32 s3, s0;
	s1 =	sshll.u32 s1, $0x11  }
0xbb: {  	s0 =	sor.u32 s1, s0  }
0xbc: {  	s0 =	sadd.s32 $0x8F2B, s0  }
0xbd: {  	[sflag:s0] =	ssyncadd.remote.s32 $0x1  }
0xbe: {  	_ =	sfence.sel $0xFFFF  }
0xbf: {  	[dreg:$0x0] =	wrdreg $0xFFFFFFFF;
	(pc) =	sbr.abs _section_cstart, $3  }
0xc0: {  	[dreg:$0x1] =	wrdreg $0xFFFFFFFF  }
0xc1: {  	_ =	task.clear_ibuf [dreg:s6], $0x2FFFF;
	_ =	strace $0x9FFFFFFF  }
0xc2: {  	(tm) =	ssettm $0x7FFFFFFF  }
0xc3: {  	_ =	shalt  }
tec
execute0_lowered:
.L_overlay_start_1:
0x0: {  	(tag) =	ssettag $0x1  }
0x1: {  	s0 =	srdreg.scid;
	s1 =	rddreg [dreg:$0x0]  }
0x2: {  	s9 =	stileid.u32;
	s2 =	rddreg [dreg:$0x1]  }
0x3: {  	s29 =	simm.s32 $0x7D;
	s30 =	simm.s32 $0x1;
	s6 =	smul.u32 $0x4F000, s9  }
0x4: {  	s31 =	simm.s32 $0x0;
	s0 =	sand.u32 $0x1, s0;
	s19 =	smul.u32 $0x13C00, s9  }
0x5: {  	s3 =	sshll.u32 s0, $0x4;
	s7 =	ssub.s32 $0x2, s0;
	s0 =	smul.u32 $0x13C000, s0  }
0x6: {  	s4 =	sor.u32 s9, s3;
	s3 =	simm.s32 $0x0;
	s25 =	sshrl.u32 s6, $0x2  }
0x7: {  	s26 =	sshrl.u32 s7, $0x1;
	s14 =	sadd.s32 $0x3C00, s19;
	s16 =	sadd.s32 $0x7800, s19  }
0x8: {  	s20 =	sadd.s32 $0xB400, s19;
	s21 =	sadd.s32 $0xF000, s19;
	s23 =	sadd.s32 $0x12C00, s19  }
0x9: {  	s5 =	smul.u32 $0x500, s4;
	[smem:$0x7FF] =	sst s3;
	s4 =	sadd.s32 $0x18800, s1  }
0xa: {  	s24 =	ssub.s32 s7, s26;
	s13 =	sadd.s32 s19, s0;
	s15 =	sadd.s32 s0, s14  }
0xb: {  	s17 =	sadd.s32 s0, s16;
	s14 =	sadd.s32 s14, s2;
	s16 =	sadd.s32 s16, s2  }
0xc: {  	s18 =	sadd.s32 s20, s2;
	s20 =	sadd.s32 s0, s20;
	s22 =	sadd.s32 s0, s21  }
0xd: {  	s0 =	sadd.s32 s0, s23;
	s26 =	simm.s32 $0x2;
	_ =	strace $0x8000004D  }
0xe: {  	s13 =	sshrl.u32 s13, $0x3;
	s15 =	sshrl.u32 s15, $0x3;
	s17 =	sshrl.u32 s17, $0x3  }
0xf: {  	s20 =	sshrl.u32 s20, $0x3;
	s22 =	sshrl.u32 s22, $0x3;
	s0 =	sshrl.u32 s0, $0x3  }
0x10: {  	s24 =	smax.u32 s24, $0x1;
	s12 =	sadd.s32 s5, s1;
	s5 =	sadd.s32 s25, s2  }
0x11: {  	s1 =	sadd.s32 $0x3FA00, s1;
	s25 =	simm.s32 $0x5000;
	s28 =	sadd.s32 $0x3E80, s5  }
0x12: {  	s7 =	sadd.s32 $0x7D00, s5;
	s8 =	sadd.s32 $0xBB80, s5;
	s9 =	sadd.s32 $0xFA00, s5  }
0x13: {  	s10 =	sadd.s32 $0x13880, s5;
	s11 =	sadd.s32 $0x4800, s12;
	s12 =	sadd.s32 $0xE800, s12  }
0x14: {  	s13 =	sadd.s32 s1, s13;
	s15 =	sadd.s32 s1, s15;
	s17 =	sadd.s32 s1, s17  }
0x15: {  	s19 =	sadd.s32 s1, s20;
	s20 =	sadd.s32 s21, s2;
	s21 =	sadd.s32 s1, s22  }
0x16: {  	v0 =	vimm.f32 $0.0e+00;
	s22 =	sadd.s32 s23, s2;
	s23 =	sadd.s32 s1, s0;
	[dreg:$0x3] =	wrdreg s28  }
.LBB2_1:
0x17: {  	s1 =	simm.s32 $0x0;
	s0 =	simm.s32 $0x200  }
.LBB2_2:
0x18: {  	p0 =	sne.s32 s0, $0xF800;
	[tilespmem:s1+$0x5070] =	vst v0  }
0x19: {  	[tilespmem:s1+$0x5000] =	vst v0  }
0x1a: {  	[tilespmem:s1+$0x5010] =	vst v0  }
.Ltmp0:
0x1b: {  	[tilespmem:s1+$0x5020] =	vst v0;
	(pc) =	sbr.rel @p0 .LBB2_2-.Ltmp0, $4  }
0x1c: {  	[tilespmem:s1+$0x5030] =	vst v0  }
0x1d: {  	[tilespmem:s1+$0x5040] =	vst v0  }
0x1e: {  	[tilespmem:s1+$0x5050] =	vst v0  }
0x1f: {  	[tilespmem:s1+$0x5060] =	vst v0;
	s1 =	sshra.s32 s0, $0x2;
	s0 =	sadd.s32 $0x200, s0  }
0x20: {  	[tilespmem:s1+$0x5070] =	vst v0  }
0x21: {  	[tilespmem:s1+$0x5000] =	vst v0  }
0x22: {  	[tilespmem:s1+$0x5010] =	vst v0  }
0x23: {  	[tilespmem:s1+$0x5020] =	vst v0  }
0x24: {  	[tilespmem:s1+$0x5030] =	vst v0  }
0x25: {  	[tilespmem:s1+$0x5040] =	vst v0  }
0x26: {  	[tilespmem:s1+$0x5050] =	vst v0  }
0x27: {  	[tilespmem:s1+$0x5060] =	vst v0  }
0x28: {  	[spmem:s5] =	stream.linear.scatter [tilespmem:s25], [sflag:$0x2], $0x3E80, $0x38;
	[tilespmem:$0x1CC00] =	vst v63  }
0x29: {  	_ =	swait.ge [sflag:s26], $0x3E80  }
0x2a: {  	[sflag:s26] =	ssyncset.done $0x0  }
0x2b: {  	s0 =	rddreg [dreg:$0x3];
	[sflag:s26] =	ssyncadd.s32 $0xFFFFC180  }
0x2c: {  	[spmem:s0] =	stream.linear.scatter [tilespmem:s25], [sflag:$0x2], $0x3E80, $0x38;
	[tilespmem:$0x1CC00] =	vst v63  }
0x2d: {  	_ =	swait.ge [sflag:s26], $0x3E80  }
0x2e: {  	[sflag:s26] =	ssyncset.done $0x0  }
0x2f: {  	[sflag:s26] =	ssyncadd.s32 $0xFFFFC180  }
0x30: {  	[spmem:s7] =	stream.linear.scatter [tilespmem:s25], [sflag:$0x2], $0x3E80, $0x38;
	[tilespmem:$0x1CC00] =	vst v63  }
0x31: {  	_ =	swait.ge [sflag:s26], $0x3E80  }
0x32: {  	[sflag:s26] =	ssyncset.done $0x0  }
0x33: {  	[sflag:s26] =	ssyncadd.s32 $0xFFFFC180  }
0x34: {  	[spmem:s8] =	stream.linear.scatter [tilespmem:s25], [sflag:$0x2], $0x3E80, $0x38;
	[tilespmem:$0x1CC00] =	vst v63  }
0x35: {  	_ =	swait.ge [sflag:s26], $0x3E80  }
0x36: {  	[sflag:s26] =	ssyncset.done $0x0  }
0x37: {  	[sflag:s26] =	ssyncadd.s32 $0xFFFFC180  }
0x38: {  	[spmem:s9] =	stream.linear.scatter [tilespmem:s25], [sflag:$0x2], $0x3E80, $0x38;
	[tilespmem:$0x1CC00] =	vst v63  }
0x39: {  	_ =	swait.ge [sflag:s26], $0x3E80  }
0x3a: {  	[sflag:s26] =	ssyncset.done $0x0  }
0x3b: {  	[sflag:s26] =	ssyncadd.s32 $0xFFFFC180  }
0x3c: {  	[spmem:s10] =	stream.linear.scatter [tilespmem:s25], [sflag:$0x2], $0x380, $0x38;
	[tilespmem:$0x1CC00] =	vst v63  }
0x3d: {  	_ =	swait.ge [sflag:s26], $0x380  }
0x3e: {  	[sflag:s26] =	ssyncset.done $0x0  }
0x3f: {  	[sflag:s26] =	ssyncadd.s32 $0xFFFFFC80  }
0x40: {  	s6 =	simm.s32 $0x0;
	[bflag:$0x0] =	sbarrier.arrive $0xFFFF  }
0x41: {  	[tilespmem:s6], [sflag:$0x2] =	stream.linear.gather [hbm4b:s11+s6], $0x2800, $0x38;
	[tilespmem:$0x1CC00] =	vst v63  }
0x42: {  	_ =	swait.ge [sflag:s26], $0x2800  }
0x43: {  	[sflag:s26] =	ssyncset.done $0x0  }
0x44: {  	s28 =	simm.s32 $0x2800;
	[sflag:s26] =	ssyncadd.s32 $0xFFFFD800  }
0x45: {  	[tilespmem:s28], [sflag:$0x2] =	stream.linear.gather [hbm4b:s12+s6], $0x2800, $0x38;
	[tilespmem:$0x1CC00] =	vst v63  }
0x46: {  	_ =	swait.ge [sflag:s26], $0x2800  }
0x47: {  	[sflag:s26] =	ssyncset.done $0x0  }
0x48: {  	s6 =	simm.s32 $0x0;
	[sflag:s26] =	ssyncadd.s32 $0xFFFFD800  }
0x49: {  	[tilespmem:s25], [sflag:$0x1] =	stream.indirect.gather [hbm4b:s4+s29], $0x80, s6, s29, $0xb8;
	[tilespmem:$0x1CC00] =	vst v63  }
0x4a: {  	_ =	swait.ge [sflag:s30], $0x3E80  }
0x4b: {  	[sflag:s30] =	ssyncset.done $0x0  }
0x4c: {  	s28 =	simm.s32 $0x2800;
	[sflag:s30] =	ssyncadd.s32 $0xFFFFC180  }
0x4d: {  	[spmem:s2] =	stream.indirect.scatter.add.f32 [tilespmem:s25], [sflag:$0x2], $0x80, s28, s29, $0xb8;
	[tilespmem:$0x1CC00] =	vst v63  }
0x4e: {  	_ =	swait.ge [sflag:s26], $0x3E80  }
0x4f: {  	s1 =	simm.s32 $0x200;
	s0 =	simm.s32 $0x400;
	[sflag:s26] =	ssyncset.done $0x0  }
.LBB2_4:
0x50: {  	s28 =	sshra.s32 s1, $0x2  }
0x51: {  	[sflag:s26] =	ssyncadd.s32 $0xFFFFC180;
	s1 =	smov.u32 s0;
	s6 =	sadd.s32 $0x200, s0  }
0x52: {  	[tilespmem:s25], [sflag:$0x1] =	stream.indirect.gather [hbm4b:s4+s29], $0x80, s28, s29, $0xb8;
	[tilespmem:$0x1CC00] =	vst v63  }
0x53: {  	p0 =	sne.s32 s0, $0x9E00;
	_ =	swait.ge [sflag:s30], $0x3E80  }
.Ltmp1:
0x54: {  	[sflag:s30] =	ssyncset.done $0x0;
	(pc) =	sbr.rel @p0 .LBB2_4-.Ltmp1, $4  }
0x55: {  	s0 =	sadd.s32 $0x2800, s28;
	[sflag:s30] =	ssyncadd.s32 $0xFFFFC180  }
0x56: {  	[spmem:s2] =	stream.indirect.scatter.add.f32 [tilespmem:s25], [sflag:$0x2], $0x80, s0, s29, $0xb8;
	[tilespmem:$0x1CC00] =	vst v63  }
0x57: {  	_ =	swait.ge [sflag:s26], $0x3E80  }
0x58: {  	s0 =	smov.u32 s6;
	[sflag:s26] =	ssyncset.done $0x0  }
0x59: {  	s0 =	sshra.s32 s1, $0x2;
	[sflag:s26] =	ssyncadd.s32 $0xFFFFC180  }
0x5a: {  	[tilespmem:s25], [sflag:$0x1] =	stream.indirect.gather [hbm4b:s4+s29], $0x80, s0, s29, $0xb8;
	[tilespmem:$0x1CC00] =	vst v63  }
0x5b: {  	_ =	swait.ge [sflag:s30], $0x3E80  }
0x5c: {  	[sflag:s30] =	ssyncset.done $0x0  }
0x5d: {  	s0 =	sadd.s32 $0x2800, s0;
	[sflag:s30] =	ssyncadd.s32 $0xFFFFC180  }
0x5e: {  	[spmem:s2] =	stream.indirect.scatter.add.f32 [tilespmem:s25], [sflag:$0x2], $0x80, s0, s29, $0xb8;
	[tilespmem:$0x1CC00] =	vst v63  }
0x5f: {  	_ =	swait.ge [sflag:s26], $0x3E80  }
0x60: {  	[sflag:s26] =	ssyncset.done $0x0  }
0x61: {  	[sflag:s26] =	ssyncadd.s32 $0xFFFFC180  }
0x62: {  	[bflag:$0x0] =	sbarrier.arrive $0xFFFF  }
0x63: {  	[tilespmem:s25], [sflag:$0x2] =	stream.linear.gather [spmem:s5], $0x3C00, $0x38;
	[tilespmem:$0x1CC00] =	vst v63  }
0x64: {  	_ =	swait.ge [sflag:s26], $0x3C00  }
0x65: {  	[sflag:s26] =	ssyncset.done $0x0  }
0x66: {  	[sflag:s26] =	ssyncadd.s32 $0xFFFFC400  }
0x67: {  	[hbm4b:s13+s3] =	stream.linear.scatter [tilespmem:s25], [sflag:$0x2], $0x3C00, $0x38;
	[tilespmem:$0x1CC00] =	vst v63  }
0x68: {  	_ =	swait.ge [sflag:s26], $0x3C00  }
0x69: {  	[sflag:s26] =	ssyncset.done $0x0  }
0x6a: {  	[sflag:s26] =	ssyncadd.s32 $0xFFFFC400  }
0x6b: {  	[tilespmem:s25], [sflag:$0x2] =	stream.linear.gather [spmem:s14], $0x3C00, $0x38;
	[tilespmem:$0x1CC00] =	vst v63  }
0x6c: {  	_ =	swait.ge [sflag:s26], $0x3C00  }
0x6d: {  	[sflag:s26] =	ssyncset.done $0x0  }
0x6e: {  	[sflag:s26] =	ssyncadd.s32 $0xFFFFC400  }
0x6f: {  	[hbm4b:s15+s3] =	stream.linear.scatter [tilespmem:s25], [sflag:$0x2], $0x3C00, $0x38;
	[tilespmem:$0x1CC00] =	vst v63  }
0x70: {  	_ =	swait.ge [sflag:s26], $0x3C00  }
0x71: {  	[sflag:s26] =	ssyncset.done $0x0  }
0x72: {  	[sflag:s26] =	ssyncadd.s32 $0xFFFFC400  }
0x73: {  	[tilespmem:s25], [sflag:$0x2] =	stream.linear.gather [spmem:s16], $0x3C00, $0x38;
	[tilespmem:$0x1CC00] =	vst v63  }
0x74: {  	_ =	swait.ge [sflag:s26], $0x3C00  }
0x75: {  	[sflag:s26] =	ssyncset.done $0x0  }
0x76: {  	[sflag:s26] =	ssyncadd.s32 $0xFFFFC400  }
0x77: {  	[hbm4b:s17+s3] =	stream.linear.scatter [tilespmem:s25], [sflag:$0x2], $0x3C00, $0x38;
	[tilespmem:$0x1CC00] =	vst v63  }
0x78: {  	_ =	swait.ge [sflag:s26], $0x3C00  }
0x79: {  	[sflag:s26] =	ssyncset.done $0x0  }
0x7a: {  	[sflag:s26] =	ssyncadd.s32 $0xFFFFC400  }
0x7b: {  	[tilespmem:s25], [sflag:$0x2] =	stream.linear.gather [spmem:s18], $0x3C00, $0x38;
	[tilespmem:$0x1CC00] =	vst v63  }
0x7c: {  	_ =	swait.ge [sflag:s26], $0x3C00  }
0x7d: {  	[sflag:s26] =	ssyncset.done $0x0  }
0x7e: {  	[sflag:s26] =	ssyncadd.s32 $0xFFFFC400  }
0x7f: {  	[hbm4b:s19+s3] =	stream.linear.scatter [tilespmem:s25], [sflag:$0x2], $0x3C00, $0x38;
	[tilespmem:$0x1CC00] =	vst v63  }
0x80: {  	_ =	swait.ge [sflag:s26], $0x3C00  }
0x81: {  	[sflag:s26] =	ssyncset.done $0x0  }
0x82: {  	[sflag:s26] =	ssyncadd.s32 $0xFFFFC400  }
0x83: {  	[tilespmem:s25], [sflag:$0x2] =	stream.linear.gather [spmem:s20], $0x3C00, $0x38;
	[tilespmem:$0x1CC00] =	vst v63  }
0x84: {  	_ =	swait.ge [sflag:s26], $0x3C00  }
0x85: {  	[sflag:s26] =	ssyncset.done $0x0  }
0x86: {  	[sflag:s26] =	ssyncadd.s32 $0xFFFFC400  }
0x87: {  	[hbm4b:s21+s3] =	stream.linear.scatter [tilespmem:s25], [sflag:$0x2], $0x3C00, $0x38;
	[tilespmem:$0x1CC00] =	vst v63  }
0x88: {  	_ =	swait.ge [sflag:s26], $0x3C00  }
0x89: {  	[sflag:s26] =	ssyncset.done $0x0  }
0x8a: {  	[sflag:s26] =	ssyncadd.s32 $0xFFFFC400  }
0x8b: {  	[tilespmem:s25], [sflag:$0x2] =	stream.linear.gather [spmem:s22], $0x1000, $0x38;
	[tilespmem:$0x1CC00] =	vst v63  }
0x8c: {  	s31 =	sadd.s32 $0x1, s31;
	_ =	swait.ge [sflag:s26], $0x1000  }
0x8d: {  	p0 =	sne.s32 s31, s24;
	[sflag:s26] =	ssyncset.done $0x0  }
.Ltmp2:
0x8e: {  	[sflag:s26] =	ssyncadd.s32 $0xFFFFF000;
	(pc) =	sbr.rel @p0 .LBB2_1-.Ltmp2, $4  }
0x8f: {  	[hbm4b:s23+s3] =	stream.linear.scatter [tilespmem:s25], [sflag:$0x2], $0x1000, $0x38;
	[tilespmem:$0x1CC00] =	vst v63  }
0x90: {  	_ =	swait.ge [sflag:s26], $0x1000  }
0x91: {  	[sflag:s26] =	ssyncset.done $0x0  }
0x92: {  	[sflag:s26] =	ssyncadd.s32 $0xFFFFF000  }
0x93: {  	_ =	sfence.sel $0x180000  }
0x94: {  	[bflag:$0x0] =	sbarrier.arrive $0xFFFF  }
0x95: {  	_ =	strace $0x9000004D  }
0x96: {  	s0 =	stileid.u32;
	[bflag:$0x2] =	sbarrier.arrive $0xFFFF  }
0x97: {  	p0 =	sne.s32 s0, $0x0;
	s0 =	rddreg [dreg:$0x2]  }
0x98: {  	s0 =	sadd.s32 @!p0 $0x100000, s0  }
0x99: {  	[sflag:s0] =	ssyncadd.tile.s32 @!p0 $0x1;
	_ =	shalt  }
.Lfunc_end2:
_tile_overlayer_lowered:
.L_overlay_start_2:
0x9a: {  	(tag) =	ssettag $0x2  }
0x9b: {  	s0 =	rddreg [dreg:$0x0];
	s2 =	stileid.u32  }
0x9c: {  	s1 =	rddreg [dreg:$0x1];
	p0 =	sne.s32 s2, $0x0  }
0x9d: {  	s3 =	rddreg [dreg:$0x2];
	[bflag:$0x3] =	sbarrier.arrive $0xFFFF;
	s2 =	simm.s32 @!p0 $0x1C02  }
0x9e: {  	[timem:s3], [sflag:s2] =	dma.local @!p0 [hbm:s0], s1  }
0x9f: {  	s0 =	simm.s32 @!p0 $0x2  }
0xa0: {  	_ =	swait.ge @!p0 [sflag:s0], s1  }
0xa1: {  	s1 =	ssub.s32 @!p0 $0x0, s1;
	[sflag:s0] =	ssyncset.done @!p0 $0x0  }
0xa2: {  	[sflag:s0] =	ssyncadd.s32 @!p0 s1  }
0xa3: {  	[bflag:$0x3] =	sbarrier.arrive $0xFFFF  }
0xa4: {  	_ =	shalt  }

// kernel: kernel.19.cloned.1.call-start
scs
__scs_entry_jumppad:
0x0: {  	(pc) =	sbr.rel $0x88, $3  }
0x1: {  	(tag) =	ssettag $0x0;
	lr =	simm.s32 $0x1  }
0x2: {  	[smem:$0x3F8A] =	sst lr;
	_ =	strace $0xD0000000  }
0x3: {  	_ = 	snop  }
0x4: {  	_ = 	snop  }
0x5: {  	_ = 	snop  }
0x6: {  	_ = 	snop  }
0x7: {  	_ = 	snop  }
__scs_overlays_trampoline_lowered:
0x8: {  	[smem:$0x3F99] =	sst s0  }
0x9: {  	[smem:$0x3F9A] =	sst s1  }
0xa: {  	[smem:$0x3F9B] =	sst s2  }
0xb: {  	[smem:$0x3F9C] =	sst s3  }
0xc: {  	[smem:$0x3F9D] =	sst s4  }
0xd: {  	[smem:$0x3F9E] =	sst s5  }
0xe: {  	[smem:$0x3F9F] =	sst s6  }
0xf: {  	[smem:$0x3FA0] =	sst s7  }
0x10: {  	[smem:$0x3FA1] =	sst s8  }
0x11: {  	[smem:$0x3FA2] =	sst s9;
	s0 =	simm.s32 @!p0 $0x0  }
0x12: {  	s1 =	sld [smem:$0x3F88];
	s0 =	simm.s32 @p0 $0x1  }
0x13: {  	[smem:$0x3FA3] =	sst s0;
	s0 =	simm.s32 @!p1 $0x0  }
0x14: {  	s2 =	sld [smem:$0x3F87];
	s0 =	simm.s32 @p1 $0x1  }
0x15: {  	[smem:$0x3FA4] =	sst s0;
	s0 =	simm.s32 @!p2 $0x0  }
0x16: {  	s3 =	sld [smem:$0x3FDB];
	s0 =	simm.s32 @p2 $0x1  }
0x17: {  	s4 =	simm.s32 $0x1BF5;
	[smem:$0x3FA6] =	sst s0  }
0x18: {  	s0 =	sld [smem:$0x3F89];
	_ =	swait.ge [sflag:s4], $0x0  }
0x19: {  	s7 =	sld [smem:$0x3F8A]  }
0x1a: {  	s8 =	sadd.s32 $0xFFFFE003, lr  }
0x1b: {  	s9 =	sadd.s32 $0xFFFFFEF7, lr;
	s5 =	simm.s32 $0xFFFFFFFF;
	p2 =	slt.u32 s8, $0xFFFFF086  }
0x1c: {  	p1 =	slt.u32 s9, $0xF7A;
	s5 =	simm.s32 @!p2 $0x0  }
0x1d: {  	s5 =	simm.s32 @p1 $0x1;
	p0 =	seq.s32 s7, s2  }
0x1e: {  	s7 =	smul.u32 @!p0 $0xF7A, s2;
	p2 =	seq.s32 @!p0 s5, $0x0  }
0x1f: {  	s9 =	smul.u32 $0xF7A, s1;
	s8 =	simm.s32 @!p0 $0x1BF5;
	p2 =	por !p2, p0  }
0x20: {  	[sflag:s8] =	ssyncset.s32 @!p0 $0xFFFFF086;
	s6 =	sadd.s32 @!p0 s3, s7;
	s7 =	simm.s32 @!p0 $0x108  }
0x21: {  	s3 =	sadd.s32 s3, s9;
	s6 =	sadd.s32 @!p0 $0x88, s6;
	s7 =	simm.s32 @p2 $0x1082  }
0x22: {  	[simem:s7], [sflag:s8] =	dma.local @!p0 [hbm:s6], $0xF7A  }
0x23: {  	s9 =	sor.u32 $0xD0000000, s2;
	s6 =	simm.s32 $0x108;
	_ =	swait.ge @!p0 [sflag:s8], $0x0  }
0x24: {  	s3 =	sadd.s32 $0x88, s3;
	s6 =	simm.s32 @!p1 $0x1082;
	[sflag:s4] =	ssyncset.s32 $0xFFFFF086  }
0x25: {  	[simem:s6], [sflag:s4] =	dma.local [hbm:s3], $0xF7A  }
0x26: {  	[smem:$0x3F8A] =	sst s1;
	(tag) =	ssettag s2;
	_ =	strace s9  }
0x27: {  	s1 =	sld [smem:$0x3F9A]  }
0x28: {  	s2 =	sld [smem:$0x3F9B]  }
0x29: {  	s4 =	sld [smem:$0x3F9D]  }
0x2a: {  	p0 =	seq.s32 s5, $0x0;
	s5 =	sld [smem:$0x3F9E]  }
0x2b: {  	s6 =	sld [smem:$0x3F9F]  }
0x2c: {  	s7 =	sld [smem:$0x3FA0]  }
0x2d: {  	s3 =	simm.s32 $0x108;
	s8 =	sld [smem:$0x3FA1]  }
0x2e: {  	s3 =	simm.s32 @!p0 $0x1082;
	s9 =	sld [smem:$0x3FA2]  }
0x2f: {  	lr =	sadd.s32 s0, s3;
	s0 =	sld [smem:$0x3F99]  }
0x30: {  	s3 =	sld [smem:$0x3F9C]  }
0x31: {  	[smem:$0x3FA5] =	sst s10  }
0x32: {  	s10 =	sld [smem:$0x3FA3];
	_ =	sdelay $0x3  }
0x33: {  	p0 =	seq.s32 s10, $0x1;
	s10 =	sld [smem:$0x3FA5];
	_ =	sdelay $0x3  }
0x34: {  	[smem:$0x3FA5] =	sst s10  }
0x35: {  	s10 =	sld [smem:$0x3FA4];
	_ =	sdelay $0x3  }
0x36: {  	p1 =	seq.s32 s10, $0x1;
	s10 =	sld [smem:$0x3FA5];
	_ =	sdelay $0x3  }
0x37: {  	[smem:$0x3FA5] =	sst s10  }
0x38: {  	s10 =	sld [smem:$0x3FA6]  }
0x39: {  	_ = 	snop;
	(pc) =	sbr.ind lr, $3  }
0x3a: {  	_ = 	snop  }
0x3b: {  	_ = 	snop  }
0x3c: {  	p2 =	seq.s32 s10, $0x1;
	s10 =	sld [smem:$0x3FA5]  }
0x3d: {  	_ =	shalt  }
0x3e: {  	_ =	shalt  }
0x3f: {  	_ =	shalt  }
0x40: {  	_ =	shalt  }
0x41: {  	_ =	shalt  }
0x42: {  	_ =	shalt  }
0x43: {  	_ =	shalt  }
0x44: {  	_ =	shalt  }
0x45: {  	_ =	shalt  }
0x46: {  	_ =	shalt  }
0x47: {  	_ =	shalt  }
0x48: {  	_ =	shalt  }
0x49: {  	_ =	shalt  }
0x4a: {  	_ =	shalt  }
0x4b: {  	_ =	shalt  }
0x4c: {  	_ =	shalt  }
0x4d: {  	_ =	shalt  }
0x4e: {  	_ =	shalt  }
0x4f: {  	_ =	shalt  }
0x50: {  	_ =	shalt  }
0x51: {  	_ =	shalt  }
0x52: {  	_ =	shalt  }
0x53: {  	_ =	shalt  }
0x54: {  	_ =	shalt  }
0x55: {  	_ =	shalt  }
0x56: {  	_ =	shalt  }
0x57: {  	_ =	shalt  }
0x58: {  	_ =	shalt  }
0x59: {  	_ =	shalt  }
0x5a: {  	_ =	shalt  }
0x5b: {  	_ =	shalt  }
0x5c: {  	_ =	shalt  }
0x5d: {  	_ =	shalt  }
0x5e: {  	_ =	shalt  }
0x5f: {  	_ =	shalt  }
0x60: {  	_ =	shalt  }
0x61: {  	_ =	shalt  }
0x62: {  	_ =	shalt  }
0x63: {  	_ =	shalt  }
0x64: {  	_ =	shalt  }
0x65: {  	_ =	shalt  }
0x66: {  	_ =	shalt  }
0x67: {  	_ =	shalt  }
0x68: {  	_ =	shalt  }
0x69: {  	_ =	shalt  }
0x6a: {  	_ =	shalt  }
0x6b: {  	_ =	shalt  }
0x6c: {  	_ =	shalt  }
0x6d: {  	_ =	shalt  }
0x6e: {  	_ =	shalt  }
0x6f: {  	_ =	shalt  }
0x70: {  	_ =	shalt  }
0x71: {  	_ =	shalt  }
0x72: {  	_ =	shalt  }
0x73: {  	_ =	shalt  }
0x74: {  	_ =	shalt  }
0x75: {  	_ =	shalt  }
0x76: {  	_ =	shalt  }
0x77: {  	_ =	shalt  }
0x78: {  	_ =	shalt  }
0x79: {  	_ =	shalt  }
0x7a: {  	_ =	shalt  }
0x7b: {  	_ =	shalt  }
0x7c: {  	_ =	shalt  }
0x7d: {  	_ =	shalt  }
0x7e: {  	_ =	shalt  }
0x7f: {  	_ =	shalt  }
0x80: {  	_ =	shalt  }
0x81: {  	_ =	shalt  }
0x82: {  	_ =	shalt  }
0x83: {  	_ =	shalt  }
0x84: {  	_ =	shalt  }
0x85: {  	_ =	shalt  }
0x86: {  	_ =	shalt  }
0x87: {  	_ =	shalt  }
.Lfunc_end0:
.L_simem_size_0:
called_computation.3_lowered:
.L_overlay_start_0:
0x88: {  	s2 =	sld [smem:$0x3FD9]  }
0x89: {  	s3 =	sld [smem:$0x3FFE];
	_ =	sdelay $0x1  }
0x8a: {  	s1 =	srdreg.scid  }
0x8b: {  	s0 =	sand.u32 $0x1, s1  }
0x8c: {  	s16 =	sshll.u32 s0, $0xA;
	s2 =	sadd.s32 s3, s2  }
0x8d: {  	s2 =	sadd.s32 s2, s16  }
0x8e: {  	[smem:$0x3FB1] =	sst s2  }
0x8f: {  	_ = 	snop  }
0x90: {  	(tm) =	ssettm $0x1  }
0x91: {  	s17 =	sld [smem:$0x3FFB];
	_ =	sdelay $0x3  }
0x92: {  	_ =	strace s17  }
0x93: {  	s2 =	sld [smem:$0x3FFC];
	_ =	sdelay $0x3  }
0x94: {  	_ =	strace s2  }
0x95: {  	s2 =	sld [smem:$0x3FFD];
	_ =	sdelay $0x3  }
0x96: {  	_ =	strace s2  }
0x97: {  	_ =	strace $0x8FFFFFFF  }
0x98: {  	s18 =	sld [smem:$0x3FDB];
	_ =	sdelay $0x1  }
0x99: {  	s19 =	simm.s32 $_scs_section_size  }
0x9a: {  	s4 =	simm.s32 $_size__tile_overlayer_lowered;
	s5 =	simm.s32 $_tile_overlayer_lowered  }
0x9b: {  	s22 =	simm.s32 $0x1BFF;
	s21 =	sshll.u32 s5, $0x1;
	s2 =	sadd.s32 s19, s18  }
0x9c: {  	s6 =	simm.s32 $0x0;
	s20 =	sshll.u32 s4, $0x1;
	s4 =	sadd.s32 s21, s2  }
0x9d: {  	[timem:s6], [sflag:s22] =	dma.local [hbm:s4], s20  }
0x9e: {  	_ =	swait.ge [sflag:s22], s20  }
0x9f: {  	s3 =	ssub.s32 $0x0, s20;
	[sflag:s22] =	ssyncset.done $0x0  }
0xa0: {  	[sflag:s22] =	ssyncadd.s32 s3;
	_ =	sdelay $0x1  }
0xa1: {  	s23 =	simm.s32 $0x1B8B  }
0xa2: {  	_ =	swait.ge [sflag:s23], $0x1  }
0xa3: {  	[sflag:s23] =	ssyncset.done $0x0  }
0xa4: {  	s25 =	simm.s32 $0x1B8E;
	s24 =	sld [smem:$0x3FFE];
	[sflag:s23] =	ssyncadd.s32 $0xFFFFFFFF  }
0xa5: {  	s26 =	simm.s32 $execute0_lowered;
	[smem:$0x3FD2] =	sst s25  }
0xa6: {  	s4 =	sshll.u32 s26, $0x1;
	_ =	strace $0x8000004F;
	[dreg:$0x1] =	wrdreg $0xFFFFFFFF  }
0xa7: {  	s28 =	simm.s32 $_size_execute0_lowered;
	s2 =	sadd.s32 s2, s4;
	[dreg:$0x0] =	wrdreg $0x0  }
0xa8: {  	s4 =	sshll.u32 s28, $0x1;
	[dreg:$0x2] =	wrdreg s2  }
0xa9: {  	[dreg:$0x3] =	wrdreg s4  }
0xaa: {  	[dreg:$0x4] =	wrdreg $0xC0  }
0xab: {  	_ =	task [dreg:s6], $0x5FFFF  }
0xac: {  	[dreg:$0x1] =	wrdreg $0xFFFFFFFF  }
0xad: {  	[dreg:$0x0] =	wrdreg $0x60  }
0xae: {  	[dreg:$0x2] =	wrdreg s24  }
0xaf: {  	[dreg:$0x3] =	wrdreg $0x90000  }
0xb0: {  	[dreg:$0x4] =	wrdreg $0x9  }
0xb1: {  	_ =	task.clear_ibuf [dreg:s6], $0x5FFFF;
	_ =	strace $0x9000004F  }
0xb2: {  	s29 =	simm.s32 $0x9;
	_ =	strace $0x80000051  }
0xb3: {  	_ =	swait.ge [sflag:s29], $0x1  }
0xb4: {  	[sflag:s29] =	ssyncadd.s32 $0xFFFFFFFF  }
0xb5: {  	_ =	strace $0x90000051  }
0xb6: {  	_ =	sfence  }
0xb7: {  	s30 =	sld [smem:$0x0];
	_ =	sdelay $0x2  }
0xb8: {  	s31 =	sshll.u32 s1, $0xD;
	s1 =	sshrl.u32 s1, $0x2  }
0xb9: {  	s3 =	sand.u32 $0x4000, s31;
	s1 =	sadd.s32 s1, s30  }
0xba: {  	s0 =	sor.u32 s3, s0;
	s1 =	sshll.u32 s1, $0x11  }
0xbb: {  	s0 =	sor.u32 s1, s0  }
0xbc: {  	s0 =	sadd.s32 $0x8F2B, s0  }
0xbd: {  	[sflag:s0] =	ssyncadd.remote.s32 $0x1  }
0xbe: {  	_ =	sfence.sel $0xFFFF  }
0xbf: {  	[dreg:$0x0] =	wrdreg $0xFFFFFFFF;
	(pc) =	sbr.abs _section_cstart, $3  }
0xc0: {  	[dreg:$0x1] =	wrdreg $0xFFFFFFFF  }
0xc1: {  	_ =	task.clear_ibuf [dreg:s6], $0x2FFFF;
	_ =	strace $0x9FFFFFFF  }
0xc2: {  	(tm) =	ssettm $0x7FFFFFFF  }
0xc3: {  	_ =	shalt  }
tec
execute0_lowered:
.L_overlay_start_1:
0x0: {  	(tag) =	ssettag $0x1  }
0x1: {  	s0 =	srdreg.scid;
	s1 =	rddreg [dreg:$0x0]  }
0x2: {  	s9 =	stileid.u32;
	s2 =	rddreg [dreg:$0x1]  }
0x3: {  	s29 =	simm.s32 $0x7D;
	s30 =	simm.s32 $0x1;
	s6 =	smul.u32 $0x4F000, s9  }
0x4: {  	s31 =	simm.s32 $0x0;
	s0 =	sand.u32 $0x1, s0;
	s19 =	smul.u32 $0x13C00, s9  }
0x5: {  	s3 =	sshll.u32 s0, $0x4;
	s7 =	ssub.s32 $0x2, s0;
	s0 =	smul.u32 $0x13C000, s0  }
0x6: {  	s4 =	sor.u32 s9, s3;
	s3 =	simm.s32 $0x0;
	s25 =	sshrl.u32 s6, $0x2  }
0x7: {  	s26 =	sshrl.u32 s7, $0x1;
	s14 =	sadd.s32 $0x3C00, s19;
	s16 =	sadd.s32 $0x7800, s19  }
0x8: {  	s20 =	sadd.s32 $0xB400, s19;
	s21 =	sadd.s32 $0xF000, s19;
	s23 =	sadd.s32 $0x12C00, s19  }
0x9: {  	s5 =	smul.u32 $0x500, s4;
	[smem:$0x7FF] =	sst s3;
	s4 =	sadd.s32 $0x18800, s1  }
0xa: {  	s24 =	ssub.s32 s7, s26;
	s13 =	sadd.s32 s19, s0;
	s15 =	sadd.s32 s0, s14  }
0xb: {  	s17 =	sadd.s32 s0, s16;
	s14 =	sadd.s32 s14, s2;
	s16 =	sadd.s32 s16, s2  }
0xc: {  	s18 =	sadd.s32 s20, s2;
	s20 =	sadd.s32 s0, s20;
	s22 =	sadd.s32 s0, s21  }
0xd: {  	s0 =	sadd.s32 s0, s23;
	s26 =	simm.s32 $0x2;
	_ =	strace $0x80000050  }
0xe: {  	s13 =	sshrl.u32 s13, $0x3;
	s15 =	sshrl.u32 s15, $0x3;
	s17 =	sshrl.u32 s17, $0x3  }
0xf: {  	s20 =	sshrl.u32 s20, $0x3;
	s22 =	sshrl.u32 s22, $0x3;
	s0 =	sshrl.u32 s0, $0x3  }
0x10: {  	s24 =	smax.u32 s24, $0x1;
	s12 =	sadd.s32 s5, s1;
	s5 =	sadd.s32 s25, s2  }
0x11: {  	s1 =	sadd.s32 $0x3FA00, s1;
	s25 =	simm.s32 $0x5000;
	s28 =	sadd.s32 $0x3E80, s5  }
0x12: {  	s7 =	sadd.s32 $0x7D00, s5;
	s8 =	sadd.s32 $0xBB80, s5;
	s9 =	sadd.s32 $0xFA00, s5  }
0x13: {  	s10 =	sadd.s32 $0x13880, s5;
	s11 =	sadd.s32 $0x4800, s12;
	s12 =	sadd.s32 $0xE800, s12  }
0x14: {  	s13 =	sadd.s32 s1, s13;
	s15 =	sadd.s32 s1, s15;
	s17 =	sadd.s32 s1, s17  }
0x15: {  	s19 =	sadd.s32 s1, s20;
	s20 =	sadd.s32 s21, s2;
	s21 =	sadd.s32 s1, s22  }
0x16: {  	v0 =	vimm.f32 $0.0e+00;
	s22 =	sadd.s32 s23, s2;
	s23 =	sadd.s32 s1, s0;
	[dreg:$0x3] =	wrdreg s28  }
.LBB2_1:
0x17: {  	s1 =	simm.s32 $0x0;
	s0 =	simm.s32 $0x200  }
.LBB2_2:
0x18: {  	p0 =	sne.s32 s0, $0xF800;
	[tilespmem:s1+$0x5070] =	vst v0  }
0x19: {  	[tilespmem:s1+$0x5000] =	vst v0  }
0x1a: {  	[tilespmem:s1+$0x5010] =	vst v0  }
.Ltmp0:
0x1b: {  	[tilespmem:s1+$0x5020] =	vst v0;
	(pc) =	sbr.rel @p0 .LBB2_2-.Ltmp0, $4  }
0x1c: {  	[tilespmem:s1+$0x5030] =	vst v0  }
0x1d: {  	[tilespmem:s1+$0x5040] =	vst v0  }
0x1e: {  	[tilespmem:s1+$0x5050] =	vst v0  }
0x1f: {  	[tilespmem:s1+$0x5060] =	vst v0;
	s1 =	sshra.s32 s0, $0x2;
	s0 =	sadd.s32 $0x200, s0  }
0x20: {  	[tilespmem:s1+$0x5070] =	vst v0  }
0x21: {  	[tilespmem:s1+$0x5000] =	vst v0  }
0x22: {  	[tilespmem:s1+$0x5010] =	vst v0  }
0x23: {  	[tilespmem:s1+$0x5020] =	vst v0  }
0x24: {  	[tilespmem:s1+$0x5030] =	vst v0  }
0x25: {  	[tilespmem:s1+$0x5040] =	vst v0  }
0x26: {  	[tilespmem:s1+$0x5050] =	vst v0  }
0x27: {  	[tilespmem:s1+$0x5060] =	vst v0  }
0x28: {  	[spmem:s5] =	stream.linear.scatter [tilespmem:s25], [sflag:$0x2], $0x3E80, $0x38;
	[tilespmem:$0x1CC00] =	vst v63  }
0x29: {  	_ =	swait.ge [sflag:s26], $0x3E80  }
0x2a: {  	[sflag:s26] =	ssyncset.done $0x0  }
0x2b: {  	s0 =	rddreg [dreg:$0x3];
	[sflag:s26] =	ssyncadd.s32 $0xFFFFC180  }
0x2c: {  	[spmem:s0] =	stream.linear.scatter [tilespmem:s25], [sflag:$0x2], $0x3E80, $0x38;
	[tilespmem:$0x1CC00] =	vst v63  }
0x2d: {  	_ =	swait.ge [sflag:s26], $0x3E80  }
0x2e: {  	[sflag:s26] =	ssyncset.done $0x0  }
0x2f: {  	[sflag:s26] =	ssyncadd.s32 $0xFFFFC180  }
0x30: {  	[spmem:s7] =	stream.linear.scatter [tilespmem:s25], [sflag:$0x2], $0x3E80, $0x38;
	[tilespmem:$0x1CC00] =	vst v63  }
0x31: {  	_ =	swait.ge [sflag:s26], $0x3E80  }
0x32: {  	[sflag:s26] =	ssyncset.done $0x0  }
0x33: {  	[sflag:s26] =	ssyncadd.s32 $0xFFFFC180  }
0x34: {  	[spmem:s8] =	stream.linear.scatter [tilespmem:s25], [sflag:$0x2], $0x3E80, $0x38;
	[tilespmem:$0x1CC00] =	vst v63  }
0x35: {  	_ =	swait.ge [sflag:s26], $0x3E80  }
0x36: {  	[sflag:s26] =	ssyncset.done $0x0  }
0x37: {  	[sflag:s26] =	ssyncadd.s32 $0xFFFFC180  }
0x38: {  	[spmem:s9] =	stream.linear.scatter [tilespmem:s25], [sflag:$0x2], $0x3E80, $0x38;
	[tilespmem:$0x1CC00] =	vst v63  }
0x39: {  	_ =	swait.ge [sflag:s26], $0x3E80  }
0x3a: {  	[sflag:s26] =	ssyncset.done $0x0  }
0x3b: {  	[sflag:s26] =	ssyncadd.s32 $0xFFFFC180  }
0x3c: {  	[spmem:s10] =	stream.linear.scatter [tilespmem:s25], [sflag:$0x2], $0x380, $0x38;
	[tilespmem:$0x1CC00] =	vst v63  }
0x3d: {  	_ =	swait.ge [sflag:s26], $0x380  }
0x3e: {  	[sflag:s26] =	ssyncset.done $0x0  }
0x3f: {  	[sflag:s26] =	ssyncadd.s32 $0xFFFFFC80  }
0x40: {  	s6 =	simm.s32 $0x0;
	[bflag:$0x0] =	sbarrier.arrive $0xFFFF  }
0x41: {  	[tilespmem:s6], [sflag:$0x2] =	stream.linear.gather [hbm4b:s11+s6], $0x2800, $0x38;
	[tilespmem:$0x1CC00] =	vst v63  }
0x42: {  	_ =	swait.ge [sflag:s26], $0x2800  }
0x43: {  	[sflag:s26] =	ssyncset.done $0x0  }
0x44: {  	s28 =	simm.s32 $0x2800;
	[sflag:s26] =	ssyncadd.s32 $0xFFFFD800  }
0x45: {  	[tilespmem:s28], [sflag:$0x2] =	stream.linear.gather [hbm4b:s12+s6], $0x2800, $0x38;
	[tilespmem:$0x1CC00] =	vst v63  }
0x46: {  	_ =	swait.ge [sflag:s26], $0x2800  }
0x47: {  	[sflag:s26] =	ssyncset.done $0x0  }
0x48: {  	s6 =	simm.s32 $0x0;
	[sflag:s26] =	ssyncadd.s32 $0xFFFFD800  }
0x49: {  	[tilespmem:s25], [sflag:$0x1] =	stream.indirect.gather [hbm4b:s4+s29], $0x80, s6, s29, $0xb8;
	[tilespmem:$0x1CC00] =	vst v63  }
0x4a: {  	_ =	swait.ge [sflag:s30], $0x3E80  }
0x4b: {  	[sflag:s30] =	ssyncset.done $0x0  }
0x4c: {  	s28 =	simm.s32 $0x2800;
	[sflag:s30] =	ssyncadd.s32 $0xFFFFC180  }
0x4d: {  	[spmem:s2] =	stream.indirect.scatter.add.f32 [tilespmem:s25], [sflag:$0x2], $0x80, s28, s29, $0xb8;
	[tilespmem:$0x1CC00] =	vst v63  }
0x4e: {  	_ =	swait.ge [sflag:s26], $0x3E80  }
0x4f: {  	s1 =	simm.s32 $0x200;
	s0 =	simm.s32 $0x400;
	[sflag:s26] =	ssyncset.done $0x0  }
.LBB2_4:
0x50: {  	s28 =	sshra.s32 s1, $0x2  }
0x51: {  	[sflag:s26] =	ssyncadd.s32 $0xFFFFC180;
	s1 =	smov.u32 s0;
	s6 =	sadd.s32 $0x200, s0  }
0x52: {  	[tilespmem:s25], [sflag:$0x1] =	stream.indirect.gather [hbm4b:s4+s29], $0x80, s28, s29, $0xb8;
	[tilespmem:$0x1CC00] =	vst v63  }
0x53: {  	p0 =	sne.s32 s0, $0x9E00;
	_ =	swait.ge [sflag:s30], $0x3E80  }
.Ltmp1:
0x54: {  	[sflag:s30] =	ssyncset.done $0x0;
	(pc) =	sbr.rel @p0 .LBB2_4-.Ltmp1, $4  }
0x55: {  	s0 =	sadd.s32 $0x2800, s28;
	[sflag:s30] =	ssyncadd.s32 $0xFFFFC180  }
0x56: {  	[spmem:s2] =	stream.indirect.scatter.add.f32 [tilespmem:s25], [sflag:$0x2], $0x80, s0, s29, $0xb8;
	[tilespmem:$0x1CC00] =	vst v63  }
0x57: {  	_ =	swait.ge [sflag:s26], $0x3E80  }
0x58: {  	s0 =	smov.u32 s6;
	[sflag:s26] =	ssyncset.done $0x0  }
0x59: {  	s0 =	sshra.s32 s1, $0x2;
	[sflag:s26] =	ssyncadd.s32 $0xFFFFC180  }
0x5a: {  	[tilespmem:s25], [sflag:$0x1] =	stream.indirect.gather [hbm4b:s4+s29], $0x80, s0, s29, $0xb8;
	[tilespmem:$0x1CC00] =	vst v63  }
0x5b: {  	_ =	swait.ge [sflag:s30], $0x3E80  }
0x5c: {  	[sflag:s30] =	ssyncset.done $0x0  }
0x5d: {  	s0 =	sadd.s32 $0x2800, s0;
	[sflag:s30] =	ssyncadd.s32 $0xFFFFC180  }
0x5e: {  	[spmem:s2] =	stream.indirect.scatter.add.f32 [tilespmem:s25], [sflag:$0x2], $0x80, s0, s29, $0xb8;
	[tilespmem:$0x1CC00] =	vst v63  }
0x5f: {  	_ =	swait.ge [sflag:s26], $0x3E80  }
0x60: {  	[sflag:s26] =	ssyncset.done $0x0  }
0x61: {  	[sflag:s26] =	ssyncadd.s32 $0xFFFFC180  }
0x62: {  	[bflag:$0x0] =	sbarrier.arrive $0xFFFF  }
0x63: {  	[tilespmem:s25], [sflag:$0x2] =	stream.linear.gather [spmem:s5], $0x3C00, $0x38;
	[tilespmem:$0x1CC00] =	vst v63  }
0x64: {  	_ =	swait.ge [sflag:s26], $0x3C00  }
0x65: {  	[sflag:s26] =	ssyncset.done $0x0  }
0x66: {  	[sflag:s26] =	ssyncadd.s32 $0xFFFFC400  }
0x67: {  	[hbm4b:s13+s3] =	stream.linear.scatter [tilespmem:s25], [sflag:$0x2], $0x3C00, $0x38;
	[tilespmem:$0x1CC00] =	vst v63  }
0x68: {  	_ =	swait.ge [sflag:s26], $0x3C00  }
0x69: {  	[sflag:s26] =	ssyncset.done $0x0  }
0x6a: {  	[sflag:s26] =	ssyncadd.s32 $0xFFFFC400  }
0x6b: {  	[tilespmem:s25], [sflag:$0x2] =	stream.linear.gather [spmem:s14], $0x3C00, $0x38;
	[tilespmem:$0x1CC00] =	vst v63  }
0x6c: {  	_ =	swait.ge [sflag:s26], $0x3C00  }
0x6d: {  	[sflag:s26] =	ssyncset.done $0x0  }
0x6e: {  	[sflag:s26] =	ssyncadd.s32 $0xFFFFC400  }
0x6f: {  	[hbm4b:s15+s3] =	stream.linear.scatter [tilespmem:s25], [sflag:$0x2], $0x3C00, $0x38;
	[tilespmem:$0x1CC00] =	vst v63  }
0x70: {  	_ =	swait.ge [sflag:s26], $0x3C00  }
0x71: {  	[sflag:s26] =	ssyncset.done $0x0  }
0x72: {  	[sflag:s26] =	ssyncadd.s32 $0xFFFFC400  }
0x73: {  	[tilespmem:s25], [sflag:$0x2] =	stream.linear.gather [spmem:s16], $0x3C00, $0x38;
	[tilespmem:$0x1CC00] =	vst v63  }
0x74: {  	_ =	swait.ge [sflag:s26], $0x3C00  }
0x75: {  	[sflag:s26] =	ssyncset.done $0x0  }
0x76: {  	[sflag:s26] =	ssyncadd.s32 $0xFFFFC400  }
0x77: {  	[hbm4b:s17+s3] =	stream.linear.scatter [tilespmem:s25], [sflag:$0x2], $0x3C00, $0x38;
	[tilespmem:$0x1CC00] =	vst v63  }
0x78: {  	_ =	swait.ge [sflag:s26], $0x3C00  }
0x79: {  	[sflag:s26] =	ssyncset.done $0x0  }
0x7a: {  	[sflag:s26] =	ssyncadd.s32 $0xFFFFC400  }
0x7b: {  	[tilespmem:s25], [sflag:$0x2] =	stream.linear.gather [spmem:s18], $0x3C00, $0x38;
	[tilespmem:$0x1CC00] =	vst v63  }
0x7c: {  	_ =	swait.ge [sflag:s26], $0x3C00  }
0x7d: {  	[sflag:s26] =	ssyncset.done $0x0  }
0x7e: {  	[sflag:s26] =	ssyncadd.s32 $0xFFFFC400  }
0x7f: {  	[hbm4b:s19+s3] =	stream.linear.scatter [tilespmem:s25], [sflag:$0x2], $0x3C00, $0x38;
	[tilespmem:$0x1CC00] =	vst v63  }
0x80: {  	_ =	swait.ge [sflag:s26], $0x3C00  }
0x81: {  	[sflag:s26] =	ssyncset.done $0x0  }
0x82: {  	[sflag:s26] =	ssyncadd.s32 $0xFFFFC400  }
0x83: {  	[tilespmem:s25], [sflag:$0x2] =	stream.linear.gather [spmem:s20], $0x3C00, $0x38;
	[tilespmem:$0x1CC00] =	vst v63  }
0x84: {  	_ =	swait.ge [sflag:s26], $0x3C00  }
0x85: {  	[sflag:s26] =	ssyncset.done $0x0  }
0x86: {  	[sflag:s26] =	ssyncadd.s32 $0xFFFFC400  }
0x87: {  	[hbm4b:s21+s3] =	stream.linear.scatter [tilespmem:s25], [sflag:$0x2], $0x3C00, $0x38;
	[tilespmem:$0x1CC00] =	vst v63  }
0x88: {  	_ =	swait.ge [sflag:s26], $0x3C00  }
0x89: {  	[sflag:s26] =	ssyncset.done $0x0  }
0x8a: {  	[sflag:s26] =	ssyncadd.s32 $0xFFFFC400  }
0x8b: {  	[tilespmem:s25], [sflag:$0x2] =	stream.linear.gather [spmem:s22], $0x1000, $0x38;
	[tilespmem:$0x1CC00] =	vst v63  }
0x8c: {  	s31 =	sadd.s32 $0x1, s31;
	_ =	swait.ge [sflag:s26], $0x1000  }
0x8d: {  	p0 =	sne.s32 s31, s24;
	[sflag:s26] =	ssyncset.done $0x0  }
.Ltmp2:
0x8e: {  	[sflag:s26] =	ssyncadd.s32 $0xFFFFF000;
	(pc) =	sbr.rel @p0 .LBB2_1-.Ltmp2, $4  }
0x8f: {  	[hbm4b:s23+s3] =	stream.linear.scatter [tilespmem:s25], [sflag:$0x2], $0x1000, $0x38;
	[tilespmem:$0x1CC00] =	vst v63  }
0x90: {  	_ =	swait.ge [sflag:s26], $0x1000  }
0x91: {  	[sflag:s26] =	ssyncset.done $0x0  }
0x92: {  	[sflag:s26] =	ssyncadd.s32 $0xFFFFF000  }
0x93: {  	_ =	sfence.sel $0x180000  }
0x94: {  	[bflag:$0x0] =	sbarrier.arrive $0xFFFF  }
0x95: {  	_ =	strace $0x90000050  }
0x96: {  	s0 =	stileid.u32;
	[bflag:$0x2] =	sbarrier.arrive $0xFFFF  }
0x97: {  	p0 =	sne.s32 s0, $0x0;
	s0 =	rddreg [dreg:$0x2]  }
0x98: {  	s0 =	sadd.s32 @!p0 $0x100000, s0  }
0x99: {  	[sflag:s0] =	ssyncadd.tile.s32 @!p0 $0x1;
	_ =	shalt  }
.Lfunc_end2:
_tile_overlayer_lowered:
.L_overlay_start_2:
0x9a: {  	(tag) =	ssettag $0x2  }
0x9b: {  	s0 =	rddreg [dreg:$0x0];
	s2 =	stileid.u32  }
0x9c: {  	s1 =	rddreg [dreg:$0x1];
	p0 =	sne.s32 s2, $0x0  }
0x9d: {  	s3 =	rddreg [dreg:$0x2];
	[bflag:$0x3] =	sbarrier.arrive $0xFFFF;
	s2 =	simm.s32 @!p0 $0x1C02  }
0x9e: {  	[timem:s3], [sflag:s2] =	dma.local @!p0 [hbm:s0], s1  }
0x9f: {  	s0 =	simm.s32 @!p0 $0x2  }
0xa0: {  	_ =	swait.ge @!p0 [sflag:s0], s1  }
0xa1: {  	s1 =	ssub.s32 @!p0 $0x0, s1;
	[sflag:s0] =	ssyncset.done @!p0 $0x0  }
0xa2: {  	[sflag:s0] =	ssyncadd.s32 @!p0 s1  }
0xa3: {  	[bflag:$0x3] =	sbarrier.arrive $0xFFFF  }
0xa4: {  	_ =	shalt  }

</sc_bundles>
